<compile_context>
chip_gen: v7x
topology: tpu7x:2x2x1
jax: 0.10.2.dev20260603
libtpu: 0.0.44.dev20260713+nightly
codegen_flags: <defaults>
</compile_context>

<pallas_src>
import functools

import jax
import jax.numpy as jnp
from jax import lax
from jax.experimental import pallas as pl
from jax.experimental.pallas import tpu as pltpu
from jax.experimental.pallas import tpu_sc as plsc

_L = 16


def _make_impl(B, NF, CARD, D, NC, NS):
    assert NF % NC == 0
    FPC = NF // NC
    BW = B // NS
    assert B % NS == 0 and BW % 128 == 0
    assert D % 8 == 0
    NT = D // 8
    C_MAIN = CARD // 128 * 128
    C_TAIL = CARD - C_MAIN
    CW = (C_MAIN // 128 + NS - 1) // NS * 128
    CW_LAST = C_MAIN - (NS - 1) * CW
    assert CW_LAST > 0 and CW_LAST % 128 == 0
    WL = CW_LAST + (128 if C_TAIL else 0)
    SW = C_MAIN + (128 if C_TAIL else 0)
    VW = max(CW, WL)

    mesh = plsc.VectorSubcoreMesh(core_axis_name="c", subcore_axis_name="s")

    @functools.partial(
        pl.kernel,
        mesh=mesh,
        out_type=jax.ShapeDtypeStruct((NF, D, B), jnp.float32),
        compiler_params=pltpu.CompilerParams(use_tc_tiling_on_sc=True),
        scratch_types=[
            pltpu.VMEM((8, VW), jnp.float32),
            pltpu.VMEM((BW,), jnp.int32),
            pltpu.VMEM((4 * BW,), jnp.int32),
            pltpu.VMEM((4 * BW,), jnp.float32),
            pltpu.VMEM((8, BW), jnp.float32),
            pltpu.VMEM((FPC * D * _L,), jnp.float32),
            pltpu.VMEM_SHARED((4 * SW,), jnp.float32),
            pltpu.SemaphoreType.DMA,
            pltpu.SemaphoreType.DMA,
        ],
    )
    def k(xf_hbm, tt_hbm, tail_hbm, biasf_hbm, out_hbm,
          slab, vm_c, vm_gidx, vm_flat, vm_blk, vm_bias,
          sh_slab, sem_s, sem_g):
        cid = lax.axis_index("c")
        sid = lax.axis_index("s")
        c0 = sid * CW

        pltpu.sync_copy(
            biasf_hbm.at[pl.ds(cid * FPC * D * _L, FPC * D * _L)], vm_bias)

        def stage_copies(f, t):
            main = (tt_hbm.at[f, pl.ds(8 * t, 8), pl.ds(c0, CW)],
                    slab.at[:, pl.ds(0, CW)])
            last = [(tt_hbm.at[f, pl.ds(8 * t, 8), pl.ds(c0, CW_LAST)],
                     slab.at[:, pl.ds(0, CW_LAST)])]
            if C_TAIL:
                last.append((tail_hbm.at[f, pl.ds(8 * t, 8)],
                             slab.at[:, pl.ds(CW_LAST, 128)]))
            return main, last

        def fire_stage(f, t):
            main, last = stage_copies(f, t)

            @pl.when(sid < NS - 1)
            def _():
                pltpu.async_copy(*main, sem_s)

            @pl.when(sid == NS - 1)
            def _():
                for src, dst in last:
                    pltpu.async_copy(src, dst, sem_s)

        def wait_stage(f, t):
            main, last = stage_copies(f, t)

            @pl.when(sid < NS - 1)
            def _():
                pltpu.make_async_copy(*main, sem_s).wait()

            @pl.when(sid == NS - 1)
            def _():
                for src, dst in last:
                    pltpu.make_async_copy(src, dst, sem_s).wait()

        fire_stage(cid * FPC, 0)

        def feature_body(fi, _):
            f = cid * FPC + fi
            pltpu.sync_copy(xf_hbm.at[pl.ds(f * B + sid * BW, BW)], vm_c)

            def gidx_body(v, _):
                cvec = vm_c[pl.ds(v * _L, _L)]
                for r in range(4):
                    vm_gidx[pl.ds(r * BW + v * _L, _L)] = cvec + r * SW
                return _
            lax.fori_loop(0, BW // _L, gidx_body, None)

            for t in range(NT):
                for h in range(2):
                    if h == 0:
                        wait_stage(f, t)
                    for r in range(4):
                        @pl.when(sid < NS - 1)
                        def _(r=r, h=h):
                            pltpu.sync_copy(
                                slab.at[4 * h + r, pl.ds(0, CW)],
                                sh_slab.at[pl.ds(r * SW + c0, CW)])

                        @pl.when(sid == NS - 1)
                        def _(r=r, h=h):
                            pltpu.sync_copy(
                                slab.at[4 * h + r, pl.ds(0, WL)],
                                sh_slab.at[pl.ds(r * SW + c0, WL)])
                    if h == 1:
                        if t < NT - 1:
                            fire_stage(f, t + 1)
                        else:
                            @pl.when(fi < FPC - 1)
                            def _():
                                fire_stage(f + 1, 0)
                    plsc.subcore_barrier()

                    pltpu.async_copy(sh_slab.at[vm_gidx], vm_flat, sem_g)

                    pltpu.make_async_copy(
                        sh_slab.at[vm_gidx], vm_flat, sem_g).wait()

                    for r in range(4):
                        bvec = vm_bias[
                            pl.ds((fi * D + 8 * t + 4 * h + r) * _L, _L)]

                        def row_body(v, _, r=r, h=h, bvec=bvec):
                            sl = pl.ds(v * _L, _L)
                            vm_blk[4 * h + r, sl] = (
                                vm_flat[pl.ds(r * BW + v * _L, _L)] + bvec)
                            return _
                        lax.fori_loop(0, BW // _L, row_body, None)
                    plsc.subcore_barrier()

                pltpu.sync_copy(
                    vm_blk,
                    out_hbm.at[f, pl.ds(8 * t, 8), pl.ds(sid * BW, BW)])
            return _

        lax.fori_loop(0, FPC, feature_body, None)

    return k, C_MAIN, C_TAIL


def kernel(x, tables, bias):
    B, NF = x.shape
    NF2, CARD, D = tables.shape
    assert NF2 == NF
    info = plsc.get_sparse_core_info()
    NC, NS = info.num_cores, info.num_subcores

    impl, C_MAIN, C_TAIL = _make_impl(B, NF, CARD, D, NC, NS)
    xf = x.astype(jnp.int32).T.reshape(-1)
    tt = jnp.transpose(tables, (0, 2, 1))
    tail = jnp.transpose(tables[:, C_MAIN:, :], (0, 2, 1)) if C_TAIL \
        else jnp.zeros((NF, D, 0), tables.dtype)
    tail = jnp.pad(tail, ((0, 0), (0, 0), (0, 128 - tail.shape[2])))
    biasf = jnp.repeat(bias.reshape(-1)[:, None], _L, axis=1).reshape(-1)
    out3 = impl(xf, tt, tail, biasf)
    return jnp.transpose(out3, (2, 0, 1))

# --- scband reference (transcript-rebuilt; emitter-appended) ---
"""Pipeline reference for scband-fttransformer-categorical-embeddings-85341000172160 (READ-ONLY COPY).

The authoritative reference and input builder live on the scoring server;
editing this copy changes nothing except your own understanding.
"""

import jax, jax.numpy as jnp
import numpy as np

NF = 26
CARD = 100000
D = 32
B = 16384


def setup_inputs(seed: int = 0) -> dict:
    key = jax.random.key(seed)
    k_x, k_t, k_b = jax.random.split(key, 3)
    x = jax.random.randint(k_x, (B, NF), 0, CARD, dtype=jnp.int64 if jax.config.jax_enable_x64 else jnp.int32)
    d_rsqrt = D ** (-0.5)
    # All cardinalities are equal, so the per-feature embedding tables are
    # materialized as one stacked array [NF, CARD, D] (math-equivalent to the
    # ModuleList of nn.Embedding in the original module).
    tables = jax.random.uniform(k_t, (NF, CARD, D), dtype=jnp.float32, minval=-d_rsqrt, maxval=d_rsqrt)
    bias = jax.random.uniform(k_b, (NF, D), dtype=jnp.float32, minval=-d_rsqrt, maxval=d_rsqrt)
    return {"x": x, "tables": tables, "bias": bias}


def reference(x, tables, bias):
    # For each feature i: embeddings[i](x[..., i]) -> gather from tables[i].
    # vmap over the feature axis, stacking results on dim=-2.
    def per_feature(table, idx):
        return jnp.take(table, idx, axis=0)  # [B, D]

    out = jax.vmap(per_feature, in_axes=(0, 1), out_axes=1)(tables, x)  # [B, NF, D]
    out = out + bias  # broadcast [NF, D] over batch
    return out

if __name__ == "__main__":
    import jax
    _d = setup_inputs()
    print(jax.jit(kernel)(*tuple(_d.values())))

</pallas_src>

<mosaic_0001>
#map = affine_map<(d0, d1) -> (0)>
#map1 = affine_map<(d0, d1) -> (0, 0, 0)>
module attributes {stable_mosaic.version = 14 : i64} {
  func.func @k(%arg0: i32, %arg1: i32, %arg2: memref<425984xi32, #tpu.memory_space<hbm>>, %arg3: memref<26x32x100000xf32, #tpu.memory_space<hbm>>, %arg4: memref<26x32x128xf32, #tpu.memory_space<hbm>>, %arg5: memref<13312xf32, #tpu.memory_space<hbm>>, %arg6: memref<26x32x16384xf32, #tpu.memory_space<hbm>>, %arg7: memref<8x6272xf32, #tpu.memory_space<vmem>>, %arg8: memref<1024xi32, #tpu.memory_space<vmem>>, %arg9: memref<4096xi32, #tpu.memory_space<vmem>>, %arg10: memref<4096xf32, #tpu.memory_space<vmem>>, %arg11: memref<8x1024xf32, #tpu.memory_space<vmem>>, %arg12: memref<6656xf32, #tpu.memory_space<vmem>>, %arg13: memref<400384xf32, #tpu.memory_space<vmem_shared>>, %arg14: memref<!tpu.dma_semaphore, #tpu.memory_space<semaphore_mem>>, %arg15: memref<!tpu.dma_semaphore, #tpu.memory_space<semaphore_mem>>) attributes {dimension_semantics = [#tpu.dimension_semantics<core_parallel>, #tpu.dimension_semantics<subcore_parallel>], iteration_bounds = array<i64: 2, 16>, scalar_prefetch = 0 : i64, scratch_operands = 9 : i64, tpu.core_type = #tpu.core_type<sc_vector_subcore>, window_params = [{transform_indices = #map}, {transform_indices = #map1}, {transform_indices = #map1}, {transform_indices = #map}, {transform_indices = #map1}]} {
    %mul3A = arith.constant 6272 : i32
    %mul3A_0 = arith.muli %arg1, %mul3A : i32
    %mul3A_1 = arith.constant 13 : i32
    %mul3A_2 = arith.muli %arg0, %mul3A_1 : i32
    %mul3A_3 = arith.constant 32 : i32
    %mul3A_4 = arith.muli %mul3A_2, %mul3A_3 : i32
    %mul3A_5 = arith.constant 16 : i32
    %mul3A_6 = arith.muli %mul3A_4, %mul3A_5 : i32
    "tpu.region"() ({
      %run_scoped3A = tpu.sem_alloc : memref<!tpu.dma_semaphore, #tpu.memory_space<semaphore_mem>>
      %dma_start3A = tpu.memref_slice %arg5[%mul3A_6] : memref<13312xf32, #tpu.memory_space<hbm>> -> memref<6656xf32, #tpu.memory_space<hbm>>
      %dma_start3A_19 = tpu.memref_slice %arg5[%mul3A_6] : memref<13312xf32, #tpu.memory_space<hbm>> -> memref<6656xf32, #tpu.memory_space<hbm>>
      tpu.enqueue_dma source(%dma_start3A_19 : memref<6656xf32, #tpu.memory_space<hbm>>) target(%arg12 : memref<6656xf32, #tpu.memory_space<vmem>>) target_semaphore(%run_scoped3A : memref<!tpu.dma_semaphore, #tpu.memory_space<semaphore_mem>>)
      %dma_wait3A = tpu.memref_slice %arg5[%mul3A_6] : memref<13312xf32, #tpu.memory_space<hbm>> -> memref<6656xf32, #tpu.memory_space<hbm>>
      %dma_wait3A_20 = tpu.memref_slice %arg5[%mul3A_6] : memref<13312xf32, #tpu.memory_space<hbm>> -> memref<6656xf32, #tpu.memory_space<hbm>>
      tpu.wait_dma2 semaphore(%run_scoped3A : memref<!tpu.dma_semaphore, #tpu.memory_space<semaphore_mem>>) src(%dma_wait3A_20 : memref<6656xf32, #tpu.memory_space<hbm>>) dst(%arg12 : memref<6656xf32, #tpu.memory_space<vmem>>)
      tpu.yield
    }) : () -> ()
    %mul3A_7 = arith.constant 13 : i32
    %mul3A_8 = arith.muli %arg0, %mul3A_7 : i32
    %lt3A = arith.constant 15 : i32
    %lt3A_9 = arith.cmpi slt, %arg1, %lt3A : i32
    %convert_element_type3A = arith.extui %lt3A_9 : i1 to i32
    %cond3A = arith.constant 0 : i32
    %cond3A_10 = arith.cmpi ne, %convert_element_type3A, %cond3A : i32
    scf.if %cond3A_10 {
      %dma_start3A = arith.constant 0 : i32
      %dma_start3A_19 = arith.constant 0 : i32
      %dma_start3A_20 = tpu.memref_slice %arg7[%dma_start3A, %dma_start3A_19] : memref<8x6272xf32, #tpu.memory_space<vmem>> -> memref<8x6272xf32, #tpu.memory_space<vmem>>
      %dma_start3A_21 = arith.constant 0 : i32
      %dma_start3A_22 = tpu.memref_slice %arg3[%mul3A_8, %dma_start3A_21, %mul3A_0] : memref<26x32x100000xf32, #tpu.memory_space<hbm>> -> memref<1x8x6272xf32, #tpu.memory_space<hbm>>
      %dma_start3A_23 = tpu.memref_squeeze %dma_start3A_22 : memref<1x8x6272xf32, #tpu.memory_space<hbm>> -> memref<8x6272xf32, #tpu.memory_space<hbm>>
      %dma_start3A_24 = arith.constant 0 : i32
      %dma_start3A_25 = arith.constant 0 : i32
      %dma_start3A_26 = tpu.memref_slice %arg7[%dma_start3A_24, %dma_start3A_25] : memref<8x6272xf32, #tpu.memory_space<vmem>> -> memref<8x6272xf32, #tpu.memory_space<vmem>>
      %dma_start3A_27 = arith.constant 0 : i32
      %dma_start3A_28 = tpu.memref_slice %arg3[%mul3A_8, %dma_start3A_27, %mul3A_0] : memref<26x32x100000xf32, #tpu.memory_space<hbm>> -> memref<1x8x6272xf32, #tpu.memory_space<hbm>>
      %dma_start3A_29 = tpu.memref_squeeze %dma_start3A_28 : memref<1x8x6272xf32, #tpu.memory_space<hbm>> -> memref<8x6272xf32, #tpu.memory_space<hbm>>
      tpu.enqueue_dma source(%dma_start3A_29 : memref<8x6272xf32, #tpu.memory_space<hbm>>) target(%dma_start3A_26 : memref<8x6272xf32, #tpu.memory_space<vmem>>) target_semaphore(%arg14 : memref<!tpu.dma_semaphore, #tpu.memory_space<semaphore_mem>>)
    } else {
    }
    %eq3A = arith.constant 15 : i32
    %eq3A_11 = arith.cmpi eq, %arg1, %eq3A : i32
    %convert_element_type3A_12 = arith.extui %eq3A_11 : i1 to i32
    %cond3A_13 = arith.constant 0 : i32
    %cond3A_14 = arith.cmpi ne, %convert_element_type3A_12, %cond3A_13 : i32
    scf.if %cond3A_14 {
      %dma_start3A = arith.constant 0 : i32
      %dma_start3A_19 = arith.constant 0 : i32
      %dma_start3A_20 = tpu.memref_slice %arg7[%dma_start3A, %dma_start3A_19] : memref<8x6272xf32, #tpu.memory_space<vmem>> -> memref<8x5888xf32, #tpu.memory_space<vmem>>
      %dma_start3A_21 = arith.constant 0 : i32
      %dma_start3A_22 = tpu.memref_slice %arg3[%mul3A_8, %dma_start3A_21, %mul3A_0] : memref<26x32x100000xf32, #tpu.memory_space<hbm>> -> memref<1x8x5888xf32, #tpu.memory_space<hbm>>
      %dma_start3A_23 = tpu.memref_squeeze %dma_start3A_22 : memref<1x8x5888xf32, #tpu.memory_space<hbm>> -> memref<8x5888xf32, #tpu.memory_space<hbm>>
      %dma_start3A_24 = arith.constant 0 : i32
      %dma_start3A_25 = arith.constant 0 : i32
      %dma_start3A_26 = tpu.memref_slice %arg7[%dma_start3A_24, %dma_start3A_25] : memref<8x6272xf32, #tpu.memory_space<vmem>> -> memref<8x5888xf32, #tpu.memory_space<vmem>>
      %dma_start3A_27 = arith.constant 0 : i32
      %dma_start3A_28 = tpu.memref_slice %arg3[%mul3A_8, %dma_start3A_27, %mul3A_0] : memref<26x32x100000xf32, #tpu.memory_space<hbm>> -> memref<1x8x5888xf32, #tpu.memory_space<hbm>>
      %dma_start3A_29 = tpu.memref_squeeze %dma_start3A_28 : memref<1x8x5888xf32, #tpu.memory_space<hbm>> -> memref<8x5888xf32, #tpu.memory_space<hbm>>
      tpu.enqueue_dma source(%dma_start3A_29 : memref<8x5888xf32, #tpu.memory_space<hbm>>) target(%dma_start3A_26 : memref<8x5888xf32, #tpu.memory_space<vmem>>) target_semaphore(%arg14 : memref<!tpu.dma_semaphore, #tpu.memory_space<semaphore_mem>>)
      %dma_start3A_30 = arith.constant 0 : i32
      %dma_start3A_31 = arith.constant 5888 : i32
      %dma_start3A_32 = tpu.memref_slice %arg7[%dma_start3A_30, %dma_start3A_31] : memref<8x6272xf32, #tpu.memory_space<vmem>> -> memref<8x128xf32, #tpu.memory_space<vmem>>
      %dma_start3A_33 = arith.constant 0 : i32
      %dma_start3A_34 = arith.constant 0 : i32
      %dma_start3A_35 = tpu.memref_slice %arg4[%mul3A_8, %dma_start3A_33, %dma_start3A_34] : memref<26x32x128xf32, #tpu.memory_space<hbm>> -> memref<1x8x128xf32, #tpu.memory_space<hbm>>
      %dma_start3A_36 = tpu.memref_squeeze %dma_start3A_35 : memref<1x8x128xf32, #tpu.memory_space<hbm>> -> memref<8x128xf32, #tpu.memory_space<hbm>>
      %dma_start3A_37 = arith.constant 0 : i32
      %dma_start3A_38 = arith.constant 5888 : i32
      %dma_start3A_39 = tpu.memref_slice %arg7[%dma_start3A_37, %dma_start3A_38] : memref<8x6272xf32, #tpu.memory_space<vmem>> -> memref<8x128xf32, #tpu.memory_space<vmem>>
      %dma_start3A_40 = arith.constant 0 : i32
      %dma_start3A_41 = arith.constant 0 : i32
      %dma_start3A_42 = tpu.memref_slice %arg4[%mul3A_8, %dma_start3A_40, %dma_start3A_41] : memref<26x32x128xf32, #tpu.memory_space<hbm>> -> memref<1x8x128xf32, #tpu.memory_space<hbm>>
      %dma_start3A_43 = tpu.memref_squeeze %dma_start3A_42 : memref<1x8x128xf32, #tpu.memory_space<hbm>> -> memref<8x128xf32, #tpu.memory_space<hbm>>
      tpu.enqueue_dma source(%dma_start3A_43 : memref<8x128xf32, #tpu.memory_space<hbm>>) target(%dma_start3A_39 : memref<8x128xf32, #tpu.memory_space<vmem>>) target_semaphore(%arg14 : memref<!tpu.dma_semaphore, #tpu.memory_space<semaphore_mem>>)
    } else {
    }
    %scan3A = arith.constant 0 : i32
    %scan3A_15 = arith.constant 13 : i32
    %scan3A_16 = arith.addi %scan3A, %scan3A_15 : i32
    %scan3A_17 = arith.constant 1 : i32
    scf.for %scan3A_19 = %scan3A to %scan3A_16 step %scan3A_17  : i32 {
      %mul3A_20 = arith.constant 13 : i32
      %mul3A_21 = arith.muli %arg0, %mul3A_20 : i32
      %add3A = arith.addi %mul3A_21, %scan3A_19 : i32
      %mul3A_22 = arith.constant 16384 : i32
      %mul3A_23 = arith.muli %add3A, %mul3A_22 : i32
      %mul3A_24 = arith.constant 1024 : i32
      %mul3A_25 = arith.muli %arg1, %mul3A_24 : i32
      %add3A_26 = arith.addi %mul3A_23, %mul3A_25 : i32
      "tpu.region"() ({
        %run_scoped3A = tpu.sem_alloc : memref<!tpu.dma_semaphore, #tpu.memory_space<semaphore_mem>>
        %dma_start3A_1055 = tpu.memref_slice %arg2[%add3A_26] : memref<425984xi32, #tpu.memory_space<hbm>> -> memref<1024xi32, #tpu.memory_space<hbm>>
        %dma_start3A_1056 = tpu.memref_slice %arg2[%add3A_26] : memref<425984xi32, #tpu.memory_space<hbm>> -> memref<1024xi32, #tpu.memory_space<hbm>>
        tpu.enqueue_dma source(%dma_start3A_1056 : memref<1024xi32, #tpu.memory_space<hbm>>) target(%arg8 : memref<1024xi32, #tpu.memory_space<vmem>>) target_semaphore(%run_scoped3A : memref<!tpu.dma_semaphore, #tpu.memory_space<semaphore_mem>>)
        %dma_wait3A_1057 = tpu.memref_slice %arg2[%add3A_26] : memref<425984xi32, #tpu.memory_space<hbm>> -> memref<1024xi32, #tpu.memory_space<hbm>>
        %dma_wait3A_1058 = tpu.memref_slice %arg2[%add3A_26] : memref<425984xi32, #tpu.memory_space<hbm>> -> memref<1024xi32, #tpu.memory_space<hbm>>
        tpu.wait_dma2 semaphore(%run_scoped3A : memref<!tpu.dma_semaphore, #tpu.memory_space<semaphore_mem>>) src(%dma_wait3A_1058 : memref<1024xi32, #tpu.memory_space<hbm>>) dst(%arg8 : memref<1024xi32, #tpu.memory_space<vmem>>)
        tpu.yield
      }) : () -> ()
      %scan3A_27 = arith.constant 0 : i32
      %scan3A_28 = arith.constant 64 : i32
      %scan3A_29 = arith.addi %scan3A_27, %scan3A_28 : i32
      %scan3A_30 = arith.constant 1 : i32
      scf.for %scan3A_1055 = %scan3A_27 to %scan3A_29 step %scan3A_30  : i32 {
        %mul3A_1056 = arith.constant 16 : i32
        %mul3A_1057 = arith.muli %scan3A_1055, %mul3A_1056 : i32
        %get3A_1058 = arith.index_cast %mul3A_1057 : i32 to index
        %get3A_1059 = tpu.vector_load %arg8[%get3A_1058] {strides = array<i32>} : memref<1024xi32, #tpu.memory_space<vmem>>, vector<16xi32>,
        %get3A_1060 = vector.shape_cast %get3A_1059 : vector<16xi32> to vector<16xi32>
        %add3A_1061 = arith.constant 0 : i32
        %add3A_1062 = vector.broadcast %add3A_1061 : i32 to vector<16xi32>
        %add3A_1063 = arith.addi %get3A_1060, %add3A_1062 : vector<16xi32>
        %mul3A_1064 = arith.constant 16 : i32
        %mul3A_1065 = arith.muli %scan3A_1055, %mul3A_1064 : i32
        %add3A_1066 = arith.constant 0 : i32
        %add3A_1067 = arith.addi %add3A_1066, %mul3A_1065 : i32
        %swap3A = arith.index_cast %add3A_1067 : i32 to index
        %swap3A_1068 = tpu.vector_load %arg9[%swap3A] {strides = array<i32>} : memref<4096xi32, #tpu.memory_space<vmem>>, vector<16xi32>,
        %swap3A_1069 = vector.shape_cast %swap3A_1068 : vector<16xi32> to vector<16xi32>
        %swap3A_1070 = vector.shape_cast %add3A_1063 : vector<16xi32> to vector<16xi32>
        tpu.vector_store %arg9[%swap3A], %swap3A_1070 {strides = array<i32>} : memref<4096xi32, #tpu.memory_space<vmem>>, vector<16xi32>,
        %add3A_1071 = arith.constant 100096 : i32
        %add3A_1072 = vector.broadcast %add3A_1071 : i32 to vector<16xi32>
        %add3A_1073 = arith.addi %get3A_1060, %add3A_1072 : vector<16xi32>
        %mul3A_1074 = arith.constant 16 : i32
        %mul3A_1075 = arith.muli %scan3A_1055, %mul3A_1074 : i32
        %add3A_1076 = arith.constant 1024 : i32
        %add3A_1077 = arith.addi %add3A_1076, %mul3A_1075 : i32
        %swap3A_1078 = arith.index_cast %add3A_1077 : i32 to index
        %swap3A_1079 = tpu.vector_load %arg9[%swap3A_1078] {strides = array<i32>} : memref<4096xi32, #tpu.memory_space<vmem>>, vector<16xi32>,
        %swap3A_1080 = vector.shape_cast %swap3A_1079 : vector<16xi32> to vector<16xi32>
        %swap3A_1081 = vector.shape_cast %add3A_1073 : vector<16xi32> to vector<16xi32>
        tpu.vector_store %arg9[%swap3A_1078], %swap3A_1081 {strides = array<i32>} : memref<4096xi32, #tpu.memory_space<vmem>>, vector<16xi32>,
        %add3A_1082 = arith.constant 200192 : i32
        %add3A_1083 = vector.broadcast %add3A_1082 : i32 to vector<16xi32>
        %add3A_1084 = arith.addi %get3A_1060, %add3A_1083 : vector<16xi32>
        %mul3A_1085 = arith.constant 16 : i32
        %mul3A_1086 = arith.muli %scan3A_1055, %mul3A_1085 : i32
        %add3A_1087 = arith.constant 2048 : i32
        %add3A_1088 = arith.addi %add3A_1087, %mul3A_1086 : i32
        %swap3A_1089 = arith.index_cast %add3A_1088 : i32 to index
        %swap3A_1090 = tpu.vector_load %arg9[%swap3A_1089] {strides = array<i32>} : memref<4096xi32, #tpu.memory_space<vmem>>, vector<16xi32>,
        %swap3A_1091 = vector.shape_cast %swap3A_1090 : vector<16xi32> to vector<16xi32>
        %swap3A_1092 = vector.shape_cast %add3A_1084 : vector<16xi32> to vector<16xi32>
        tpu.vector_store %arg9[%swap3A_1089], %swap3A_1092 {strides = array<i32>} : memref<4096xi32, #tpu.memory_space<vmem>>, vector<16xi32>,
        %add3A_1093 = arith.constant 300288 : i32
        %add3A_1094 = vector.broadcast %add3A_1093 : i32 to vector<16xi32>
        %add3A_1095 = arith.addi %get3A_1060, %add3A_1094 : vector<16xi32>
        %mul3A_1096 = arith.constant 16 : i32
        %mul3A_1097 = arith.muli %scan3A_1055, %mul3A_1096 : i32
        %add3A_1098 = arith.constant 3072 : i32
        %add3A_1099 = arith.addi %add3A_1098, %mul3A_1097 : i32
        %swap3A_1100 = arith.index_cast %add3A_1099 : i32 to index
        %swap3A_1101 = tpu.vector_load %arg9[%swap3A_1100] {strides = array<i32>} : memref<4096xi32, #tpu.memory_space<vmem>>, vector<16xi32>,
        %swap3A_1102 = vector.shape_cast %swap3A_1101 : vector<16xi32> to vector<16xi32>
        %swap3A_1103 = vector.shape_cast %add3A_1095 : vector<16xi32> to vector<16xi32>
        tpu.vector_store %arg9[%swap3A_1100], %swap3A_1103 {strides = array<i32>} : memref<4096xi32, #tpu.memory_space<vmem>>, vector<16xi32>,
      }
      %scan3A_31 = arith.constant 64 : i32
      %lt3A_32 = arith.constant 15 : i32
      %lt3A_33 = arith.cmpi slt, %arg1, %lt3A_32 : i32
      %convert_element_type3A_34 = arith.extui %lt3A_33 : i1 to i32
      %cond3A_35 = arith.constant 0 : i32
      %cond3A_36 = arith.cmpi ne, %convert_element_type3A_34, %cond3A_35 : i32
      scf.if %cond3A_36 {
        %dma_wait3A_1055 = arith.constant 0 : i32
        %dma_wait3A_1056 = arith.constant 0 : i32
        %dma_wait3A_1057 = tpu.memref_slice %arg7[%dma_wait3A_1055, %dma_wait3A_1056] : memref<8x6272xf32, #tpu.memory_space<vmem>> -> memref<8x6272xf32, #tpu.memory_space<vmem>>
        %dma_wait3A_1058 = arith.constant 0 : i32
        %dma_wait3A_1059 = tpu.memref_slice %arg3[%add3A, %dma_wait3A_1058, %mul3A_0] : memref<26x32x100000xf32, #tpu.memory_space<hbm>> -> memref<1x8x6272xf32, #tpu.memory_space<hbm>>
        %dma_wait3A_1060 = tpu.memref_squeeze %dma_wait3A_1059 : memref<1x8x6272xf32, #tpu.memory_space<hbm>> -> memref<8x6272xf32, #tpu.memory_space<hbm>>
        %dma_wait3A_1061 = arith.constant 0 : i32
        %dma_wait3A_1062 = arith.constant 0 : i32
        %dma_wait3A_1063 = tpu.memref_slice %arg7[%dma_wait3A_1061, %dma_wait3A_1062] : memref<8x6272xf32, #tpu.memory_space<vmem>> -> memref<8x6272xf32, #tpu.memory_space<vmem>>
        %dma_wait3A_1064 = arith.constant 0 : i32
        %dma_wait3A_1065 = tpu.memref_slice %arg3[%add3A, %dma_wait3A_1064, %mul3A_0] : memref<26x32x100000xf32, #tpu.memory_space<hbm>> -> memref<1x8x6272xf32, #tpu.memory_space<hbm>>
        %dma_wait3A_1066 = tpu.memref_squeeze %dma_wait3A_1065 : memref<1x8x6272xf32, #tpu.memory_space<hbm>> -> memref<8x6272xf32, #tpu.memory_space<hbm>>
        tpu.wait_dma2 semaphore(%arg14 : memref<!tpu.dma_semaphore, #tpu.memory_space<semaphore_mem>>) src(%dma_wait3A_1066 : memref<8x6272xf32, #tpu.memory_space<hbm>>) dst(%dma_wait3A_1063 : memref<8x6272xf32, #tpu.memory_space<vmem>>)
      } else {
      }
      %eq3A_37 = arith.constant 15 : i32
      %eq3A_38 = arith.cmpi eq, %arg1, %eq3A_37 : i32
      %convert_element_type3A_39 = arith.extui %eq3A_38 : i1 to i32
      %cond3A_40 = arith.constant 0 : i32
      %cond3A_41 = arith.cmpi ne, %convert_element_type3A_39, %cond3A_40 : i32
      scf.if %cond3A_41 {
        %dma_wait3A_1055 = arith.constant 0 : i32
        %dma_wait3A_1056 = arith.constant 0 : i32
        %dma_wait3A_1057 = tpu.memref_slice %arg7[%dma_wait3A_1055, %dma_wait3A_1056] : memref<8x6272xf32, #tpu.memory_space<vmem>> -> memref<8x5888xf32, #tpu.memory_space<vmem>>
        %dma_wait3A_1058 = arith.constant 0 : i32
        %dma_wait3A_1059 = tpu.memref_slice %arg3[%add3A, %dma_wait3A_1058, %mul3A_0] : memref<26x32x100000xf32, #tpu.memory_space<hbm>> -> memref<1x8x5888xf32, #tpu.memory_space<hbm>>
        %dma_wait3A_1060 = tpu.memref_squeeze %dma_wait3A_1059 : memref<1x8x5888xf32, #tpu.memory_space<hbm>> -> memref<8x5888xf32, #tpu.memory_space<hbm>>
        %dma_wait3A_1061 = arith.constant 0 : i32
        %dma_wait3A_1062 = arith.constant 0 : i32
        %dma_wait3A_1063 = tpu.memref_slice %arg7[%dma_wait3A_1061, %dma_wait3A_1062] : memref<8x6272xf32, #tpu.memory_space<vmem>> -> memref<8x5888xf32, #tpu.memory_space<vmem>>
        %dma_wait3A_1064 = arith.constant 0 : i32
        %dma_wait3A_1065 = tpu.memref_slice %arg3[%add3A, %dma_wait3A_1064, %mul3A_0] : memref<26x32x100000xf32, #tpu.memory_space<hbm>> -> memref<1x8x5888xf32, #tpu.memory_space<hbm>>
        %dma_wait3A_1066 = tpu.memref_squeeze %dma_wait3A_1065 : memref<1x8x5888xf32, #tpu.memory_space<hbm>> -> memref<8x5888xf32, #tpu.memory_space<hbm>>
        tpu.wait_dma2 semaphore(%arg14 : memref<!tpu.dma_semaphore, #tpu.memory_space<semaphore_mem>>) src(%dma_wait3A_1066 : memref<8x5888xf32, #tpu.memory_space<hbm>>) dst(%dma_wait3A_1063 : memref<8x5888xf32, #tpu.memory_space<vmem>>)
        %dma_wait3A_1067 = arith.constant 0 : i32
        %dma_wait3A_1068 = arith.constant 5888 : i32
        %dma_wait3A_1069 = tpu.memref_slice %arg7[%dma_wait3A_1067, %dma_wait3A_1068] : memref<8x6272xf32, #tpu.memory_space<vmem>> -> memref<8x128xf32, #tpu.memory_space<vmem>>
        %dma_wait3A_1070 = arith.constant 0 : i32
        %dma_wait3A_1071 = arith.constant 0 : i32
        %dma_wait3A_1072 = tpu.memref_slice %arg4[%add3A, %dma_wait3A_1070, %dma_wait3A_1071] : memref<26x32x128xf32, #tpu.memory_space<hbm>> -> memref<1x8x128xf32, #tpu.memory_space<hbm>>
        %dma_wait3A_1073 = tpu.memref_squeeze %dma_wait3A_1072 : memref<1x8x128xf32, #tpu.memory_space<hbm>> -> memref<8x128xf32, #tpu.memory_space<hbm>>
        %dma_wait3A_1074 = arith.constant 0 : i32
        %dma_wait3A_1075 = arith.constant 5888 : i32
        %dma_wait3A_1076 = tpu.memref_slice %arg7[%dma_wait3A_1074, %dma_wait3A_1075] : memref<8x6272xf32, #tpu.memory_space<vmem>> -> memref<8x128xf32, #tpu.memory_space<vmem>>
        %dma_wait3A_1077 = arith.constant 0 : i32
        %dma_wait3A_1078 = arith.constant 0 : i32
        %dma_wait3A_1079 = tpu.memref_slice %arg4[%add3A, %dma_wait3A_1077, %dma_wait3A_1078] : memref<26x32x128xf32, #tpu.memory_space<hbm>> -> memref<1x8x128xf32, #tpu.memory_space<hbm>>
        %dma_wait3A_1080 = tpu.memref_squeeze %dma_wait3A_1079 : memref<1x8x128xf32, #tpu.memory_space<hbm>> -> memref<8x128xf32, #tpu.memory_space<hbm>>
        tpu.wait_dma2 semaphore(%arg14 : memref<!tpu.dma_semaphore, #tpu.memory_space<semaphore_mem>>) src(%dma_wait3A_1080 : memref<8x128xf32, #tpu.memory_space<hbm>>) dst(%dma_wait3A_1076 : memref<8x128xf32, #tpu.memory_space<vmem>>)
      } else {
      }
      %lt3A_42 = arith.constant 15 : i32
      %lt3A_43 = arith.cmpi slt, %arg1, %lt3A_42 : i32
      %convert_element_type3A_44 = arith.extui %lt3A_43 : i1 to i32
      %cond3A_45 = arith.constant 0 : i32
      %cond3A_46 = arith.cmpi ne, %convert_element_type3A_44, %cond3A_45 : i32
      scf.if %cond3A_46 {
        %add3A_1055 = arith.constant 0 : i32
        %add3A_1056 = arith.addi %add3A_1055, %mul3A_0 : i32
        %run_scoped3A = arith.constant 0 : i32
        "tpu.region"() ({
          %run_scoped3A_1057 = tpu.sem_alloc : memref<!tpu.dma_semaphore, #tpu.memory_space<semaphore_mem>>
          %dma_start3A_1058 = arith.constant 0 : i32
          %dma_start3A_1059 = tpu.memref_slice %arg7[%run_scoped3A, %dma_start3A_1058] : memref<8x6272xf32, #tpu.memory_space<vmem>> -> memref<1x6272xf32, #tpu.memory_space<vmem>>
          %dma_start3A_1060 = tpu.memref_squeeze %dma_start3A_1059 : memref<1x6272xf32, #tpu.memory_space<vmem>> -> memref<6272xf32, #tpu.memory_space<vmem>>
          %dma_start3A_1061 = tpu.memref_slice %arg13[%add3A_1056] : memref<400384xf32, #tpu.memory_space<vmem_shared>> -> memref<6272xf32, #tpu.memory_space<vmem_shared>>
          %dma_start3A_1062 = tpu.memref_slice %arg13[%add3A_1056] : memref<400384xf32, #tpu.memory_space<vmem_shared>> -> memref<6272xf32, #tpu.memory_space<vmem_shared>>
          %dma_start3A_1063 = arith.constant 0 : i32
          %dma_start3A_1064 = tpu.memref_slice %arg7[%run_scoped3A, %dma_start3A_1063] : memref<8x6272xf32, #tpu.memory_space<vmem>> -> memref<1x6272xf32, #tpu.memory_space<vmem>>
          %dma_start3A_1065 = tpu.memref_squeeze %dma_start3A_1064 : memref<1x6272xf32, #tpu.memory_space<vmem>> -> memref<6272xf32, #tpu.memory_space<vmem>>
          tpu.enqueue_dma source(%dma_start3A_1065 : memref<6272xf32, #tpu.memory_space<vmem>>) target(%dma_start3A_1062 : memref<6272xf32, #tpu.memory_space<vmem_shared>>) target_semaphore(%run_scoped3A_1057 : memref<!tpu.dma_semaphore, #tpu.memory_space<semaphore_mem>>)
          %dma_wait3A_1066 = arith.constant 0 : i32
          %dma_wait3A_1067 = tpu.memref_slice %arg7[%run_scoped3A, %dma_wait3A_1066] : memref<8x6272xf32, #tpu.memory_space<vmem>> -> memref<1x6272xf32, #tpu.memory_space<vmem>>
          %dma_wait3A_1068 = tpu.memref_squeeze %dma_wait3A_1067 : memref<1x6272xf32, #tpu.memory_space<vmem>> -> memref<6272xf32, #tpu.memory_space<vmem>>
          %dma_wait3A_1069 = tpu.memref_slice %arg13[%add3A_1056] : memref<400384xf32, #tpu.memory_space<vmem_shared>> -> memref<6272xf32, #tpu.memory_space<vmem_shared>>
          %dma_wait3A_1070 = tpu.memref_slice %arg13[%add3A_1056] : memref<400384xf32, #tpu.memory_space<vmem_shared>> -> memref<6272xf32, #tpu.memory_space<vmem_shared>>
          %dma_wait3A_1071 = arith.constant 0 : i32
          %dma_wait3A_1072 = tpu.memref_slice %arg7[%run_scoped3A, %dma_wait3A_1071] : memref<8x6272xf32, #tpu.memory_space<vmem>> -> memref<1x6272xf32, #tpu.memory_space<vmem>>
          %dma_wait3A_1073 = tpu.memref_squeeze %dma_wait3A_1072 : memref<1x6272xf32, #tpu.memory_space<vmem>> -> memref<6272xf32, #tpu.memory_space<vmem>>
          tpu.wait_dma2 semaphore(%run_scoped3A_1057 : memref<!tpu.dma_semaphore, #tpu.memory_space<semaphore_mem>>) src(%dma_wait3A_1073 : memref<6272xf32, #tpu.memory_space<vmem>>) dst(%dma_wait3A_1070 : memref<6272xf32, #tpu.memory_space<vmem_shared>>)
          tpu.yield
        }) : () -> ()
      } else {
      }
      %eq3A_47 = arith.constant 15 : i32
      %eq3A_48 = arith.cmpi eq, %arg1, %eq3A_47 : i32
      %convert_element_type3A_49 = arith.extui %eq3A_48 : i1 to i32
      %cond3A_50 = arith.constant 0 : i32
      %cond3A_51 = arith.cmpi ne, %convert_element_type3A_49, %cond3A_50 : i32
      scf.if %cond3A_51 {
        %add3A_1055 = arith.constant 0 : i32
        %add3A_1056 = arith.addi %add3A_1055, %mul3A_0 : i32
        %run_scoped3A = arith.constant 0 : i32
        "tpu.region"() ({
          %run_scoped3A_1057 = tpu.sem_alloc : memref<!tpu.dma_semaphore, #tpu.memory_space<semaphore_mem>>
          %dma_start3A_1058 = arith.constant 0 : i32
          %dma_start3A_1059 = tpu.memref_slice %arg7[%run_scoped3A, %dma_start3A_1058] : memref<8x6272xf32, #tpu.memory_space<vmem>> -> memref<1x6016xf32, #tpu.memory_space<vmem>>
          %dma_start3A_1060 = tpu.memref_squeeze %dma_start3A_1059 : memref<1x6016xf32, #tpu.memory_space<vmem>> -> memref<6016xf32, #tpu.memory_space<vmem>>
          %dma_start3A_1061 = tpu.memref_slice %arg13[%add3A_1056] : memref<400384xf32, #tpu.memory_space<vmem_shared>> -> memref<6016xf32, #tpu.memory_space<vmem_shared>>
          %dma_start3A_1062 = tpu.memref_slice %arg13[%add3A_1056] : memref<400384xf32, #tpu.memory_space<vmem_shared>> -> memref<6016xf32, #tpu.memory_space<vmem_shared>>
          %dma_start3A_1063 = arith.constant 0 : i32
          %dma_start3A_1064 = tpu.memref_slice %arg7[%run_scoped3A, %dma_start3A_1063] : memref<8x6272xf32, #tpu.memory_space<vmem>> -> memref<1x6016xf32, #tpu.memory_space<vmem>>
          %dma_start3A_1065 = tpu.memref_squeeze %dma_start3A_1064 : memref<1x6016xf32, #tpu.memory_space<vmem>> -> memref<6016xf32, #tpu.memory_space<vmem>>
          tpu.enqueue_dma source(%dma_start3A_1065 : memref<6016xf32, #tpu.memory_space<vmem>>) target(%dma_start3A_1062 : memref<6016xf32, #tpu.memory_space<vmem_shared>>) target_semaphore(%run_scoped3A_1057 : memref<!tpu.dma_semaphore, #tpu.memory_space<semaphore_mem>>)
          %dma_wait3A_1066 = arith.constant 0 : i32
          %dma_wait3A_1067 = tpu.memref_slice %arg7[%run_scoped3A, %dma_wait3A_1066] : memref<8x6272xf32, #tpu.memory_space<vmem>> -> memref<1x6016xf32, #tpu.memory_space<vmem>>
          %dma_wait3A_1068 = tpu.memref_squeeze %dma_wait3A_1067 : memref<1x6016xf32, #tpu.memory_space<vmem>> -> memref<6016xf32, #tpu.memory_space<vmem>>
          %dma_wait3A_1069 = tpu.memref_slice %arg13[%add3A_1056] : memref<400384xf32, #tpu.memory_space<vmem_shared>> -> memref<6016xf32, #tpu.memory_space<vmem_shared>>
          %dma_wait3A_1070 = tpu.memref_slice %arg13[%add3A_1056] : memref<400384xf32, #tpu.memory_space<vmem_shared>> -> memref<6016xf32, #tpu.memory_space<vmem_shared>>
          %dma_wait3A_1071 = arith.constant 0 : i32
          %dma_wait3A_1072 = tpu.memref_slice %arg7[%run_scoped3A, %dma_wait3A_1071] : memref<8x6272xf32, #tpu.memory_space<vmem>> -> memref<1x6016xf32, #tpu.memory_space<vmem>>
          %dma_wait3A_1073 = tpu.memref_squeeze %dma_wait3A_1072 : memref<1x6016xf32, #tpu.memory_space<vmem>> -> memref<6016xf32, #tpu.memory_space<vmem>>
          tpu.wait_dma2 semaphore(%run_scoped3A_1057 : memref<!tpu.dma_semaphore, #tpu.memory_space<semaphore_mem>>) src(%dma_wait3A_1073 : memref<6016xf32, #tpu.memory_space<vmem>>) dst(%dma_wait3A_1070 : memref<6016xf32, #tpu.memory_space<vmem_shared>>)
          tpu.yield
        }) : () -> ()
      } else {
      }
      %lt3A_52 = arith.constant 15 : i32
      %lt3A_53 = arith.cmpi slt, %arg1, %lt3A_52 : i32
      %convert_element_type3A_54 = arith.extui %lt3A_53 : i1 to i32
      %cond3A_55 = arith.constant 0 : i32
      %cond3A_56 = arith.cmpi ne, %convert_element_type3A_54, %cond3A_55 : i32
      scf.if %cond3A_56 {
        %add3A_1055 = arith.constant 100096 : i32
        %add3A_1056 = arith.addi %add3A_1055, %mul3A_0 : i32
        %run_scoped3A = arith.constant 1 : i32
        "tpu.region"() ({
          %run_scoped3A_1057 = tpu.sem_alloc : memref<!tpu.dma_semaphore, #tpu.memory_space<semaphore_mem>>
          %dma_start3A_1058 = arith.constant 0 : i32
          %dma_start3A_1059 = tpu.memref_slice %arg7[%run_scoped3A, %dma_start3A_1058] : memref<8x6272xf32, #tpu.memory_space<vmem>> -> memref<1x6272xf32, #tpu.memory_space<vmem>>
          %dma_start3A_1060 = tpu.memref_squeeze %dma_start3A_1059 : memref<1x6272xf32, #tpu.memory_space<vmem>> -> memref<6272xf32, #tpu.memory_space<vmem>>
          %dma_start3A_1061 = tpu.memref_slice %arg13[%add3A_1056] : memref<400384xf32, #tpu.memory_space<vmem_shared>> -> memref<6272xf32, #tpu.memory_space<vmem_shared>>
          %dma_start3A_1062 = tpu.memref_slice %arg13[%add3A_1056] : memref<400384xf32, #tpu.memory_space<vmem_shared>> -> memref<6272xf32, #tpu.memory_space<vmem_shared>>
          %dma_start3A_1063 = arith.constant 0 : i32
          %dma_start3A_1064 = tpu.memref_slice %arg7[%run_scoped3A, %dma_start3A_1063] : memref<8x6272xf32, #tpu.memory_space<vmem>> -> memref<1x6272xf32, #tpu.memory_space<vmem>>
          %dma_start3A_1065 = tpu.memref_squeeze %dma_start3A_1064 : memref<1x6272xf32, #tpu.memory_space<vmem>> -> memref<6272xf32, #tpu.memory_space<vmem>>
          tpu.enqueue_dma source(%dma_start3A_1065 : memref<6272xf32, #tpu.memory_space<vmem>>) target(%dma_start3A_1062 : memref<6272xf32, #tpu.memory_space<vmem_shared>>) target_semaphore(%run_scoped3A_1057 : memref<!tpu.dma_semaphore, #tpu.memory_space<semaphore_mem>>)
          %dma_wait3A_1066 = arith.constant 0 : i32
          %dma_wait3A_1067 = tpu.memref_slice %arg7[%run_scoped3A, %dma_wait3A_1066] : memref<8x6272xf32, #tpu.memory_space<vmem>> -> memref<1x6272xf32, #tpu.memory_space<vmem>>
          %dma_wait3A_1068 = tpu.memref_squeeze %dma_wait3A_1067 : memref<1x6272xf32, #tpu.memory_space<vmem>> -> memref<6272xf32, #tpu.memory_space<vmem>>
          %dma_wait3A_1069 = tpu.memref_slice %arg13[%add3A_1056] : memref<400384xf32, #tpu.memory_space<vmem_shared>> -> memref<6272xf32, #tpu.memory_space<vmem_shared>>
          %dma_wait3A_1070 = tpu.memref_slice %arg13[%add3A_1056] : memref<400384xf32, #tpu.memory_space<vmem_shared>> -> memref<6272xf32, #tpu.memory_space<vmem_shared>>
          %dma_wait3A_1071 = arith.constant 0 : i32
          %dma_wait3A_1072 = tpu.memref_slice %arg7[%run_scoped3A, %dma_wait3A_1071] : memref<8x6272xf32, #tpu.memory_space<vmem>> -> memref<1x6272xf32, #tpu.memory_space<vmem>>
          %dma_wait3A_1073 = tpu.memref_squeeze %dma_wait3A_1072 : memref<1x6272xf32, #tpu.memory_space<vmem>> -> memref<6272xf32, #tpu.memory_space<vmem>>
          tpu.wait_dma2 semaphore(%run_scoped3A_1057 : memref<!tpu.dma_semaphore, #tpu.memory_space<semaphore_mem>>) src(%dma_wait3A_1073 : memref<6272xf32, #tpu.memory_space<vmem>>) dst(%dma_wait3A_1070 : memref<6272xf32, #tpu.memory_space<vmem_shared>>)
          tpu.yield
        }) : () -> ()
      } else {
      }
      %eq3A_57 = arith.constant 15 : i32
      %eq3A_58 = arith.cmpi eq, %arg1, %eq3A_57 : i32
      %convert_element_type3A_59 = arith.extui %eq3A_58 : i1 to i32
      %cond3A_60 = arith.constant 0 : i32
      %cond3A_61 = arith.cmpi ne, %convert_element_type3A_59, %cond3A_60 : i32
      scf.if %cond3A_61 {
        %add3A_1055 = arith.constant 100096 : i32
        %add3A_1056 = arith.addi %add3A_1055, %mul3A_0 : i32
        %run_scoped3A = arith.constant 1 : i32
        "tpu.region"() ({
          %run_scoped3A_1057 = tpu.sem_alloc : memref<!tpu.dma_semaphore, #tpu.memory_space<semaphore_mem>>
          %dma_start3A_1058 = arith.constant 0 : i32
          %dma_start3A_1059 = tpu.memref_slice %arg7[%run_scoped3A, %dma_start3A_1058] : memref<8x6272xf32, #tpu.memory_space<vmem>> -> memref<1x6016xf32, #tpu.memory_space<vmem>>
          %dma_start3A_1060 = tpu.memref_squeeze %dma_start3A_1059 : memref<1x6016xf32, #tpu.memory_space<vmem>> -> memref<6016xf32, #tpu.memory_space<vmem>>
          %dma_start3A_1061 = tpu.memref_slice %arg13[%add3A_1056] : memref<400384xf32, #tpu.memory_space<vmem_shared>> -> memref<6016xf32, #tpu.memory_space<vmem_shared>>
          %dma_start3A_1062 = tpu.memref_slice %arg13[%add3A_1056] : memref<400384xf32, #tpu.memory_space<vmem_shared>> -> memref<6016xf32, #tpu.memory_space<vmem_shared>>
          %dma_start3A_1063 = arith.constant 0 : i32
          %dma_start3A_1064 = tpu.memref_slice %arg7[%run_scoped3A, %dma_start3A_1063] : memref<8x6272xf32, #tpu.memory_space<vmem>> -> memref<1x6016xf32, #tpu.memory_space<vmem>>
          %dma_start3A_1065 = tpu.memref_squeeze %dma_start3A_1064 : memref<1x6016xf32, #tpu.memory_space<vmem>> -> memref<6016xf32, #tpu.memory_space<vmem>>
          tpu.enqueue_dma source(%dma_start3A_1065 : memref<6016xf32, #tpu.memory_space<vmem>>) target(%dma_start3A_1062 : memref<6016xf32, #tpu.memory_space<vmem_shared>>) target_semaphore(%run_scoped3A_1057 : memref<!tpu.dma_semaphore, #tpu.memory_space<semaphore_mem>>)
          %dma_wait3A_1066 = arith.constant 0 : i32
          %dma_wait3A_1067 = tpu.memref_slice %arg7[%run_scoped3A, %dma_wait3A_1066] : memref<8x6272xf32, #tpu.memory_space<vmem>> -> memref<1x6016xf32, #tpu.memory_space<vmem>>
          %dma_wait3A_1068 = tpu.memref_squeeze %dma_wait3A_1067 : memref<1x6016xf32, #tpu.memory_space<vmem>> -> memref<6016xf32, #tpu.memory_space<vmem>>
          %dma_wait3A_1069 = tpu.memref_slice %arg13[%add3A_1056] : memref<400384xf32, #tpu.memory_space<vmem_shared>> -> memref<6016xf32, #tpu.memory_space<vmem_shared>>
          %dma_wait3A_1070 = tpu.memref_slice %arg13[%add3A_1056] : memref<400384xf32, #tpu.memory_space<vmem_shared>> -> memref<6016xf32, #tpu.memory_space<vmem_shared>>
          %dma_wait3A_1071 = arith.constant 0 : i32
          %dma_wait3A_1072 = tpu.memref_slice %arg7[%run_scoped3A, %dma_wait3A_1071] : memref<8x6272xf32, #tpu.memory_space<vmem>> -> memref<1x6016xf32, #tpu.memory_space<vmem>>
          %dma_wait3A_1073 = tpu.memref_squeeze %dma_wait3A_1072 : memref<1x6016xf32, #tpu.memory_space<vmem>> -> memref<6016xf32, #tpu.memory_space<vmem>>
          tpu.wait_dma2 semaphore(%run_scoped3A_1057 : memref<!tpu.dma_semaphore, #tpu.memory_space<semaphore_mem>>) src(%dma_wait3A_1073 : memref<6016xf32, #tpu.memory_space<vmem>>) dst(%dma_wait3A_1070 : memref<6016xf32, #tpu.memory_space<vmem_shared>>)
          tpu.yield
        }) : () -> ()
      } else {
      }
      %lt3A_62 = arith.constant 15 : i32
      %lt3A_63 = arith.cmpi slt, %arg1, %lt3A_62 : i32
      %convert_element_type3A_64 = arith.extui %lt3A_63 : i1 to i32
      %cond3A_65 = arith.constant 0 : i32
      %cond3A_66 = arith.cmpi ne, %convert_element_type3A_64, %cond3A_65 : i32
      scf.if %cond3A_66 {
        %add3A_1055 = arith.constant 200192 : i32
        %add3A_1056 = arith.addi %add3A_1055, %mul3A_0 : i32
        %run_scoped3A = arith.constant 2 : i32
        "tpu.region"() ({
          %run_scoped3A_1057 = tpu.sem_alloc : memref<!tpu.dma_semaphore, #tpu.memory_space<semaphore_mem>>
          %dma_start3A_1058 = arith.constant 0 : i32
          %dma_start3A_1059 = tpu.memref_slice %arg7[%run_scoped3A, %dma_start3A_1058] : memref<8x6272xf32, #tpu.memory_space<vmem>> -> memref<1x6272xf32, #tpu.memory_space<vmem>>
          %dma_start3A_1060 = tpu.memref_squeeze %dma_start3A_1059 : memref<1x6272xf32, #tpu.memory_space<vmem>> -> memref<6272xf32, #tpu.memory_space<vmem>>
          %dma_start3A_1061 = tpu.memref_slice %arg13[%add3A_1056] : memref<400384xf32, #tpu.memory_space<vmem_shared>> -> memref<6272xf32, #tpu.memory_space<vmem_shared>>
          %dma_start3A_1062 = tpu.memref_slice %arg13[%add3A_1056] : memref<400384xf32, #tpu.memory_space<vmem_shared>> -> memref<6272xf32, #tpu.memory_space<vmem_shared>>
          %dma_start3A_1063 = arith.constant 0 : i32
          %dma_start3A_1064 = tpu.memref_slice %arg7[%run_scoped3A, %dma_start3A_1063] : memref<8x6272xf32, #tpu.memory_space<vmem>> -> memref<1x6272xf32, #tpu.memory_space<vmem>>
          %dma_start3A_1065 = tpu.memref_squeeze %dma_start3A_1064 : memref<1x6272xf32, #tpu.memory_space<vmem>> -> memref<6272xf32, #tpu.memory_space<vmem>>
          tpu.enqueue_dma source(%dma_start3A_1065 : memref<6272xf32, #tpu.memory_space<vmem>>) target(%dma_start3A_1062 : memref<6272xf32, #tpu.memory_space<vmem_shared>>) target_semaphore(%run_scoped3A_1057 : memref<!tpu.dma_semaphore, #tpu.memory_space<semaphore_mem>>)
          %dma_wait3A_1066 = arith.constant 0 : i32
          %dma_wait3A_1067 = tpu.memref_slice %arg7[%run_scoped3A, %dma_wait3A_1066] : memref<8x6272xf32, #tpu.memory_space<vmem>> -> memref<1x6272xf32, #tpu.memory_space<vmem>>
          %dma_wait3A_1068 = tpu.memref_squeeze %dma_wait3A_1067 : memref<1x6272xf32, #tpu.memory_space<vmem>> -> memref<6272xf32, #tpu.memory_space<vmem>>
          %dma_wait3A_1069 = tpu.memref_slice %arg13[%add3A_1056] : memref<400384xf32, #tpu.memory_space<vmem_shared>> -> memref<6272xf32, #tpu.memory_space<vmem_shared>>
          %dma_wait3A_1070 = tpu.memref_slice %arg13[%add3A_1056] : memref<400384xf32, #tpu.memory_space<vmem_shared>> -> memref<6272xf32, #tpu.memory_space<vmem_shared>>
          %dma_wait3A_1071 = arith.constant 0 : i32
          %dma_wait3A_1072 = tpu.memref_slice %arg7[%run_scoped3A, %dma_wait3A_1071] : memref<8x6272xf32, #tpu.memory_space<vmem>> -> memref<1x6272xf32, #tpu.memory_space<vmem>>
          %dma_wait3A_1073 = tpu.memref_squeeze %dma_wait3A_1072 : memref<1x6272xf32, #tpu.memory_space<vmem>> -> memref<6272xf32, #tpu.memory_space<vmem>>
          tpu.wait_dma2 semaphore(%run_scoped3A_1057 : memref<!tpu.dma_semaphore, #tpu.memory_space<semaphore_mem>>) src(%dma_wait3A_1073 : memref<6272xf32, #tpu.memory_space<vmem>>) dst(%dma_wait3A_1070 : memref<6272xf32, #tpu.memory_space<vmem_shared>>)
          tpu.yield
        }) : () -> ()
      } else {
      }
      %eq3A_67 = arith.constant 15 : i32
      %eq3A_68 = arith.cmpi eq, %arg1, %eq3A_67 : i32
      %convert_element_type3A_69 = arith.extui %eq3A_68 : i1 to i32
      %cond3A_70 = arith.constant 0 : i32
      %cond3A_71 = arith.cmpi ne, %convert_element_type3A_69, %cond3A_70 : i32
      scf.if %cond3A_71 {
        %add3A_1055 = arith.constant 200192 : i32
        %add3A_1056 = arith.addi %add3A_1055, %mul3A_0 : i32
        %run_scoped3A = arith.constant 2 : i32
        "tpu.region"() ({
          %run_scoped3A_1057 = tpu.sem_alloc : memref<!tpu.dma_semaphore, #tpu.memory_space<semaphore_mem>>
          %dma_start3A_1058 = arith.constant 0 : i32
          %dma_start3A_1059 = tpu.memref_slice %arg7[%run_scoped3A, %dma_start3A_1058] : memref<8x6272xf32, #tpu.memory_space<vmem>> -> memref<1x6016xf32, #tpu.memory_space<vmem>>
          %dma_start3A_1060 = tpu.memref_squeeze %dma_start3A_1059 : memref<1x6016xf32, #tpu.memory_space<vmem>> -> memref<6016xf32, #tpu.memory_space<vmem>>
          %dma_start3A_1061 = tpu.memref_slice %arg13[%add3A_1056] : memref<400384xf32, #tpu.memory_space<vmem_shared>> -> memref<6016xf32, #tpu.memory_space<vmem_shared>>
          %dma_start3A_1062 = tpu.memref_slice %arg13[%add3A_1056] : memref<400384xf32, #tpu.memory_space<vmem_shared>> -> memref<6016xf32, #tpu.memory_space<vmem_shared>>
          %dma_start3A_1063 = arith.constant 0 : i32
          %dma_start3A_1064 = tpu.memref_slice %arg7[%run_scoped3A, %dma_start3A_1063] : memref<8x6272xf32, #tpu.memory_space<vmem>> -> memref<1x6016xf32, #tpu.memory_space<vmem>>
          %dma_start3A_1065 = tpu.memref_squeeze %dma_start3A_1064 : memref<1x6016xf32, #tpu.memory_space<vmem>> -> memref<6016xf32, #tpu.memory_space<vmem>>
          tpu.enqueue_dma source(%dma_start3A_1065 : memref<6016xf32, #tpu.memory_space<vmem>>) target(%dma_start3A_1062 : memref<6016xf32, #tpu.memory_space<vmem_shared>>) target_semaphore(%run_scoped3A_1057 : memref<!tpu.dma_semaphore, #tpu.memory_space<semaphore_mem>>)
          %dma_wait3A_1066 = arith.constant 0 : i32
          %dma_wait3A_1067 = tpu.memref_slice %arg7[%run_scoped3A, %dma_wait3A_1066] : memref<8x6272xf32, #tpu.memory_space<vmem>> -> memref<1x6016xf32, #tpu.memory_space<vmem>>
          %dma_wait3A_1068 = tpu.memref_squeeze %dma_wait3A_1067 : memref<1x6016xf32, #tpu.memory_space<vmem>> -> memref<6016xf32, #tpu.memory_space<vmem>>
          %dma_wait3A_1069 = tpu.memref_slice %arg13[%add3A_1056] : memref<400384xf32, #tpu.memory_space<vmem_shared>> -> memref<6016xf32, #tpu.memory_space<vmem_shared>>
          %dma_wait3A_1070 = tpu.memref_slice %arg13[%add3A_1056] : memref<400384xf32, #tpu.memory_space<vmem_shared>> -> memref<6016xf32, #tpu.memory_space<vmem_shared>>
          %dma_wait3A_1071 = arith.constant 0 : i32
          %dma_wait3A_1072 = tpu.memref_slice %arg7[%run_scoped3A, %dma_wait3A_1071] : memref<8x6272xf32, #tpu.memory_space<vmem>> -> memref<1x6016xf32, #tpu.memory_space<vmem>>
          %dma_wait3A_1073 = tpu.memref_squeeze %dma_wait3A_1072 : memref<1x6016xf32, #tpu.memory_space<vmem>> -> memref<6016xf32, #tpu.memory_space<vmem>>
          tpu.wait_dma2 semaphore(%run_scoped3A_1057 : memref<!tpu.dma_semaphore, #tpu.memory_space<semaphore_mem>>) src(%dma_wait3A_1073 : memref<6016xf32, #tpu.memory_space<vmem>>) dst(%dma_wait3A_1070 : memref<6016xf32, #tpu.memory_space<vmem_shared>>)
          tpu.yield
        }) : () -> ()
      } else {
      }
      %lt3A_72 = arith.constant 15 : i32
      %lt3A_73 = arith.cmpi slt, %arg1, %lt3A_72 : i32
      %convert_element_type3A_74 = arith.extui %lt3A_73 : i1 to i32
      %cond3A_75 = arith.constant 0 : i32
      %cond3A_76 = arith.cmpi ne, %convert_element_type3A_74, %cond3A_75 : i32
      scf.if %cond3A_76 {
        %add3A_1055 = arith.constant 300288 : i32
        %add3A_1056 = arith.addi %add3A_1055, %mul3A_0 : i32
        %run_scoped3A = arith.constant 3 : i32
        "tpu.region"() ({
          %run_scoped3A_1057 = tpu.sem_alloc : memref<!tpu.dma_semaphore, #tpu.memory_space<semaphore_mem>>
          %dma_start3A_1058 = arith.constant 0 : i32
          %dma_start3A_1059 = tpu.memref_slice %arg7[%run_scoped3A, %dma_start3A_1058] : memref<8x6272xf32, #tpu.memory_space<vmem>> -> memref<1x6272xf32, #tpu.memory_space<vmem>>
          %dma_start3A_1060 = tpu.memref_squeeze %dma_start3A_1059 : memref<1x6272xf32, #tpu.memory_space<vmem>> -> memref<6272xf32, #tpu.memory_space<vmem>>
          %dma_start3A_1061 = tpu.memref_slice %arg13[%add3A_1056] : memref<400384xf32, #tpu.memory_space<vmem_shared>> -> memref<6272xf32, #tpu.memory_space<vmem_shared>>
          %dma_start3A_1062 = tpu.memref_slice %arg13[%add3A_1056] : memref<400384xf32, #tpu.memory_space<vmem_shared>> -> memref<6272xf32, #tpu.memory_space<vmem_shared>>
          %dma_start3A_1063 = arith.constant 0 : i32
          %dma_start3A_1064 = tpu.memref_slice %arg7[%run_scoped3A, %dma_start3A_1063] : memref<8x6272xf32, #tpu.memory_space<vmem>> -> memref<1x6272xf32, #tpu.memory_space<vmem>>
          %dma_start3A_1065 = tpu.memref_squeeze %dma_start3A_1064 : memref<1x6272xf32, #tpu.memory_space<vmem>> -> memref<6272xf32, #tpu.memory_space<vmem>>
          tpu.enqueue_dma source(%dma_start3A_1065 : memref<6272xf32, #tpu.memory_space<vmem>>) target(%dma_start3A_1062 : memref<6272xf32, #tpu.memory_space<vmem_shared>>) target_semaphore(%run_scoped3A_1057 : memref<!tpu.dma_semaphore, #tpu.memory_space<semaphore_mem>>)
          %dma_wait3A_1066 = arith.constant 0 : i32
          %dma_wait3A_1067 = tpu.memref_slice %arg7[%run_scoped3A, %dma_wait3A_1066] : memref<8x6272xf32, #tpu.memory_space<vmem>> -> memref<1x6272xf32, #tpu.memory_space<vmem>>
          %dma_wait3A_1068 = tpu.memref_squeeze %dma_wait3A_1067 : memref<1x6272xf32, #tpu.memory_space<vmem>> -> memref<6272xf32, #tpu.memory_space<vmem>>
          %dma_wait3A_1069 = tpu.memref_slice %arg13[%add3A_1056] : memref<400384xf32, #tpu.memory_space<vmem_shared>> -> memref<6272xf32, #tpu.memory_space<vmem_shared>>
          %dma_wait3A_1070 = tpu.memref_slice %arg13[%add3A_1056] : memref<400384xf32, #tpu.memory_space<vmem_shared>> -> memref<6272xf32, #tpu.memory_space<vmem_shared>>
          %dma_wait3A_1071 = arith.constant 0 : i32
          %dma_wait3A_1072 = tpu.memref_slice %arg7[%run_scoped3A, %dma_wait3A_1071] : memref<8x6272xf32, #tpu.memory_space<vmem>> -> memref<1x6272xf32, #tpu.memory_space<vmem>>
          %dma_wait3A_1073 = tpu.memref_squeeze %dma_wait3A_1072 : memref<1x6272xf32, #tpu.memory_space<vmem>> -> memref<6272xf32, #tpu.memory_space<vmem>>
          tpu.wait_dma2 semaphore(%run_scoped3A_1057 : memref<!tpu.dma_semaphore, #tpu.memory_space<semaphore_mem>>) src(%dma_wait3A_1073 : memref<6272xf32, #tpu.memory_space<vmem>>) dst(%dma_wait3A_1070 : memref<6272xf32, #tpu.memory_space<vmem_shared>>)
          tpu.yield
        }) : () -> ()
      } else {
      }
      %eq3A_77 = arith.constant 15 : i32
      %eq3A_78 = arith.cmpi eq, %arg1, %eq3A_77 : i32
      %convert_element_type3A_79 = arith.extui %eq3A_78 : i1 to i32
      %cond3A_80 = arith.constant 0 : i32
      %cond3A_81 = arith.cmpi ne, %convert_element_type3A_79, %cond3A_80 : i32
      scf.if %cond3A_81 {
        %add3A_1055 = arith.constant 300288 : i32
        %add3A_1056 = arith.addi %add3A_1055, %mul3A_0 : i32
        %run_scoped3A = arith.constant 3 : i32
        "tpu.region"() ({
          %run_scoped3A_1057 = tpu.sem_alloc : memref<!tpu.dma_semaphore, #tpu.memory_space<semaphore_mem>>
          %dma_start3A_1058 = arith.constant 0 : i32
          %dma_start3A_1059 = tpu.memref_slice %arg7[%run_scoped3A, %dma_start3A_1058] : memref<8x6272xf32, #tpu.memory_space<vmem>> -> memref<1x6016xf32, #tpu.memory_space<vmem>>
          %dma_start3A_1060 = tpu.memref_squeeze %dma_start3A_1059 : memref<1x6016xf32, #tpu.memory_space<vmem>> -> memref<6016xf32, #tpu.memory_space<vmem>>
          %dma_start3A_1061 = tpu.memref_slice %arg13[%add3A_1056] : memref<400384xf32, #tpu.memory_space<vmem_shared>> -> memref<6016xf32, #tpu.memory_space<vmem_shared>>
          %dma_start3A_1062 = tpu.memref_slice %arg13[%add3A_1056] : memref<400384xf32, #tpu.memory_space<vmem_shared>> -> memref<6016xf32, #tpu.memory_space<vmem_shared>>
          %dma_start3A_1063 = arith.constant 0 : i32
          %dma_start3A_1064 = tpu.memref_slice %arg7[%run_scoped3A, %dma_start3A_1063] : memref<8x6272xf32, #tpu.memory_space<vmem>> -> memref<1x6016xf32, #tpu.memory_space<vmem>>
          %dma_start3A_1065 = tpu.memref_squeeze %dma_start3A_1064 : memref<1x6016xf32, #tpu.memory_space<vmem>> -> memref<6016xf32, #tpu.memory_space<vmem>>
          tpu.enqueue_dma source(%dma_start3A_1065 : memref<6016xf32, #tpu.memory_space<vmem>>) target(%dma_start3A_1062 : memref<6016xf32, #tpu.memory_space<vmem_shared>>) target_semaphore(%run_scoped3A_1057 : memref<!tpu.dma_semaphore, #tpu.memory_space<semaphore_mem>>)
          %dma_wait3A_1066 = arith.constant 0 : i32
          %dma_wait3A_1067 = tpu.memref_slice %arg7[%run_scoped3A, %dma_wait3A_1066] : memref<8x6272xf32, #tpu.memory_space<vmem>> -> memref<1x6016xf32, #tpu.memory_space<vmem>>
          %dma_wait3A_1068 = tpu.memref_squeeze %dma_wait3A_1067 : memref<1x6016xf32, #tpu.memory_space<vmem>> -> memref<6016xf32, #tpu.memory_space<vmem>>
          %dma_wait3A_1069 = tpu.memref_slice %arg13[%add3A_1056] : memref<400384xf32, #tpu.memory_space<vmem_shared>> -> memref<6016xf32, #tpu.memory_space<vmem_shared>>
          %dma_wait3A_1070 = tpu.memref_slice %arg13[%add3A_1056] : memref<400384xf32, #tpu.memory_space<vmem_shared>> -> memref<6016xf32, #tpu.memory_space<vmem_shared>>
          %dma_wait3A_1071 = arith.constant 0 : i32
          %dma_wait3A_1072 = tpu.memref_slice %arg7[%run_scoped3A, %dma_wait3A_1071] : memref<8x6272xf32, #tpu.memory_space<vmem>> -> memref<1x6016xf32, #tpu.memory_space<vmem>>
          %dma_wait3A_1073 = tpu.memref_squeeze %dma_wait3A_1072 : memref<1x6016xf32, #tpu.memory_space<vmem>> -> memref<6016xf32, #tpu.memory_space<vmem>>
          tpu.wait_dma2 semaphore(%run_scoped3A_1057 : memref<!tpu.dma_semaphore, #tpu.memory_space<semaphore_mem>>) src(%dma_wait3A_1073 : memref<6016xf32, #tpu.memory_space<vmem>>) dst(%dma_wait3A_1070 : memref<6016xf32, #tpu.memory_space<vmem_shared>>)
          tpu.yield
        }) : () -> ()
      } else {
      }
      %barrier3A = arith.constant 0 : index
      tpu.barrier barrier_id(%barrier3A)
      %dma_start3A = arith.constant 0 : i32
      %dma_start3A_82 = tpu.memref_slice %arg13[%dma_start3A] : memref<400384xf32, #tpu.memory_space<vmem_shared>> -> memref<400384xf32, #tpu.memory_space<vmem_shared>>
      tpu.enqueue_indirect_dma source(%dma_start3A_82 : memref<400384xf32, #tpu.memory_space<vmem_shared>>) target(%arg10 : memref<4096xf32, #tpu.memory_space<vmem>>) offsets(%arg9 : memref<4096xi32, #tpu.memory_space<vmem>>) semaphore(%arg15 : memref<!tpu.dma_semaphore, #tpu.memory_space<semaphore_mem>>)
      %dma_wait3A = arith.constant 0 : i32
      %dma_wait3A_83 = tpu.memref_slice %arg13[%dma_wait3A] : memref<400384xf32, #tpu.memory_space<vmem_shared>> -> memref<400384xf32, #tpu.memory_space<vmem_shared>>
      tpu.wait_indirect_dma semaphore(%arg15 : memref<!tpu.dma_semaphore, #tpu.memory_space<semaphore_mem>>) src(%dma_wait3A_83 : memref<400384xf32, #tpu.memory_space<vmem_shared>>) dst(%arg10 : memref<4096xf32, #tpu.memory_space<vmem>>)
      %mul3A_84 = arith.constant 32 : i32
      %mul3A_85 = arith.muli %scan3A_19, %mul3A_84 : i32
      %add3A_86 = arith.constant 0 : i32
      %add3A_87 = arith.addi %mul3A_85, %add3A_86 : i32
      %add3A_88 = arith.constant 0 : i32
      %add3A_89 = arith.addi %add3A_87, %add3A_88 : i32
      %add3A_90 = arith.constant 0 : i32
      %add3A_91 = arith.addi %add3A_89, %add3A_90 : i32
      %mul3A_92 = arith.constant 16 : i32
      %mul3A_93 = arith.muli %add3A_91, %mul3A_92 : i32
      %get3A = arith.index_cast %mul3A_93 : i32 to index
      %get3A_94 = tpu.vector_load %arg12[%get3A] {strides = array<i32>} : memref<6656xf32, #tpu.memory_space<vmem>>, vector<16xf32>,
      %get3A_95 = vector.shape_cast %get3A_94 : vector<16xf32> to vector<16xf32>
      %scan3A_96 = arith.constant 0 : i32
      %scan3A_97 = arith.constant 64 : i32
      %scan3A_98 = arith.addi %scan3A_96, %scan3A_97 : i32
      %scan3A_99 = arith.constant 1 : i32
      scf.for %scan3A_1055 = %scan3A_96 to %scan3A_98 step %scan3A_99  : i32 {
        %mul3A_1056 = arith.constant 16 : i32
        %mul3A_1057 = arith.muli %scan3A_1055, %mul3A_1056 : i32
        %mul3A_1058 = arith.constant 16 : i32
        %mul3A_1059 = arith.muli %scan3A_1055, %mul3A_1058 : i32
        %add3A_1060 = arith.constant 0 : i32
        %add3A_1061 = arith.addi %add3A_1060, %mul3A_1059 : i32
        %get3A_1062 = arith.index_cast %add3A_1061 : i32 to index
        %get3A_1063 = tpu.vector_load %arg10[%get3A_1062] {strides = array<i32>} : memref<4096xf32, #tpu.memory_space<vmem>>, vector<16xf32>,
        %get3A_1064 = vector.shape_cast %get3A_1063 : vector<16xf32> to vector<16xf32>
        %add3A_1065 = arith.addf %get3A_1064, %get3A_95 : vector<16xf32>
        %swap3A = arith.constant 0 : i32
        %swap3A_1066 = arith.index_cast %swap3A : i32 to index
        %swap3A_1067 = arith.index_cast %mul3A_1057 : i32 to index
        %swap3A_1068 = tpu.vector_load %arg11[%swap3A_1066, %swap3A_1067] {strides = array<i32>} : memref<8x1024xf32, #tpu.memory_space<vmem>>, vector<1x16xf32>,
        %swap3A_1069 = vector.shape_cast %swap3A_1068 : vector<1x16xf32> to vector<16xf32>
        %swap3A_1070 = vector.shape_cast %add3A_1065 : vector<16xf32> to vector<1x16xf32>
        tpu.vector_store %arg11[%swap3A_1066, %swap3A_1067], %swap3A_1070 {strides = array<i32>} : memref<8x1024xf32, #tpu.memory_space<vmem>>, vector<1x16xf32>,
      }
      %scan3A_100 = arith.constant 64 : i32
      %mul3A_101 = arith.constant 32 : i32
      %mul3A_102 = arith.muli %scan3A_19, %mul3A_101 : i32
      %add3A_103 = arith.constant 0 : i32
      %add3A_104 = arith.addi %mul3A_102, %add3A_103 : i32
      %add3A_105 = arith.constant 0 : i32
      %add3A_106 = arith.addi %add3A_104, %add3A_105 : i32
      %add3A_107 = arith.constant 1 : i32
      %add3A_108 = arith.addi %add3A_106, %add3A_107 : i32
      %mul3A_109 = arith.constant 16 : i32
      %mul3A_110 = arith.muli %add3A_108, %mul3A_109 : i32
      %get3A_111 = arith.index_cast %mul3A_110 : i32 to index
      %get3A_112 = tpu.vector_load %arg12[%get3A_111] {strides = array<i32>} : memref<6656xf32, #tpu.memory_space<vmem>>, vector<16xf32>,
      %get3A_113 = vector.shape_cast %get3A_112 : vector<16xf32> to vector<16xf32>
      %scan3A_114 = arith.constant 0 : i32
      %scan3A_115 = arith.constant 64 : i32
      %scan3A_116 = arith.addi %scan3A_114, %scan3A_115 : i32
      %scan3A_117 = arith.constant 1 : i32
      scf.for %scan3A_1055 = %scan3A_114 to %scan3A_116 step %scan3A_117  : i32 {
        %mul3A_1056 = arith.constant 16 : i32
        %mul3A_1057 = arith.muli %scan3A_1055, %mul3A_1056 : i32
        %mul3A_1058 = arith.constant 16 : i32
        %mul3A_1059 = arith.muli %scan3A_1055, %mul3A_1058 : i32
        %add3A_1060 = arith.constant 1024 : i32
        %add3A_1061 = arith.addi %add3A_1060, %mul3A_1059 : i32
        %get3A_1062 = arith.index_cast %add3A_1061 : i32 to index
        %get3A_1063 = tpu.vector_load %arg10[%get3A_1062] {strides = array<i32>} : memref<4096xf32, #tpu.memory_space<vmem>>, vector<16xf32>,
        %get3A_1064 = vector.shape_cast %get3A_1063 : vector<16xf32> to vector<16xf32>
        %add3A_1065 = arith.addf %get3A_1064, %get3A_113 : vector<16xf32>
        %swap3A = arith.constant 1 : i32
        %swap3A_1066 = arith.index_cast %swap3A : i32 to index
        %swap3A_1067 = arith.index_cast %mul3A_1057 : i32 to index
        %swap3A_1068 = tpu.vector_load %arg11[%swap3A_1066, %swap3A_1067] {strides = array<i32>} : memref<8x1024xf32, #tpu.memory_space<vmem>>, vector<1x16xf32>,
        %swap3A_1069 = vector.shape_cast %swap3A_1068 : vector<1x16xf32> to vector<16xf32>
        %swap3A_1070 = vector.shape_cast %add3A_1065 : vector<16xf32> to vector<1x16xf32>
        tpu.vector_store %arg11[%swap3A_1066, %swap3A_1067], %swap3A_1070 {strides = array<i32>} : memref<8x1024xf32, #tpu.memory_space<vmem>>, vector<1x16xf32>,
      }
      %scan3A_118 = arith.constant 64 : i32
      %mul3A_119 = arith.constant 32 : i32
      %mul3A_120 = arith.muli %scan3A_19, %mul3A_119 : i32
      %add3A_121 = arith.constant 0 : i32
      %add3A_122 = arith.addi %mul3A_120, %add3A_121 : i32
      %add3A_123 = arith.constant 0 : i32
      %add3A_124 = arith.addi %add3A_122, %add3A_123 : i32
      %add3A_125 = arith.constant 2 : i32
      %add3A_126 = arith.addi %add3A_124, %add3A_125 : i32
      %mul3A_127 = arith.constant 16 : i32
      %mul3A_128 = arith.muli %add3A_126, %mul3A_127 : i32
      %get3A_129 = arith.index_cast %mul3A_128 : i32 to index
      %get3A_130 = tpu.vector_load %arg12[%get3A_129] {strides = array<i32>} : memref<6656xf32, #tpu.memory_space<vmem>>, vector<16xf32>,
      %get3A_131 = vector.shape_cast %get3A_130 : vector<16xf32> to vector<16xf32>
      %scan3A_132 = arith.constant 0 : i32
      %scan3A_133 = arith.constant 64 : i32
      %scan3A_134 = arith.addi %scan3A_132, %scan3A_133 : i32
      %scan3A_135 = arith.constant 1 : i32
      scf.for %scan3A_1055 = %scan3A_132 to %scan3A_134 step %scan3A_135  : i32 {
        %mul3A_1056 = arith.constant 16 : i32
        %mul3A_1057 = arith.muli %scan3A_1055, %mul3A_1056 : i32
        %mul3A_1058 = arith.constant 16 : i32
        %mul3A_1059 = arith.muli %scan3A_1055, %mul3A_1058 : i32
        %add3A_1060 = arith.constant 2048 : i32
        %add3A_1061 = arith.addi %add3A_1060, %mul3A_1059 : i32
        %get3A_1062 = arith.index_cast %add3A_1061 : i32 to index
        %get3A_1063 = tpu.vector_load %arg10[%get3A_1062] {strides = array<i32>} : memref<4096xf32, #tpu.memory_space<vmem>>, vector<16xf32>,
        %get3A_1064 = vector.shape_cast %get3A_1063 : vector<16xf32> to vector<16xf32>
        %add3A_1065 = arith.addf %get3A_1064, %get3A_131 : vector<16xf32>
        %swap3A = arith.constant 2 : i32
        %swap3A_1066 = arith.index_cast %swap3A : i32 to index
        %swap3A_1067 = arith.index_cast %mul3A_1057 : i32 to index
        %swap3A_1068 = tpu.vector_load %arg11[%swap3A_1066, %swap3A_1067] {strides = array<i32>} : memref<8x1024xf32, #tpu.memory_space<vmem>>, vector<1x16xf32>,
        %swap3A_1069 = vector.shape_cast %swap3A_1068 : vector<1x16xf32> to vector<16xf32>
        %swap3A_1070 = vector.shape_cast %add3A_1065 : vector<16xf32> to vector<1x16xf32>
        tpu.vector_store %arg11[%swap3A_1066, %swap3A_1067], %swap3A_1070 {strides = array<i32>} : memref<8x1024xf32, #tpu.memory_space<vmem>>, vector<1x16xf32>,
      }
      %scan3A_136 = arith.constant 64 : i32
      %mul3A_137 = arith.constant 32 : i32
      %mul3A_138 = arith.muli %scan3A_19, %mul3A_137 : i32
      %add3A_139 = arith.constant 0 : i32
      %add3A_140 = arith.addi %mul3A_138, %add3A_139 : i32
      %add3A_141 = arith.constant 0 : i32
      %add3A_142 = arith.addi %add3A_140, %add3A_141 : i32
      %add3A_143 = arith.constant 3 : i32
      %add3A_144 = arith.addi %add3A_142, %add3A_143 : i32
      %mul3A_145 = arith.constant 16 : i32
      %mul3A_146 = arith.muli %add3A_144, %mul3A_145 : i32
      %get3A_147 = arith.index_cast %mul3A_146 : i32 to index
      %get3A_148 = tpu.vector_load %arg12[%get3A_147] {strides = array<i32>} : memref<6656xf32, #tpu.memory_space<vmem>>, vector<16xf32>,
      %get3A_149 = vector.shape_cast %get3A_148 : vector<16xf32> to vector<16xf32>
      %scan3A_150 = arith.constant 0 : i32
      %scan3A_151 = arith.constant 64 : i32
      %scan3A_152 = arith.addi %scan3A_150, %scan3A_151 : i32
      %scan3A_153 = arith.constant 1 : i32
      scf.for %scan3A_1055 = %scan3A_150 to %scan3A_152 step %scan3A_153  : i32 {
        %mul3A_1056 = arith.constant 16 : i32
        %mul3A_1057 = arith.muli %scan3A_1055, %mul3A_1056 : i32
        %mul3A_1058 = arith.constant 16 : i32
        %mul3A_1059 = arith.muli %scan3A_1055, %mul3A_1058 : i32
        %add3A_1060 = arith.constant 3072 : i32
        %add3A_1061 = arith.addi %add3A_1060, %mul3A_1059 : i32
        %get3A_1062 = arith.index_cast %add3A_1061 : i32 to index
        %get3A_1063 = tpu.vector_load %arg10[%get3A_1062] {strides = array<i32>} : memref<4096xf32, #tpu.memory_space<vmem>>, vector<16xf32>,
        %get3A_1064 = vector.shape_cast %get3A_1063 : vector<16xf32> to vector<16xf32>
        %add3A_1065 = arith.addf %get3A_1064, %get3A_149 : vector<16xf32>
        %swap3A = arith.constant 3 : i32
        %swap3A_1066 = arith.index_cast %swap3A : i32 to index
        %swap3A_1067 = arith.index_cast %mul3A_1057 : i32 to index
        %swap3A_1068 = tpu.vector_load %arg11[%swap3A_1066, %swap3A_1067] {strides = array<i32>} : memref<8x1024xf32, #tpu.memory_space<vmem>>, vector<1x16xf32>,
        %swap3A_1069 = vector.shape_cast %swap3A_1068 : vector<1x16xf32> to vector<16xf32>
        %swap3A_1070 = vector.shape_cast %add3A_1065 : vector<16xf32> to vector<1x16xf32>
        tpu.vector_store %arg11[%swap3A_1066, %swap3A_1067], %swap3A_1070 {strides = array<i32>} : memref<8x1024xf32, #tpu.memory_space<vmem>>, vector<1x16xf32>,
      }
      %scan3A_154 = arith.constant 64 : i32
      %barrier3A_155 = arith.constant 0 : index
      tpu.barrier barrier_id(%barrier3A_155)
      %lt3A_156 = arith.constant 15 : i32
      %lt3A_157 = arith.cmpi slt, %arg1, %lt3A_156 : i32
      %convert_element_type3A_158 = arith.extui %lt3A_157 : i1 to i32
      %cond3A_159 = arith.constant 0 : i32
      %cond3A_160 = arith.cmpi ne, %convert_element_type3A_158, %cond3A_159 : i32
      scf.if %cond3A_160 {
        %add3A_1055 = arith.constant 0 : i32
        %add3A_1056 = arith.addi %add3A_1055, %mul3A_0 : i32
        %run_scoped3A = arith.constant 4 : i32
        "tpu.region"() ({
          %run_scoped3A_1057 = tpu.sem_alloc : memref<!tpu.dma_semaphore, #tpu.memory_space<semaphore_mem>>
          %dma_start3A_1058 = arith.constant 0 : i32
          %dma_start3A_1059 = tpu.memref_slice %arg7[%run_scoped3A, %dma_start3A_1058] : memref<8x6272xf32, #tpu.memory_space<vmem>> -> memref<1x6272xf32, #tpu.memory_space<vmem>>
          %dma_start3A_1060 = tpu.memref_squeeze %dma_start3A_1059 : memref<1x6272xf32, #tpu.memory_space<vmem>> -> memref<6272xf32, #tpu.memory_space<vmem>>
          %dma_start3A_1061 = tpu.memref_slice %arg13[%add3A_1056] : memref<400384xf32, #tpu.memory_space<vmem_shared>> -> memref<6272xf32, #tpu.memory_space<vmem_shared>>
          %dma_start3A_1062 = tpu.memref_slice %arg13[%add3A_1056] : memref<400384xf32, #tpu.memory_space<vmem_shared>> -> memref<6272xf32, #tpu.memory_space<vmem_shared>>
          %dma_start3A_1063 = arith.constant 0 : i32
          %dma_start3A_1064 = tpu.memref_slice %arg7[%run_scoped3A, %dma_start3A_1063] : memref<8x6272xf32, #tpu.memory_space<vmem>> -> memref<1x6272xf32, #tpu.memory_space<vmem>>
          %dma_start3A_1065 = tpu.memref_squeeze %dma_start3A_1064 : memref<1x6272xf32, #tpu.memory_space<vmem>> -> memref<6272xf32, #tpu.memory_space<vmem>>
          tpu.enqueue_dma source(%dma_start3A_1065 : memref<6272xf32, #tpu.memory_space<vmem>>) target(%dma_start3A_1062 : memref<6272xf32, #tpu.memory_space<vmem_shared>>) target_semaphore(%run_scoped3A_1057 : memref<!tpu.dma_semaphore, #tpu.memory_space<semaphore_mem>>)
          %dma_wait3A_1066 = arith.constant 0 : i32
          %dma_wait3A_1067 = tpu.memref_slice %arg7[%run_scoped3A, %dma_wait3A_1066] : memref<8x6272xf32, #tpu.memory_space<vmem>> -> memref<1x6272xf32, #tpu.memory_space<vmem>>
          %dma_wait3A_1068 = tpu.memref_squeeze %dma_wait3A_1067 : memref<1x6272xf32, #tpu.memory_space<vmem>> -> memref<6272xf32, #tpu.memory_space<vmem>>
          %dma_wait3A_1069 = tpu.memref_slice %arg13[%add3A_1056] : memref<400384xf32, #tpu.memory_space<vmem_shared>> -> memref<6272xf32, #tpu.memory_space<vmem_shared>>
          %dma_wait3A_1070 = tpu.memref_slice %arg13[%add3A_1056] : memref<400384xf32, #tpu.memory_space<vmem_shared>> -> memref<6272xf32, #tpu.memory_space<vmem_shared>>
          %dma_wait3A_1071 = arith.constant 0 : i32
          %dma_wait3A_1072 = tpu.memref_slice %arg7[%run_scoped3A, %dma_wait3A_1071] : memref<8x6272xf32, #tpu.memory_space<vmem>> -> memref<1x6272xf32, #tpu.memory_space<vmem>>
          %dma_wait3A_1073 = tpu.memref_squeeze %dma_wait3A_1072 : memref<1x6272xf32, #tpu.memory_space<vmem>> -> memref<6272xf32, #tpu.memory_space<vmem>>
          tpu.wait_dma2 semaphore(%run_scoped3A_1057 : memref<!tpu.dma_semaphore, #tpu.memory_space<semaphore_mem>>) src(%dma_wait3A_1073 : memref<6272xf32, #tpu.memory_space<vmem>>) dst(%dma_wait3A_1070 : memref<6272xf32, #tpu.memory_space<vmem_shared>>)
          tpu.yield
        }) : () -> ()
      } else {
      }
      %eq3A_161 = arith.constant 15 : i32
      %eq3A_162 = arith.cmpi eq, %arg1, %eq3A_161 : i32
      %convert_element_type3A_163 = arith.extui %eq3A_162 : i1 to i32
      %cond3A_164 = arith.constant 0 : i32
      %cond3A_165 = arith.cmpi ne, %convert_element_type3A_163, %cond3A_164 : i32
      scf.if %cond3A_165 {
        %add3A_1055 = arith.constant 0 : i32
        %add3A_1056 = arith.addi %add3A_1055, %mul3A_0 : i32
        %run_scoped3A = arith.constant 4 : i32
        "tpu.region"() ({
          %run_scoped3A_1057 = tpu.sem_alloc : memref<!tpu.dma_semaphore, #tpu.memory_space<semaphore_mem>>
          %dma_start3A_1058 = arith.constant 0 : i32
          %dma_start3A_1059 = tpu.memref_slice %arg7[%run_scoped3A, %dma_start3A_1058] : memref<8x6272xf32, #tpu.memory_space<vmem>> -> memref<1x6016xf32, #tpu.memory_space<vmem>>
          %dma_start3A_1060 = tpu.memref_squeeze %dma_start3A_1059 : memref<1x6016xf32, #tpu.memory_space<vmem>> -> memref<6016xf32, #tpu.memory_space<vmem>>
          %dma_start3A_1061 = tpu.memref_slice %arg13[%add3A_1056] : memref<400384xf32, #tpu.memory_space<vmem_shared>> -> memref<6016xf32, #tpu.memory_space<vmem_shared>>
          %dma_start3A_1062 = tpu.memref_slice %arg13[%add3A_1056] : memref<400384xf32, #tpu.memory_space<vmem_shared>> -> memref<6016xf32, #tpu.memory_space<vmem_shared>>
          %dma_start3A_1063 = arith.constant 0 : i32
          %dma_start3A_1064 = tpu.memref_slice %arg7[%run_scoped3A, %dma_start3A_1063] : memref<8x6272xf32, #tpu.memory_space<vmem>> -> memref<1x6016xf32, #tpu.memory_space<vmem>>
          %dma_start3A_1065 = tpu.memref_squeeze %dma_start3A_1064 : memref<1x6016xf32, #tpu.memory_space<vmem>> -> memref<6016xf32, #tpu.memory_space<vmem>>
          tpu.enqueue_dma source(%dma_start3A_1065 : memref<6016xf32, #tpu.memory_space<vmem>>) target(%dma_start3A_1062 : memref<6016xf32, #tpu.memory_space<vmem_shared>>) target_semaphore(%run_scoped3A_1057 : memref<!tpu.dma_semaphore, #tpu.memory_space<semaphore_mem>>)
          %dma_wait3A_1066 = arith.constant 0 : i32
          %dma_wait3A_1067 = tpu.memref_slice %arg7[%run_scoped3A, %dma_wait3A_1066] : memref<8x6272xf32, #tpu.memory_space<vmem>> -> memref<1x6016xf32, #tpu.memory_space<vmem>>
          %dma_wait3A_1068 = tpu.memref_squeeze %dma_wait3A_1067 : memref<1x6016xf32, #tpu.memory_space<vmem>> -> memref<6016xf32, #tpu.memory_space<vmem>>
          %dma_wait3A_1069 = tpu.memref_slice %arg13[%add3A_1056] : memref<400384xf32, #tpu.memory_space<vmem_shared>> -> memref<6016xf32, #tpu.memory_space<vmem_shared>>
          %dma_wait3A_1070 = tpu.memref_slice %arg13[%add3A_1056] : memref<400384xf32, #tpu.memory_space<vmem_shared>> -> memref<6016xf32, #tpu.memory_space<vmem_shared>>
          %dma_wait3A_1071 = arith.constant 0 : i32
          %dma_wait3A_1072 = tpu.memref_slice %arg7[%run_scoped3A, %dma_wait3A_1071] : memref<8x6272xf32, #tpu.memory_space<vmem>> -> memref<1x6016xf32, #tpu.memory_space<vmem>>
          %dma_wait3A_1073 = tpu.memref_squeeze %dma_wait3A_1072 : memref<1x6016xf32, #tpu.memory_space<vmem>> -> memref<6016xf32, #tpu.memory_space<vmem>>
          tpu.wait_dma2 semaphore(%run_scoped3A_1057 : memref<!tpu.dma_semaphore, #tpu.memory_space<semaphore_mem>>) src(%dma_wait3A_1073 : memref<6016xf32, #tpu.memory_space<vmem>>) dst(%dma_wait3A_1070 : memref<6016xf32, #tpu.memory_space<vmem_shared>>)
          tpu.yield
        }) : () -> ()
      } else {
      }
      %lt3A_166 = arith.constant 15 : i32
      %lt3A_167 = arith.cmpi slt, %arg1, %lt3A_166 : i32
      %convert_element_type3A_168 = arith.extui %lt3A_167 : i1 to i32
      %cond3A_169 = arith.constant 0 : i32
      %cond3A_170 = arith.cmpi ne, %convert_element_type3A_168, %cond3A_169 : i32
      scf.if %cond3A_170 {
        %add3A_1055 = arith.constant 100096 : i32
        %add3A_1056 = arith.addi %add3A_1055, %mul3A_0 : i32
        %run_scoped3A = arith.constant 5 : i32
        "tpu.region"() ({
          %run_scoped3A_1057 = tpu.sem_alloc : memref<!tpu.dma_semaphore, #tpu.memory_space<semaphore_mem>>
          %dma_start3A_1058 = arith.constant 0 : i32
          %dma_start3A_1059 = tpu.memref_slice %arg7[%run_scoped3A, %dma_start3A_1058] : memref<8x6272xf32, #tpu.memory_space<vmem>> -> memref<1x6272xf32, #tpu.memory_space<vmem>>
          %dma_start3A_1060 = tpu.memref_squeeze %dma_start3A_1059 : memref<1x6272xf32, #tpu.memory_space<vmem>> -> memref<6272xf32, #tpu.memory_space<vmem>>
          %dma_start3A_1061 = tpu.memref_slice %arg13[%add3A_1056] : memref<400384xf32, #tpu.memory_space<vmem_shared>> -> memref<6272xf32, #tpu.memory_space<vmem_shared>>
          %dma_start3A_1062 = tpu.memref_slice %arg13[%add3A_1056] : memref<400384xf32, #tpu.memory_space<vmem_shared>> -> memref<6272xf32, #tpu.memory_space<vmem_shared>>
          %dma_start3A_1063 = arith.constant 0 : i32
          %dma_start3A_1064 = tpu.memref_slice %arg7[%run_scoped3A, %dma_start3A_1063] : memref<8x6272xf32, #tpu.memory_space<vmem>> -> memref<1x6272xf32, #tpu.memory_space<vmem>>
          %dma_start3A_1065 = tpu.memref_squeeze %dma_start3A_1064 : memref<1x6272xf32, #tpu.memory_space<vmem>> -> memref<6272xf32, #tpu.memory_space<vmem>>
          tpu.enqueue_dma source(%dma_start3A_1065 : memref<6272xf32, #tpu.memory_space<vmem>>) target(%dma_start3A_1062 : memref<6272xf32, #tpu.memory_space<vmem_shared>>) target_semaphore(%run_scoped3A_1057 : memref<!tpu.dma_semaphore, #tpu.memory_space<semaphore_mem>>)
          %dma_wait3A_1066 = arith.constant 0 : i32
          %dma_wait3A_1067 = tpu.memref_slice %arg7[%run_scoped3A, %dma_wait3A_1066] : memref<8x6272xf32, #tpu.memory_space<vmem>> -> memref<1x6272xf32, #tpu.memory_space<vmem>>
          %dma_wait3A_1068 = tpu.memref_squeeze %dma_wait3A_1067 : memref<1x6272xf32, #tpu.memory_space<vmem>> -> memref<6272xf32, #tpu.memory_space<vmem>>
          %dma_wait3A_1069 = tpu.memref_slice %arg13[%add3A_1056] : memref<400384xf32, #tpu.memory_space<vmem_shared>> -> memref<6272xf32, #tpu.memory_space<vmem_shared>>
          %dma_wait3A_1070 = tpu.memref_slice %arg13[%add3A_1056] : memref<400384xf32, #tpu.memory_space<vmem_shared>> -> memref<6272xf32, #tpu.memory_space<vmem_shared>>
          %dma_wait3A_1071 = arith.constant 0 : i32
          %dma_wait3A_1072 = tpu.memref_slice %arg7[%run_scoped3A, %dma_wait3A_1071] : memref<8x6272xf32, #tpu.memory_space<vmem>> -> memref<1x6272xf32, #tpu.memory_space<vmem>>
          %dma_wait3A_1073 = tpu.memref_squeeze %dma_wait3A_1072 : memref<1x6272xf32, #tpu.memory_space<vmem>> -> memref<6272xf32, #tpu.memory_space<vmem>>
          tpu.wait_dma2 semaphore(%run_scoped3A_1057 : memref<!tpu.dma_semaphore, #tpu.memory_space<semaphore_mem>>) src(%dma_wait3A_1073 : memref<6272xf32, #tpu.memory_space<vmem>>) dst(%dma_wait3A_1070 : memref<6272xf32, #tpu.memory_space<vmem_shared>>)
          tpu.yield
        }) : () -> ()
      } else {
      }
      %eq3A_171 = arith.constant 15 : i32
      %eq3A_172 = arith.cmpi eq, %arg1, %eq3A_171 : i32
      %convert_element_type3A_173 = arith.extui %eq3A_172 : i1 to i32
      %cond3A_174 = arith.constant 0 : i32
      %cond3A_175 = arith.cmpi ne, %convert_element_type3A_173, %cond3A_174 : i32
      scf.if %cond3A_175 {
        %add3A_1055 = arith.constant 100096 : i32
        %add3A_1056 = arith.addi %add3A_1055, %mul3A_0 : i32
        %run_scoped3A = arith.constant 5 : i32
        "tpu.region"() ({
          %run_scoped3A_1057 = tpu.sem_alloc : memref<!tpu.dma_semaphore, #tpu.memory_space<semaphore_mem>>
          %dma_start3A_1058 = arith.constant 0 : i32
          %dma_start3A_1059 = tpu.memref_slice %arg7[%run_scoped3A, %dma_start3A_1058] : memref<8x6272xf32, #tpu.memory_space<vmem>> -> memref<1x6016xf32, #tpu.memory_space<vmem>>
          %dma_start3A_1060 = tpu.memref_squeeze %dma_start3A_1059 : memref<1x6016xf32, #tpu.memory_space<vmem>> -> memref<6016xf32, #tpu.memory_space<vmem>>
          %dma_start3A_1061 = tpu.memref_slice %arg13[%add3A_1056] : memref<400384xf32, #tpu.memory_space<vmem_shared>> -> memref<6016xf32, #tpu.memory_space<vmem_shared>>
          %dma_start3A_1062 = tpu.memref_slice %arg13[%add3A_1056] : memref<400384xf32, #tpu.memory_space<vmem_shared>> -> memref<6016xf32, #tpu.memory_space<vmem_shared>>
          %dma_start3A_1063 = arith.constant 0 : i32
          %dma_start3A_1064 = tpu.memref_slice %arg7[%run_scoped3A, %dma_start3A_1063] : memref<8x6272xf32, #tpu.memory_space<vmem>> -> memref<1x6016xf32, #tpu.memory_space<vmem>>
          %dma_start3A_1065 = tpu.memref_squeeze %dma_start3A_1064 : memref<1x6016xf32, #tpu.memory_space<vmem>> -> memref<6016xf32, #tpu.memory_space<vmem>>
          tpu.enqueue_dma source(%dma_start3A_1065 : memref<6016xf32, #tpu.memory_space<vmem>>) target(%dma_start3A_1062 : memref<6016xf32, #tpu.memory_space<vmem_shared>>) target_semaphore(%run_scoped3A_1057 : memref<!tpu.dma_semaphore, #tpu.memory_space<semaphore_mem>>)
          %dma_wait3A_1066 = arith.constant 0 : i32
          %dma_wait3A_1067 = tpu.memref_slice %arg7[%run_scoped3A, %dma_wait3A_1066] : memref<8x6272xf32, #tpu.memory_space<vmem>> -> memref<1x6016xf32, #tpu.memory_space<vmem>>
          %dma_wait3A_1068 = tpu.memref_squeeze %dma_wait3A_1067 : memref<1x6016xf32, #tpu.memory_space<vmem>> -> memref<6016xf32, #tpu.memory_space<vmem>>
          %dma_wait3A_1069 = tpu.memref_slice %arg13[%add3A_1056] : memref<400384xf32, #tpu.memory_space<vmem_shared>> -> memref<6016xf32, #tpu.memory_space<vmem_shared>>
          %dma_wait3A_1070 = tpu.memref_slice %arg13[%add3A_1056] : memref<400384xf32, #tpu.memory_space<vmem_shared>> -> memref<6016xf32, #tpu.memory_space<vmem_shared>>
          %dma_wait3A_1071 = arith.constant 0 : i32
          %dma_wait3A_1072 = tpu.memref_slice %arg7[%run_scoped3A, %dma_wait3A_1071] : memref<8x6272xf32, #tpu.memory_space<vmem>> -> memref<1x6016xf32, #tpu.memory_space<vmem>>
          %dma_wait3A_1073 = tpu.memref_squeeze %dma_wait3A_1072 : memref<1x6016xf32, #tpu.memory_space<vmem>> -> memref<6016xf32, #tpu.memory_space<vmem>>
          tpu.wait_dma2 semaphore(%run_scoped3A_1057 : memref<!tpu.dma_semaphore, #tpu.memory_space<semaphore_mem>>) src(%dma_wait3A_1073 : memref<6016xf32, #tpu.memory_space<vmem>>) dst(%dma_wait3A_1070 : memref<6016xf32, #tpu.memory_space<vmem_shared>>)
          tpu.yield
        }) : () -> ()
      } else {
      }
      %lt3A_176 = arith.constant 15 : i32
      %lt3A_177 = arith.cmpi slt, %arg1, %lt3A_176 : i32
      %convert_element_type3A_178 = arith.extui %lt3A_177 : i1 to i32
      %cond3A_179 = arith.constant 0 : i32
      %cond3A_180 = arith.cmpi ne, %convert_element_type3A_178, %cond3A_179 : i32
      scf.if %cond3A_180 {
        %add3A_1055 = arith.constant 200192 : i32
        %add3A_1056 = arith.addi %add3A_1055, %mul3A_0 : i32
        %run_scoped3A = arith.constant 6 : i32
        "tpu.region"() ({
          %run_scoped3A_1057 = tpu.sem_alloc : memref<!tpu.dma_semaphore, #tpu.memory_space<semaphore_mem>>
          %dma_start3A_1058 = arith.constant 0 : i32
          %dma_start3A_1059 = tpu.memref_slice %arg7[%run_scoped3A, %dma_start3A_1058] : memref<8x6272xf32, #tpu.memory_space<vmem>> -> memref<1x6272xf32, #tpu.memory_space<vmem>>
          %dma_start3A_1060 = tpu.memref_squeeze %dma_start3A_1059 : memref<1x6272xf32, #tpu.memory_space<vmem>> -> memref<6272xf32, #tpu.memory_space<vmem>>
          %dma_start3A_1061 = tpu.memref_slice %arg13[%add3A_1056] : memref<400384xf32, #tpu.memory_space<vmem_shared>> -> memref<6272xf32, #tpu.memory_space<vmem_shared>>
          %dma_start3A_1062 = tpu.memref_slice %arg13[%add3A_1056] : memref<400384xf32, #tpu.memory_space<vmem_shared>> -> memref<6272xf32, #tpu.memory_space<vmem_shared>>
          %dma_start3A_1063 = arith.constant 0 : i32
          %dma_start3A_1064 = tpu.memref_slice %arg7[%run_scoped3A, %dma_start3A_1063] : memref<8x6272xf32, #tpu.memory_space<vmem>> -> memref<1x6272xf32, #tpu.memory_space<vmem>>
          %dma_start3A_1065 = tpu.memref_squeeze %dma_start3A_1064 : memref<1x6272xf32, #tpu.memory_space<vmem>> -> memref<6272xf32, #tpu.memory_space<vmem>>
          tpu.enqueue_dma source(%dma_start3A_1065 : memref<6272xf32, #tpu.memory_space<vmem>>) target(%dma_start3A_1062 : memref<6272xf32, #tpu.memory_space<vmem_shared>>) target_semaphore(%run_scoped3A_1057 : memref<!tpu.dma_semaphore, #tpu.memory_space<semaphore_mem>>)
          %dma_wait3A_1066 = arith.constant 0 : i32
          %dma_wait3A_1067 = tpu.memref_slice %arg7[%run_scoped3A, %dma_wait3A_1066] : memref<8x6272xf32, #tpu.memory_space<vmem>> -> memref<1x6272xf32, #tpu.memory_space<vmem>>
          %dma_wait3A_1068 = tpu.memref_squeeze %dma_wait3A_1067 : memref<1x6272xf32, #tpu.memory_space<vmem>> -> memref<6272xf32, #tpu.memory_space<vmem>>
          %dma_wait3A_1069 = tpu.memref_slice %arg13[%add3A_1056] : memref<400384xf32, #tpu.memory_space<vmem_shared>> -> memref<6272xf32, #tpu.memory_space<vmem_shared>>
          %dma_wait3A_1070 = tpu.memref_slice %arg13[%add3A_1056] : memref<400384xf32, #tpu.memory_space<vmem_shared>> -> memref<6272xf32, #tpu.memory_space<vmem_shared>>
          %dma_wait3A_1071 = arith.constant 0 : i32
          %dma_wait3A_1072 = tpu.memref_slice %arg7[%run_scoped3A, %dma_wait3A_1071] : memref<8x6272xf32, #tpu.memory_space<vmem>> -> memref<1x6272xf32, #tpu.memory_space<vmem>>
          %dma_wait3A_1073 = tpu.memref_squeeze %dma_wait3A_1072 : memref<1x6272xf32, #tpu.memory_space<vmem>> -> memref<6272xf32, #tpu.memory_space<vmem>>
          tpu.wait_dma2 semaphore(%run_scoped3A_1057 : memref<!tpu.dma_semaphore, #tpu.memory_space<semaphore_mem>>) src(%dma_wait3A_1073 : memref<6272xf32, #tpu.memory_space<vmem>>) dst(%dma_wait3A_1070 : memref<6272xf32, #tpu.memory_space<vmem_shared>>)
          tpu.yield
        }) : () -> ()
      } else {
      }
      %eq3A_181 = arith.constant 15 : i32
      %eq3A_182 = arith.cmpi eq, %arg1, %eq3A_181 : i32
      %convert_element_type3A_183 = arith.extui %eq3A_182 : i1 to i32
      %cond3A_184 = arith.constant 0 : i32
      %cond3A_185 = arith.cmpi ne, %convert_element_type3A_183, %cond3A_184 : i32
      scf.if %cond3A_185 {
        %add3A_1055 = arith.constant 200192 : i32
        %add3A_1056 = arith.addi %add3A_1055, %mul3A_0 : i32
        %run_scoped3A = arith.constant 6 : i32
        "tpu.region"() ({
          %run_scoped3A_1057 = tpu.sem_alloc : memref<!tpu.dma_semaphore, #tpu.memory_space<semaphore_mem>>
          %dma_start3A_1058 = arith.constant 0 : i32
          %dma_start3A_1059 = tpu.memref_slice %arg7[%run_scoped3A, %dma_start3A_1058] : memref<8x6272xf32, #tpu.memory_space<vmem>> -> memref<1x6016xf32, #tpu.memory_space<vmem>>
          %dma_start3A_1060 = tpu.memref_squeeze %dma_start3A_1059 : memref<1x6016xf32, #tpu.memory_space<vmem>> -> memref<6016xf32, #tpu.memory_space<vmem>>
          %dma_start3A_1061 = tpu.memref_slice %arg13[%add3A_1056] : memref<400384xf32, #tpu.memory_space<vmem_shared>> -> memref<6016xf32, #tpu.memory_space<vmem_shared>>
          %dma_start3A_1062 = tpu.memref_slice %arg13[%add3A_1056] : memref<400384xf32, #tpu.memory_space<vmem_shared>> -> memref<6016xf32, #tpu.memory_space<vmem_shared>>
          %dma_start3A_1063 = arith.constant 0 : i32
          %dma_start3A_1064 = tpu.memref_slice %arg7[%run_scoped3A, %dma_start3A_1063] : memref<8x6272xf32, #tpu.memory_space<vmem>> -> memref<1x6016xf32, #tpu.memory_space<vmem>>
          %dma_start3A_1065 = tpu.memref_squeeze %dma_start3A_1064 : memref<1x6016xf32, #tpu.memory_space<vmem>> -> memref<6016xf32, #tpu.memory_space<vmem>>
          tpu.enqueue_dma source(%dma_start3A_1065 : memref<6016xf32, #tpu.memory_space<vmem>>) target(%dma_start3A_1062 : memref<6016xf32, #tpu.memory_space<vmem_shared>>) target_semaphore(%run_scoped3A_1057 : memref<!tpu.dma_semaphore, #tpu.memory_space<semaphore_mem>>)
          %dma_wait3A_1066 = arith.constant 0 : i32
          %dma_wait3A_1067 = tpu.memref_slice %arg7[%run_scoped3A, %dma_wait3A_1066] : memref<8x6272xf32, #tpu.memory_space<vmem>> -> memref<1x6016xf32, #tpu.memory_space<vmem>>
          %dma_wait3A_1068 = tpu.memref_squeeze %dma_wait3A_1067 : memref<1x6016xf32, #tpu.memory_space<vmem>> -> memref<6016xf32, #tpu.memory_space<vmem>>
          %dma_wait3A_1069 = tpu.memref_slice %arg13[%add3A_1056] : memref<400384xf32, #tpu.memory_space<vmem_shared>> -> memref<6016xf32, #tpu.memory_space<vmem_shared>>
          %dma_wait3A_1070 = tpu.memref_slice %arg13[%add3A_1056] : memref<400384xf32, #tpu.memory_space<vmem_shared>> -> memref<6016xf32, #tpu.memory_space<vmem_shared>>
          %dma_wait3A_1071 = arith.constant 0 : i32
          %dma_wait3A_1072 = tpu.memref_slice %arg7[%run_scoped3A, %dma_wait3A_1071] : memref<8x6272xf32, #tpu.memory_space<vmem>> -> memref<1x6016xf32, #tpu.memory_space<vmem>>
          %dma_wait3A_1073 = tpu.memref_squeeze %dma_wait3A_1072 : memref<1x6016xf32, #tpu.memory_space<vmem>> -> memref<6016xf32, #tpu.memory_space<vmem>>
          tpu.wait_dma2 semaphore(%run_scoped3A_1057 : memref<!tpu.dma_semaphore, #tpu.memory_space<semaphore_mem>>) src(%dma_wait3A_1073 : memref<6016xf32, #tpu.memory_space<vmem>>) dst(%dma_wait3A_1070 : memref<6016xf32, #tpu.memory_space<vmem_shared>>)
          tpu.yield
        }) : () -> ()
      } else {
      }
      %lt3A_186 = arith.constant 15 : i32
      %lt3A_187 = arith.cmpi slt, %arg1, %lt3A_186 : i32
      %convert_element_type3A_188 = arith.extui %lt3A_187 : i1 to i32
      %cond3A_189 = arith.constant 0 : i32
      %cond3A_190 = arith.cmpi ne, %convert_element_type3A_188, %cond3A_189 : i32
      scf.if %cond3A_190 {
        %add3A_1055 = arith.constant 300288 : i32
        %add3A_1056 = arith.addi %add3A_1055, %mul3A_0 : i32
        %run_scoped3A = arith.constant 7 : i32
        "tpu.region"() ({
          %run_scoped3A_1057 = tpu.sem_alloc : memref<!tpu.dma_semaphore, #tpu.memory_space<semaphore_mem>>
          %dma_start3A_1058 = arith.constant 0 : i32
          %dma_start3A_1059 = tpu.memref_slice %arg7[%run_scoped3A, %dma_start3A_1058] : memref<8x6272xf32, #tpu.memory_space<vmem>> -> memref<1x6272xf32, #tpu.memory_space<vmem>>
          %dma_start3A_1060 = tpu.memref_squeeze %dma_start3A_1059 : memref<1x6272xf32, #tpu.memory_space<vmem>> -> memref<6272xf32, #tpu.memory_space<vmem>>
          %dma_start3A_1061 = tpu.memref_slice %arg13[%add3A_1056] : memref<400384xf32, #tpu.memory_space<vmem_shared>> -> memref<6272xf32, #tpu.memory_space<vmem_shared>>
          %dma_start3A_1062 = tpu.memref_slice %arg13[%add3A_1056] : memref<400384xf32, #tpu.memory_space<vmem_shared>> -> memref<6272xf32, #tpu.memory_space<vmem_shared>>
          %dma_start3A_1063 = arith.constant 0 : i32
          %dma_start3A_1064 = tpu.memref_slice %arg7[%run_scoped3A, %dma_start3A_1063] : memref<8x6272xf32, #tpu.memory_space<vmem>> -> memref<1x6272xf32, #tpu.memory_space<vmem>>
          %dma_start3A_1065 = tpu.memref_squeeze %dma_start3A_1064 : memref<1x6272xf32, #tpu.memory_space<vmem>> -> memref<6272xf32, #tpu.memory_space<vmem>>
          tpu.enqueue_dma source(%dma_start3A_1065 : memref<6272xf32, #tpu.memory_space<vmem>>) target(%dma_start3A_1062 : memref<6272xf32, #tpu.memory_space<vmem_shared>>) target_semaphore(%run_scoped3A_1057 : memref<!tpu.dma_semaphore, #tpu.memory_space<semaphore_mem>>)
          %dma_wait3A_1066 = arith.constant 0 : i32
          %dma_wait3A_1067 = tpu.memref_slice %arg7[%run_scoped3A, %dma_wait3A_1066] : memref<8x6272xf32, #tpu.memory_space<vmem>> -> memref<1x6272xf32, #tpu.memory_space<vmem>>
          %dma_wait3A_1068 = tpu.memref_squeeze %dma_wait3A_1067 : memref<1x6272xf32, #tpu.memory_space<vmem>> -> memref<6272xf32, #tpu.memory_space<vmem>>
          %dma_wait3A_1069 = tpu.memref_slice %arg13[%add3A_1056] : memref<400384xf32, #tpu.memory_space<vmem_shared>> -> memref<6272xf32, #tpu.memory_space<vmem_shared>>
          %dma_wait3A_1070 = tpu.memref_slice %arg13[%add3A_1056] : memref<400384xf32, #tpu.memory_space<vmem_shared>> -> memref<6272xf32, #tpu.memory_space<vmem_shared>>
          %dma_wait3A_1071 = arith.constant 0 : i32
          %dma_wait3A_1072 = tpu.memref_slice %arg7[%run_scoped3A, %dma_wait3A_1071] : memref<8x6272xf32, #tpu.memory_space<vmem>> -> memref<1x6272xf32, #tpu.memory_space<vmem>>
          %dma_wait3A_1073 = tpu.memref_squeeze %dma_wait3A_1072 : memref<1x6272xf32, #tpu.memory_space<vmem>> -> memref<6272xf32, #tpu.memory_space<vmem>>
          tpu.wait_dma2 semaphore(%run_scoped3A_1057 : memref<!tpu.dma_semaphore, #tpu.memory_space<semaphore_mem>>) src(%dma_wait3A_1073 : memref<6272xf32, #tpu.memory_space<vmem>>) dst(%dma_wait3A_1070 : memref<6272xf32, #tpu.memory_space<vmem_shared>>)
          tpu.yield
        }) : () -> ()
      } else {
      }
      %eq3A_191 = arith.constant 15 : i32
      %eq3A_192 = arith.cmpi eq, %arg1, %eq3A_191 : i32
      %convert_element_type3A_193 = arith.extui %eq3A_192 : i1 to i32
      %cond3A_194 = arith.constant 0 : i32
      %cond3A_195 = arith.cmpi ne, %convert_element_type3A_193, %cond3A_194 : i32
      scf.if %cond3A_195 {
        %add3A_1055 = arith.constant 300288 : i32
        %add3A_1056 = arith.addi %add3A_1055, %mul3A_0 : i32
        %run_scoped3A = arith.constant 7 : i32
        "tpu.region"() ({
          %run_scoped3A_1057 = tpu.sem_alloc : memref<!tpu.dma_semaphore, #tpu.memory_space<semaphore_mem>>
          %dma_start3A_1058 = arith.constant 0 : i32
          %dma_start3A_1059 = tpu.memref_slice %arg7[%run_scoped3A, %dma_start3A_1058] : memref<8x6272xf32, #tpu.memory_space<vmem>> -> memref<1x6016xf32, #tpu.memory_space<vmem>>
          %dma_start3A_1060 = tpu.memref_squeeze %dma_start3A_1059 : memref<1x6016xf32, #tpu.memory_space<vmem>> -> memref<6016xf32, #tpu.memory_space<vmem>>
          %dma_start3A_1061 = tpu.memref_slice %arg13[%add3A_1056] : memref<400384xf32, #tpu.memory_space<vmem_shared>> -> memref<6016xf32, #tpu.memory_space<vmem_shared>>
          %dma_start3A_1062 = tpu.memref_slice %arg13[%add3A_1056] : memref<400384xf32, #tpu.memory_space<vmem_shared>> -> memref<6016xf32, #tpu.memory_space<vmem_shared>>
          %dma_start3A_1063 = arith.constant 0 : i32
          %dma_start3A_1064 = tpu.memref_slice %arg7[%run_scoped3A, %dma_start3A_1063] : memref<8x6272xf32, #tpu.memory_space<vmem>> -> memref<1x6016xf32, #tpu.memory_space<vmem>>
          %dma_start3A_1065 = tpu.memref_squeeze %dma_start3A_1064 : memref<1x6016xf32, #tpu.memory_space<vmem>> -> memref<6016xf32, #tpu.memory_space<vmem>>
          tpu.enqueue_dma source(%dma_start3A_1065 : memref<6016xf32, #tpu.memory_space<vmem>>) target(%dma_start3A_1062 : memref<6016xf32, #tpu.memory_space<vmem_shared>>) target_semaphore(%run_scoped3A_1057 : memref<!tpu.dma_semaphore, #tpu.memory_space<semaphore_mem>>)
          %dma_wait3A_1066 = arith.constant 0 : i32
          %dma_wait3A_1067 = tpu.memref_slice %arg7[%run_scoped3A, %dma_wait3A_1066] : memref<8x6272xf32, #tpu.memory_space<vmem>> -> memref<1x6016xf32, #tpu.memory_space<vmem>>
          %dma_wait3A_1068 = tpu.memref_squeeze %dma_wait3A_1067 : memref<1x6016xf32, #tpu.memory_space<vmem>> -> memref<6016xf32, #tpu.memory_space<vmem>>
          %dma_wait3A_1069 = tpu.memref_slice %arg13[%add3A_1056] : memref<400384xf32, #tpu.memory_space<vmem_shared>> -> memref<6016xf32, #tpu.memory_space<vmem_shared>>
          %dma_wait3A_1070 = tpu.memref_slice %arg13[%add3A_1056] : memref<400384xf32, #tpu.memory_space<vmem_shared>> -> memref<6016xf32, #tpu.memory_space<vmem_shared>>
          %dma_wait3A_1071 = arith.constant 0 : i32
          %dma_wait3A_1072 = tpu.memref_slice %arg7[%run_scoped3A, %dma_wait3A_1071] : memref<8x6272xf32, #tpu.memory_space<vmem>> -> memref<1x6016xf32, #tpu.memory_space<vmem>>
          %dma_wait3A_1073 = tpu.memref_squeeze %dma_wait3A_1072 : memref<1x6016xf32, #tpu.memory_space<vmem>> -> memref<6016xf32, #tpu.memory_space<vmem>>
          tpu.wait_dma2 semaphore(%run_scoped3A_1057 : memref<!tpu.dma_semaphore, #tpu.memory_space<semaphore_mem>>) src(%dma_wait3A_1073 : memref<6016xf32, #tpu.memory_space<vmem>>) dst(%dma_wait3A_1070 : memref<6016xf32, #tpu.memory_space<vmem_shared>>)
          tpu.yield
        }) : () -> ()
      } else {
      }
      %lt3A_196 = arith.constant 15 : i32
      %lt3A_197 = arith.cmpi slt, %arg1, %lt3A_196 : i32
      %convert_element_type3A_198 = arith.extui %lt3A_197 : i1 to i32
      %cond3A_199 = arith.constant 0 : i32
      %cond3A_200 = arith.cmpi ne, %convert_element_type3A_198, %cond3A_199 : i32
      scf.if %cond3A_200 {
        %dma_start3A_1055 = arith.constant 0 : i32
        %dma_start3A_1056 = arith.constant 0 : i32
        %dma_start3A_1057 = tpu.memref_slice %arg7[%dma_start3A_1055, %dma_start3A_1056] : memref<8x6272xf32, #tpu.memory_space<vmem>> -> memref<8x6272xf32, #tpu.memory_space<vmem>>
        %dma_start3A_1058 = arith.constant 8 : i32
        %dma_start3A_1059 = tpu.memref_slice %arg3[%add3A, %dma_start3A_1058, %mul3A_0] : memref<26x32x100000xf32, #tpu.memory_space<hbm>> -> memref<1x8x6272xf32, #tpu.memory_space<hbm>>
        %dma_start3A_1060 = tpu.memref_squeeze %dma_start3A_1059 : memref<1x8x6272xf32, #tpu.memory_space<hbm>> -> memref<8x6272xf32, #tpu.memory_space<hbm>>
        %dma_start3A_1061 = arith.constant 0 : i32
        %dma_start3A_1062 = arith.constant 0 : i32
        %dma_start3A_1063 = tpu.memref_slice %arg7[%dma_start3A_1061, %dma_start3A_1062] : memref<8x6272xf32, #tpu.memory_space<vmem>> -> memref<8x6272xf32, #tpu.memory_space<vmem>>
        %dma_start3A_1064 = arith.constant 8 : i32
        %dma_start3A_1065 = tpu.memref_slice %arg3[%add3A, %dma_start3A_1064, %mul3A_0] : memref<26x32x100000xf32, #tpu.memory_space<hbm>> -> memref<1x8x6272xf32, #tpu.memory_space<hbm>>
        %dma_start3A_1066 = tpu.memref_squeeze %dma_start3A_1065 : memref<1x8x6272xf32, #tpu.memory_space<hbm>> -> memref<8x6272xf32, #tpu.memory_space<hbm>>
        tpu.enqueue_dma source(%dma_start3A_1066 : memref<8x6272xf32, #tpu.memory_space<hbm>>) target(%dma_start3A_1063 : memref<8x6272xf32, #tpu.memory_space<vmem>>) target_semaphore(%arg14 : memref<!tpu.dma_semaphore, #tpu.memory_space<semaphore_mem>>)
      } else {
      }
      %eq3A_201 = arith.constant 15 : i32
      %eq3A_202 = arith.cmpi eq, %arg1, %eq3A_201 : i32
      %convert_element_type3A_203 = arith.extui %eq3A_202 : i1 to i32
      %cond3A_204 = arith.constant 0 : i32
      %cond3A_205 = arith.cmpi ne, %convert_element_type3A_203, %cond3A_204 : i32
      scf.if %cond3A_205 {
        %dma_start3A_1055 = arith.constant 0 : i32
        %dma_start3A_1056 = arith.constant 0 : i32
        %dma_start3A_1057 = tpu.memref_slice %arg7[%dma_start3A_1055, %dma_start3A_1056] : memref<8x6272xf32, #tpu.memory_space<vmem>> -> memref<8x5888xf32, #tpu.memory_space<vmem>>
        %dma_start3A_1058 = arith.constant 8 : i32
        %dma_start3A_1059 = tpu.memref_slice %arg3[%add3A, %dma_start3A_1058, %mul3A_0] : memref<26x32x100000xf32, #tpu.memory_space<hbm>> -> memref<1x8x5888xf32, #tpu.memory_space<hbm>>
        %dma_start3A_1060 = tpu.memref_squeeze %dma_start3A_1059 : memref<1x8x5888xf32, #tpu.memory_space<hbm>> -> memref<8x5888xf32, #tpu.memory_space<hbm>>
        %dma_start3A_1061 = arith.constant 0 : i32
        %dma_start3A_1062 = arith.constant 0 : i32
        %dma_start3A_1063 = tpu.memref_slice %arg7[%dma_start3A_1061, %dma_start3A_1062] : memref<8x6272xf32, #tpu.memory_space<vmem>> -> memref<8x5888xf32, #tpu.memory_space<vmem>>
        %dma_start3A_1064 = arith.constant 8 : i32
        %dma_start3A_1065 = tpu.memref_slice %arg3[%add3A, %dma_start3A_1064, %mul3A_0] : memref<26x32x100000xf32, #tpu.memory_space<hbm>> -> memref<1x8x5888xf32, #tpu.memory_space<hbm>>
        %dma_start3A_1066 = tpu.memref_squeeze %dma_start3A_1065 : memref<1x8x5888xf32, #tpu.memory_space<hbm>> -> memref<8x5888xf32, #tpu.memory_space<hbm>>
        tpu.enqueue_dma source(%dma_start3A_1066 : memref<8x5888xf32, #tpu.memory_space<hbm>>) target(%dma_start3A_1063 : memref<8x5888xf32, #tpu.memory_space<vmem>>) target_semaphore(%arg14 : memref<!tpu.dma_semaphore, #tpu.memory_space<semaphore_mem>>)
        %dma_start3A_1067 = arith.constant 0 : i32
        %dma_start3A_1068 = arith.constant 5888 : i32
        %dma_start3A_1069 = tpu.memref_slice %arg7[%dma_start3A_1067, %dma_start3A_1068] : memref<8x6272xf32, #tpu.memory_space<vmem>> -> memref<8x128xf32, #tpu.memory_space<vmem>>
        %dma_start3A_1070 = arith.constant 8 : i32
        %dma_start3A_1071 = arith.constant 0 : i32
        %dma_start3A_1072 = tpu.memref_slice %arg4[%add3A, %dma_start3A_1070, %dma_start3A_1071] : memref<26x32x128xf32, #tpu.memory_space<hbm>> -> memref<1x8x128xf32, #tpu.memory_space<hbm>>
        %dma_start3A_1073 = tpu.memref_squeeze %dma_start3A_1072 : memref<1x8x128xf32, #tpu.memory_space<hbm>> -> memref<8x128xf32, #tpu.memory_space<hbm>>
        %dma_start3A_1074 = arith.constant 0 : i32
        %dma_start3A_1075 = arith.constant 5888 : i32
        %dma_start3A_1076 = tpu.memref_slice %arg7[%dma_start3A_1074, %dma_start3A_1075] : memref<8x6272xf32, #tpu.memory_space<vmem>> -> memref<8x128xf32, #tpu.memory_space<vmem>>
        %dma_start3A_1077 = arith.constant 8 : i32
        %dma_start3A_1078 = arith.constant 0 : i32
        %dma_start3A_1079 = tpu.memref_slice %arg4[%add3A, %dma_start3A_1077, %dma_start3A_1078] : memref<26x32x128xf32, #tpu.memory_space<hbm>> -> memref<1x8x128xf32, #tpu.memory_space<hbm>>
        %dma_start3A_1080 = tpu.memref_squeeze %dma_start3A_1079 : memref<1x8x128xf32, #tpu.memory_space<hbm>> -> memref<8x128xf32, #tpu.memory_space<hbm>>
        tpu.enqueue_dma source(%dma_start3A_1080 : memref<8x128xf32, #tpu.memory_space<hbm>>) target(%dma_start3A_1076 : memref<8x128xf32, #tpu.memory_space<vmem>>) target_semaphore(%arg14 : memref<!tpu.dma_semaphore, #tpu.memory_space<semaphore_mem>>)
      } else {
      }
      %barrier3A_206 = arith.constant 0 : index
      tpu.barrier barrier_id(%barrier3A_206)
      %dma_start3A_207 = arith.constant 0 : i32
      %dma_start3A_208 = tpu.memref_slice %arg13[%dma_start3A_207] : memref<400384xf32, #tpu.memory_space<vmem_shared>> -> memref<400384xf32, #tpu.memory_space<vmem_shared>>
      tpu.enqueue_indirect_dma source(%dma_start3A_208 : memref<400384xf32, #tpu.memory_space<vmem_shared>>) target(%arg10 : memref<4096xf32, #tpu.memory_space<vmem>>) offsets(%arg9 : memref<4096xi32, #tpu.memory_space<vmem>>) semaphore(%arg15 : memref<!tpu.dma_semaphore, #tpu.memory_space<semaphore_mem>>)
      %dma_wait3A_209 = arith.constant 0 : i32
      %dma_wait3A_210 = tpu.memref_slice %arg13[%dma_wait3A_209] : memref<400384xf32, #tpu.memory_space<vmem_shared>> -> memref<400384xf32, #tpu.memory_space<vmem_shared>>
      tpu.wait_indirect_dma semaphore(%arg15 : memref<!tpu.dma_semaphore, #tpu.memory_space<semaphore_mem>>) src(%dma_wait3A_210 : memref<400384xf32, #tpu.memory_space<vmem_shared>>) dst(%arg10 : memref<4096xf32, #tpu.memory_space<vmem>>)
      %mul3A_211 = arith.constant 32 : i32
      %mul3A_212 = arith.muli %scan3A_19, %mul3A_211 : i32
      %add3A_213 = arith.constant 0 : i32
      %add3A_214 = arith.addi %mul3A_212, %add3A_213 : i32
      %add3A_215 = arith.constant 4 : i32
      %add3A_216 = arith.addi %add3A_214, %add3A_215 : i32
      %add3A_217 = arith.constant 0 : i32
      %add3A_218 = arith.addi %add3A_216, %add3A_217 : i32
      %mul3A_219 = arith.constant 16 : i32
      %mul3A_220 = arith.muli %add3A_218, %mul3A_219 : i32
      %get3A_221 = arith.index_cast %mul3A_220 : i32 to index
      %get3A_222 = tpu.vector_load %arg12[%get3A_221] {strides = array<i32>} : memref<6656xf32, #tpu.memory_space<vmem>>, vector<16xf32>,
      %get3A_223 = vector.shape_cast %get3A_222 : vector<16xf32> to vector<16xf32>
      %scan3A_224 = arith.constant 0 : i32
      %scan3A_225 = arith.constant 64 : i32
      %scan3A_226 = arith.addi %scan3A_224, %scan3A_225 : i32
      %scan3A_227 = arith.constant 1 : i32
      scf.for %scan3A_1055 = %scan3A_224 to %scan3A_226 step %scan3A_227  : i32 {
        %mul3A_1056 = arith.constant 16 : i32
        %mul3A_1057 = arith.muli %scan3A_1055, %mul3A_1056 : i32
        %mul3A_1058 = arith.constant 16 : i32
        %mul3A_1059 = arith.muli %scan3A_1055, %mul3A_1058 : i32
        %add3A_1060 = arith.constant 0 : i32
        %add3A_1061 = arith.addi %add3A_1060, %mul3A_1059 : i32
        %get3A_1062 = arith.index_cast %add3A_1061 : i32 to index
        %get3A_1063 = tpu.vector_load %arg10[%get3A_1062] {strides = array<i32>} : memref<4096xf32, #tpu.memory_space<vmem>>, vector<16xf32>,
        %get3A_1064 = vector.shape_cast %get3A_1063 : vector<16xf32> to vector<16xf32>
        %add3A_1065 = arith.addf %get3A_1064, %get3A_223 : vector<16xf32>
        %swap3A = arith.constant 4 : i32
        %swap3A_1066 = arith.index_cast %swap3A : i32 to index
        %swap3A_1067 = arith.index_cast %mul3A_1057 : i32 to index
        %swap3A_1068 = tpu.vector_load %arg11[%swap3A_1066, %swap3A_1067] {strides = array<i32>} : memref<8x1024xf32, #tpu.memory_space<vmem>>, vector<1x16xf32>,
        %swap3A_1069 = vector.shape_cast %swap3A_1068 : vector<1x16xf32> to vector<16xf32>
        %swap3A_1070 = vector.shape_cast %add3A_1065 : vector<16xf32> to vector<1x16xf32>
        tpu.vector_store %arg11[%swap3A_1066, %swap3A_1067], %swap3A_1070 {strides = array<i32>} : memref<8x1024xf32, #tpu.memory_space<vmem>>, vector<1x16xf32>,
      }
      %scan3A_228 = arith.constant 64 : i32
      %mul3A_229 = arith.constant 32 : i32
      %mul3A_230 = arith.muli %scan3A_19, %mul3A_229 : i32
      %add3A_231 = arith.constant 0 : i32
      %add3A_232 = arith.addi %mul3A_230, %add3A_231 : i32
      %add3A_233 = arith.constant 4 : i32
      %add3A_234 = arith.addi %add3A_232, %add3A_233 : i32
      %add3A_235 = arith.constant 1 : i32
      %add3A_236 = arith.addi %add3A_234, %add3A_235 : i32
      %mul3A_237 = arith.constant 16 : i32
      %mul3A_238 = arith.muli %add3A_236, %mul3A_237 : i32
      %get3A_239 = arith.index_cast %mul3A_238 : i32 to index
      %get3A_240 = tpu.vector_load %arg12[%get3A_239] {strides = array<i32>} : memref<6656xf32, #tpu.memory_space<vmem>>, vector<16xf32>,
      %get3A_241 = vector.shape_cast %get3A_240 : vector<16xf32> to vector<16xf32>
      %scan3A_242 = arith.constant 0 : i32
      %scan3A_243 = arith.constant 64 : i32
      %scan3A_244 = arith.addi %scan3A_242, %scan3A_243 : i32
      %scan3A_245 = arith.constant 1 : i32
      scf.for %scan3A_1055 = %scan3A_242 to %scan3A_244 step %scan3A_245  : i32 {
        %mul3A_1056 = arith.constant 16 : i32
        %mul3A_1057 = arith.muli %scan3A_1055, %mul3A_1056 : i32
        %mul3A_1058 = arith.constant 16 : i32
        %mul3A_1059 = arith.muli %scan3A_1055, %mul3A_1058 : i32
        %add3A_1060 = arith.constant 1024 : i32
        %add3A_1061 = arith.addi %add3A_1060, %mul3A_1059 : i32
        %get3A_1062 = arith.index_cast %add3A_1061 : i32 to index
        %get3A_1063 = tpu.vector_load %arg10[%get3A_1062] {strides = array<i32>} : memref<4096xf32, #tpu.memory_space<vmem>>, vector<16xf32>,
        %get3A_1064 = vector.shape_cast %get3A_1063 : vector<16xf32> to vector<16xf32>
        %add3A_1065 = arith.addf %get3A_1064, %get3A_241 : vector<16xf32>
        %swap3A = arith.constant 5 : i32
        %swap3A_1066 = arith.index_cast %swap3A : i32 to index
        %swap3A_1067 = arith.index_cast %mul3A_1057 : i32 to index
        %swap3A_1068 = tpu.vector_load %arg11[%swap3A_1066, %swap3A_1067] {strides = array<i32>} : memref<8x1024xf32, #tpu.memory_space<vmem>>, vector<1x16xf32>,
        %swap3A_1069 = vector.shape_cast %swap3A_1068 : vector<1x16xf32> to vector<16xf32>
        %swap3A_1070 = vector.shape_cast %add3A_1065 : vector<16xf32> to vector<1x16xf32>
        tpu.vector_store %arg11[%swap3A_1066, %swap3A_1067], %swap3A_1070 {strides = array<i32>} : memref<8x1024xf32, #tpu.memory_space<vmem>>, vector<1x16xf32>,
      }
      %scan3A_246 = arith.constant 64 : i32
      %mul3A_247 = arith.constant 32 : i32
      %mul3A_248 = arith.muli %scan3A_19, %mul3A_247 : i32
      %add3A_249 = arith.constant 0 : i32
      %add3A_250 = arith.addi %mul3A_248, %add3A_249 : i32
      %add3A_251 = arith.constant 4 : i32
      %add3A_252 = arith.addi %add3A_250, %add3A_251 : i32
      %add3A_253 = arith.constant 2 : i32
      %add3A_254 = arith.addi %add3A_252, %add3A_253 : i32
      %mul3A_255 = arith.constant 16 : i32
      %mul3A_256 = arith.muli %add3A_254, %mul3A_255 : i32
      %get3A_257 = arith.index_cast %mul3A_256 : i32 to index
      %get3A_258 = tpu.vector_load %arg12[%get3A_257] {strides = array<i32>} : memref<6656xf32, #tpu.memory_space<vmem>>, vector<16xf32>,
      %get3A_259 = vector.shape_cast %get3A_258 : vector<16xf32> to vector<16xf32>
      %scan3A_260 = arith.constant 0 : i32
      %scan3A_261 = arith.constant 64 : i32
      %scan3A_262 = arith.addi %scan3A_260, %scan3A_261 : i32
      %scan3A_263 = arith.constant 1 : i32
      scf.for %scan3A_1055 = %scan3A_260 to %scan3A_262 step %scan3A_263  : i32 {
        %mul3A_1056 = arith.constant 16 : i32
        %mul3A_1057 = arith.muli %scan3A_1055, %mul3A_1056 : i32
        %mul3A_1058 = arith.constant 16 : i32
        %mul3A_1059 = arith.muli %scan3A_1055, %mul3A_1058 : i32
        %add3A_1060 = arith.constant 2048 : i32
        %add3A_1061 = arith.addi %add3A_1060, %mul3A_1059 : i32
        %get3A_1062 = arith.index_cast %add3A_1061 : i32 to index
        %get3A_1063 = tpu.vector_load %arg10[%get3A_1062] {strides = array<i32>} : memref<4096xf32, #tpu.memory_space<vmem>>, vector<16xf32>,
        %get3A_1064 = vector.shape_cast %get3A_1063 : vector<16xf32> to vector<16xf32>
        %add3A_1065 = arith.addf %get3A_1064, %get3A_259 : vector<16xf32>
        %swap3A = arith.constant 6 : i32
        %swap3A_1066 = arith.index_cast %swap3A : i32 to index
        %swap3A_1067 = arith.index_cast %mul3A_1057 : i32 to index
        %swap3A_1068 = tpu.vector_load %arg11[%swap3A_1066, %swap3A_1067] {strides = array<i32>} : memref<8x1024xf32, #tpu.memory_space<vmem>>, vector<1x16xf32>,
        %swap3A_1069 = vector.shape_cast %swap3A_1068 : vector<1x16xf32> to vector<16xf32>
        %swap3A_1070 = vector.shape_cast %add3A_1065 : vector<16xf32> to vector<1x16xf32>
        tpu.vector_store %arg11[%swap3A_1066, %swap3A_1067], %swap3A_1070 {strides = array<i32>} : memref<8x1024xf32, #tpu.memory_space<vmem>>, vector<1x16xf32>,
      }
      %scan3A_264 = arith.constant 64 : i32
      %mul3A_265 = arith.constant 32 : i32
      %mul3A_266 = arith.muli %scan3A_19, %mul3A_265 : i32
      %add3A_267 = arith.constant 0 : i32
      %add3A_268 = arith.addi %mul3A_266, %add3A_267 : i32
      %add3A_269 = arith.constant 4 : i32
      %add3A_270 = arith.addi %add3A_268, %add3A_269 : i32
      %add3A_271 = arith.constant 3 : i32
      %add3A_272 = arith.addi %add3A_270, %add3A_271 : i32
      %mul3A_273 = arith.constant 16 : i32
      %mul3A_274 = arith.muli %add3A_272, %mul3A_273 : i32
      %get3A_275 = arith.index_cast %mul3A_274 : i32 to index
      %get3A_276 = tpu.vector_load %arg12[%get3A_275] {strides = array<i32>} : memref<6656xf32, #tpu.memory_space<vmem>>, vector<16xf32>,
      %get3A_277 = vector.shape_cast %get3A_276 : vector<16xf32> to vector<16xf32>
      %scan3A_278 = arith.constant 0 : i32
      %scan3A_279 = arith.constant 64 : i32
      %scan3A_280 = arith.addi %scan3A_278, %scan3A_279 : i32
      %scan3A_281 = arith.constant 1 : i32
      scf.for %scan3A_1055 = %scan3A_278 to %scan3A_280 step %scan3A_281  : i32 {
        %mul3A_1056 = arith.constant 16 : i32
        %mul3A_1057 = arith.muli %scan3A_1055, %mul3A_1056 : i32
        %mul3A_1058 = arith.constant 16 : i32
        %mul3A_1059 = arith.muli %scan3A_1055, %mul3A_1058 : i32
        %add3A_1060 = arith.constant 3072 : i32
        %add3A_1061 = arith.addi %add3A_1060, %mul3A_1059 : i32
        %get3A_1062 = arith.index_cast %add3A_1061 : i32 to index
        %get3A_1063 = tpu.vector_load %arg10[%get3A_1062] {strides = array<i32>} : memref<4096xf32, #tpu.memory_space<vmem>>, vector<16xf32>,
        %get3A_1064 = vector.shape_cast %get3A_1063 : vector<16xf32> to vector<16xf32>
        %add3A_1065 = arith.addf %get3A_1064, %get3A_277 : vector<16xf32>
        %swap3A = arith.constant 7 : i32
        %swap3A_1066 = arith.index_cast %swap3A : i32 to index
        %swap3A_1067 = arith.index_cast %mul3A_1057 : i32 to index
        %swap3A_1068 = tpu.vector_load %arg11[%swap3A_1066, %swap3A_1067] {strides = array<i32>} : memref<8x1024xf32, #tpu.memory_space<vmem>>, vector<1x16xf32>,
        %swap3A_1069 = vector.shape_cast %swap3A_1068 : vector<1x16xf32> to vector<16xf32>
        %swap3A_1070 = vector.shape_cast %add3A_1065 : vector<16xf32> to vector<1x16xf32>
        tpu.vector_store %arg11[%swap3A_1066, %swap3A_1067], %swap3A_1070 {strides = array<i32>} : memref<8x1024xf32, #tpu.memory_space<vmem>>, vector<1x16xf32>,
      }
      %scan3A_282 = arith.constant 64 : i32
      %barrier3A_283 = arith.constant 0 : index
      tpu.barrier barrier_id(%barrier3A_283)
      %mul3A_284 = arith.constant 1024 : i32
      %mul3A_285 = arith.muli %arg1, %mul3A_284 : i32
      "tpu.region"() ({
        %run_scoped3A = tpu.sem_alloc : memref<!tpu.dma_semaphore, #tpu.memory_space<semaphore_mem>>
        %dma_start3A_1055 = arith.constant 0 : i32
        %dma_start3A_1056 = tpu.memref_slice %arg6[%add3A, %dma_start3A_1055, %mul3A_285] : memref<26x32x16384xf32, #tpu.memory_space<hbm>> -> memref<1x8x1024xf32, #tpu.memory_space<hbm>>
        %dma_start3A_1057 = tpu.memref_squeeze %dma_start3A_1056 : memref<1x8x1024xf32, #tpu.memory_space<hbm>> -> memref<8x1024xf32, #tpu.memory_space<hbm>>
        %dma_start3A_1058 = arith.constant 0 : i32
        %dma_start3A_1059 = tpu.memref_slice %arg6[%add3A, %dma_start3A_1058, %mul3A_285] : memref<26x32x16384xf32, #tpu.memory_space<hbm>> -> memref<1x8x1024xf32, #tpu.memory_space<hbm>>
        %dma_start3A_1060 = tpu.memref_squeeze %dma_start3A_1059 : memref<1x8x1024xf32, #tpu.memory_space<hbm>> -> memref<8x1024xf32, #tpu.memory_space<hbm>>
        tpu.enqueue_dma source(%arg11 : memref<8x1024xf32, #tpu.memory_space<vmem>>) target(%dma_start3A_1060 : memref<8x1024xf32, #tpu.memory_space<hbm>>) target_semaphore(%run_scoped3A : memref<!tpu.dma_semaphore, #tpu.memory_space<semaphore_mem>>)
        %dma_wait3A_1061 = arith.constant 0 : i32
        %dma_wait3A_1062 = tpu.memref_slice %arg6[%add3A, %dma_wait3A_1061, %mul3A_285] : memref<26x32x16384xf32, #tpu.memory_space<hbm>> -> memref<1x8x1024xf32, #tpu.memory_space<hbm>>
        %dma_wait3A_1063 = tpu.memref_squeeze %dma_wait3A_1062 : memref<1x8x1024xf32, #tpu.memory_space<hbm>> -> memref<8x1024xf32, #tpu.memory_space<hbm>>
        %dma_wait3A_1064 = arith.constant 0 : i32
        %dma_wait3A_1065 = tpu.memref_slice %arg6[%add3A, %dma_wait3A_1064, %mul3A_285] : memref<26x32x16384xf32, #tpu.memory_space<hbm>> -> memref<1x8x1024xf32, #tpu.memory_space<hbm>>
        %dma_wait3A_1066 = tpu.memref_squeeze %dma_wait3A_1065 : memref<1x8x1024xf32, #tpu.memory_space<hbm>> -> memref<8x1024xf32, #tpu.memory_space<hbm>>
        tpu.wait_dma2 semaphore(%run_scoped3A : memref<!tpu.dma_semaphore, #tpu.memory_space<semaphore_mem>>) src(%arg11 : memref<8x1024xf32, #tpu.memory_space<vmem>>) dst(%dma_wait3A_1066 : memref<8x1024xf32, #tpu.memory_space<hbm>>)
        tpu.yield
      }) : () -> ()
      %lt3A_286 = arith.constant 15 : i32
      %lt3A_287 = arith.cmpi slt, %arg1, %lt3A_286 : i32
      %convert_element_type3A_288 = arith.extui %lt3A_287 : i1 to i32
      %cond3A_289 = arith.constant 0 : i32
      %cond3A_290 = arith.cmpi ne, %convert_element_type3A_288, %cond3A_289 : i32
      scf.if %cond3A_290 {
        %dma_wait3A_1055 = arith.constant 0 : i32
        %dma_wait3A_1056 = arith.constant 0 : i32
        %dma_wait3A_1057 = tpu.memref_slice %arg7[%dma_wait3A_1055, %dma_wait3A_1056] : memref<8x6272xf32, #tpu.memory_space<vmem>> -> memref<8x6272xf32, #tpu.memory_space<vmem>>
        %dma_wait3A_1058 = arith.constant 8 : i32
        %dma_wait3A_1059 = tpu.memref_slice %arg3[%add3A, %dma_wait3A_1058, %mul3A_0] : memref<26x32x100000xf32, #tpu.memory_space<hbm>> -> memref<1x8x6272xf32, #tpu.memory_space<hbm>>
        %dma_wait3A_1060 = tpu.memref_squeeze %dma_wait3A_1059 : memref<1x8x6272xf32, #tpu.memory_space<hbm>> -> memref<8x6272xf32, #tpu.memory_space<hbm>>
        %dma_wait3A_1061 = arith.constant 0 : i32
        %dma_wait3A_1062 = arith.constant 0 : i32
        %dma_wait3A_1063 = tpu.memref_slice %arg7[%dma_wait3A_1061, %dma_wait3A_1062] : memref<8x6272xf32, #tpu.memory_space<vmem>> -> memref<8x6272xf32, #tpu.memory_space<vmem>>
        %dma_wait3A_1064 = arith.constant 8 : i32
        %dma_wait3A_1065 = tpu.memref_slice %arg3[%add3A, %dma_wait3A_1064, %mul3A_0] : memref<26x32x100000xf32, #tpu.memory_space<hbm>> -> memref<1x8x6272xf32, #tpu.memory_space<hbm>>
        %dma_wait3A_1066 = tpu.memref_squeeze %dma_wait3A_1065 : memref<1x8x6272xf32, #tpu.memory_space<hbm>> -> memref<8x6272xf32, #tpu.memory_space<hbm>>
        tpu.wait_dma2 semaphore(%arg14 : memref<!tpu.dma_semaphore, #tpu.memory_space<semaphore_mem>>) src(%dma_wait3A_1066 : memref<8x6272xf32, #tpu.memory_space<hbm>>) dst(%dma_wait3A_1063 : memref<8x6272xf32, #tpu.memory_space<vmem>>)
      } else {
      }
      %eq3A_291 = arith.constant 15 : i32
      %eq3A_292 = arith.cmpi eq, %arg1, %eq3A_291 : i32
      %convert_element_type3A_293 = arith.extui %eq3A_292 : i1 to i32
      %cond3A_294 = arith.constant 0 : i32
      %cond3A_295 = arith.cmpi ne, %convert_element_type3A_293, %cond3A_294 : i32
      scf.if %cond3A_295 {
        %dma_wait3A_1055 = arith.constant 0 : i32
        %dma_wait3A_1056 = arith.constant 0 : i32
        %dma_wait3A_1057 = tpu.memref_slice %arg7[%dma_wait3A_1055, %dma_wait3A_1056] : memref<8x6272xf32, #tpu.memory_space<vmem>> -> memref<8x5888xf32, #tpu.memory_space<vmem>>
        %dma_wait3A_1058 = arith.constant 8 : i32
        %dma_wait3A_1059 = tpu.memref_slice %arg3[%add3A, %dma_wait3A_1058, %mul3A_0] : memref<26x32x100000xf32, #tpu.memory_space<hbm>> -> memref<1x8x5888xf32, #tpu.memory_space<hbm>>
        %dma_wait3A_1060 = tpu.memref_squeeze %dma_wait3A_1059 : memref<1x8x5888xf32, #tpu.memory_space<hbm>> -> memref<8x5888xf32, #tpu.memory_space<hbm>>
        %dma_wait3A_1061 = arith.constant 0 : i32
        %dma_wait3A_1062 = arith.constant 0 : i32
        %dma_wait3A_1063 = tpu.memref_slice %arg7[%dma_wait3A_1061, %dma_wait3A_1062] : memref<8x6272xf32, #tpu.memory_space<vmem>> -> memref<8x5888xf32, #tpu.memory_space<vmem>>
        %dma_wait3A_1064 = arith.constant 8 : i32
        %dma_wait3A_1065 = tpu.memref_slice %arg3[%add3A, %dma_wait3A_1064, %mul3A_0] : memref<26x32x100000xf32, #tpu.memory_space<hbm>> -> memref<1x8x5888xf32, #tpu.memory_space<hbm>>
        %dma_wait3A_1066 = tpu.memref_squeeze %dma_wait3A_1065 : memref<1x8x5888xf32, #tpu.memory_space<hbm>> -> memref<8x5888xf32, #tpu.memory_space<hbm>>
        tpu.wait_dma2 semaphore(%arg14 : memref<!tpu.dma_semaphore, #tpu.memory_space<semaphore_mem>>) src(%dma_wait3A_1066 : memref<8x5888xf32, #tpu.memory_space<hbm>>) dst(%dma_wait3A_1063 : memref<8x5888xf32, #tpu.memory_space<vmem>>)
        %dma_wait3A_1067 = arith.constant 0 : i32
        %dma_wait3A_1068 = arith.constant 5888 : i32
        %dma_wait3A_1069 = tpu.memref_slice %arg7[%dma_wait3A_1067, %dma_wait3A_1068] : memref<8x6272xf32, #tpu.memory_space<vmem>> -> memref<8x128xf32, #tpu.memory_space<vmem>>
        %dma_wait3A_1070 = arith.constant 8 : i32
        %dma_wait3A_1071 = arith.constant 0 : i32
        %dma_wait3A_1072 = tpu.memref_slice %arg4[%add3A, %dma_wait3A_1070, %dma_wait3A_1071] : memref<26x32x128xf32, #tpu.memory_space<hbm>> -> memref<1x8x128xf32, #tpu.memory_space<hbm>>
        %dma_wait3A_1073 = tpu.memref_squeeze %dma_wait3A_1072 : memref<1x8x128xf32, #tpu.memory_space<hbm>> -> memref<8x128xf32, #tpu.memory_space<hbm>>
        %dma_wait3A_1074 = arith.constant 0 : i32
        %dma_wait3A_1075 = arith.constant 5888 : i32
        %dma_wait3A_1076 = tpu.memref_slice %arg7[%dma_wait3A_1074, %dma_wait3A_1075] : memref<8x6272xf32, #tpu.memory_space<vmem>> -> memref<8x128xf32, #tpu.memory_space<vmem>>
        %dma_wait3A_1077 = arith.constant 8 : i32
        %dma_wait3A_1078 = arith.constant 0 : i32
        %dma_wait3A_1079 = tpu.memref_slice %arg4[%add3A, %dma_wait3A_1077, %dma_wait3A_1078] : memref<26x32x128xf32, #tpu.memory_space<hbm>> -> memref<1x8x128xf32, #tpu.memory_space<hbm>>
        %dma_wait3A_1080 = tpu.memref_squeeze %dma_wait3A_1079 : memref<1x8x128xf32, #tpu.memory_space<hbm>> -> memref<8x128xf32, #tpu.memory_space<hbm>>
        tpu.wait_dma2 semaphore(%arg14 : memref<!tpu.dma_semaphore, #tpu.memory_space<semaphore_mem>>) src(%dma_wait3A_1080 : memref<8x128xf32, #tpu.memory_space<hbm>>) dst(%dma_wait3A_1076 : memref<8x128xf32, #tpu.memory_space<vmem>>)
      } else {
      }
      %lt3A_296 = arith.constant 15 : i32
      %lt3A_297 = arith.cmpi slt, %arg1, %lt3A_296 : i32
      %convert_element_type3A_298 = arith.extui %lt3A_297 : i1 to i32
      %cond3A_299 = arith.constant 0 : i32
      %cond3A_300 = arith.cmpi ne, %convert_element_type3A_298, %cond3A_299 : i32
      scf.if %cond3A_300 {
        %add3A_1055 = arith.constant 0 : i32
        %add3A_1056 = arith.addi %add3A_1055, %mul3A_0 : i32
        %run_scoped3A = arith.constant 0 : i32
        "tpu.region"() ({
          %run_scoped3A_1057 = tpu.sem_alloc : memref<!tpu.dma_semaphore, #tpu.memory_space<semaphore_mem>>
          %dma_start3A_1058 = arith.constant 0 : i32
          %dma_start3A_1059 = tpu.memref_slice %arg7[%run_scoped3A, %dma_start3A_1058] : memref<8x6272xf32, #tpu.memory_space<vmem>> -> memref<1x6272xf32, #tpu.memory_space<vmem>>
          %dma_start3A_1060 = tpu.memref_squeeze %dma_start3A_1059 : memref<1x6272xf32, #tpu.memory_space<vmem>> -> memref<6272xf32, #tpu.memory_space<vmem>>
          %dma_start3A_1061 = tpu.memref_slice %arg13[%add3A_1056] : memref<400384xf32, #tpu.memory_space<vmem_shared>> -> memref<6272xf32, #tpu.memory_space<vmem_shared>>
          %dma_start3A_1062 = tpu.memref_slice %arg13[%add3A_1056] : memref<400384xf32, #tpu.memory_space<vmem_shared>> -> memref<6272xf32, #tpu.memory_space<vmem_shared>>
          %dma_start3A_1063 = arith.constant 0 : i32
          %dma_start3A_1064 = tpu.memref_slice %arg7[%run_scoped3A, %dma_start3A_1063] : memref<8x6272xf32, #tpu.memory_space<vmem>> -> memref<1x6272xf32, #tpu.memory_space<vmem>>
          %dma_start3A_1065 = tpu.memref_squeeze %dma_start3A_1064 : memref<1x6272xf32, #tpu.memory_space<vmem>> -> memref<6272xf32, #tpu.memory_space<vmem>>
          tpu.enqueue_dma source(%dma_start3A_1065 : memref<6272xf32, #tpu.memory_space<vmem>>) target(%dma_start3A_1062 : memref<6272xf32, #tpu.memory_space<vmem_shared>>) target_semaphore(%run_scoped3A_1057 : memref<!tpu.dma_semaphore, #tpu.memory_space<semaphore_mem>>)
          %dma_wait3A_1066 = arith.constant 0 : i32
          %dma_wait3A_1067 = tpu.memref_slice %arg7[%run_scoped3A, %dma_wait3A_1066] : memref<8x6272xf32, #tpu.memory_space<vmem>> -> memref<1x6272xf32, #tpu.memory_space<vmem>>
          %dma_wait3A_1068 = tpu.memref_squeeze %dma_wait3A_1067 : memref<1x6272xf32, #tpu.memory_space<vmem>> -> memref<6272xf32, #tpu.memory_space<vmem>>
          %dma_wait3A_1069 = tpu.memref_slice %arg13[%add3A_1056] : memref<400384xf32, #tpu.memory_space<vmem_shared>> -> memref<6272xf32, #tpu.memory_space<vmem_shared>>
          %dma_wait3A_1070 = tpu.memref_slice %arg13[%add3A_1056] : memref<400384xf32, #tpu.memory_space<vmem_shared>> -> memref<6272xf32, #tpu.memory_space<vmem_shared>>
          %dma_wait3A_1071 = arith.constant 0 : i32
          %dma_wait3A_1072 = tpu.memref_slice %arg7[%run_scoped3A, %dma_wait3A_1071] : memref<8x6272xf32, #tpu.memory_space<vmem>> -> memref<1x6272xf32, #tpu.memory_space<vmem>>
          %dma_wait3A_1073 = tpu.memref_squeeze %dma_wait3A_1072 : memref<1x6272xf32, #tpu.memory_space<vmem>> -> memref<6272xf32, #tpu.memory_space<vmem>>
          tpu.wait_dma2 semaphore(%run_scoped3A_1057 : memref<!tpu.dma_semaphore, #tpu.memory_space<semaphore_mem>>) src(%dma_wait3A_1073 : memref<6272xf32, #tpu.memory_space<vmem>>) dst(%dma_wait3A_1070 : memref<6272xf32, #tpu.memory_space<vmem_shared>>)
          tpu.yield
        }) : () -> ()
      } else {
      }
      %eq3A_301 = arith.constant 15 : i32
      %eq3A_302 = arith.cmpi eq, %arg1, %eq3A_301 : i32
      %convert_element_type3A_303 = arith.extui %eq3A_302 : i1 to i32
      %cond3A_304 = arith.constant 0 : i32
      %cond3A_305 = arith.cmpi ne, %convert_element_type3A_303, %cond3A_304 : i32
      scf.if %cond3A_305 {
        %add3A_1055 = arith.constant 0 : i32
        %add3A_1056 = arith.addi %add3A_1055, %mul3A_0 : i32
        %run_scoped3A = arith.constant 0 : i32
        "tpu.region"() ({
          %run_scoped3A_1057 = tpu.sem_alloc : memref<!tpu.dma_semaphore, #tpu.memory_space<semaphore_mem>>
          %dma_start3A_1058 = arith.constant 0 : i32
          %dma_start3A_1059 = tpu.memref_slice %arg7[%run_scoped3A, %dma_start3A_1058] : memref<8x6272xf32, #tpu.memory_space<vmem>> -> memref<1x6016xf32, #tpu.memory_space<vmem>>
          %dma_start3A_1060 = tpu.memref_squeeze %dma_start3A_1059 : memref<1x6016xf32, #tpu.memory_space<vmem>> -> memref<6016xf32, #tpu.memory_space<vmem>>
          %dma_start3A_1061 = tpu.memref_slice %arg13[%add3A_1056] : memref<400384xf32, #tpu.memory_space<vmem_shared>> -> memref<6016xf32, #tpu.memory_space<vmem_shared>>
          %dma_start3A_1062 = tpu.memref_slice %arg13[%add3A_1056] : memref<400384xf32, #tpu.memory_space<vmem_shared>> -> memref<6016xf32, #tpu.memory_space<vmem_shared>>
          %dma_start3A_1063 = arith.constant 0 : i32
          %dma_start3A_1064 = tpu.memref_slice %arg7[%run_scoped3A, %dma_start3A_1063] : memref<8x6272xf32, #tpu.memory_space<vmem>> -> memref<1x6016xf32, #tpu.memory_space<vmem>>
          %dma_start3A_1065 = tpu.memref_squeeze %dma_start3A_1064 : memref<1x6016xf32, #tpu.memory_space<vmem>> -> memref<6016xf32, #tpu.memory_space<vmem>>
          tpu.enqueue_dma source(%dma_start3A_1065 : memref<6016xf32, #tpu.memory_space<vmem>>) target(%dma_start3A_1062 : memref<6016xf32, #tpu.memory_space<vmem_shared>>) target_semaphore(%run_scoped3A_1057 : memref<!tpu.dma_semaphore, #tpu.memory_space<semaphore_mem>>)
          %dma_wait3A_1066 = arith.constant 0 : i32
          %dma_wait3A_1067 = tpu.memref_slice %arg7[%run_scoped3A, %dma_wait3A_1066] : memref<8x6272xf32, #tpu.memory_space<vmem>> -> memref<1x6016xf32, #tpu.memory_space<vmem>>
          %dma_wait3A_1068 = tpu.memref_squeeze %dma_wait3A_1067 : memref<1x6016xf32, #tpu.memory_space<vmem>> -> memref<6016xf32, #tpu.memory_space<vmem>>
          %dma_wait3A_1069 = tpu.memref_slice %arg13[%add3A_1056] : memref<400384xf32, #tpu.memory_space<vmem_shared>> -> memref<6016xf32, #tpu.memory_space<vmem_shared>>
          %dma_wait3A_1070 = tpu.memref_slice %arg13[%add3A_1056] : memref<400384xf32, #tpu.memory_space<vmem_shared>> -> memref<6016xf32, #tpu.memory_space<vmem_shared>>
          %dma_wait3A_1071 = arith.constant 0 : i32
          %dma_wait3A_1072 = tpu.memref_slice %arg7[%run_scoped3A, %dma_wait3A_1071] : memref<8x6272xf32, #tpu.memory_space<vmem>> -> memref<1x6016xf32, #tpu.memory_space<vmem>>
          %dma_wait3A_1073 = tpu.memref_squeeze %dma_wait3A_1072 : memref<1x6016xf32, #tpu.memory_space<vmem>> -> memref<6016xf32, #tpu.memory_space<vmem>>
          tpu.wait_dma2 semaphore(%run_scoped3A_1057 : memref<!tpu.dma_semaphore, #tpu.memory_space<semaphore_mem>>) src(%dma_wait3A_1073 : memref<6016xf32, #tpu.memory_space<vmem>>) dst(%dma_wait3A_1070 : memref<6016xf32, #tpu.memory_space<vmem_shared>>)
          tpu.yield
        }) : () -> ()
      } else {
      }
      %lt3A_306 = arith.constant 15 : i32
      %lt3A_307 = arith.cmpi slt, %arg1, %lt3A_306 : i32
      %convert_element_type3A_308 = arith.extui %lt3A_307 : i1 to i32
      %cond3A_309 = arith.constant 0 : i32
      %cond3A_310 = arith.cmpi ne, %convert_element_type3A_308, %cond3A_309 : i32
      scf.if %cond3A_310 {
        %add3A_1055 = arith.constant 100096 : i32
        %add3A_1056 = arith.addi %add3A_1055, %mul3A_0 : i32
        %run_scoped3A = arith.constant 1 : i32
        "tpu.region"() ({
          %run_scoped3A_1057 = tpu.sem_alloc : memref<!tpu.dma_semaphore, #tpu.memory_space<semaphore_mem>>
          %dma_start3A_1058 = arith.constant 0 : i32
          %dma_start3A_1059 = tpu.memref_slice %arg7[%run_scoped3A, %dma_start3A_1058] : memref<8x6272xf32, #tpu.memory_space<vmem>> -> memref<1x6272xf32, #tpu.memory_space<vmem>>
          %dma_start3A_1060 = tpu.memref_squeeze %dma_start3A_1059 : memref<1x6272xf32, #tpu.memory_space<vmem>> -> memref<6272xf32, #tpu.memory_space<vmem>>
          %dma_start3A_1061 = tpu.memref_slice %arg13[%add3A_1056] : memref<400384xf32, #tpu.memory_space<vmem_shared>> -> memref<6272xf32, #tpu.memory_space<vmem_shared>>
          %dma_start3A_1062 = tpu.memref_slice %arg13[%add3A_1056] : memref<400384xf32, #tpu.memory_space<vmem_shared>> -> memref<6272xf32, #tpu.memory_space<vmem_shared>>
          %dma_start3A_1063 = arith.constant 0 : i32
          %dma_start3A_1064 = tpu.memref_slice %arg7[%run_scoped3A, %dma_start3A_1063] : memref<8x6272xf32, #tpu.memory_space<vmem>> -> memref<1x6272xf32, #tpu.memory_space<vmem>>
          %dma_start3A_1065 = tpu.memref_squeeze %dma_start3A_1064 : memref<1x6272xf32, #tpu.memory_space<vmem>> -> memref<6272xf32, #tpu.memory_space<vmem>>
          tpu.enqueue_dma source(%dma_start3A_1065 : memref<6272xf32, #tpu.memory_space<vmem>>) target(%dma_start3A_1062 : memref<6272xf32, #tpu.memory_space<vmem_shared>>) target_semaphore(%run_scoped3A_1057 : memref<!tpu.dma_semaphore, #tpu.memory_space<semaphore_mem>>)
          %dma_wait3A_1066 = arith.constant 0 : i32
          %dma_wait3A_1067 = tpu.memref_slice %arg7[%run_scoped3A, %dma_wait3A_1066] : memref<8x6272xf32, #tpu.memory_space<vmem>> -> memref<1x6272xf32, #tpu.memory_space<vmem>>
          %dma_wait3A_1068 = tpu.memref_squeeze %dma_wait3A_1067 : memref<1x6272xf32, #tpu.memory_space<vmem>> -> memref<6272xf32, #tpu.memory_space<vmem>>
          %dma_wait3A_1069 = tpu.memref_slice %arg13[%add3A_1056] : memref<400384xf32, #tpu.memory_space<vmem_shared>> -> memref<6272xf32, #tpu.memory_space<vmem_shared>>
          %dma_wait3A_1070 = tpu.memref_slice %arg13[%add3A_1056] : memref<400384xf32, #tpu.memory_space<vmem_shared>> -> memref<6272xf32, #tpu.memory_space<vmem_shared>>
          %dma_wait3A_1071 = arith.constant 0 : i32
          %dma_wait3A_1072 = tpu.memref_slice %arg7[%run_scoped3A, %dma_wait3A_1071] : memref<8x6272xf32, #tpu.memory_space<vmem>> -> memref<1x6272xf32, #tpu.memory_space<vmem>>
          %dma_wait3A_1073 = tpu.memref_squeeze %dma_wait3A_1072 : memref<1x6272xf32, #tpu.memory_space<vmem>> -> memref<6272xf32, #tpu.memory_space<vmem>>
          tpu.wait_dma2 semaphore(%run_scoped3A_1057 : memref<!tpu.dma_semaphore, #tpu.memory_space<semaphore_mem>>) src(%dma_wait3A_1073 : memref<6272xf32, #tpu.memory_space<vmem>>) dst(%dma_wait3A_1070 : memref<6272xf32, #tpu.memory_space<vmem_shared>>)
          tpu.yield
        }) : () -> ()
      } else {
      }
      %eq3A_311 = arith.constant 15 : i32
      %eq3A_312 = arith.cmpi eq, %arg1, %eq3A_311 : i32
      %convert_element_type3A_313 = arith.extui %eq3A_312 : i1 to i32
      %cond3A_314 = arith.constant 0 : i32
      %cond3A_315 = arith.cmpi ne, %convert_element_type3A_313, %cond3A_314 : i32
      scf.if %cond3A_315 {
        %add3A_1055 = arith.constant 100096 : i32
        %add3A_1056 = arith.addi %add3A_1055, %mul3A_0 : i32
        %run_scoped3A = arith.constant 1 : i32
        "tpu.region"() ({
          %run_scoped3A_1057 = tpu.sem_alloc : memref<!tpu.dma_semaphore, #tpu.memory_space<semaphore_mem>>
          %dma_start3A_1058 = arith.constant 0 : i32
          %dma_start3A_1059 = tpu.memref_slice %arg7[%run_scoped3A, %dma_start3A_1058] : memref<8x6272xf32, #tpu.memory_space<vmem>> -> memref<1x6016xf32, #tpu.memory_space<vmem>>
          %dma_start3A_1060 = tpu.memref_squeeze %dma_start3A_1059 : memref<1x6016xf32, #tpu.memory_space<vmem>> -> memref<6016xf32, #tpu.memory_space<vmem>>
          %dma_start3A_1061 = tpu.memref_slice %arg13[%add3A_1056] : memref<400384xf32, #tpu.memory_space<vmem_shared>> -> memref<6016xf32, #tpu.memory_space<vmem_shared>>
          %dma_start3A_1062 = tpu.memref_slice %arg13[%add3A_1056] : memref<400384xf32, #tpu.memory_space<vmem_shared>> -> memref<6016xf32, #tpu.memory_space<vmem_shared>>
          %dma_start3A_1063 = arith.constant 0 : i32
          %dma_start3A_1064 = tpu.memref_slice %arg7[%run_scoped3A, %dma_start3A_1063] : memref<8x6272xf32, #tpu.memory_space<vmem>> -> memref<1x6016xf32, #tpu.memory_space<vmem>>
          %dma_start3A_1065 = tpu.memref_squeeze %dma_start3A_1064 : memref<1x6016xf32, #tpu.memory_space<vmem>> -> memref<6016xf32, #tpu.memory_space<vmem>>
          tpu.enqueue_dma source(%dma_start3A_1065 : memref<6016xf32, #tpu.memory_space<vmem>>) target(%dma_start3A_1062 : memref<6016xf32, #tpu.memory_space<vmem_shared>>) target_semaphore(%run_scoped3A_1057 : memref<!tpu.dma_semaphore, #tpu.memory_space<semaphore_mem>>)
          %dma_wait3A_1066 = arith.constant 0 : i32
          %dma_wait3A_1067 = tpu.memref_slice %arg7[%run_scoped3A, %dma_wait3A_1066] : memref<8x6272xf32, #tpu.memory_space<vmem>> -> memref<1x6016xf32, #tpu.memory_space<vmem>>
          %dma_wait3A_1068 = tpu.memref_squeeze %dma_wait3A_1067 : memref<1x6016xf32, #tpu.memory_space<vmem>> -> memref<6016xf32, #tpu.memory_space<vmem>>
          %dma_wait3A_1069 = tpu.memref_slice %arg13[%add3A_1056] : memref<400384xf32, #tpu.memory_space<vmem_shared>> -> memref<6016xf32, #tpu.memory_space<vmem_shared>>
          %dma_wait3A_1070 = tpu.memref_slice %arg13[%add3A_1056] : memref<400384xf32, #tpu.memory_space<vmem_shared>> -> memref<6016xf32, #tpu.memory_space<vmem_shared>>
          %dma_wait3A_1071 = arith.constant 0 : i32
          %dma_wait3A_1072 = tpu.memref_slice %arg7[%run_scoped3A, %dma_wait3A_1071] : memref<8x6272xf32, #tpu.memory_space<vmem>> -> memref<1x6016xf32, #tpu.memory_space<vmem>>
          %dma_wait3A_1073 = tpu.memref_squeeze %dma_wait3A_1072 : memref<1x6016xf32, #tpu.memory_space<vmem>> -> memref<6016xf32, #tpu.memory_space<vmem>>
          tpu.wait_dma2 semaphore(%run_scoped3A_1057 : memref<!tpu.dma_semaphore, #tpu.memory_space<semaphore_mem>>) src(%dma_wait3A_1073 : memref<6016xf32, #tpu.memory_space<vmem>>) dst(%dma_wait3A_1070 : memref<6016xf32, #tpu.memory_space<vmem_shared>>)
          tpu.yield
        }) : () -> ()
      } else {
      }
      %lt3A_316 = arith.constant 15 : i32
      %lt3A_317 = arith.cmpi slt, %arg1, %lt3A_316 : i32
      %convert_element_type3A_318 = arith.extui %lt3A_317 : i1 to i32
      %cond3A_319 = arith.constant 0 : i32
      %cond3A_320 = arith.cmpi ne, %convert_element_type3A_318, %cond3A_319 : i32
      scf.if %cond3A_320 {
        %add3A_1055 = arith.constant 200192 : i32
        %add3A_1056 = arith.addi %add3A_1055, %mul3A_0 : i32
        %run_scoped3A = arith.constant 2 : i32
        "tpu.region"() ({
          %run_scoped3A_1057 = tpu.sem_alloc : memref<!tpu.dma_semaphore, #tpu.memory_space<semaphore_mem>>
          %dma_start3A_1058 = arith.constant 0 : i32
          %dma_start3A_1059 = tpu.memref_slice %arg7[%run_scoped3A, %dma_start3A_1058] : memref<8x6272xf32, #tpu.memory_space<vmem>> -> memref<1x6272xf32, #tpu.memory_space<vmem>>
          %dma_start3A_1060 = tpu.memref_squeeze %dma_start3A_1059 : memref<1x6272xf32, #tpu.memory_space<vmem>> -> memref<6272xf32, #tpu.memory_space<vmem>>
          %dma_start3A_1061 = tpu.memref_slice %arg13[%add3A_1056] : memref<400384xf32, #tpu.memory_space<vmem_shared>> -> memref<6272xf32, #tpu.memory_space<vmem_shared>>
          %dma_start3A_1062 = tpu.memref_slice %arg13[%add3A_1056] : memref<400384xf32, #tpu.memory_space<vmem_shared>> -> memref<6272xf32, #tpu.memory_space<vmem_shared>>
          %dma_start3A_1063 = arith.constant 0 : i32
          %dma_start3A_1064 = tpu.memref_slice %arg7[%run_scoped3A, %dma_start3A_1063] : memref<8x6272xf32, #tpu.memory_space<vmem>> -> memref<1x6272xf32, #tpu.memory_space<vmem>>
          %dma_start3A_1065 = tpu.memref_squeeze %dma_start3A_1064 : memref<1x6272xf32, #tpu.memory_space<vmem>> -> memref<6272xf32, #tpu.memory_space<vmem>>
          tpu.enqueue_dma source(%dma_start3A_1065 : memref<6272xf32, #tpu.memory_space<vmem>>) target(%dma_start3A_1062 : memref<6272xf32, #tpu.memory_space<vmem_shared>>) target_semaphore(%run_scoped3A_1057 : memref<!tpu.dma_semaphore, #tpu.memory_space<semaphore_mem>>)
          %dma_wait3A_1066 = arith.constant 0 : i32
          %dma_wait3A_1067 = tpu.memref_slice %arg7[%run_scoped3A, %dma_wait3A_1066] : memref<8x6272xf32, #tpu.memory_space<vmem>> -> memref<1x6272xf32, #tpu.memory_space<vmem>>
          %dma_wait3A_1068 = tpu.memref_squeeze %dma_wait3A_1067 : memref<1x6272xf32, #tpu.memory_space<vmem>> -> memref<6272xf32, #tpu.memory_space<vmem>>
          %dma_wait3A_1069 = tpu.memref_slice %arg13[%add3A_1056] : memref<400384xf32, #tpu.memory_space<vmem_shared>> -> memref<6272xf32, #tpu.memory_space<vmem_shared>>
          %dma_wait3A_1070 = tpu.memref_slice %arg13[%add3A_1056] : memref<400384xf32, #tpu.memory_space<vmem_shared>> -> memref<6272xf32, #tpu.memory_space<vmem_shared>>
          %dma_wait3A_1071 = arith.constant 0 : i32
          %dma_wait3A_1072 = tpu.memref_slice %arg7[%run_scoped3A, %dma_wait3A_1071] : memref<8x6272xf32, #tpu.memory_space<vmem>> -> memref<1x6272xf32, #tpu.memory_space<vmem>>
          %dma_wait3A_1073 = tpu.memref_squeeze %dma_wait3A_1072 : memref<1x6272xf32, #tpu.memory_space<vmem>> -> memref<6272xf32, #tpu.memory_space<vmem>>
          tpu.wait_dma2 semaphore(%run_scoped3A_1057 : memref<!tpu.dma_semaphore, #tpu.memory_space<semaphore_mem>>) src(%dma_wait3A_1073 : memref<6272xf32, #tpu.memory_space<vmem>>) dst(%dma_wait3A_1070 : memref<6272xf32, #tpu.memory_space<vmem_shared>>)
          tpu.yield
        }) : () -> ()
      } else {
      }
      %eq3A_321 = arith.constant 15 : i32
      %eq3A_322 = arith.cmpi eq, %arg1, %eq3A_321 : i32
      %convert_element_type3A_323 = arith.extui %eq3A_322 : i1 to i32
      %cond3A_324 = arith.constant 0 : i32
      %cond3A_325 = arith.cmpi ne, %convert_element_type3A_323, %cond3A_324 : i32
      scf.if %cond3A_325 {
        %add3A_1055 = arith.constant 200192 : i32
        %add3A_1056 = arith.addi %add3A_1055, %mul3A_0 : i32
        %run_scoped3A = arith.constant 2 : i32
        "tpu.region"() ({
          %run_scoped3A_1057 = tpu.sem_alloc : memref<!tpu.dma_semaphore, #tpu.memory_space<semaphore_mem>>
          %dma_start3A_1058 = arith.constant 0 : i32
          %dma_start3A_1059 = tpu.memref_slice %arg7[%run_scoped3A, %dma_start3A_1058] : memref<8x6272xf32, #tpu.memory_space<vmem>> -> memref<1x6016xf32, #tpu.memory_space<vmem>>
          %dma_start3A_1060 = tpu.memref_squeeze %dma_start3A_1059 : memref<1x6016xf32, #tpu.memory_space<vmem>> -> memref<6016xf32, #tpu.memory_space<vmem>>
          %dma_start3A_1061 = tpu.memref_slice %arg13[%add3A_1056] : memref<400384xf32, #tpu.memory_space<vmem_shared>> -> memref<6016xf32, #tpu.memory_space<vmem_shared>>
          %dma_start3A_1062 = tpu.memref_slice %arg13[%add3A_1056] : memref<400384xf32, #tpu.memory_space<vmem_shared>> -> memref<6016xf32, #tpu.memory_space<vmem_shared>>
          %dma_start3A_1063 = arith.constant 0 : i32
          %dma_start3A_1064 = tpu.memref_slice %arg7[%run_scoped3A, %dma_start3A_1063] : memref<8x6272xf32, #tpu.memory_space<vmem>> -> memref<1x6016xf32, #tpu.memory_space<vmem>>
          %dma_start3A_1065 = tpu.memref_squeeze %dma_start3A_1064 : memref<1x6016xf32, #tpu.memory_space<vmem>> -> memref<6016xf32, #tpu.memory_space<vmem>>
          tpu.enqueue_dma source(%dma_start3A_1065 : memref<6016xf32, #tpu.memory_space<vmem>>) target(%dma_start3A_1062 : memref<6016xf32, #tpu.memory_space<vmem_shared>>) target_semaphore(%run_scoped3A_1057 : memref<!tpu.dma_semaphore, #tpu.memory_space<semaphore_mem>>)
          %dma_wait3A_1066 = arith.constant 0 : i32
          %dma_wait3A_1067 = tpu.memref_slice %arg7[%run_scoped3A, %dma_wait3A_1066] : memref<8x6272xf32, #tpu.memory_space<vmem>> -> memref<1x6016xf32, #tpu.memory_space<vmem>>
          %dma_wait3A_1068 = tpu.memref_squeeze %dma_wait3A_1067 : memref<1x6016xf32, #tpu.memory_space<vmem>> -> memref<6016xf32, #tpu.memory_space<vmem>>
          %dma_wait3A_1069 = tpu.memref_slice %arg13[%add3A_1056] : memref<400384xf32, #tpu.memory_space<vmem_shared>> -> memref<6016xf32, #tpu.memory_space<vmem_shared>>
          %dma_wait3A_1070 = tpu.memref_slice %arg13[%add3A_1056] : memref<400384xf32, #tpu.memory_space<vmem_shared>> -> memref<6016xf32, #tpu.memory_space<vmem_shared>>
          %dma_wait3A_1071 = arith.constant 0 : i32
          %dma_wait3A_1072 = tpu.memref_slice %arg7[%run_scoped3A, %dma_wait3A_1071] : memref<8x6272xf32, #tpu.memory_space<vmem>> -> memref<1x6016xf32, #tpu.memory_space<vmem>>
          %dma_wait3A_1073 = tpu.memref_squeeze %dma_wait3A_1072 : memref<1x6016xf32, #tpu.memory_space<vmem>> -> memref<6016xf32, #tpu.memory_space<vmem>>
          tpu.wait_dma2 semaphore(%run_scoped3A_1057 : memref<!tpu.dma_semaphore, #tpu.memory_space<semaphore_mem>>) src(%dma_wait3A_1073 : memref<6016xf32, #tpu.memory_space<vmem>>) dst(%dma_wait3A_1070 : memref<6016xf32, #tpu.memory_space<vmem_shared>>)
          tpu.yield
        }) : () -> ()
      } else {
      }
      %lt3A_326 = arith.constant 15 : i32
      %lt3A_327 = arith.cmpi slt, %arg1, %lt3A_326 : i32
      %convert_element_type3A_328 = arith.extui %lt3A_327 : i1 to i32
      %cond3A_329 = arith.constant 0 : i32
      %cond3A_330 = arith.cmpi ne, %convert_element_type3A_328, %cond3A_329 : i32
      scf.if %cond3A_330 {
        %add3A_1055 = arith.constant 300288 : i32
        %add3A_1056 = arith.addi %add3A_1055, %mul3A_0 : i32
        %run_scoped3A = arith.constant 3 : i32
        "tpu.region"() ({
          %run_scoped3A_1057 = tpu.sem_alloc : memref<!tpu.dma_semaphore, #tpu.memory_space<semaphore_mem>>
          %dma_start3A_1058 = arith.constant 0 : i32
          %dma_start3A_1059 = tpu.memref_slice %arg7[%run_scoped3A, %dma_start3A_1058] : memref<8x6272xf32, #tpu.memory_space<vmem>> -> memref<1x6272xf32, #tpu.memory_space<vmem>>
          %dma_start3A_1060 = tpu.memref_squeeze %dma_start3A_1059 : memref<1x6272xf32, #tpu.memory_space<vmem>> -> memref<6272xf32, #tpu.memory_space<vmem>>
          %dma_start3A_1061 = tpu.memref_slice %arg13[%add3A_1056] : memref<400384xf32, #tpu.memory_space<vmem_shared>> -> memref<6272xf32, #tpu.memory_space<vmem_shared>>
          %dma_start3A_1062 = tpu.memref_slice %arg13[%add3A_1056] : memref<400384xf32, #tpu.memory_space<vmem_shared>> -> memref<6272xf32, #tpu.memory_space<vmem_shared>>
          %dma_start3A_1063 = arith.constant 0 : i32
          %dma_start3A_1064 = tpu.memref_slice %arg7[%run_scoped3A, %dma_start3A_1063] : memref<8x6272xf32, #tpu.memory_space<vmem>> -> memref<1x6272xf32, #tpu.memory_space<vmem>>
          %dma_start3A_1065 = tpu.memref_squeeze %dma_start3A_1064 : memref<1x6272xf32, #tpu.memory_space<vmem>> -> memref<6272xf32, #tpu.memory_space<vmem>>
          tpu.enqueue_dma source(%dma_start3A_1065 : memref<6272xf32, #tpu.memory_space<vmem>>) target(%dma_start3A_1062 : memref<6272xf32, #tpu.memory_space<vmem_shared>>) target_semaphore(%run_scoped3A_1057 : memref<!tpu.dma_semaphore, #tpu.memory_space<semaphore_mem>>)
          %dma_wait3A_1066 = arith.constant 0 : i32
          %dma_wait3A_1067 = tpu.memref_slice %arg7[%run_scoped3A, %dma_wait3A_1066] : memref<8x6272xf32, #tpu.memory_space<vmem>> -> memref<1x6272xf32, #tpu.memory_space<vmem>>
          %dma_wait3A_1068 = tpu.memref_squeeze %dma_wait3A_1067 : memref<1x6272xf32, #tpu.memory_space<vmem>> -> memref<6272xf32, #tpu.memory_space<vmem>>
          %dma_wait3A_1069 = tpu.memref_slice %arg13[%add3A_1056] : memref<400384xf32, #tpu.memory_space<vmem_shared>> -> memref<6272xf32, #tpu.memory_space<vmem_shared>>
          %dma_wait3A_1070 = tpu.memref_slice %arg13[%add3A_1056] : memref<400384xf32, #tpu.memory_space<vmem_shared>> -> memref<6272xf32, #tpu.memory_space<vmem_shared>>
          %dma_wait3A_1071 = arith.constant 0 : i32
          %dma_wait3A_1072 = tpu.memref_slice %arg7[%run_scoped3A, %dma_wait3A_1071] : memref<8x6272xf32, #tpu.memory_space<vmem>> -> memref<1x6272xf32, #tpu.memory_space<vmem>>
          %dma_wait3A_1073 = tpu.memref_squeeze %dma_wait3A_1072 : memref<1x6272xf32, #tpu.memory_space<vmem>> -> memref<6272xf32, #tpu.memory_space<vmem>>
          tpu.wait_dma2 semaphore(%run_scoped3A_1057 : memref<!tpu.dma_semaphore, #tpu.memory_space<semaphore_mem>>) src(%dma_wait3A_1073 : memref<6272xf32, #tpu.memory_space<vmem>>) dst(%dma_wait3A_1070 : memref<6272xf32, #tpu.memory_space<vmem_shared>>)
          tpu.yield
        }) : () -> ()
      } else {
      }
      %eq3A_331 = arith.constant 15 : i32
      %eq3A_332 = arith.cmpi eq, %arg1, %eq3A_331 : i32
      %convert_element_type3A_333 = arith.extui %eq3A_332 : i1 to i32
      %cond3A_334 = arith.constant 0 : i32
      %cond3A_335 = arith.cmpi ne, %convert_element_type3A_333, %cond3A_334 : i32
      scf.if %cond3A_335 {
        %add3A_1055 = arith.constant 300288 : i32
        %add3A_1056 = arith.addi %add3A_1055, %mul3A_0 : i32
        %run_scoped3A = arith.constant 3 : i32
        "tpu.region"() ({
          %run_scoped3A_1057 = tpu.sem_alloc : memref<!tpu.dma_semaphore, #tpu.memory_space<semaphore_mem>>
          %dma_start3A_1058 = arith.constant 0 : i32
          %dma_start3A_1059 = tpu.memref_slice %arg7[%run_scoped3A, %dma_start3A_1058] : memref<8x6272xf32, #tpu.memory_space<vmem>> -> memref<1x6016xf32, #tpu.memory_space<vmem>>
          %dma_start3A_1060 = tpu.memref_squeeze %dma_start3A_1059 : memref<1x6016xf32, #tpu.memory_space<vmem>> -> memref<6016xf32, #tpu.memory_space<vmem>>
          %dma_start3A_1061 = tpu.memref_slice %arg13[%add3A_1056] : memref<400384xf32, #tpu.memory_space<vmem_shared>> -> memref<6016xf32, #tpu.memory_space<vmem_shared>>
          %dma_start3A_1062 = tpu.memref_slice %arg13[%add3A_1056] : memref<400384xf32, #tpu.memory_space<vmem_shared>> -> memref<6016xf32, #tpu.memory_space<vmem_shared>>
          %dma_start3A_1063 = arith.constant 0 : i32
          %dma_start3A_1064 = tpu.memref_slice %arg7[%run_scoped3A, %dma_start3A_1063] : memref<8x6272xf32, #tpu.memory_space<vmem>> -> memref<1x6016xf32, #tpu.memory_space<vmem>>
          %dma_start3A_1065 = tpu.memref_squeeze %dma_start3A_1064 : memref<1x6016xf32, #tpu.memory_space<vmem>> -> memref<6016xf32, #tpu.memory_space<vmem>>
          tpu.enqueue_dma source(%dma_start3A_1065 : memref<6016xf32, #tpu.memory_space<vmem>>) target(%dma_start3A_1062 : memref<6016xf32, #tpu.memory_space<vmem_shared>>) target_semaphore(%run_scoped3A_1057 : memref<!tpu.dma_semaphore, #tpu.memory_space<semaphore_mem>>)
          %dma_wait3A_1066 = arith.constant 0 : i32
          %dma_wait3A_1067 = tpu.memref_slice %arg7[%run_scoped3A, %dma_wait3A_1066] : memref<8x6272xf32, #tpu.memory_space<vmem>> -> memref<1x6016xf32, #tpu.memory_space<vmem>>
          %dma_wait3A_1068 = tpu.memref_squeeze %dma_wait3A_1067 : memref<1x6016xf32, #tpu.memory_space<vmem>> -> memref<6016xf32, #tpu.memory_space<vmem>>
          %dma_wait3A_1069 = tpu.memref_slice %arg13[%add3A_1056] : memref<400384xf32, #tpu.memory_space<vmem_shared>> -> memref<6016xf32, #tpu.memory_space<vmem_shared>>
          %dma_wait3A_1070 = tpu.memref_slice %arg13[%add3A_1056] : memref<400384xf32, #tpu.memory_space<vmem_shared>> -> memref<6016xf32, #tpu.memory_space<vmem_shared>>
          %dma_wait3A_1071 = arith.constant 0 : i32
          %dma_wait3A_1072 = tpu.memref_slice %arg7[%run_scoped3A, %dma_wait3A_1071] : memref<8x6272xf32, #tpu.memory_space<vmem>> -> memref<1x6016xf32, #tpu.memory_space<vmem>>
          %dma_wait3A_1073 = tpu.memref_squeeze %dma_wait3A_1072 : memref<1x6016xf32, #tpu.memory_space<vmem>> -> memref<6016xf32, #tpu.memory_space<vmem>>
          tpu.wait_dma2 semaphore(%run_scoped3A_1057 : memref<!tpu.dma_semaphore, #tpu.memory_space<semaphore_mem>>) src(%dma_wait3A_1073 : memref<6016xf32, #tpu.memory_space<vmem>>) dst(%dma_wait3A_1070 : memref<6016xf32, #tpu.memory_space<vmem_shared>>)
          tpu.yield
        }) : () -> ()
      } else {
      }
      %barrier3A_336 = arith.constant 0 : index
      tpu.barrier barrier_id(%barrier3A_336)
      %dma_start3A_337 = arith.constant 0 : i32
      %dma_start3A_338 = tpu.memref_slice %arg13[%dma_start3A_337] : memref<400384xf32, #tpu.memory_space<vmem_shared>> -> memref<400384xf32, #tpu.memory_space<vmem_shared>>
      tpu.enqueue_indirect_dma source(%dma_start3A_338 : memref<400384xf32, #tpu.memory_space<vmem_shared>>) target(%arg10 : memref<4096xf32, #tpu.memory_space<vmem>>) offsets(%arg9 : memref<4096xi32, #tpu.memory_space<vmem>>) semaphore(%arg15 : memref<!tpu.dma_semaphore, #tpu.memory_space<semaphore_mem>>)
      %dma_wait3A_339 = arith.constant 0 : i32
      %dma_wait3A_340 = tpu.memref_slice %arg13[%dma_wait3A_339] : memref<400384xf32, #tpu.memory_space<vmem_shared>> -> memref<400384xf32, #tpu.memory_space<vmem_shared>>
      tpu.wait_indirect_dma semaphore(%arg15 : memref<!tpu.dma_semaphore, #tpu.memory_space<semaphore_mem>>) src(%dma_wait3A_340 : memref<400384xf32, #tpu.memory_space<vmem_shared>>) dst(%arg10 : memref<4096xf32, #tpu.memory_space<vmem>>)
      %mul3A_341 = arith.constant 32 : i32
      %mul3A_342 = arith.muli %scan3A_19, %mul3A_341 : i32
      %add3A_343 = arith.constant 8 : i32
      %add3A_344 = arith.addi %mul3A_342, %add3A_343 : i32
      %add3A_345 = arith.constant 0 : i32
      %add3A_346 = arith.addi %add3A_344, %add3A_345 : i32
      %add3A_347 = arith.constant 0 : i32
      %add3A_348 = arith.addi %add3A_346, %add3A_347 : i32
      %mul3A_349 = arith.constant 16 : i32
      %mul3A_350 = arith.muli %add3A_348, %mul3A_349 : i32
      %get3A_351 = arith.index_cast %mul3A_350 : i32 to index
      %get3A_352 = tpu.vector_load %arg12[%get3A_351] {strides = array<i32>} : memref<6656xf32, #tpu.memory_space<vmem>>, vector<16xf32>,
      %get3A_353 = vector.shape_cast %get3A_352 : vector<16xf32> to vector<16xf32>
      %scan3A_354 = arith.constant 0 : i32
      %scan3A_355 = arith.constant 64 : i32
      %scan3A_356 = arith.addi %scan3A_354, %scan3A_355 : i32
      %scan3A_357 = arith.constant 1 : i32
      scf.for %scan3A_1055 = %scan3A_354 to %scan3A_356 step %scan3A_357  : i32 {
        %mul3A_1056 = arith.constant 16 : i32
        %mul3A_1057 = arith.muli %scan3A_1055, %mul3A_1056 : i32
        %mul3A_1058 = arith.constant 16 : i32
        %mul3A_1059 = arith.muli %scan3A_1055, %mul3A_1058 : i32
        %add3A_1060 = arith.constant 0 : i32
        %add3A_1061 = arith.addi %add3A_1060, %mul3A_1059 : i32
        %get3A_1062 = arith.index_cast %add3A_1061 : i32 to index
        %get3A_1063 = tpu.vector_load %arg10[%get3A_1062] {strides = array<i32>} : memref<4096xf32, #tpu.memory_space<vmem>>, vector<16xf32>,
        %get3A_1064 = vector.shape_cast %get3A_1063 : vector<16xf32> to vector<16xf32>
        %add3A_1065 = arith.addf %get3A_1064, %get3A_353 : vector<16xf32>
        %swap3A = arith.constant 0 : i32
        %swap3A_1066 = arith.index_cast %swap3A : i32 to index
        %swap3A_1067 = arith.index_cast %mul3A_1057 : i32 to index
        %swap3A_1068 = tpu.vector_load %arg11[%swap3A_1066, %swap3A_1067] {strides = array<i32>} : memref<8x1024xf32, #tpu.memory_space<vmem>>, vector<1x16xf32>,
        %swap3A_1069 = vector.shape_cast %swap3A_1068 : vector<1x16xf32> to vector<16xf32>
        %swap3A_1070 = vector.shape_cast %add3A_1065 : vector<16xf32> to vector<1x16xf32>
        tpu.vector_store %arg11[%swap3A_1066, %swap3A_1067], %swap3A_1070 {strides = array<i32>} : memref<8x1024xf32, #tpu.memory_space<vmem>>, vector<1x16xf32>,
      }
      %scan3A_358 = arith.constant 64 : i32
      %mul3A_359 = arith.constant 32 : i32
      %mul3A_360 = arith.muli %scan3A_19, %mul3A_359 : i32
      %add3A_361 = arith.constant 8 : i32
      %add3A_362 = arith.addi %mul3A_360, %add3A_361 : i32
      %add3A_363 = arith.constant 0 : i32
      %add3A_364 = arith.addi %add3A_362, %add3A_363 : i32
      %add3A_365 = arith.constant 1 : i32
      %add3A_366 = arith.addi %add3A_364, %add3A_365 : i32
      %mul3A_367 = arith.constant 16 : i32
      %mul3A_368 = arith.muli %add3A_366, %mul3A_367 : i32
      %get3A_369 = arith.index_cast %mul3A_368 : i32 to index
      %get3A_370 = tpu.vector_load %arg12[%get3A_369] {strides = array<i32>} : memref<6656xf32, #tpu.memory_space<vmem>>, vector<16xf32>,
      %get3A_371 = vector.shape_cast %get3A_370 : vector<16xf32> to vector<16xf32>
      %scan3A_372 = arith.constant 0 : i32
      %scan3A_373 = arith.constant 64 : i32
      %scan3A_374 = arith.addi %scan3A_372, %scan3A_373 : i32
      %scan3A_375 = arith.constant 1 : i32
      scf.for %scan3A_1055 = %scan3A_372 to %scan3A_374 step %scan3A_375  : i32 {
        %mul3A_1056 = arith.constant 16 : i32
        %mul3A_1057 = arith.muli %scan3A_1055, %mul3A_1056 : i32
        %mul3A_1058 = arith.constant 16 : i32
        %mul3A_1059 = arith.muli %scan3A_1055, %mul3A_1058 : i32
        %add3A_1060 = arith.constant 1024 : i32
        %add3A_1061 = arith.addi %add3A_1060, %mul3A_1059 : i32
        %get3A_1062 = arith.index_cast %add3A_1061 : i32 to index
        %get3A_1063 = tpu.vector_load %arg10[%get3A_1062] {strides = array<i32>} : memref<4096xf32, #tpu.memory_space<vmem>>, vector<16xf32>,
        %get3A_1064 = vector.shape_cast %get3A_1063 : vector<16xf32> to vector<16xf32>
        %add3A_1065 = arith.addf %get3A_1064, %get3A_371 : vector<16xf32>
        %swap3A = arith.constant 1 : i32
        %swap3A_1066 = arith.index_cast %swap3A : i32 to index
        %swap3A_1067 = arith.index_cast %mul3A_1057 : i32 to index
        %swap3A_1068 = tpu.vector_load %arg11[%swap3A_1066, %swap3A_1067] {strides = array<i32>} : memref<8x1024xf32, #tpu.memory_space<vmem>>, vector<1x16xf32>,
        %swap3A_1069 = vector.shape_cast %swap3A_1068 : vector<1x16xf32> to vector<16xf32>
        %swap3A_1070 = vector.shape_cast %add3A_1065 : vector<16xf32> to vector<1x16xf32>
        tpu.vector_store %arg11[%swap3A_1066, %swap3A_1067], %swap3A_1070 {strides = array<i32>} : memref<8x1024xf32, #tpu.memory_space<vmem>>, vector<1x16xf32>,
      }
      %scan3A_376 = arith.constant 64 : i32
      %mul3A_377 = arith.constant 32 : i32
      %mul3A_378 = arith.muli %scan3A_19, %mul3A_377 : i32
      %add3A_379 = arith.constant 8 : i32
      %add3A_380 = arith.addi %mul3A_378, %add3A_379 : i32
      %add3A_381 = arith.constant 0 : i32
      %add3A_382 = arith.addi %add3A_380, %add3A_381 : i32
      %add3A_383 = arith.constant 2 : i32
      %add3A_384 = arith.addi %add3A_382, %add3A_383 : i32
      %mul3A_385 = arith.constant 16 : i32
      %mul3A_386 = arith.muli %add3A_384, %mul3A_385 : i32
      %get3A_387 = arith.index_cast %mul3A_386 : i32 to index
      %get3A_388 = tpu.vector_load %arg12[%get3A_387] {strides = array<i32>} : memref<6656xf32, #tpu.memory_space<vmem>>, vector<16xf32>,
      %get3A_389 = vector.shape_cast %get3A_388 : vector<16xf32> to vector<16xf32>
      %scan3A_390 = arith.constant 0 : i32
      %scan3A_391 = arith.constant 64 : i32
      %scan3A_392 = arith.addi %scan3A_390, %scan3A_391 : i32
      %scan3A_393 = arith.constant 1 : i32
      scf.for %scan3A_1055 = %scan3A_390 to %scan3A_392 step %scan3A_393  : i32 {
        %mul3A_1056 = arith.constant 16 : i32
        %mul3A_1057 = arith.muli %scan3A_1055, %mul3A_1056 : i32
        %mul3A_1058 = arith.constant 16 : i32
        %mul3A_1059 = arith.muli %scan3A_1055, %mul3A_1058 : i32
        %add3A_1060 = arith.constant 2048 : i32
        %add3A_1061 = arith.addi %add3A_1060, %mul3A_1059 : i32
        %get3A_1062 = arith.index_cast %add3A_1061 : i32 to index
        %get3A_1063 = tpu.vector_load %arg10[%get3A_1062] {strides = array<i32>} : memref<4096xf32, #tpu.memory_space<vmem>>, vector<16xf32>,
        %get3A_1064 = vector.shape_cast %get3A_1063 : vector<16xf32> to vector<16xf32>
        %add3A_1065 = arith.addf %get3A_1064, %get3A_389 : vector<16xf32>
        %swap3A = arith.constant 2 : i32
        %swap3A_1066 = arith.index_cast %swap3A : i32 to index
        %swap3A_1067 = arith.index_cast %mul3A_1057 : i32 to index
        %swap3A_1068 = tpu.vector_load %arg11[%swap3A_1066, %swap3A_1067] {strides = array<i32>} : memref<8x1024xf32, #tpu.memory_space<vmem>>, vector<1x16xf32>,
        %swap3A_1069 = vector.shape_cast %swap3A_1068 : vector<1x16xf32> to vector<16xf32>
        %swap3A_1070 = vector.shape_cast %add3A_1065 : vector<16xf32> to vector<1x16xf32>
        tpu.vector_store %arg11[%swap3A_1066, %swap3A_1067], %swap3A_1070 {strides = array<i32>} : memref<8x1024xf32, #tpu.memory_space<vmem>>, vector<1x16xf32>,
      }
      %scan3A_394 = arith.constant 64 : i32
      %mul3A_395 = arith.constant 32 : i32
      %mul3A_396 = arith.muli %scan3A_19, %mul3A_395 : i32
      %add3A_397 = arith.constant 8 : i32
      %add3A_398 = arith.addi %mul3A_396, %add3A_397 : i32
      %add3A_399 = arith.constant 0 : i32
      %add3A_400 = arith.addi %add3A_398, %add3A_399 : i32
      %add3A_401 = arith.constant 3 : i32
      %add3A_402 = arith.addi %add3A_400, %add3A_401 : i32
      %mul3A_403 = arith.constant 16 : i32
      %mul3A_404 = arith.muli %add3A_402, %mul3A_403 : i32
      %get3A_405 = arith.index_cast %mul3A_404 : i32 to index
      %get3A_406 = tpu.vector_load %arg12[%get3A_405] {strides = array<i32>} : memref<6656xf32, #tpu.memory_space<vmem>>, vector<16xf32>,
      %get3A_407 = vector.shape_cast %get3A_406 : vector<16xf32> to vector<16xf32>
      %scan3A_408 = arith.constant 0 : i32
      %scan3A_409 = arith.constant 64 : i32
      %scan3A_410 = arith.addi %scan3A_408, %scan3A_409 : i32
      %scan3A_411 = arith.constant 1 : i32
      scf.for %scan3A_1055 = %scan3A_408 to %scan3A_410 step %scan3A_411  : i32 {
        %mul3A_1056 = arith.constant 16 : i32
        %mul3A_1057 = arith.muli %scan3A_1055, %mul3A_1056 : i32
        %mul3A_1058 = arith.constant 16 : i32
        %mul3A_1059 = arith.muli %scan3A_1055, %mul3A_1058 : i32
        %add3A_1060 = arith.constant 3072 : i32
        %add3A_1061 = arith.addi %add3A_1060, %mul3A_1059 : i32
        %get3A_1062 = arith.index_cast %add3A_1061 : i32 to index
        %get3A_1063 = tpu.vector_load %arg10[%get3A_1062] {strides = array<i32>} : memref<4096xf32, #tpu.memory_space<vmem>>, vector<16xf32>,
        %get3A_1064 = vector.shape_cast %get3A_1063 : vector<16xf32> to vector<16xf32>
        %add3A_1065 = arith.addf %get3A_1064, %get3A_407 : vector<16xf32>
        %swap3A = arith.constant 3 : i32
        %swap3A_1066 = arith.index_cast %swap3A : i32 to index
        %swap3A_1067 = arith.index_cast %mul3A_1057 : i32 to index
        %swap3A_1068 = tpu.vector_load %arg11[%swap3A_1066, %swap3A_1067] {strides = array<i32>} : memref<8x1024xf32, #tpu.memory_space<vmem>>, vector<1x16xf32>,
        %swap3A_1069 = vector.shape_cast %swap3A_1068 : vector<1x16xf32> to vector<16xf32>
        %swap3A_1070 = vector.shape_cast %add3A_1065 : vector<16xf32> to vector<1x16xf32>
        tpu.vector_store %arg11[%swap3A_1066, %swap3A_1067], %swap3A_1070 {strides = array<i32>} : memref<8x1024xf32, #tpu.memory_space<vmem>>, vector<1x16xf32>,
      }
      %scan3A_412 = arith.constant 64 : i32
      %barrier3A_413 = arith.constant 0 : index
      tpu.barrier barrier_id(%barrier3A_413)
      %lt3A_414 = arith.constant 15 : i32
      %lt3A_415 = arith.cmpi slt, %arg1, %lt3A_414 : i32
      %convert_element_type3A_416 = arith.extui %lt3A_415 : i1 to i32
      %cond3A_417 = arith.constant 0 : i32
      %cond3A_418 = arith.cmpi ne, %convert_element_type3A_416, %cond3A_417 : i32
      scf.if %cond3A_418 {
        %add3A_1055 = arith.constant 0 : i32
        %add3A_1056 = arith.addi %add3A_1055, %mul3A_0 : i32
        %run_scoped3A = arith.constant 4 : i32
        "tpu.region"() ({
          %run_scoped3A_1057 = tpu.sem_alloc : memref<!tpu.dma_semaphore, #tpu.memory_space<semaphore_mem>>
          %dma_start3A_1058 = arith.constant 0 : i32
          %dma_start3A_1059 = tpu.memref_slice %arg7[%run_scoped3A, %dma_start3A_1058] : memref<8x6272xf32, #tpu.memory_space<vmem>> -> memref<1x6272xf32, #tpu.memory_space<vmem>>
          %dma_start3A_1060 = tpu.memref_squeeze %dma_start3A_1059 : memref<1x6272xf32, #tpu.memory_space<vmem>> -> memref<6272xf32, #tpu.memory_space<vmem>>
          %dma_start3A_1061 = tpu.memref_slice %arg13[%add3A_1056] : memref<400384xf32, #tpu.memory_space<vmem_shared>> -> memref<6272xf32, #tpu.memory_space<vmem_shared>>
          %dma_start3A_1062 = tpu.memref_slice %arg13[%add3A_1056] : memref<400384xf32, #tpu.memory_space<vmem_shared>> -> memref<6272xf32, #tpu.memory_space<vmem_shared>>
          %dma_start3A_1063 = arith.constant 0 : i32
          %dma_start3A_1064 = tpu.memref_slice %arg7[%run_scoped3A, %dma_start3A_1063] : memref<8x6272xf32, #tpu.memory_space<vmem>> -> memref<1x6272xf32, #tpu.memory_space<vmem>>
          %dma_start3A_1065 = tpu.memref_squeeze %dma_start3A_1064 : memref<1x6272xf32, #tpu.memory_space<vmem>> -> memref<6272xf32, #tpu.memory_space<vmem>>
          tpu.enqueue_dma source(%dma_start3A_1065 : memref<6272xf32, #tpu.memory_space<vmem>>) target(%dma_start3A_1062 : memref<6272xf32, #tpu.memory_space<vmem_shared>>) target_semaphore(%run_scoped3A_1057 : memref<!tpu.dma_semaphore, #tpu.memory_space<semaphore_mem>>)
          %dma_wait3A_1066 = arith.constant 0 : i32
          %dma_wait3A_1067 = tpu.memref_slice %arg7[%run_scoped3A, %dma_wait3A_1066] : memref<8x6272xf32, #tpu.memory_space<vmem>> -> memref<1x6272xf32, #tpu.memory_space<vmem>>
          %dma_wait3A_1068 = tpu.memref_squeeze %dma_wait3A_1067 : memref<1x6272xf32, #tpu.memory_space<vmem>> -> memref<6272xf32, #tpu.memory_space<vmem>>
          %dma_wait3A_1069 = tpu.memref_slice %arg13[%add3A_1056] : memref<400384xf32, #tpu.memory_space<vmem_shared>> -> memref<6272xf32, #tpu.memory_space<vmem_shared>>
          %dma_wait3A_1070 = tpu.memref_slice %arg13[%add3A_1056] : memref<400384xf32, #tpu.memory_space<vmem_shared>> -> memref<6272xf32, #tpu.memory_space<vmem_shared>>
          %dma_wait3A_1071 = arith.constant 0 : i32
          %dma_wait3A_1072 = tpu.memref_slice %arg7[%run_scoped3A, %dma_wait3A_1071] : memref<8x6272xf32, #tpu.memory_space<vmem>> -> memref<1x6272xf32, #tpu.memory_space<vmem>>
          %dma_wait3A_1073 = tpu.memref_squeeze %dma_wait3A_1072 : memref<1x6272xf32, #tpu.memory_space<vmem>> -> memref<6272xf32, #tpu.memory_space<vmem>>
          tpu.wait_dma2 semaphore(%run_scoped3A_1057 : memref<!tpu.dma_semaphore, #tpu.memory_space<semaphore_mem>>) src(%dma_wait3A_1073 : memref<6272xf32, #tpu.memory_space<vmem>>) dst(%dma_wait3A_1070 : memref<6272xf32, #tpu.memory_space<vmem_shared>>)
          tpu.yield
        }) : () -> ()
      } else {
      }
      %eq3A_419 = arith.constant 15 : i32
      %eq3A_420 = arith.cmpi eq, %arg1, %eq3A_419 : i32
      %convert_element_type3A_421 = arith.extui %eq3A_420 : i1 to i32
      %cond3A_422 = arith.constant 0 : i32
      %cond3A_423 = arith.cmpi ne, %convert_element_type3A_421, %cond3A_422 : i32
      scf.if %cond3A_423 {
        %add3A_1055 = arith.constant 0 : i32
        %add3A_1056 = arith.addi %add3A_1055, %mul3A_0 : i32
        %run_scoped3A = arith.constant 4 : i32
        "tpu.region"() ({
          %run_scoped3A_1057 = tpu.sem_alloc : memref<!tpu.dma_semaphore, #tpu.memory_space<semaphore_mem>>
          %dma_start3A_1058 = arith.constant 0 : i32
          %dma_start3A_1059 = tpu.memref_slice %arg7[%run_scoped3A, %dma_start3A_1058] : memref<8x6272xf32, #tpu.memory_space<vmem>> -> memref<1x6016xf32, #tpu.memory_space<vmem>>
          %dma_start3A_1060 = tpu.memref_squeeze %dma_start3A_1059 : memref<1x6016xf32, #tpu.memory_space<vmem>> -> memref<6016xf32, #tpu.memory_space<vmem>>
          %dma_start3A_1061 = tpu.memref_slice %arg13[%add3A_1056] : memref<400384xf32, #tpu.memory_space<vmem_shared>> -> memref<6016xf32, #tpu.memory_space<vmem_shared>>
          %dma_start3A_1062 = tpu.memref_slice %arg13[%add3A_1056] : memref<400384xf32, #tpu.memory_space<vmem_shared>> -> memref<6016xf32, #tpu.memory_space<vmem_shared>>
          %dma_start3A_1063 = arith.constant 0 : i32
          %dma_start3A_1064 = tpu.memref_slice %arg7[%run_scoped3A, %dma_start3A_1063] : memref<8x6272xf32, #tpu.memory_space<vmem>> -> memref<1x6016xf32, #tpu.memory_space<vmem>>
          %dma_start3A_1065 = tpu.memref_squeeze %dma_start3A_1064 : memref<1x6016xf32, #tpu.memory_space<vmem>> -> memref<6016xf32, #tpu.memory_space<vmem>>
          tpu.enqueue_dma source(%dma_start3A_1065 : memref<6016xf32, #tpu.memory_space<vmem>>) target(%dma_start3A_1062 : memref<6016xf32, #tpu.memory_space<vmem_shared>>) target_semaphore(%run_scoped3A_1057 : memref<!tpu.dma_semaphore, #tpu.memory_space<semaphore_mem>>)
          %dma_wait3A_1066 = arith.constant 0 : i32
          %dma_wait3A_1067 = tpu.memref_slice %arg7[%run_scoped3A, %dma_wait3A_1066] : memref<8x6272xf32, #tpu.memory_space<vmem>> -> memref<1x6016xf32, #tpu.memory_space<vmem>>
          %dma_wait3A_1068 = tpu.memref_squeeze %dma_wait3A_1067 : memref<1x6016xf32, #tpu.memory_space<vmem>> -> memref<6016xf32, #tpu.memory_space<vmem>>
          %dma_wait3A_1069 = tpu.memref_slice %arg13[%add3A_1056] : memref<400384xf32, #tpu.memory_space<vmem_shared>> -> memref<6016xf32, #tpu.memory_space<vmem_shared>>
          %dma_wait3A_1070 = tpu.memref_slice %arg13[%add3A_1056] : memref<400384xf32, #tpu.memory_space<vmem_shared>> -> memref<6016xf32, #tpu.memory_space<vmem_shared>>
          %dma_wait3A_1071 = arith.constant 0 : i32
          %dma_wait3A_1072 = tpu.memref_slice %arg7[%run_scoped3A, %dma_wait3A_1071] : memref<8x6272xf32, #tpu.memory_space<vmem>> -> memref<1x6016xf32, #tpu.memory_space<vmem>>
          %dma_wait3A_1073 = tpu.memref_squeeze %dma_wait3A_1072 : memref<1x6016xf32, #tpu.memory_space<vmem>> -> memref<6016xf32, #tpu.memory_space<vmem>>
          tpu.wait_dma2 semaphore(%run_scoped3A_1057 : memref<!tpu.dma_semaphore, #tpu.memory_space<semaphore_mem>>) src(%dma_wait3A_1073 : memref<6016xf32, #tpu.memory_space<vmem>>) dst(%dma_wait3A_1070 : memref<6016xf32, #tpu.memory_space<vmem_shared>>)
          tpu.yield
        }) : () -> ()
      } else {
      }
      %lt3A_424 = arith.constant 15 : i32
      %lt3A_425 = arith.cmpi slt, %arg1, %lt3A_424 : i32
      %convert_element_type3A_426 = arith.extui %lt3A_425 : i1 to i32
      %cond3A_427 = arith.constant 0 : i32
      %cond3A_428 = arith.cmpi ne, %convert_element_type3A_426, %cond3A_427 : i32
      scf.if %cond3A_428 {
        %add3A_1055 = arith.constant 100096 : i32
        %add3A_1056 = arith.addi %add3A_1055, %mul3A_0 : i32
        %run_scoped3A = arith.constant 5 : i32
        "tpu.region"() ({
          %run_scoped3A_1057 = tpu.sem_alloc : memref<!tpu.dma_semaphore, #tpu.memory_space<semaphore_mem>>
          %dma_start3A_1058 = arith.constant 0 : i32
          %dma_start3A_1059 = tpu.memref_slice %arg7[%run_scoped3A, %dma_start3A_1058] : memref<8x6272xf32, #tpu.memory_space<vmem>> -> memref<1x6272xf32, #tpu.memory_space<vmem>>
          %dma_start3A_1060 = tpu.memref_squeeze %dma_start3A_1059 : memref<1x6272xf32, #tpu.memory_space<vmem>> -> memref<6272xf32, #tpu.memory_space<vmem>>
          %dma_start3A_1061 = tpu.memref_slice %arg13[%add3A_1056] : memref<400384xf32, #tpu.memory_space<vmem_shared>> -> memref<6272xf32, #tpu.memory_space<vmem_shared>>
          %dma_start3A_1062 = tpu.memref_slice %arg13[%add3A_1056] : memref<400384xf32, #tpu.memory_space<vmem_shared>> -> memref<6272xf32, #tpu.memory_space<vmem_shared>>
          %dma_start3A_1063 = arith.constant 0 : i32
          %dma_start3A_1064 = tpu.memref_slice %arg7[%run_scoped3A, %dma_start3A_1063] : memref<8x6272xf32, #tpu.memory_space<vmem>> -> memref<1x6272xf32, #tpu.memory_space<vmem>>
          %dma_start3A_1065 = tpu.memref_squeeze %dma_start3A_1064 : memref<1x6272xf32, #tpu.memory_space<vmem>> -> memref<6272xf32, #tpu.memory_space<vmem>>
          tpu.enqueue_dma source(%dma_start3A_1065 : memref<6272xf32, #tpu.memory_space<vmem>>) target(%dma_start3A_1062 : memref<6272xf32, #tpu.memory_space<vmem_shared>>) target_semaphore(%run_scoped3A_1057 : memref<!tpu.dma_semaphore, #tpu.memory_space<semaphore_mem>>)
          %dma_wait3A_1066 = arith.constant 0 : i32
          %dma_wait3A_1067 = tpu.memref_slice %arg7[%run_scoped3A, %dma_wait3A_1066] : memref<8x6272xf32, #tpu.memory_space<vmem>> -> memref<1x6272xf32, #tpu.memory_space<vmem>>
          %dma_wait3A_1068 = tpu.memref_squeeze %dma_wait3A_1067 : memref<1x6272xf32, #tpu.memory_space<vmem>> -> memref<6272xf32, #tpu.memory_space<vmem>>
          %dma_wait3A_1069 = tpu.memref_slice %arg13[%add3A_1056] : memref<400384xf32, #tpu.memory_space<vmem_shared>> -> memref<6272xf32, #tpu.memory_space<vmem_shared>>
          %dma_wait3A_1070 = tpu.memref_slice %arg13[%add3A_1056] : memref<400384xf32, #tpu.memory_space<vmem_shared>> -> memref<6272xf32, #tpu.memory_space<vmem_shared>>
          %dma_wait3A_1071 = arith.constant 0 : i32
          %dma_wait3A_1072 = tpu.memref_slice %arg7[%run_scoped3A, %dma_wait3A_1071] : memref<8x6272xf32, #tpu.memory_space<vmem>> -> memref<1x6272xf32, #tpu.memory_space<vmem>>
          %dma_wait3A_1073 = tpu.memref_squeeze %dma_wait3A_1072 : memref<1x6272xf32, #tpu.memory_space<vmem>> -> memref<6272xf32, #tpu.memory_space<vmem>>
          tpu.wait_dma2 semaphore(%run_scoped3A_1057 : memref<!tpu.dma_semaphore, #tpu.memory_space<semaphore_mem>>) src(%dma_wait3A_1073 : memref<6272xf32, #tpu.memory_space<vmem>>) dst(%dma_wait3A_1070 : memref<6272xf32, #tpu.memory_space<vmem_shared>>)
          tpu.yield
        }) : () -> ()
      } else {
      }
      %eq3A_429 = arith.constant 15 : i32
      %eq3A_430 = arith.cmpi eq, %arg1, %eq3A_429 : i32
      %convert_element_type3A_431 = arith.extui %eq3A_430 : i1 to i32
      %cond3A_432 = arith.constant 0 : i32
      %cond3A_433 = arith.cmpi ne, %convert_element_type3A_431, %cond3A_432 : i32
      scf.if %cond3A_433 {
        %add3A_1055 = arith.constant 100096 : i32
        %add3A_1056 = arith.addi %add3A_1055, %mul3A_0 : i32
        %run_scoped3A = arith.constant 5 : i32
        "tpu.region"() ({
          %run_scoped3A_1057 = tpu.sem_alloc : memref<!tpu.dma_semaphore, #tpu.memory_space<semaphore_mem>>
          %dma_start3A_1058 = arith.constant 0 : i32
          %dma_start3A_1059 = tpu.memref_slice %arg7[%run_scoped3A, %dma_start3A_1058] : memref<8x6272xf32, #tpu.memory_space<vmem>> -> memref<1x6016xf32, #tpu.memory_space<vmem>>
          %dma_start3A_1060 = tpu.memref_squeeze %dma_start3A_1059 : memref<1x6016xf32, #tpu.memory_space<vmem>> -> memref<6016xf32, #tpu.memory_space<vmem>>
          %dma_start3A_1061 = tpu.memref_slice %arg13[%add3A_1056] : memref<400384xf32, #tpu.memory_space<vmem_shared>> -> memref<6016xf32, #tpu.memory_space<vmem_shared>>
          %dma_start3A_1062 = tpu.memref_slice %arg13[%add3A_1056] : memref<400384xf32, #tpu.memory_space<vmem_shared>> -> memref<6016xf32, #tpu.memory_space<vmem_shared>>
          %dma_start3A_1063 = arith.constant 0 : i32
          %dma_start3A_1064 = tpu.memref_slice %arg7[%run_scoped3A, %dma_start3A_1063] : memref<8x6272xf32, #tpu.memory_space<vmem>> -> memref<1x6016xf32, #tpu.memory_space<vmem>>
          %dma_start3A_1065 = tpu.memref_squeeze %dma_start3A_1064 : memref<1x6016xf32, #tpu.memory_space<vmem>> -> memref<6016xf32, #tpu.memory_space<vmem>>
          tpu.enqueue_dma source(%dma_start3A_1065 : memref<6016xf32, #tpu.memory_space<vmem>>) target(%dma_start3A_1062 : memref<6016xf32, #tpu.memory_space<vmem_shared>>) target_semaphore(%run_scoped3A_1057 : memref<!tpu.dma_semaphore, #tpu.memory_space<semaphore_mem>>)
          %dma_wait3A_1066 = arith.constant 0 : i32
          %dma_wait3A_1067 = tpu.memref_slice %arg7[%run_scoped3A, %dma_wait3A_1066] : memref<8x6272xf32, #tpu.memory_space<vmem>> -> memref<1x6016xf32, #tpu.memory_space<vmem>>
          %dma_wait3A_1068 = tpu.memref_squeeze %dma_wait3A_1067 : memref<1x6016xf32, #tpu.memory_space<vmem>> -> memref<6016xf32, #tpu.memory_space<vmem>>
          %dma_wait3A_1069 = tpu.memref_slice %arg13[%add3A_1056] : memref<400384xf32, #tpu.memory_space<vmem_shared>> -> memref<6016xf32, #tpu.memory_space<vmem_shared>>
          %dma_wait3A_1070 = tpu.memref_slice %arg13[%add3A_1056] : memref<400384xf32, #tpu.memory_space<vmem_shared>> -> memref<6016xf32, #tpu.memory_space<vmem_shared>>
          %dma_wait3A_1071 = arith.constant 0 : i32
          %dma_wait3A_1072 = tpu.memref_slice %arg7[%run_scoped3A, %dma_wait3A_1071] : memref<8x6272xf32, #tpu.memory_space<vmem>> -> memref<1x6016xf32, #tpu.memory_space<vmem>>
          %dma_wait3A_1073 = tpu.memref_squeeze %dma_wait3A_1072 : memref<1x6016xf32, #tpu.memory_space<vmem>> -> memref<6016xf32, #tpu.memory_space<vmem>>
          tpu.wait_dma2 semaphore(%run_scoped3A_1057 : memref<!tpu.dma_semaphore, #tpu.memory_space<semaphore_mem>>) src(%dma_wait3A_1073 : memref<6016xf32, #tpu.memory_space<vmem>>) dst(%dma_wait3A_1070 : memref<6016xf32, #tpu.memory_space<vmem_shared>>)
          tpu.yield
        }) : () -> ()
      } else {
      }
      %lt3A_434 = arith.constant 15 : i32
      %lt3A_435 = arith.cmpi slt, %arg1, %lt3A_434 : i32
      %convert_element_type3A_436 = arith.extui %lt3A_435 : i1 to i32
      %cond3A_437 = arith.constant 0 : i32
      %cond3A_438 = arith.cmpi ne, %convert_element_type3A_436, %cond3A_437 : i32
      scf.if %cond3A_438 {
        %add3A_1055 = arith.constant 200192 : i32
        %add3A_1056 = arith.addi %add3A_1055, %mul3A_0 : i32
        %run_scoped3A = arith.constant 6 : i32
        "tpu.region"() ({
          %run_scoped3A_1057 = tpu.sem_alloc : memref<!tpu.dma_semaphore, #tpu.memory_space<semaphore_mem>>
          %dma_start3A_1058 = arith.constant 0 : i32
          %dma_start3A_1059 = tpu.memref_slice %arg7[%run_scoped3A, %dma_start3A_1058] : memref<8x6272xf32, #tpu.memory_space<vmem>> -> memref<1x6272xf32, #tpu.memory_space<vmem>>
          %dma_start3A_1060 = tpu.memref_squeeze %dma_start3A_1059 : memref<1x6272xf32, #tpu.memory_space<vmem>> -> memref<6272xf32, #tpu.memory_space<vmem>>
          %dma_start3A_1061 = tpu.memref_slice %arg13[%add3A_1056] : memref<400384xf32, #tpu.memory_space<vmem_shared>> -> memref<6272xf32, #tpu.memory_space<vmem_shared>>
          %dma_start3A_1062 = tpu.memref_slice %arg13[%add3A_1056] : memref<400384xf32, #tpu.memory_space<vmem_shared>> -> memref<6272xf32, #tpu.memory_space<vmem_shared>>
          %dma_start3A_1063 = arith.constant 0 : i32
          %dma_start3A_1064 = tpu.memref_slice %arg7[%run_scoped3A, %dma_start3A_1063] : memref<8x6272xf32, #tpu.memory_space<vmem>> -> memref<1x6272xf32, #tpu.memory_space<vmem>>
          %dma_start3A_1065 = tpu.memref_squeeze %dma_start3A_1064 : memref<1x6272xf32, #tpu.memory_space<vmem>> -> memref<6272xf32, #tpu.memory_space<vmem>>
          tpu.enqueue_dma source(%dma_start3A_1065 : memref<6272xf32, #tpu.memory_space<vmem>>) target(%dma_start3A_1062 : memref<6272xf32, #tpu.memory_space<vmem_shared>>) target_semaphore(%run_scoped3A_1057 : memref<!tpu.dma_semaphore, #tpu.memory_space<semaphore_mem>>)
          %dma_wait3A_1066 = arith.constant 0 : i32
          %dma_wait3A_1067 = tpu.memref_slice %arg7[%run_scoped3A, %dma_wait3A_1066] : memref<8x6272xf32, #tpu.memory_space<vmem>> -> memref<1x6272xf32, #tpu.memory_space<vmem>>
          %dma_wait3A_1068 = tpu.memref_squeeze %dma_wait3A_1067 : memref<1x6272xf32, #tpu.memory_space<vmem>> -> memref<6272xf32, #tpu.memory_space<vmem>>
          %dma_wait3A_1069 = tpu.memref_slice %arg13[%add3A_1056] : memref<400384xf32, #tpu.memory_space<vmem_shared>> -> memref<6272xf32, #tpu.memory_space<vmem_shared>>
          %dma_wait3A_1070 = tpu.memref_slice %arg13[%add3A_1056] : memref<400384xf32, #tpu.memory_space<vmem_shared>> -> memref<6272xf32, #tpu.memory_space<vmem_shared>>
          %dma_wait3A_1071 = arith.constant 0 : i32
          %dma_wait3A_1072 = tpu.memref_slice %arg7[%run_scoped3A, %dma_wait3A_1071] : memref<8x6272xf32, #tpu.memory_space<vmem>> -> memref<1x6272xf32, #tpu.memory_space<vmem>>
          %dma_wait3A_1073 = tpu.memref_squeeze %dma_wait3A_1072 : memref<1x6272xf32, #tpu.memory_space<vmem>> -> memref<6272xf32, #tpu.memory_space<vmem>>
          tpu.wait_dma2 semaphore(%run_scoped3A_1057 : memref<!tpu.dma_semaphore, #tpu.memory_space<semaphore_mem>>) src(%dma_wait3A_1073 : memref<6272xf32, #tpu.memory_space<vmem>>) dst(%dma_wait3A_1070 : memref<6272xf32, #tpu.memory_space<vmem_shared>>)
          tpu.yield
        }) : () -> ()
      } else {
      }
      %eq3A_439 = arith.constant 15 : i32
      %eq3A_440 = arith.cmpi eq, %arg1, %eq3A_439 : i32
      %convert_element_type3A_441 = arith.extui %eq3A_440 : i1 to i32
      %cond3A_442 = arith.constant 0 : i32
      %cond3A_443 = arith.cmpi ne, %convert_element_type3A_441, %cond3A_442 : i32
      scf.if %cond3A_443 {
        %add3A_1055 = arith.constant 200192 : i32
        %add3A_1056 = arith.addi %add3A_1055, %mul3A_0 : i32
        %run_scoped3A = arith.constant 6 : i32
        "tpu.region"() ({
          %run_scoped3A_1057 = tpu.sem_alloc : memref<!tpu.dma_semaphore, #tpu.memory_space<semaphore_mem>>
          %dma_start3A_1058 = arith.constant 0 : i32
          %dma_start3A_1059 = tpu.memref_slice %arg7[%run_scoped3A, %dma_start3A_1058] : memref<8x6272xf32, #tpu.memory_space<vmem>> -> memref<1x6016xf32, #tpu.memory_space<vmem>>
          %dma_start3A_1060 = tpu.memref_squeeze %dma_start3A_1059 : memref<1x6016xf32, #tpu.memory_space<vmem>> -> memref<6016xf32, #tpu.memory_space<vmem>>
          %dma_start3A_1061 = tpu.memref_slice %arg13[%add3A_1056] : memref<400384xf32, #tpu.memory_space<vmem_shared>> -> memref<6016xf32, #tpu.memory_space<vmem_shared>>
          %dma_start3A_1062 = tpu.memref_slice %arg13[%add3A_1056] : memref<400384xf32, #tpu.memory_space<vmem_shared>> -> memref<6016xf32, #tpu.memory_space<vmem_shared>>
          %dma_start3A_1063 = arith.constant 0 : i32
          %dma_start3A_1064 = tpu.memref_slice %arg7[%run_scoped3A, %dma_start3A_1063] : memref<8x6272xf32, #tpu.memory_space<vmem>> -> memref<1x6016xf32, #tpu.memory_space<vmem>>
          %dma_start3A_1065 = tpu.memref_squeeze %dma_start3A_1064 : memref<1x6016xf32, #tpu.memory_space<vmem>> -> memref<6016xf32, #tpu.memory_space<vmem>>
          tpu.enqueue_dma source(%dma_start3A_1065 : memref<6016xf32, #tpu.memory_space<vmem>>) target(%dma_start3A_1062 : memref<6016xf32, #tpu.memory_space<vmem_shared>>) target_semaphore(%run_scoped3A_1057 : memref<!tpu.dma_semaphore, #tpu.memory_space<semaphore_mem>>)
          %dma_wait3A_1066 = arith.constant 0 : i32
          %dma_wait3A_1067 = tpu.memref_slice %arg7[%run_scoped3A, %dma_wait3A_1066] : memref<8x6272xf32, #tpu.memory_space<vmem>> -> memref<1x6016xf32, #tpu.memory_space<vmem>>
          %dma_wait3A_1068 = tpu.memref_squeeze %dma_wait3A_1067 : memref<1x6016xf32, #tpu.memory_space<vmem>> -> memref<6016xf32, #tpu.memory_space<vmem>>
          %dma_wait3A_1069 = tpu.memref_slice %arg13[%add3A_1056] : memref<400384xf32, #tpu.memory_space<vmem_shared>> -> memref<6016xf32, #tpu.memory_space<vmem_shared>>
          %dma_wait3A_1070 = tpu.memref_slice %arg13[%add3A_1056] : memref<400384xf32, #tpu.memory_space<vmem_shared>> -> memref<6016xf32, #tpu.memory_space<vmem_shared>>
          %dma_wait3A_1071 = arith.constant 0 : i32
          %dma_wait3A_1072 = tpu.memref_slice %arg7[%run_scoped3A, %dma_wait3A_1071] : memref<8x6272xf32, #tpu.memory_space<vmem>> -> memref<1x6016xf32, #tpu.memory_space<vmem>>
          %dma_wait3A_1073 = tpu.memref_squeeze %dma_wait3A_1072 : memref<1x6016xf32, #tpu.memory_space<vmem>> -> memref<6016xf32, #tpu.memory_space<vmem>>
          tpu.wait_dma2 semaphore(%run_scoped3A_1057 : memref<!tpu.dma_semaphore, #tpu.memory_space<semaphore_mem>>) src(%dma_wait3A_1073 : memref<6016xf32, #tpu.memory_space<vmem>>) dst(%dma_wait3A_1070 : memref<6016xf32, #tpu.memory_space<vmem_shared>>)
          tpu.yield
        }) : () -> ()
      } else {
      }
      %lt3A_444 = arith.constant 15 : i32
      %lt3A_445 = arith.cmpi slt, %arg1, %lt3A_444 : i32
      %convert_element_type3A_446 = arith.extui %lt3A_445 : i1 to i32
      %cond3A_447 = arith.constant 0 : i32
      %cond3A_448 = arith.cmpi ne, %convert_element_type3A_446, %cond3A_447 : i32
      scf.if %cond3A_448 {
        %add3A_1055 = arith.constant 300288 : i32
        %add3A_1056 = arith.addi %add3A_1055, %mul3A_0 : i32
        %run_scoped3A = arith.constant 7 : i32
        "tpu.region"() ({
          %run_scoped3A_1057 = tpu.sem_alloc : memref<!tpu.dma_semaphore, #tpu.memory_space<semaphore_mem>>
          %dma_start3A_1058 = arith.constant 0 : i32
          %dma_start3A_1059 = tpu.memref_slice %arg7[%run_scoped3A, %dma_start3A_1058] : memref<8x6272xf32, #tpu.memory_space<vmem>> -> memref<1x6272xf32, #tpu.memory_space<vmem>>
          %dma_start3A_1060 = tpu.memref_squeeze %dma_start3A_1059 : memref<1x6272xf32, #tpu.memory_space<vmem>> -> memref<6272xf32, #tpu.memory_space<vmem>>
          %dma_start3A_1061 = tpu.memref_slice %arg13[%add3A_1056] : memref<400384xf32, #tpu.memory_space<vmem_shared>> -> memref<6272xf32, #tpu.memory_space<vmem_shared>>
          %dma_start3A_1062 = tpu.memref_slice %arg13[%add3A_1056] : memref<400384xf32, #tpu.memory_space<vmem_shared>> -> memref<6272xf32, #tpu.memory_space<vmem_shared>>
          %dma_start3A_1063 = arith.constant 0 : i32
          %dma_start3A_1064 = tpu.memref_slice %arg7[%run_scoped3A, %dma_start3A_1063] : memref<8x6272xf32, #tpu.memory_space<vmem>> -> memref<1x6272xf32, #tpu.memory_space<vmem>>
          %dma_start3A_1065 = tpu.memref_squeeze %dma_start3A_1064 : memref<1x6272xf32, #tpu.memory_space<vmem>> -> memref<6272xf32, #tpu.memory_space<vmem>>
          tpu.enqueue_dma source(%dma_start3A_1065 : memref<6272xf32, #tpu.memory_space<vmem>>) target(%dma_start3A_1062 : memref<6272xf32, #tpu.memory_space<vmem_shared>>) target_semaphore(%run_scoped3A_1057 : memref<!tpu.dma_semaphore, #tpu.memory_space<semaphore_mem>>)
          %dma_wait3A_1066 = arith.constant 0 : i32
          %dma_wait3A_1067 = tpu.memref_slice %arg7[%run_scoped3A, %dma_wait3A_1066] : memref<8x6272xf32, #tpu.memory_space<vmem>> -> memref<1x6272xf32, #tpu.memory_space<vmem>>
          %dma_wait3A_1068 = tpu.memref_squeeze %dma_wait3A_1067 : memref<1x6272xf32, #tpu.memory_space<vmem>> -> memref<6272xf32, #tpu.memory_space<vmem>>
          %dma_wait3A_1069 = tpu.memref_slice %arg13[%add3A_1056] : memref<400384xf32, #tpu.memory_space<vmem_shared>> -> memref<6272xf32, #tpu.memory_space<vmem_shared>>
          %dma_wait3A_1070 = tpu.memref_slice %arg13[%add3A_1056] : memref<400384xf32, #tpu.memory_space<vmem_shared>> -> memref<6272xf32, #tpu.memory_space<vmem_shared>>
          %dma_wait3A_1071 = arith.constant 0 : i32
          %dma_wait3A_1072 = tpu.memref_slice %arg7[%run_scoped3A, %dma_wait3A_1071] : memref<8x6272xf32, #tpu.memory_space<vmem>> -> memref<1x6272xf32, #tpu.memory_space<vmem>>
          %dma_wait3A_1073 = tpu.memref_squeeze %dma_wait3A_1072 : memref<1x6272xf32, #tpu.memory_space<vmem>> -> memref<6272xf32, #tpu.memory_space<vmem>>
          tpu.wait_dma2 semaphore(%run_scoped3A_1057 : memref<!tpu.dma_semaphore, #tpu.memory_space<semaphore_mem>>) src(%dma_wait3A_1073 : memref<6272xf32, #tpu.memory_space<vmem>>) dst(%dma_wait3A_1070 : memref<6272xf32, #tpu.memory_space<vmem_shared>>)
          tpu.yield
        }) : () -> ()
      } else {
      }
      %eq3A_449 = arith.constant 15 : i32
      %eq3A_450 = arith.cmpi eq, %arg1, %eq3A_449 : i32
      %convert_element_type3A_451 = arith.extui %eq3A_450 : i1 to i32
      %cond3A_452 = arith.constant 0 : i32
      %cond3A_453 = arith.cmpi ne, %convert_element_type3A_451, %cond3A_452 : i32
      scf.if %cond3A_453 {
        %add3A_1055 = arith.constant 300288 : i32
        %add3A_1056 = arith.addi %add3A_1055, %mul3A_0 : i32
        %run_scoped3A = arith.constant 7 : i32
        "tpu.region"() ({
          %run_scoped3A_1057 = tpu.sem_alloc : memref<!tpu.dma_semaphore, #tpu.memory_space<semaphore_mem>>
          %dma_start3A_1058 = arith.constant 0 : i32
          %dma_start3A_1059 = tpu.memref_slice %arg7[%run_scoped3A, %dma_start3A_1058] : memref<8x6272xf32, #tpu.memory_space<vmem>> -> memref<1x6016xf32, #tpu.memory_space<vmem>>
          %dma_start3A_1060 = tpu.memref_squeeze %dma_start3A_1059 : memref<1x6016xf32, #tpu.memory_space<vmem>> -> memref<6016xf32, #tpu.memory_space<vmem>>
          %dma_start3A_1061 = tpu.memref_slice %arg13[%add3A_1056] : memref<400384xf32, #tpu.memory_space<vmem_shared>> -> memref<6016xf32, #tpu.memory_space<vmem_shared>>
          %dma_start3A_1062 = tpu.memref_slice %arg13[%add3A_1056] : memref<400384xf32, #tpu.memory_space<vmem_shared>> -> memref<6016xf32, #tpu.memory_space<vmem_shared>>
          %dma_start3A_1063 = arith.constant 0 : i32
          %dma_start3A_1064 = tpu.memref_slice %arg7[%run_scoped3A, %dma_start3A_1063] : memref<8x6272xf32, #tpu.memory_space<vmem>> -> memref<1x6016xf32, #tpu.memory_space<vmem>>
          %dma_start3A_1065 = tpu.memref_squeeze %dma_start3A_1064 : memref<1x6016xf32, #tpu.memory_space<vmem>> -> memref<6016xf32, #tpu.memory_space<vmem>>
          tpu.enqueue_dma source(%dma_start3A_1065 : memref<6016xf32, #tpu.memory_space<vmem>>) target(%dma_start3A_1062 : memref<6016xf32, #tpu.memory_space<vmem_shared>>) target_semaphore(%run_scoped3A_1057 : memref<!tpu.dma_semaphore, #tpu.memory_space<semaphore_mem>>)
          %dma_wait3A_1066 = arith.constant 0 : i32
          %dma_wait3A_1067 = tpu.memref_slice %arg7[%run_scoped3A, %dma_wait3A_1066] : memref<8x6272xf32, #tpu.memory_space<vmem>> -> memref<1x6016xf32, #tpu.memory_space<vmem>>
          %dma_wait3A_1068 = tpu.memref_squeeze %dma_wait3A_1067 : memref<1x6016xf32, #tpu.memory_space<vmem>> -> memref<6016xf32, #tpu.memory_space<vmem>>
          %dma_wait3A_1069 = tpu.memref_slice %arg13[%add3A_1056] : memref<400384xf32, #tpu.memory_space<vmem_shared>> -> memref<6016xf32, #tpu.memory_space<vmem_shared>>
          %dma_wait3A_1070 = tpu.memref_slice %arg13[%add3A_1056] : memref<400384xf32, #tpu.memory_space<vmem_shared>> -> memref<6016xf32, #tpu.memory_space<vmem_shared>>
          %dma_wait3A_1071 = arith.constant 0 : i32
          %dma_wait3A_1072 = tpu.memref_slice %arg7[%run_scoped3A, %dma_wait3A_1071] : memref<8x6272xf32, #tpu.memory_space<vmem>> -> memref<1x6016xf32, #tpu.memory_space<vmem>>
          %dma_wait3A_1073 = tpu.memref_squeeze %dma_wait3A_1072 : memref<1x6016xf32, #tpu.memory_space<vmem>> -> memref<6016xf32, #tpu.memory_space<vmem>>
          tpu.wait_dma2 semaphore(%run_scoped3A_1057 : memref<!tpu.dma_semaphore, #tpu.memory_space<semaphore_mem>>) src(%dma_wait3A_1073 : memref<6016xf32, #tpu.memory_space<vmem>>) dst(%dma_wait3A_1070 : memref<6016xf32, #tpu.memory_space<vmem_shared>>)
          tpu.yield
        }) : () -> ()
      } else {
      }
      %lt3A_454 = arith.constant 15 : i32
      %lt3A_455 = arith.cmpi slt, %arg1, %lt3A_454 : i32
      %convert_element_type3A_456 = arith.extui %lt3A_455 : i1 to i32
      %cond3A_457 = arith.constant 0 : i32
      %cond3A_458 = arith.cmpi ne, %convert_element_type3A_456, %cond3A_457 : i32
      scf.if %cond3A_458 {
        %dma_start3A_1055 = arith.constant 0 : i32
        %dma_start3A_1056 = arith.constant 0 : i32
        %dma_start3A_1057 = tpu.memref_slice %arg7[%dma_start3A_1055, %dma_start3A_1056] : memref<8x6272xf32, #tpu.memory_space<vmem>> -> memref<8x6272xf32, #tpu.memory_space<vmem>>
        %dma_start3A_1058 = arith.constant 16 : i32
        %dma_start3A_1059 = tpu.memref_slice %arg3[%add3A, %dma_start3A_1058, %mul3A_0] : memref<26x32x100000xf32, #tpu.memory_space<hbm>> -> memref<1x8x6272xf32, #tpu.memory_space<hbm>>
        %dma_start3A_1060 = tpu.memref_squeeze %dma_start3A_1059 : memref<1x8x6272xf32, #tpu.memory_space<hbm>> -> memref<8x6272xf32, #tpu.memory_space<hbm>>
        %dma_start3A_1061 = arith.constant 0 : i32
        %dma_start3A_1062 = arith.constant 0 : i32
        %dma_start3A_1063 = tpu.memref_slice %arg7[%dma_start3A_1061, %dma_start3A_1062] : memref<8x6272xf32, #tpu.memory_space<vmem>> -> memref<8x6272xf32, #tpu.memory_space<vmem>>
        %dma_start3A_1064 = arith.constant 16 : i32
        %dma_start3A_1065 = tpu.memref_slice %arg3[%add3A, %dma_start3A_1064, %mul3A_0] : memref<26x32x100000xf32, #tpu.memory_space<hbm>> -> memref<1x8x6272xf32, #tpu.memory_space<hbm>>
        %dma_start3A_1066 = tpu.memref_squeeze %dma_start3A_1065 : memref<1x8x6272xf32, #tpu.memory_space<hbm>> -> memref<8x6272xf32, #tpu.memory_space<hbm>>
        tpu.enqueue_dma source(%dma_start3A_1066 : memref<8x6272xf32, #tpu.memory_space<hbm>>) target(%dma_start3A_1063 : memref<8x6272xf32, #tpu.memory_space<vmem>>) target_semaphore(%arg14 : memref<!tpu.dma_semaphore, #tpu.memory_space<semaphore_mem>>)
      } else {
      }
      %eq3A_459 = arith.constant 15 : i32
      %eq3A_460 = arith.cmpi eq, %arg1, %eq3A_459 : i32
      %convert_element_type3A_461 = arith.extui %eq3A_460 : i1 to i32
      %cond3A_462 = arith.constant 0 : i32
      %cond3A_463 = arith.cmpi ne, %convert_element_type3A_461, %cond3A_462 : i32
      scf.if %cond3A_463 {
        %dma_start3A_1055 = arith.constant 0 : i32
        %dma_start3A_1056 = arith.constant 0 : i32
        %dma_start3A_1057 = tpu.memref_slice %arg7[%dma_start3A_1055, %dma_start3A_1056] : memref<8x6272xf32, #tpu.memory_space<vmem>> -> memref<8x5888xf32, #tpu.memory_space<vmem>>
        %dma_start3A_1058 = arith.constant 16 : i32
        %dma_start3A_1059 = tpu.memref_slice %arg3[%add3A, %dma_start3A_1058, %mul3A_0] : memref<26x32x100000xf32, #tpu.memory_space<hbm>> -> memref<1x8x5888xf32, #tpu.memory_space<hbm>>
        %dma_start3A_1060 = tpu.memref_squeeze %dma_start3A_1059 : memref<1x8x5888xf32, #tpu.memory_space<hbm>> -> memref<8x5888xf32, #tpu.memory_space<hbm>>
        %dma_start3A_1061 = arith.constant 0 : i32
        %dma_start3A_1062 = arith.constant 0 : i32
        %dma_start3A_1063 = tpu.memref_slice %arg7[%dma_start3A_1061, %dma_start3A_1062] : memref<8x6272xf32, #tpu.memory_space<vmem>> -> memref<8x5888xf32, #tpu.memory_space<vmem>>
        %dma_start3A_1064 = arith.constant 16 : i32
        %dma_start3A_1065 = tpu.memref_slice %arg3[%add3A, %dma_start3A_1064, %mul3A_0] : memref<26x32x100000xf32, #tpu.memory_space<hbm>> -> memref<1x8x5888xf32, #tpu.memory_space<hbm>>
        %dma_start3A_1066 = tpu.memref_squeeze %dma_start3A_1065 : memref<1x8x5888xf32, #tpu.memory_space<hbm>> -> memref<8x5888xf32, #tpu.memory_space<hbm>>
        tpu.enqueue_dma source(%dma_start3A_1066 : memref<8x5888xf32, #tpu.memory_space<hbm>>) target(%dma_start3A_1063 : memref<8x5888xf32, #tpu.memory_space<vmem>>) target_semaphore(%arg14 : memref<!tpu.dma_semaphore, #tpu.memory_space<semaphore_mem>>)
        %dma_start3A_1067 = arith.constant 0 : i32
        %dma_start3A_1068 = arith.constant 5888 : i32
        %dma_start3A_1069 = tpu.memref_slice %arg7[%dma_start3A_1067, %dma_start3A_1068] : memref<8x6272xf32, #tpu.memory_space<vmem>> -> memref<8x128xf32, #tpu.memory_space<vmem>>
        %dma_start3A_1070 = arith.constant 16 : i32
        %dma_start3A_1071 = arith.constant 0 : i32
        %dma_start3A_1072 = tpu.memref_slice %arg4[%add3A, %dma_start3A_1070, %dma_start3A_1071] : memref<26x32x128xf32, #tpu.memory_space<hbm>> -> memref<1x8x128xf32, #tpu.memory_space<hbm>>
        %dma_start3A_1073 = tpu.memref_squeeze %dma_start3A_1072 : memref<1x8x128xf32, #tpu.memory_space<hbm>> -> memref<8x128xf32, #tpu.memory_space<hbm>>
        %dma_start3A_1074 = arith.constant 0 : i32
        %dma_start3A_1075 = arith.constant 5888 : i32
        %dma_start3A_1076 = tpu.memref_slice %arg7[%dma_start3A_1074, %dma_start3A_1075] : memref<8x6272xf32, #tpu.memory_space<vmem>> -> memref<8x128xf32, #tpu.memory_space<vmem>>
        %dma_start3A_1077 = arith.constant 16 : i32
        %dma_start3A_1078 = arith.constant 0 : i32
        %dma_start3A_1079 = tpu.memref_slice %arg4[%add3A, %dma_start3A_1077, %dma_start3A_1078] : memref<26x32x128xf32, #tpu.memory_space<hbm>> -> memref<1x8x128xf32, #tpu.memory_space<hbm>>
        %dma_start3A_1080 = tpu.memref_squeeze %dma_start3A_1079 : memref<1x8x128xf32, #tpu.memory_space<hbm>> -> memref<8x128xf32, #tpu.memory_space<hbm>>
        tpu.enqueue_dma source(%dma_start3A_1080 : memref<8x128xf32, #tpu.memory_space<hbm>>) target(%dma_start3A_1076 : memref<8x128xf32, #tpu.memory_space<vmem>>) target_semaphore(%arg14 : memref<!tpu.dma_semaphore, #tpu.memory_space<semaphore_mem>>)
      } else {
      }
      %barrier3A_464 = arith.constant 0 : index
      tpu.barrier barrier_id(%barrier3A_464)
      %dma_start3A_465 = arith.constant 0 : i32
      %dma_start3A_466 = tpu.memref_slice %arg13[%dma_start3A_465] : memref<400384xf32, #tpu.memory_space<vmem_shared>> -> memref<400384xf32, #tpu.memory_space<vmem_shared>>
      tpu.enqueue_indirect_dma source(%dma_start3A_466 : memref<400384xf32, #tpu.memory_space<vmem_shared>>) target(%arg10 : memref<4096xf32, #tpu.memory_space<vmem>>) offsets(%arg9 : memref<4096xi32, #tpu.memory_space<vmem>>) semaphore(%arg15 : memref<!tpu.dma_semaphore, #tpu.memory_space<semaphore_mem>>)
      %dma_wait3A_467 = arith.constant 0 : i32
      %dma_wait3A_468 = tpu.memref_slice %arg13[%dma_wait3A_467] : memref<400384xf32, #tpu.memory_space<vmem_shared>> -> memref<400384xf32, #tpu.memory_space<vmem_shared>>
      tpu.wait_indirect_dma semaphore(%arg15 : memref<!tpu.dma_semaphore, #tpu.memory_space<semaphore_mem>>) src(%dma_wait3A_468 : memref<400384xf32, #tpu.memory_space<vmem_shared>>) dst(%arg10 : memref<4096xf32, #tpu.memory_space<vmem>>)
      %mul3A_469 = arith.constant 32 : i32
      %mul3A_470 = arith.muli %scan3A_19, %mul3A_469 : i32
      %add3A_471 = arith.constant 8 : i32
      %add3A_472 = arith.addi %mul3A_470, %add3A_471 : i32
      %add3A_473 = arith.constant 4 : i32
      %add3A_474 = arith.addi %add3A_472, %add3A_473 : i32
      %add3A_475 = arith.constant 0 : i32
      %add3A_476 = arith.addi %add3A_474, %add3A_475 : i32
      %mul3A_477 = arith.constant 16 : i32
      %mul3A_478 = arith.muli %add3A_476, %mul3A_477 : i32
      %get3A_479 = arith.index_cast %mul3A_478 : i32 to index
      %get3A_480 = tpu.vector_load %arg12[%get3A_479] {strides = array<i32>} : memref<6656xf32, #tpu.memory_space<vmem>>, vector<16xf32>,
      %get3A_481 = vector.shape_cast %get3A_480 : vector<16xf32> to vector<16xf32>
      %scan3A_482 = arith.constant 0 : i32
      %scan3A_483 = arith.constant 64 : i32
      %scan3A_484 = arith.addi %scan3A_482, %scan3A_483 : i32
      %scan3A_485 = arith.constant 1 : i32
      scf.for %scan3A_1055 = %scan3A_482 to %scan3A_484 step %scan3A_485  : i32 {
        %mul3A_1056 = arith.constant 16 : i32
        %mul3A_1057 = arith.muli %scan3A_1055, %mul3A_1056 : i32
        %mul3A_1058 = arith.constant 16 : i32
        %mul3A_1059 = arith.muli %scan3A_1055, %mul3A_1058 : i32
        %add3A_1060 = arith.constant 0 : i32
        %add3A_1061 = arith.addi %add3A_1060, %mul3A_1059 : i32
        %get3A_1062 = arith.index_cast %add3A_1061 : i32 to index
        %get3A_1063 = tpu.vector_load %arg10[%get3A_1062] {strides = array<i32>} : memref<4096xf32, #tpu.memory_space<vmem>>, vector<16xf32>,
        %get3A_1064 = vector.shape_cast %get3A_1063 : vector<16xf32> to vector<16xf32>
        %add3A_1065 = arith.addf %get3A_1064, %get3A_481 : vector<16xf32>
        %swap3A = arith.constant 4 : i32
        %swap3A_1066 = arith.index_cast %swap3A : i32 to index
        %swap3A_1067 = arith.index_cast %mul3A_1057 : i32 to index
        %swap3A_1068 = tpu.vector_load %arg11[%swap3A_1066, %swap3A_1067] {strides = array<i32>} : memref<8x1024xf32, #tpu.memory_space<vmem>>, vector<1x16xf32>,
        %swap3A_1069 = vector.shape_cast %swap3A_1068 : vector<1x16xf32> to vector<16xf32>
        %swap3A_1070 = vector.shape_cast %add3A_1065 : vector<16xf32> to vector<1x16xf32>
        tpu.vector_store %arg11[%swap3A_1066, %swap3A_1067], %swap3A_1070 {strides = array<i32>} : memref<8x1024xf32, #tpu.memory_space<vmem>>, vector<1x16xf32>,
      }
      %scan3A_486 = arith.constant 64 : i32
      %mul3A_487 = arith.constant 32 : i32
      %mul3A_488 = arith.muli %scan3A_19, %mul3A_487 : i32
      %add3A_489 = arith.constant 8 : i32
      %add3A_490 = arith.addi %mul3A_488, %add3A_489 : i32
      %add3A_491 = arith.constant 4 : i32
      %add3A_492 = arith.addi %add3A_490, %add3A_491 : i32
      %add3A_493 = arith.constant 1 : i32
      %add3A_494 = arith.addi %add3A_492, %add3A_493 : i32
      %mul3A_495 = arith.constant 16 : i32
      %mul3A_496 = arith.muli %add3A_494, %mul3A_495 : i32
      %get3A_497 = arith.index_cast %mul3A_496 : i32 to index
      %get3A_498 = tpu.vector_load %arg12[%get3A_497] {strides = array<i32>} : memref<6656xf32, #tpu.memory_space<vmem>>, vector<16xf32>,
      %get3A_499 = vector.shape_cast %get3A_498 : vector<16xf32> to vector<16xf32>
      %scan3A_500 = arith.constant 0 : i32
      %scan3A_501 = arith.constant 64 : i32
      %scan3A_502 = arith.addi %scan3A_500, %scan3A_501 : i32
      %scan3A_503 = arith.constant 1 : i32
      scf.for %scan3A_1055 = %scan3A_500 to %scan3A_502 step %scan3A_503  : i32 {
        %mul3A_1056 = arith.constant 16 : i32
        %mul3A_1057 = arith.muli %scan3A_1055, %mul3A_1056 : i32
        %mul3A_1058 = arith.constant 16 : i32
        %mul3A_1059 = arith.muli %scan3A_1055, %mul3A_1058 : i32
        %add3A_1060 = arith.constant 1024 : i32
        %add3A_1061 = arith.addi %add3A_1060, %mul3A_1059 : i32
        %get3A_1062 = arith.index_cast %add3A_1061 : i32 to index
        %get3A_1063 = tpu.vector_load %arg10[%get3A_1062] {strides = array<i32>} : memref<4096xf32, #tpu.memory_space<vmem>>, vector<16xf32>,
        %get3A_1064 = vector.shape_cast %get3A_1063 : vector<16xf32> to vector<16xf32>
        %add3A_1065 = arith.addf %get3A_1064, %get3A_499 : vector<16xf32>
        %swap3A = arith.constant 5 : i32
        %swap3A_1066 = arith.index_cast %swap3A : i32 to index
        %swap3A_1067 = arith.index_cast %mul3A_1057 : i32 to index
        %swap3A_1068 = tpu.vector_load %arg11[%swap3A_1066, %swap3A_1067] {strides = array<i32>} : memref<8x1024xf32, #tpu.memory_space<vmem>>, vector<1x16xf32>,
        %swap3A_1069 = vector.shape_cast %swap3A_1068 : vector<1x16xf32> to vector<16xf32>
        %swap3A_1070 = vector.shape_cast %add3A_1065 : vector<16xf32> to vector<1x16xf32>
        tpu.vector_store %arg11[%swap3A_1066, %swap3A_1067], %swap3A_1070 {strides = array<i32>} : memref<8x1024xf32, #tpu.memory_space<vmem>>, vector<1x16xf32>,
      }
      %scan3A_504 = arith.constant 64 : i32
      %mul3A_505 = arith.constant 32 : i32
      %mul3A_506 = arith.muli %scan3A_19, %mul3A_505 : i32
      %add3A_507 = arith.constant 8 : i32
      %add3A_508 = arith.addi %mul3A_506, %add3A_507 : i32
      %add3A_509 = arith.constant 4 : i32
      %add3A_510 = arith.addi %add3A_508, %add3A_509 : i32
      %add3A_511 = arith.constant 2 : i32
      %add3A_512 = arith.addi %add3A_510, %add3A_511 : i32
      %mul3A_513 = arith.constant 16 : i32
      %mul3A_514 = arith.muli %add3A_512, %mul3A_513 : i32
      %get3A_515 = arith.index_cast %mul3A_514 : i32 to index
      %get3A_516 = tpu.vector_load %arg12[%get3A_515] {strides = array<i32>} : memref<6656xf32, #tpu.memory_space<vmem>>, vector<16xf32>,
      %get3A_517 = vector.shape_cast %get3A_516 : vector<16xf32> to vector<16xf32>
      %scan3A_518 = arith.constant 0 : i32
      %scan3A_519 = arith.constant 64 : i32
      %scan3A_520 = arith.addi %scan3A_518, %scan3A_519 : i32
      %scan3A_521 = arith.constant 1 : i32
      scf.for %scan3A_1055 = %scan3A_518 to %scan3A_520 step %scan3A_521  : i32 {
        %mul3A_1056 = arith.constant 16 : i32
        %mul3A_1057 = arith.muli %scan3A_1055, %mul3A_1056 : i32
        %mul3A_1058 = arith.constant 16 : i32
        %mul3A_1059 = arith.muli %scan3A_1055, %mul3A_1058 : i32
        %add3A_1060 = arith.constant 2048 : i32
        %add3A_1061 = arith.addi %add3A_1060, %mul3A_1059 : i32
        %get3A_1062 = arith.index_cast %add3A_1061 : i32 to index
        %get3A_1063 = tpu.vector_load %arg10[%get3A_1062] {strides = array<i32>} : memref<4096xf32, #tpu.memory_space<vmem>>, vector<16xf32>,
        %get3A_1064 = vector.shape_cast %get3A_1063 : vector<16xf32> to vector<16xf32>
        %add3A_1065 = arith.addf %get3A_1064, %get3A_517 : vector<16xf32>
        %swap3A = arith.constant 6 : i32
        %swap3A_1066 = arith.index_cast %swap3A : i32 to index
        %swap3A_1067 = arith.index_cast %mul3A_1057 : i32 to index
        %swap3A_1068 = tpu.vector_load %arg11[%swap3A_1066, %swap3A_1067] {strides = array<i32>} : memref<8x1024xf32, #tpu.memory_space<vmem>>, vector<1x16xf32>,
        %swap3A_1069 = vector.shape_cast %swap3A_1068 : vector<1x16xf32> to vector<16xf32>
        %swap3A_1070 = vector.shape_cast %add3A_1065 : vector<16xf32> to vector<1x16xf32>
        tpu.vector_store %arg11[%swap3A_1066, %swap3A_1067], %swap3A_1070 {strides = array<i32>} : memref<8x1024xf32, #tpu.memory_space<vmem>>, vector<1x16xf32>,
      }
      %scan3A_522 = arith.constant 64 : i32
      %mul3A_523 = arith.constant 32 : i32
      %mul3A_524 = arith.muli %scan3A_19, %mul3A_523 : i32
      %add3A_525 = arith.constant 8 : i32
      %add3A_526 = arith.addi %mul3A_524, %add3A_525 : i32
      %add3A_527 = arith.constant 4 : i32
      %add3A_528 = arith.addi %add3A_526, %add3A_527 : i32
      %add3A_529 = arith.constant 3 : i32
      %add3A_530 = arith.addi %add3A_528, %add3A_529 : i32
      %mul3A_531 = arith.constant 16 : i32
      %mul3A_532 = arith.muli %add3A_530, %mul3A_531 : i32
      %get3A_533 = arith.index_cast %mul3A_532 : i32 to index
      %get3A_534 = tpu.vector_load %arg12[%get3A_533] {strides = array<i32>} : memref<6656xf32, #tpu.memory_space<vmem>>, vector<16xf32>,
      %get3A_535 = vector.shape_cast %get3A_534 : vector<16xf32> to vector<16xf32>
      %scan3A_536 = arith.constant 0 : i32
      %scan3A_537 = arith.constant 64 : i32
      %scan3A_538 = arith.addi %scan3A_536, %scan3A_537 : i32
      %scan3A_539 = arith.constant 1 : i32
      scf.for %scan3A_1055 = %scan3A_536 to %scan3A_538 step %scan3A_539  : i32 {
        %mul3A_1056 = arith.constant 16 : i32
        %mul3A_1057 = arith.muli %scan3A_1055, %mul3A_1056 : i32
        %mul3A_1058 = arith.constant 16 : i32
        %mul3A_1059 = arith.muli %scan3A_1055, %mul3A_1058 : i32
        %add3A_1060 = arith.constant 3072 : i32
        %add3A_1061 = arith.addi %add3A_1060, %mul3A_1059 : i32
        %get3A_1062 = arith.index_cast %add3A_1061 : i32 to index
        %get3A_1063 = tpu.vector_load %arg10[%get3A_1062] {strides = array<i32>} : memref<4096xf32, #tpu.memory_space<vmem>>, vector<16xf32>,
        %get3A_1064 = vector.shape_cast %get3A_1063 : vector<16xf32> to vector<16xf32>
        %add3A_1065 = arith.addf %get3A_1064, %get3A_535 : vector<16xf32>
        %swap3A = arith.constant 7 : i32
        %swap3A_1066 = arith.index_cast %swap3A : i32 to index
        %swap3A_1067 = arith.index_cast %mul3A_1057 : i32 to index
        %swap3A_1068 = tpu.vector_load %arg11[%swap3A_1066, %swap3A_1067] {strides = array<i32>} : memref<8x1024xf32, #tpu.memory_space<vmem>>, vector<1x16xf32>,
        %swap3A_1069 = vector.shape_cast %swap3A_1068 : vector<1x16xf32> to vector<16xf32>
        %swap3A_1070 = vector.shape_cast %add3A_1065 : vector<16xf32> to vector<1x16xf32>
        tpu.vector_store %arg11[%swap3A_1066, %swap3A_1067], %swap3A_1070 {strides = array<i32>} : memref<8x1024xf32, #tpu.memory_space<vmem>>, vector<1x16xf32>,
      }
      %scan3A_540 = arith.constant 64 : i32
      %barrier3A_541 = arith.constant 0 : index
      tpu.barrier barrier_id(%barrier3A_541)
      %mul3A_542 = arith.constant 1024 : i32
      %mul3A_543 = arith.muli %arg1, %mul3A_542 : i32
      "tpu.region"() ({
        %run_scoped3A = tpu.sem_alloc : memref<!tpu.dma_semaphore, #tpu.memory_space<semaphore_mem>>
        %dma_start3A_1055 = arith.constant 8 : i32
        %dma_start3A_1056 = tpu.memref_slice %arg6[%add3A, %dma_start3A_1055, %mul3A_543] : memref<26x32x16384xf32, #tpu.memory_space<hbm>> -> memref<1x8x1024xf32, #tpu.memory_space<hbm>>
        %dma_start3A_1057 = tpu.memref_squeeze %dma_start3A_1056 : memref<1x8x1024xf32, #tpu.memory_space<hbm>> -> memref<8x1024xf32, #tpu.memory_space<hbm>>
        %dma_start3A_1058 = arith.constant 8 : i32
        %dma_start3A_1059 = tpu.memref_slice %arg6[%add3A, %dma_start3A_1058, %mul3A_543] : memref<26x32x16384xf32, #tpu.memory_space<hbm>> -> memref<1x8x1024xf32, #tpu.memory_space<hbm>>
        %dma_start3A_1060 = tpu.memref_squeeze %dma_start3A_1059 : memref<1x8x1024xf32, #tpu.memory_space<hbm>> -> memref<8x1024xf32, #tpu.memory_space<hbm>>
        tpu.enqueue_dma source(%arg11 : memref<8x1024xf32, #tpu.memory_space<vmem>>) target(%dma_start3A_1060 : memref<8x1024xf32, #tpu.memory_space<hbm>>) target_semaphore(%run_scoped3A : memref<!tpu.dma_semaphore, #tpu.memory_space<semaphore_mem>>)
        %dma_wait3A_1061 = arith.constant 8 : i32
        %dma_wait3A_1062 = tpu.memref_slice %arg6[%add3A, %dma_wait3A_1061, %mul3A_543] : memref<26x32x16384xf32, #tpu.memory_space<hbm>> -> memref<1x8x1024xf32, #tpu.memory_space<hbm>>
        %dma_wait3A_1063 = tpu.memref_squeeze %dma_wait3A_1062 : memref<1x8x1024xf32, #tpu.memory_space<hbm>> -> memref<8x1024xf32, #tpu.memory_space<hbm>>
        %dma_wait3A_1064 = arith.constant 8 : i32
        %dma_wait3A_1065 = tpu.memref_slice %arg6[%add3A, %dma_wait3A_1064, %mul3A_543] : memref<26x32x16384xf32, #tpu.memory_space<hbm>> -> memref<1x8x1024xf32, #tpu.memory_space<hbm>>
        %dma_wait3A_1066 = tpu.memref_squeeze %dma_wait3A_1065 : memref<1x8x1024xf32, #tpu.memory_space<hbm>> -> memref<8x1024xf32, #tpu.memory_space<hbm>>
        tpu.wait_dma2 semaphore(%run_scoped3A : memref<!tpu.dma_semaphore, #tpu.memory_space<semaphore_mem>>) src(%arg11 : memref<8x1024xf32, #tpu.memory_space<vmem>>) dst(%dma_wait3A_1066 : memref<8x1024xf32, #tpu.memory_space<hbm>>)
        tpu.yield
      }) : () -> ()
      %lt3A_544 = arith.constant 15 : i32
      %lt3A_545 = arith.cmpi slt, %arg1, %lt3A_544 : i32
      %convert_element_type3A_546 = arith.extui %lt3A_545 : i1 to i32
      %cond3A_547 = arith.constant 0 : i32
      %cond3A_548 = arith.cmpi ne, %convert_element_type3A_546, %cond3A_547 : i32
      scf.if %cond3A_548 {
        %dma_wait3A_1055 = arith.constant 0 : i32
        %dma_wait3A_1056 = arith.constant 0 : i32
        %dma_wait3A_1057 = tpu.memref_slice %arg7[%dma_wait3A_1055, %dma_wait3A_1056] : memref<8x6272xf32, #tpu.memory_space<vmem>> -> memref<8x6272xf32, #tpu.memory_space<vmem>>
        %dma_wait3A_1058 = arith.constant 16 : i32
        %dma_wait3A_1059 = tpu.memref_slice %arg3[%add3A, %dma_wait3A_1058, %mul3A_0] : memref<26x32x100000xf32, #tpu.memory_space<hbm>> -> memref<1x8x6272xf32, #tpu.memory_space<hbm>>
        %dma_wait3A_1060 = tpu.memref_squeeze %dma_wait3A_1059 : memref<1x8x6272xf32, #tpu.memory_space<hbm>> -> memref<8x6272xf32, #tpu.memory_space<hbm>>
        %dma_wait3A_1061 = arith.constant 0 : i32
        %dma_wait3A_1062 = arith.constant 0 : i32
        %dma_wait3A_1063 = tpu.memref_slice %arg7[%dma_wait3A_1061, %dma_wait3A_1062] : memref<8x6272xf32, #tpu.memory_space<vmem>> -> memref<8x6272xf32, #tpu.memory_space<vmem>>
        %dma_wait3A_1064 = arith.constant 16 : i32
        %dma_wait3A_1065 = tpu.memref_slice %arg3[%add3A, %dma_wait3A_1064, %mul3A_0] : memref<26x32x100000xf32, #tpu.memory_space<hbm>> -> memref<1x8x6272xf32, #tpu.memory_space<hbm>>
        %dma_wait3A_1066 = tpu.memref_squeeze %dma_wait3A_1065 : memref<1x8x6272xf32, #tpu.memory_space<hbm>> -> memref<8x6272xf32, #tpu.memory_space<hbm>>
        tpu.wait_dma2 semaphore(%arg14 : memref<!tpu.dma_semaphore, #tpu.memory_space<semaphore_mem>>) src(%dma_wait3A_1066 : memref<8x6272xf32, #tpu.memory_space<hbm>>) dst(%dma_wait3A_1063 : memref<8x6272xf32, #tpu.memory_space<vmem>>)
      } else {
      }
      %eq3A_549 = arith.constant 15 : i32
      %eq3A_550 = arith.cmpi eq, %arg1, %eq3A_549 : i32
      %convert_element_type3A_551 = arith.extui %eq3A_550 : i1 to i32
      %cond3A_552 = arith.constant 0 : i32
      %cond3A_553 = arith.cmpi ne, %convert_element_type3A_551, %cond3A_552 : i32
      scf.if %cond3A_553 {
        %dma_wait3A_1055 = arith.constant 0 : i32
        %dma_wait3A_1056 = arith.constant 0 : i32
        %dma_wait3A_1057 = tpu.memref_slice %arg7[%dma_wait3A_1055, %dma_wait3A_1056] : memref<8x6272xf32, #tpu.memory_space<vmem>> -> memref<8x5888xf32, #tpu.memory_space<vmem>>
        %dma_wait3A_1058 = arith.constant 16 : i32
        %dma_wait3A_1059 = tpu.memref_slice %arg3[%add3A, %dma_wait3A_1058, %mul3A_0] : memref<26x32x100000xf32, #tpu.memory_space<hbm>> -> memref<1x8x5888xf32, #tpu.memory_space<hbm>>
        %dma_wait3A_1060 = tpu.memref_squeeze %dma_wait3A_1059 : memref<1x8x5888xf32, #tpu.memory_space<hbm>> -> memref<8x5888xf32, #tpu.memory_space<hbm>>
        %dma_wait3A_1061 = arith.constant 0 : i32
        %dma_wait3A_1062 = arith.constant 0 : i32
        %dma_wait3A_1063 = tpu.memref_slice %arg7[%dma_wait3A_1061, %dma_wait3A_1062] : memref<8x6272xf32, #tpu.memory_space<vmem>> -> memref<8x5888xf32, #tpu.memory_space<vmem>>
        %dma_wait3A_1064 = arith.constant 16 : i32
        %dma_wait3A_1065 = tpu.memref_slice %arg3[%add3A, %dma_wait3A_1064, %mul3A_0] : memref<26x32x100000xf32, #tpu.memory_space<hbm>> -> memref<1x8x5888xf32, #tpu.memory_space<hbm>>
        %dma_wait3A_1066 = tpu.memref_squeeze %dma_wait3A_1065 : memref<1x8x5888xf32, #tpu.memory_space<hbm>> -> memref<8x5888xf32, #tpu.memory_space<hbm>>
        tpu.wait_dma2 semaphore(%arg14 : memref<!tpu.dma_semaphore, #tpu.memory_space<semaphore_mem>>) src(%dma_wait3A_1066 : memref<8x5888xf32, #tpu.memory_space<hbm>>) dst(%dma_wait3A_1063 : memref<8x5888xf32, #tpu.memory_space<vmem>>)
        %dma_wait3A_1067 = arith.constant 0 : i32
        %dma_wait3A_1068 = arith.constant 5888 : i32
        %dma_wait3A_1069 = tpu.memref_slice %arg7[%dma_wait3A_1067, %dma_wait3A_1068] : memref<8x6272xf32, #tpu.memory_space<vmem>> -> memref<8x128xf32, #tpu.memory_space<vmem>>
        %dma_wait3A_1070 = arith.constant 16 : i32
        %dma_wait3A_1071 = arith.constant 0 : i32
        %dma_wait3A_1072 = tpu.memref_slice %arg4[%add3A, %dma_wait3A_1070, %dma_wait3A_1071] : memref<26x32x128xf32, #tpu.memory_space<hbm>> -> memref<1x8x128xf32, #tpu.memory_space<hbm>>
        %dma_wait3A_1073 = tpu.memref_squeeze %dma_wait3A_1072 : memref<1x8x128xf32, #tpu.memory_space<hbm>> -> memref<8x128xf32, #tpu.memory_space<hbm>>
        %dma_wait3A_1074 = arith.constant 0 : i32
        %dma_wait3A_1075 = arith.constant 5888 : i32
        %dma_wait3A_1076 = tpu.memref_slice %arg7[%dma_wait3A_1074, %dma_wait3A_1075] : memref<8x6272xf32, #tpu.memory_space<vmem>> -> memref<8x128xf32, #tpu.memory_space<vmem>>
        %dma_wait3A_1077 = arith.constant 16 : i32
        %dma_wait3A_1078 = arith.constant 0 : i32
        %dma_wait3A_1079 = tpu.memref_slice %arg4[%add3A, %dma_wait3A_1077, %dma_wait3A_1078] : memref<26x32x128xf32, #tpu.memory_space<hbm>> -> memref<1x8x128xf32, #tpu.memory_space<hbm>>
        %dma_wait3A_1080 = tpu.memref_squeeze %dma_wait3A_1079 : memref<1x8x128xf32, #tpu.memory_space<hbm>> -> memref<8x128xf32, #tpu.memory_space<hbm>>
        tpu.wait_dma2 semaphore(%arg14 : memref<!tpu.dma_semaphore, #tpu.memory_space<semaphore_mem>>) src(%dma_wait3A_1080 : memref<8x128xf32, #tpu.memory_space<hbm>>) dst(%dma_wait3A_1076 : memref<8x128xf32, #tpu.memory_space<vmem>>)
      } else {
      }
      %lt3A_554 = arith.constant 15 : i32
      %lt3A_555 = arith.cmpi slt, %arg1, %lt3A_554 : i32
      %convert_element_type3A_556 = arith.extui %lt3A_555 : i1 to i32
      %cond3A_557 = arith.constant 0 : i32
      %cond3A_558 = arith.cmpi ne, %convert_element_type3A_556, %cond3A_557 : i32
      scf.if %cond3A_558 {
        %add3A_1055 = arith.constant 0 : i32
        %add3A_1056 = arith.addi %add3A_1055, %mul3A_0 : i32
        %run_scoped3A = arith.constant 0 : i32
        "tpu.region"() ({
          %run_scoped3A_1057 = tpu.sem_alloc : memref<!tpu.dma_semaphore, #tpu.memory_space<semaphore_mem>>
          %dma_start3A_1058 = arith.constant 0 : i32
          %dma_start3A_1059 = tpu.memref_slice %arg7[%run_scoped3A, %dma_start3A_1058] : memref<8x6272xf32, #tpu.memory_space<vmem>> -> memref<1x6272xf32, #tpu.memory_space<vmem>>
          %dma_start3A_1060 = tpu.memref_squeeze %dma_start3A_1059 : memref<1x6272xf32, #tpu.memory_space<vmem>> -> memref<6272xf32, #tpu.memory_space<vmem>>
          %dma_start3A_1061 = tpu.memref_slice %arg13[%add3A_1056] : memref<400384xf32, #tpu.memory_space<vmem_shared>> -> memref<6272xf32, #tpu.memory_space<vmem_shared>>
          %dma_start3A_1062 = tpu.memref_slice %arg13[%add3A_1056] : memref<400384xf32, #tpu.memory_space<vmem_shared>> -> memref<6272xf32, #tpu.memory_space<vmem_shared>>
          %dma_start3A_1063 = arith.constant 0 : i32
          %dma_start3A_1064 = tpu.memref_slice %arg7[%run_scoped3A, %dma_start3A_1063] : memref<8x6272xf32, #tpu.memory_space<vmem>> -> memref<1x6272xf32, #tpu.memory_space<vmem>>
          %dma_start3A_1065 = tpu.memref_squeeze %dma_start3A_1064 : memref<1x6272xf32, #tpu.memory_space<vmem>> -> memref<6272xf32, #tpu.memory_space<vmem>>
          tpu.enqueue_dma source(%dma_start3A_1065 : memref<6272xf32, #tpu.memory_space<vmem>>) target(%dma_start3A_1062 : memref<6272xf32, #tpu.memory_space<vmem_shared>>) target_semaphore(%run_scoped3A_1057 : memref<!tpu.dma_semaphore, #tpu.memory_space<semaphore_mem>>)
          %dma_wait3A_1066 = arith.constant 0 : i32
          %dma_wait3A_1067 = tpu.memref_slice %arg7[%run_scoped3A, %dma_wait3A_1066] : memref<8x6272xf32, #tpu.memory_space<vmem>> -> memref<1x6272xf32, #tpu.memory_space<vmem>>
          %dma_wait3A_1068 = tpu.memref_squeeze %dma_wait3A_1067 : memref<1x6272xf32, #tpu.memory_space<vmem>> -> memref<6272xf32, #tpu.memory_space<vmem>>
          %dma_wait3A_1069 = tpu.memref_slice %arg13[%add3A_1056] : memref<400384xf32, #tpu.memory_space<vmem_shared>> -> memref<6272xf32, #tpu.memory_space<vmem_shared>>
          %dma_wait3A_1070 = tpu.memref_slice %arg13[%add3A_1056] : memref<400384xf32, #tpu.memory_space<vmem_shared>> -> memref<6272xf32, #tpu.memory_space<vmem_shared>>
          %dma_wait3A_1071 = arith.constant 0 : i32
          %dma_wait3A_1072 = tpu.memref_slice %arg7[%run_scoped3A, %dma_wait3A_1071] : memref<8x6272xf32, #tpu.memory_space<vmem>> -> memref<1x6272xf32, #tpu.memory_space<vmem>>
          %dma_wait3A_1073 = tpu.memref_squeeze %dma_wait3A_1072 : memref<1x6272xf32, #tpu.memory_space<vmem>> -> memref<6272xf32, #tpu.memory_space<vmem>>
          tpu.wait_dma2 semaphore(%run_scoped3A_1057 : memref<!tpu.dma_semaphore, #tpu.memory_space<semaphore_mem>>) src(%dma_wait3A_1073 : memref<6272xf32, #tpu.memory_space<vmem>>) dst(%dma_wait3A_1070 : memref<6272xf32, #tpu.memory_space<vmem_shared>>)
          tpu.yield
        }) : () -> ()
      } else {
      }
      %eq3A_559 = arith.constant 15 : i32
      %eq3A_560 = arith.cmpi eq, %arg1, %eq3A_559 : i32
      %convert_element_type3A_561 = arith.extui %eq3A_560 : i1 to i32
      %cond3A_562 = arith.constant 0 : i32
      %cond3A_563 = arith.cmpi ne, %convert_element_type3A_561, %cond3A_562 : i32
      scf.if %cond3A_563 {
        %add3A_1055 = arith.constant 0 : i32
        %add3A_1056 = arith.addi %add3A_1055, %mul3A_0 : i32
        %run_scoped3A = arith.constant 0 : i32
        "tpu.region"() ({
          %run_scoped3A_1057 = tpu.sem_alloc : memref<!tpu.dma_semaphore, #tpu.memory_space<semaphore_mem>>
          %dma_start3A_1058 = arith.constant 0 : i32
          %dma_start3A_1059 = tpu.memref_slice %arg7[%run_scoped3A, %dma_start3A_1058] : memref<8x6272xf32, #tpu.memory_space<vmem>> -> memref<1x6016xf32, #tpu.memory_space<vmem>>
          %dma_start3A_1060 = tpu.memref_squeeze %dma_start3A_1059 : memref<1x6016xf32, #tpu.memory_space<vmem>> -> memref<6016xf32, #tpu.memory_space<vmem>>
          %dma_start3A_1061 = tpu.memref_slice %arg13[%add3A_1056] : memref<400384xf32, #tpu.memory_space<vmem_shared>> -> memref<6016xf32, #tpu.memory_space<vmem_shared>>
          %dma_start3A_1062 = tpu.memref_slice %arg13[%add3A_1056] : memref<400384xf32, #tpu.memory_space<vmem_shared>> -> memref<6016xf32, #tpu.memory_space<vmem_shared>>
          %dma_start3A_1063 = arith.constant 0 : i32
          %dma_start3A_1064 = tpu.memref_slice %arg7[%run_scoped3A, %dma_start3A_1063] : memref<8x6272xf32, #tpu.memory_space<vmem>> -> memref<1x6016xf32, #tpu.memory_space<vmem>>
          %dma_start3A_1065 = tpu.memref_squeeze %dma_start3A_1064 : memref<1x6016xf32, #tpu.memory_space<vmem>> -> memref<6016xf32, #tpu.memory_space<vmem>>
          tpu.enqueue_dma source(%dma_start3A_1065 : memref<6016xf32, #tpu.memory_space<vmem>>) target(%dma_start3A_1062 : memref<6016xf32, #tpu.memory_space<vmem_shared>>) target_semaphore(%run_scoped3A_1057 : memref<!tpu.dma_semaphore, #tpu.memory_space<semaphore_mem>>)
          %dma_wait3A_1066 = arith.constant 0 : i32
          %dma_wait3A_1067 = tpu.memref_slice %arg7[%run_scoped3A, %dma_wait3A_1066] : memref<8x6272xf32, #tpu.memory_space<vmem>> -> memref<1x6016xf32, #tpu.memory_space<vmem>>
          %dma_wait3A_1068 = tpu.memref_squeeze %dma_wait3A_1067 : memref<1x6016xf32, #tpu.memory_space<vmem>> -> memref<6016xf32, #tpu.memory_space<vmem>>
          %dma_wait3A_1069 = tpu.memref_slice %arg13[%add3A_1056] : memref<400384xf32, #tpu.memory_space<vmem_shared>> -> memref<6016xf32, #tpu.memory_space<vmem_shared>>
          %dma_wait3A_1070 = tpu.memref_slice %arg13[%add3A_1056] : memref<400384xf32, #tpu.memory_space<vmem_shared>> -> memref<6016xf32, #tpu.memory_space<vmem_shared>>
          %dma_wait3A_1071 = arith.constant 0 : i32
          %dma_wait3A_1072 = tpu.memref_slice %arg7[%run_scoped3A, %dma_wait3A_1071] : memref<8x6272xf32, #tpu.memory_space<vmem>> -> memref<1x6016xf32, #tpu.memory_space<vmem>>
          %dma_wait3A_1073 = tpu.memref_squeeze %dma_wait3A_1072 : memref<1x6016xf32, #tpu.memory_space<vmem>> -> memref<6016xf32, #tpu.memory_space<vmem>>
          tpu.wait_dma2 semaphore(%run_scoped3A_1057 : memref<!tpu.dma_semaphore, #tpu.memory_space<semaphore_mem>>) src(%dma_wait3A_1073 : memref<6016xf32, #tpu.memory_space<vmem>>) dst(%dma_wait3A_1070 : memref<6016xf32, #tpu.memory_space<vmem_shared>>)
          tpu.yield
        }) : () -> ()
      } else {
      }
      %lt3A_564 = arith.constant 15 : i32
      %lt3A_565 = arith.cmpi slt, %arg1, %lt3A_564 : i32
      %convert_element_type3A_566 = arith.extui %lt3A_565 : i1 to i32
      %cond3A_567 = arith.constant 0 : i32
      %cond3A_568 = arith.cmpi ne, %convert_element_type3A_566, %cond3A_567 : i32
      scf.if %cond3A_568 {
        %add3A_1055 = arith.constant 100096 : i32
        %add3A_1056 = arith.addi %add3A_1055, %mul3A_0 : i32
        %run_scoped3A = arith.constant 1 : i32
        "tpu.region"() ({
          %run_scoped3A_1057 = tpu.sem_alloc : memref<!tpu.dma_semaphore, #tpu.memory_space<semaphore_mem>>
          %dma_start3A_1058 = arith.constant 0 : i32
          %dma_start3A_1059 = tpu.memref_slice %arg7[%run_scoped3A, %dma_start3A_1058] : memref<8x6272xf32, #tpu.memory_space<vmem>> -> memref<1x6272xf32, #tpu.memory_space<vmem>>
          %dma_start3A_1060 = tpu.memref_squeeze %dma_start3A_1059 : memref<1x6272xf32, #tpu.memory_space<vmem>> -> memref<6272xf32, #tpu.memory_space<vmem>>
          %dma_start3A_1061 = tpu.memref_slice %arg13[%add3A_1056] : memref<400384xf32, #tpu.memory_space<vmem_shared>> -> memref<6272xf32, #tpu.memory_space<vmem_shared>>
          %dma_start3A_1062 = tpu.memref_slice %arg13[%add3A_1056] : memref<400384xf32, #tpu.memory_space<vmem_shared>> -> memref<6272xf32, #tpu.memory_space<vmem_shared>>
          %dma_start3A_1063 = arith.constant 0 : i32
          %dma_start3A_1064 = tpu.memref_slice %arg7[%run_scoped3A, %dma_start3A_1063] : memref<8x6272xf32, #tpu.memory_space<vmem>> -> memref<1x6272xf32, #tpu.memory_space<vmem>>
          %dma_start3A_1065 = tpu.memref_squeeze %dma_start3A_1064 : memref<1x6272xf32, #tpu.memory_space<vmem>> -> memref<6272xf32, #tpu.memory_space<vmem>>
          tpu.enqueue_dma source(%dma_start3A_1065 : memref<6272xf32, #tpu.memory_space<vmem>>) target(%dma_start3A_1062 : memref<6272xf32, #tpu.memory_space<vmem_shared>>) target_semaphore(%run_scoped3A_1057 : memref<!tpu.dma_semaphore, #tpu.memory_space<semaphore_mem>>)
          %dma_wait3A_1066 = arith.constant 0 : i32
          %dma_wait3A_1067 = tpu.memref_slice %arg7[%run_scoped3A, %dma_wait3A_1066] : memref<8x6272xf32, #tpu.memory_space<vmem>> -> memref<1x6272xf32, #tpu.memory_space<vmem>>
          %dma_wait3A_1068 = tpu.memref_squeeze %dma_wait3A_1067 : memref<1x6272xf32, #tpu.memory_space<vmem>> -> memref<6272xf32, #tpu.memory_space<vmem>>
          %dma_wait3A_1069 = tpu.memref_slice %arg13[%add3A_1056] : memref<400384xf32, #tpu.memory_space<vmem_shared>> -> memref<6272xf32, #tpu.memory_space<vmem_shared>>
          %dma_wait3A_1070 = tpu.memref_slice %arg13[%add3A_1056] : memref<400384xf32, #tpu.memory_space<vmem_shared>> -> memref<6272xf32, #tpu.memory_space<vmem_shared>>
          %dma_wait3A_1071 = arith.constant 0 : i32
          %dma_wait3A_1072 = tpu.memref_slice %arg7[%run_scoped3A, %dma_wait3A_1071] : memref<8x6272xf32, #tpu.memory_space<vmem>> -> memref<1x6272xf32, #tpu.memory_space<vmem>>
          %dma_wait3A_1073 = tpu.memref_squeeze %dma_wait3A_1072 : memref<1x6272xf32, #tpu.memory_space<vmem>> -> memref<6272xf32, #tpu.memory_space<vmem>>
          tpu.wait_dma2 semaphore(%run_scoped3A_1057 : memref<!tpu.dma_semaphore, #tpu.memory_space<semaphore_mem>>) src(%dma_wait3A_1073 : memref<6272xf32, #tpu.memory_space<vmem>>) dst(%dma_wait3A_1070 : memref<6272xf32, #tpu.memory_space<vmem_shared>>)
          tpu.yield
        }) : () -> ()
      } else {
      }
      %eq3A_569 = arith.constant 15 : i32
      %eq3A_570 = arith.cmpi eq, %arg1, %eq3A_569 : i32
      %convert_element_type3A_571 = arith.extui %eq3A_570 : i1 to i32
      %cond3A_572 = arith.constant 0 : i32
      %cond3A_573 = arith.cmpi ne, %convert_element_type3A_571, %cond3A_572 : i32
      scf.if %cond3A_573 {
        %add3A_1055 = arith.constant 100096 : i32
        %add3A_1056 = arith.addi %add3A_1055, %mul3A_0 : i32
        %run_scoped3A = arith.constant 1 : i32
        "tpu.region"() ({
          %run_scoped3A_1057 = tpu.sem_alloc : memref<!tpu.dma_semaphore, #tpu.memory_space<semaphore_mem>>
          %dma_start3A_1058 = arith.constant 0 : i32
          %dma_start3A_1059 = tpu.memref_slice %arg7[%run_scoped3A, %dma_start3A_1058] : memref<8x6272xf32, #tpu.memory_space<vmem>> -> memref<1x6016xf32, #tpu.memory_space<vmem>>
          %dma_start3A_1060 = tpu.memref_squeeze %dma_start3A_1059 : memref<1x6016xf32, #tpu.memory_space<vmem>> -> memref<6016xf32, #tpu.memory_space<vmem>>
          %dma_start3A_1061 = tpu.memref_slice %arg13[%add3A_1056] : memref<400384xf32, #tpu.memory_space<vmem_shared>> -> memref<6016xf32, #tpu.memory_space<vmem_shared>>
          %dma_start3A_1062 = tpu.memref_slice %arg13[%add3A_1056] : memref<400384xf32, #tpu.memory_space<vmem_shared>> -> memref<6016xf32, #tpu.memory_space<vmem_shared>>
          %dma_start3A_1063 = arith.constant 0 : i32
          %dma_start3A_1064 = tpu.memref_slice %arg7[%run_scoped3A, %dma_start3A_1063] : memref<8x6272xf32, #tpu.memory_space<vmem>> -> memref<1x6016xf32, #tpu.memory_space<vmem>>
          %dma_start3A_1065 = tpu.memref_squeeze %dma_start3A_1064 : memref<1x6016xf32, #tpu.memory_space<vmem>> -> memref<6016xf32, #tpu.memory_space<vmem>>
          tpu.enqueue_dma source(%dma_start3A_1065 : memref<6016xf32, #tpu.memory_space<vmem>>) target(%dma_start3A_1062 : memref<6016xf32, #tpu.memory_space<vmem_shared>>) target_semaphore(%run_scoped3A_1057 : memref<!tpu.dma_semaphore, #tpu.memory_space<semaphore_mem>>)
          %dma_wait3A_1066 = arith.constant 0 : i32
          %dma_wait3A_1067 = tpu.memref_slice %arg7[%run_scoped3A, %dma_wait3A_1066] : memref<8x6272xf32, #tpu.memory_space<vmem>> -> memref<1x6016xf32, #tpu.memory_space<vmem>>
          %dma_wait3A_1068 = tpu.memref_squeeze %dma_wait3A_1067 : memref<1x6016xf32, #tpu.memory_space<vmem>> -> memref<6016xf32, #tpu.memory_space<vmem>>
          %dma_wait3A_1069 = tpu.memref_slice %arg13[%add3A_1056] : memref<400384xf32, #tpu.memory_space<vmem_shared>> -> memref<6016xf32, #tpu.memory_space<vmem_shared>>
          %dma_wait3A_1070 = tpu.memref_slice %arg13[%add3A_1056] : memref<400384xf32, #tpu.memory_space<vmem_shared>> -> memref<6016xf32, #tpu.memory_space<vmem_shared>>
          %dma_wait3A_1071 = arith.constant 0 : i32
          %dma_wait3A_1072 = tpu.memref_slice %arg7[%run_scoped3A, %dma_wait3A_1071] : memref<8x6272xf32, #tpu.memory_space<vmem>> -> memref<1x6016xf32, #tpu.memory_space<vmem>>
          %dma_wait3A_1073 = tpu.memref_squeeze %dma_wait3A_1072 : memref<1x6016xf32, #tpu.memory_space<vmem>> -> memref<6016xf32, #tpu.memory_space<vmem>>
          tpu.wait_dma2 semaphore(%run_scoped3A_1057 : memref<!tpu.dma_semaphore, #tpu.memory_space<semaphore_mem>>) src(%dma_wait3A_1073 : memref<6016xf32, #tpu.memory_space<vmem>>) dst(%dma_wait3A_1070 : memref<6016xf32, #tpu.memory_space<vmem_shared>>)
          tpu.yield
        }) : () -> ()
      } else {
      }
      %lt3A_574 = arith.constant 15 : i32
      %lt3A_575 = arith.cmpi slt, %arg1, %lt3A_574 : i32
      %convert_element_type3A_576 = arith.extui %lt3A_575 : i1 to i32
      %cond3A_577 = arith.constant 0 : i32
      %cond3A_578 = arith.cmpi ne, %convert_element_type3A_576, %cond3A_577 : i32
      scf.if %cond3A_578 {
        %add3A_1055 = arith.constant 200192 : i32
        %add3A_1056 = arith.addi %add3A_1055, %mul3A_0 : i32
        %run_scoped3A = arith.constant 2 : i32
        "tpu.region"() ({
          %run_scoped3A_1057 = tpu.sem_alloc : memref<!tpu.dma_semaphore, #tpu.memory_space<semaphore_mem>>
          %dma_start3A_1058 = arith.constant 0 : i32
          %dma_start3A_1059 = tpu.memref_slice %arg7[%run_scoped3A, %dma_start3A_1058] : memref<8x6272xf32, #tpu.memory_space<vmem>> -> memref<1x6272xf32, #tpu.memory_space<vmem>>
          %dma_start3A_1060 = tpu.memref_squeeze %dma_start3A_1059 : memref<1x6272xf32, #tpu.memory_space<vmem>> -> memref<6272xf32, #tpu.memory_space<vmem>>
          %dma_start3A_1061 = tpu.memref_slice %arg13[%add3A_1056] : memref<400384xf32, #tpu.memory_space<vmem_shared>> -> memref<6272xf32, #tpu.memory_space<vmem_shared>>
          %dma_start3A_1062 = tpu.memref_slice %arg13[%add3A_1056] : memref<400384xf32, #tpu.memory_space<vmem_shared>> -> memref<6272xf32, #tpu.memory_space<vmem_shared>>
          %dma_start3A_1063 = arith.constant 0 : i32
          %dma_start3A_1064 = tpu.memref_slice %arg7[%run_scoped3A, %dma_start3A_1063] : memref<8x6272xf32, #tpu.memory_space<vmem>> -> memref<1x6272xf32, #tpu.memory_space<vmem>>
          %dma_start3A_1065 = tpu.memref_squeeze %dma_start3A_1064 : memref<1x6272xf32, #tpu.memory_space<vmem>> -> memref<6272xf32, #tpu.memory_space<vmem>>
          tpu.enqueue_dma source(%dma_start3A_1065 : memref<6272xf32, #tpu.memory_space<vmem>>) target(%dma_start3A_1062 : memref<6272xf32, #tpu.memory_space<vmem_shared>>) target_semaphore(%run_scoped3A_1057 : memref<!tpu.dma_semaphore, #tpu.memory_space<semaphore_mem>>)
          %dma_wait3A_1066 = arith.constant 0 : i32
          %dma_wait3A_1067 = tpu.memref_slice %arg7[%run_scoped3A, %dma_wait3A_1066] : memref<8x6272xf32, #tpu.memory_space<vmem>> -> memref<1x6272xf32, #tpu.memory_space<vmem>>
          %dma_wait3A_1068 = tpu.memref_squeeze %dma_wait3A_1067 : memref<1x6272xf32, #tpu.memory_space<vmem>> -> memref<6272xf32, #tpu.memory_space<vmem>>
          %dma_wait3A_1069 = tpu.memref_slice %arg13[%add3A_1056] : memref<400384xf32, #tpu.memory_space<vmem_shared>> -> memref<6272xf32, #tpu.memory_space<vmem_shared>>
          %dma_wait3A_1070 = tpu.memref_slice %arg13[%add3A_1056] : memref<400384xf32, #tpu.memory_space<vmem_shared>> -> memref<6272xf32, #tpu.memory_space<vmem_shared>>
          %dma_wait3A_1071 = arith.constant 0 : i32
          %dma_wait3A_1072 = tpu.memref_slice %arg7[%run_scoped3A, %dma_wait3A_1071] : memref<8x6272xf32, #tpu.memory_space<vmem>> -> memref<1x6272xf32, #tpu.memory_space<vmem>>
          %dma_wait3A_1073 = tpu.memref_squeeze %dma_wait3A_1072 : memref<1x6272xf32, #tpu.memory_space<vmem>> -> memref<6272xf32, #tpu.memory_space<vmem>>
          tpu.wait_dma2 semaphore(%run_scoped3A_1057 : memref<!tpu.dma_semaphore, #tpu.memory_space<semaphore_mem>>) src(%dma_wait3A_1073 : memref<6272xf32, #tpu.memory_space<vmem>>) dst(%dma_wait3A_1070 : memref<6272xf32, #tpu.memory_space<vmem_shared>>)
          tpu.yield
        }) : () -> ()
      } else {
      }
      %eq3A_579 = arith.constant 15 : i32
      %eq3A_580 = arith.cmpi eq, %arg1, %eq3A_579 : i32
      %convert_element_type3A_581 = arith.extui %eq3A_580 : i1 to i32
      %cond3A_582 = arith.constant 0 : i32
      %cond3A_583 = arith.cmpi ne, %convert_element_type3A_581, %cond3A_582 : i32
      scf.if %cond3A_583 {
        %add3A_1055 = arith.constant 200192 : i32
        %add3A_1056 = arith.addi %add3A_1055, %mul3A_0 : i32
        %run_scoped3A = arith.constant 2 : i32
        "tpu.region"() ({
          %run_scoped3A_1057 = tpu.sem_alloc : memref<!tpu.dma_semaphore, #tpu.memory_space<semaphore_mem>>
          %dma_start3A_1058 = arith.constant 0 : i32
          %dma_start3A_1059 = tpu.memref_slice %arg7[%run_scoped3A, %dma_start3A_1058] : memref<8x6272xf32, #tpu.memory_space<vmem>> -> memref<1x6016xf32, #tpu.memory_space<vmem>>
          %dma_start3A_1060 = tpu.memref_squeeze %dma_start3A_1059 : memref<1x6016xf32, #tpu.memory_space<vmem>> -> memref<6016xf32, #tpu.memory_space<vmem>>
          %dma_start3A_1061 = tpu.memref_slice %arg13[%add3A_1056] : memref<400384xf32, #tpu.memory_space<vmem_shared>> -> memref<6016xf32, #tpu.memory_space<vmem_shared>>
          %dma_start3A_1062 = tpu.memref_slice %arg13[%add3A_1056] : memref<400384xf32, #tpu.memory_space<vmem_shared>> -> memref<6016xf32, #tpu.memory_space<vmem_shared>>
          %dma_start3A_1063 = arith.constant 0 : i32
          %dma_start3A_1064 = tpu.memref_slice %arg7[%run_scoped3A, %dma_start3A_1063] : memref<8x6272xf32, #tpu.memory_space<vmem>> -> memref<1x6016xf32, #tpu.memory_space<vmem>>
          %dma_start3A_1065 = tpu.memref_squeeze %dma_start3A_1064 : memref<1x6016xf32, #tpu.memory_space<vmem>> -> memref<6016xf32, #tpu.memory_space<vmem>>
          tpu.enqueue_dma source(%dma_start3A_1065 : memref<6016xf32, #tpu.memory_space<vmem>>) target(%dma_start3A_1062 : memref<6016xf32, #tpu.memory_space<vmem_shared>>) target_semaphore(%run_scoped3A_1057 : memref<!tpu.dma_semaphore, #tpu.memory_space<semaphore_mem>>)
          %dma_wait3A_1066 = arith.constant 0 : i32
          %dma_wait3A_1067 = tpu.memref_slice %arg7[%run_scoped3A, %dma_wait3A_1066] : memref<8x6272xf32, #tpu.memory_space<vmem>> -> memref<1x6016xf32, #tpu.memory_space<vmem>>
          %dma_wait3A_1068 = tpu.memref_squeeze %dma_wait3A_1067 : memref<1x6016xf32, #tpu.memory_space<vmem>> -> memref<6016xf32, #tpu.memory_space<vmem>>
          %dma_wait3A_1069 = tpu.memref_slice %arg13[%add3A_1056] : memref<400384xf32, #tpu.memory_space<vmem_shared>> -> memref<6016xf32, #tpu.memory_space<vmem_shared>>
          %dma_wait3A_1070 = tpu.memref_slice %arg13[%add3A_1056] : memref<400384xf32, #tpu.memory_space<vmem_shared>> -> memref<6016xf32, #tpu.memory_space<vmem_shared>>
          %dma_wait3A_1071 = arith.constant 0 : i32
          %dma_wait3A_1072 = tpu.memref_slice %arg7[%run_scoped3A, %dma_wait3A_1071] : memref<8x6272xf32, #tpu.memory_space<vmem>> -> memref<1x6016xf32, #tpu.memory_space<vmem>>
          %dma_wait3A_1073 = tpu.memref_squeeze %dma_wait3A_1072 : memref<1x6016xf32, #tpu.memory_space<vmem>> -> memref<6016xf32, #tpu.memory_space<vmem>>
          tpu.wait_dma2 semaphore(%run_scoped3A_1057 : memref<!tpu.dma_semaphore, #tpu.memory_space<semaphore_mem>>) src(%dma_wait3A_1073 : memref<6016xf32, #tpu.memory_space<vmem>>) dst(%dma_wait3A_1070 : memref<6016xf32, #tpu.memory_space<vmem_shared>>)
          tpu.yield
        }) : () -> ()
      } else {
      }
      %lt3A_584 = arith.constant 15 : i32
      %lt3A_585 = arith.cmpi slt, %arg1, %lt3A_584 : i32
      %convert_element_type3A_586 = arith.extui %lt3A_585 : i1 to i32
      %cond3A_587 = arith.constant 0 : i32
      %cond3A_588 = arith.cmpi ne, %convert_element_type3A_586, %cond3A_587 : i32
      scf.if %cond3A_588 {
        %add3A_1055 = arith.constant 300288 : i32
        %add3A_1056 = arith.addi %add3A_1055, %mul3A_0 : i32
        %run_scoped3A = arith.constant 3 : i32
        "tpu.region"() ({
          %run_scoped3A_1057 = tpu.sem_alloc : memref<!tpu.dma_semaphore, #tpu.memory_space<semaphore_mem>>
          %dma_start3A_1058 = arith.constant 0 : i32
          %dma_start3A_1059 = tpu.memref_slice %arg7[%run_scoped3A, %dma_start3A_1058] : memref<8x6272xf32, #tpu.memory_space<vmem>> -> memref<1x6272xf32, #tpu.memory_space<vmem>>
          %dma_start3A_1060 = tpu.memref_squeeze %dma_start3A_1059 : memref<1x6272xf32, #tpu.memory_space<vmem>> -> memref<6272xf32, #tpu.memory_space<vmem>>
          %dma_start3A_1061 = tpu.memref_slice %arg13[%add3A_1056] : memref<400384xf32, #tpu.memory_space<vmem_shared>> -> memref<6272xf32, #tpu.memory_space<vmem_shared>>
          %dma_start3A_1062 = tpu.memref_slice %arg13[%add3A_1056] : memref<400384xf32, #tpu.memory_space<vmem_shared>> -> memref<6272xf32, #tpu.memory_space<vmem_shared>>
          %dma_start3A_1063 = arith.constant 0 : i32
          %dma_start3A_1064 = tpu.memref_slice %arg7[%run_scoped3A, %dma_start3A_1063] : memref<8x6272xf32, #tpu.memory_space<vmem>> -> memref<1x6272xf32, #tpu.memory_space<vmem>>
          %dma_start3A_1065 = tpu.memref_squeeze %dma_start3A_1064 : memref<1x6272xf32, #tpu.memory_space<vmem>> -> memref<6272xf32, #tpu.memory_space<vmem>>
          tpu.enqueue_dma source(%dma_start3A_1065 : memref<6272xf32, #tpu.memory_space<vmem>>) target(%dma_start3A_1062 : memref<6272xf32, #tpu.memory_space<vmem_shared>>) target_semaphore(%run_scoped3A_1057 : memref<!tpu.dma_semaphore, #tpu.memory_space<semaphore_mem>>)
          %dma_wait3A_1066 = arith.constant 0 : i32
          %dma_wait3A_1067 = tpu.memref_slice %arg7[%run_scoped3A, %dma_wait3A_1066] : memref<8x6272xf32, #tpu.memory_space<vmem>> -> memref<1x6272xf32, #tpu.memory_space<vmem>>
          %dma_wait3A_1068 = tpu.memref_squeeze %dma_wait3A_1067 : memref<1x6272xf32, #tpu.memory_space<vmem>> -> memref<6272xf32, #tpu.memory_space<vmem>>
          %dma_wait3A_1069 = tpu.memref_slice %arg13[%add3A_1056] : memref<400384xf32, #tpu.memory_space<vmem_shared>> -> memref<6272xf32, #tpu.memory_space<vmem_shared>>
          %dma_wait3A_1070 = tpu.memref_slice %arg13[%add3A_1056] : memref<400384xf32, #tpu.memory_space<vmem_shared>> -> memref<6272xf32, #tpu.memory_space<vmem_shared>>
          %dma_wait3A_1071 = arith.constant 0 : i32
          %dma_wait3A_1072 = tpu.memref_slice %arg7[%run_scoped3A, %dma_wait3A_1071] : memref<8x6272xf32, #tpu.memory_space<vmem>> -> memref<1x6272xf32, #tpu.memory_space<vmem>>
          %dma_wait3A_1073 = tpu.memref_squeeze %dma_wait3A_1072 : memref<1x6272xf32, #tpu.memory_space<vmem>> -> memref<6272xf32, #tpu.memory_space<vmem>>
          tpu.wait_dma2 semaphore(%run_scoped3A_1057 : memref<!tpu.dma_semaphore, #tpu.memory_space<semaphore_mem>>) src(%dma_wait3A_1073 : memref<6272xf32, #tpu.memory_space<vmem>>) dst(%dma_wait3A_1070 : memref<6272xf32, #tpu.memory_space<vmem_shared>>)
          tpu.yield
        }) : () -> ()
      } else {
      }
      %eq3A_589 = arith.constant 15 : i32
      %eq3A_590 = arith.cmpi eq, %arg1, %eq3A_589 : i32
      %convert_element_type3A_591 = arith.extui %eq3A_590 : i1 to i32
      %cond3A_592 = arith.constant 0 : i32
      %cond3A_593 = arith.cmpi ne, %convert_element_type3A_591, %cond3A_592 : i32
      scf.if %cond3A_593 {
        %add3A_1055 = arith.constant 300288 : i32
        %add3A_1056 = arith.addi %add3A_1055, %mul3A_0 : i32
        %run_scoped3A = arith.constant 3 : i32
        "tpu.region"() ({
          %run_scoped3A_1057 = tpu.sem_alloc : memref<!tpu.dma_semaphore, #tpu.memory_space<semaphore_mem>>
          %dma_start3A_1058 = arith.constant 0 : i32
          %dma_start3A_1059 = tpu.memref_slice %arg7[%run_scoped3A, %dma_start3A_1058] : memref<8x6272xf32, #tpu.memory_space<vmem>> -> memref<1x6016xf32, #tpu.memory_space<vmem>>
          %dma_start3A_1060 = tpu.memref_squeeze %dma_start3A_1059 : memref<1x6016xf32, #tpu.memory_space<vmem>> -> memref<6016xf32, #tpu.memory_space<vmem>>
          %dma_start3A_1061 = tpu.memref_slice %arg13[%add3A_1056] : memref<400384xf32, #tpu.memory_space<vmem_shared>> -> memref<6016xf32, #tpu.memory_space<vmem_shared>>
          %dma_start3A_1062 = tpu.memref_slice %arg13[%add3A_1056] : memref<400384xf32, #tpu.memory_space<vmem_shared>> -> memref<6016xf32, #tpu.memory_space<vmem_shared>>
          %dma_start3A_1063 = arith.constant 0 : i32
          %dma_start3A_1064 = tpu.memref_slice %arg7[%run_scoped3A, %dma_start3A_1063] : memref<8x6272xf32, #tpu.memory_space<vmem>> -> memref<1x6016xf32, #tpu.memory_space<vmem>>
          %dma_start3A_1065 = tpu.memref_squeeze %dma_start3A_1064 : memref<1x6016xf32, #tpu.memory_space<vmem>> -> memref<6016xf32, #tpu.memory_space<vmem>>
          tpu.enqueue_dma source(%dma_start3A_1065 : memref<6016xf32, #tpu.memory_space<vmem>>) target(%dma_start3A_1062 : memref<6016xf32, #tpu.memory_space<vmem_shared>>) target_semaphore(%run_scoped3A_1057 : memref<!tpu.dma_semaphore, #tpu.memory_space<semaphore_mem>>)
          %dma_wait3A_1066 = arith.constant 0 : i32
          %dma_wait3A_1067 = tpu.memref_slice %arg7[%run_scoped3A, %dma_wait3A_1066] : memref<8x6272xf32, #tpu.memory_space<vmem>> -> memref<1x6016xf32, #tpu.memory_space<vmem>>
          %dma_wait3A_1068 = tpu.memref_squeeze %dma_wait3A_1067 : memref<1x6016xf32, #tpu.memory_space<vmem>> -> memref<6016xf32, #tpu.memory_space<vmem>>
          %dma_wait3A_1069 = tpu.memref_slice %arg13[%add3A_1056] : memref<400384xf32, #tpu.memory_space<vmem_shared>> -> memref<6016xf32, #tpu.memory_space<vmem_shared>>
          %dma_wait3A_1070 = tpu.memref_slice %arg13[%add3A_1056] : memref<400384xf32, #tpu.memory_space<vmem_shared>> -> memref<6016xf32, #tpu.memory_space<vmem_shared>>
          %dma_wait3A_1071 = arith.constant 0 : i32
          %dma_wait3A_1072 = tpu.memref_slice %arg7[%run_scoped3A, %dma_wait3A_1071] : memref<8x6272xf32, #tpu.memory_space<vmem>> -> memref<1x6016xf32, #tpu.memory_space<vmem>>
          %dma_wait3A_1073 = tpu.memref_squeeze %dma_wait3A_1072 : memref<1x6016xf32, #tpu.memory_space<vmem>> -> memref<6016xf32, #tpu.memory_space<vmem>>
          tpu.wait_dma2 semaphore(%run_scoped3A_1057 : memref<!tpu.dma_semaphore, #tpu.memory_space<semaphore_mem>>) src(%dma_wait3A_1073 : memref<6016xf32, #tpu.memory_space<vmem>>) dst(%dma_wait3A_1070 : memref<6016xf32, #tpu.memory_space<vmem_shared>>)
          tpu.yield
        }) : () -> ()
      } else {
      }
      %barrier3A_594 = arith.constant 0 : index
      tpu.barrier barrier_id(%barrier3A_594)
      %dma_start3A_595 = arith.constant 0 : i32
      %dma_start3A_596 = tpu.memref_slice %arg13[%dma_start3A_595] : memref<400384xf32, #tpu.memory_space<vmem_shared>> -> memref<400384xf32, #tpu.memory_space<vmem_shared>>
      tpu.enqueue_indirect_dma source(%dma_start3A_596 : memref<400384xf32, #tpu.memory_space<vmem_shared>>) target(%arg10 : memref<4096xf32, #tpu.memory_space<vmem>>) offsets(%arg9 : memref<4096xi32, #tpu.memory_space<vmem>>) semaphore(%arg15 : memref<!tpu.dma_semaphore, #tpu.memory_space<semaphore_mem>>)
      %dma_wait3A_597 = arith.constant 0 : i32
      %dma_wait3A_598 = tpu.memref_slice %arg13[%dma_wait3A_597] : memref<400384xf32, #tpu.memory_space<vmem_shared>> -> memref<400384xf32, #tpu.memory_space<vmem_shared>>
      tpu.wait_indirect_dma semaphore(%arg15 : memref<!tpu.dma_semaphore, #tpu.memory_space<semaphore_mem>>) src(%dma_wait3A_598 : memref<400384xf32, #tpu.memory_space<vmem_shared>>) dst(%arg10 : memref<4096xf32, #tpu.memory_space<vmem>>)
      %mul3A_599 = arith.constant 32 : i32
      %mul3A_600 = arith.muli %scan3A_19, %mul3A_599 : i32
      %add3A_601 = arith.constant 16 : i32
      %add3A_602 = arith.addi %mul3A_600, %add3A_601 : i32
      %add3A_603 = arith.constant 0 : i32
      %add3A_604 = arith.addi %add3A_602, %add3A_603 : i32
      %add3A_605 = arith.constant 0 : i32
      %add3A_606 = arith.addi %add3A_604, %add3A_605 : i32
      %mul3A_607 = arith.constant 16 : i32
      %mul3A_608 = arith.muli %add3A_606, %mul3A_607 : i32
      %get3A_609 = arith.index_cast %mul3A_608 : i32 to index
      %get3A_610 = tpu.vector_load %arg12[%get3A_609] {strides = array<i32>} : memref<6656xf32, #tpu.memory_space<vmem>>, vector<16xf32>,
      %get3A_611 = vector.shape_cast %get3A_610 : vector<16xf32> to vector<16xf32>
      %scan3A_612 = arith.constant 0 : i32
      %scan3A_613 = arith.constant 64 : i32
      %scan3A_614 = arith.addi %scan3A_612, %scan3A_613 : i32
      %scan3A_615 = arith.constant 1 : i32
      scf.for %scan3A_1055 = %scan3A_612 to %scan3A_614 step %scan3A_615  : i32 {
        %mul3A_1056 = arith.constant 16 : i32
        %mul3A_1057 = arith.muli %scan3A_1055, %mul3A_1056 : i32
        %mul3A_1058 = arith.constant 16 : i32
        %mul3A_1059 = arith.muli %scan3A_1055, %mul3A_1058 : i32
        %add3A_1060 = arith.constant 0 : i32
        %add3A_1061 = arith.addi %add3A_1060, %mul3A_1059 : i32
        %get3A_1062 = arith.index_cast %add3A_1061 : i32 to index
        %get3A_1063 = tpu.vector_load %arg10[%get3A_1062] {strides = array<i32>} : memref<4096xf32, #tpu.memory_space<vmem>>, vector<16xf32>,
        %get3A_1064 = vector.shape_cast %get3A_1063 : vector<16xf32> to vector<16xf32>
        %add3A_1065 = arith.addf %get3A_1064, %get3A_611 : vector<16xf32>
        %swap3A = arith.constant 0 : i32
        %swap3A_1066 = arith.index_cast %swap3A : i32 to index
        %swap3A_1067 = arith.index_cast %mul3A_1057 : i32 to index
        %swap3A_1068 = tpu.vector_load %arg11[%swap3A_1066, %swap3A_1067] {strides = array<i32>} : memref<8x1024xf32, #tpu.memory_space<vmem>>, vector<1x16xf32>,
        %swap3A_1069 = vector.shape_cast %swap3A_1068 : vector<1x16xf32> to vector<16xf32>
        %swap3A_1070 = vector.shape_cast %add3A_1065 : vector<16xf32> to vector<1x16xf32>
        tpu.vector_store %arg11[%swap3A_1066, %swap3A_1067], %swap3A_1070 {strides = array<i32>} : memref<8x1024xf32, #tpu.memory_space<vmem>>, vector<1x16xf32>,
      }
      %scan3A_616 = arith.constant 64 : i32
      %mul3A_617 = arith.constant 32 : i32
      %mul3A_618 = arith.muli %scan3A_19, %mul3A_617 : i32
      %add3A_619 = arith.constant 16 : i32
      %add3A_620 = arith.addi %mul3A_618, %add3A_619 : i32
      %add3A_621 = arith.constant 0 : i32
      %add3A_622 = arith.addi %add3A_620, %add3A_621 : i32
      %add3A_623 = arith.constant 1 : i32
      %add3A_624 = arith.addi %add3A_622, %add3A_623 : i32
      %mul3A_625 = arith.constant 16 : i32
      %mul3A_626 = arith.muli %add3A_624, %mul3A_625 : i32
      %get3A_627 = arith.index_cast %mul3A_626 : i32 to index
      %get3A_628 = tpu.vector_load %arg12[%get3A_627] {strides = array<i32>} : memref<6656xf32, #tpu.memory_space<vmem>>, vector<16xf32>,
      %get3A_629 = vector.shape_cast %get3A_628 : vector<16xf32> to vector<16xf32>
      %scan3A_630 = arith.constant 0 : i32
      %scan3A_631 = arith.constant 64 : i32
      %scan3A_632 = arith.addi %scan3A_630, %scan3A_631 : i32
      %scan3A_633 = arith.constant 1 : i32
      scf.for %scan3A_1055 = %scan3A_630 to %scan3A_632 step %scan3A_633  : i32 {
        %mul3A_1056 = arith.constant 16 : i32
        %mul3A_1057 = arith.muli %scan3A_1055, %mul3A_1056 : i32
        %mul3A_1058 = arith.constant 16 : i32
        %mul3A_1059 = arith.muli %scan3A_1055, %mul3A_1058 : i32
        %add3A_1060 = arith.constant 1024 : i32
        %add3A_1061 = arith.addi %add3A_1060, %mul3A_1059 : i32
        %get3A_1062 = arith.index_cast %add3A_1061 : i32 to index
        %get3A_1063 = tpu.vector_load %arg10[%get3A_1062] {strides = array<i32>} : memref<4096xf32, #tpu.memory_space<vmem>>, vector<16xf32>,
        %get3A_1064 = vector.shape_cast %get3A_1063 : vector<16xf32> to vector<16xf32>
        %add3A_1065 = arith.addf %get3A_1064, %get3A_629 : vector<16xf32>
        %swap3A = arith.constant 1 : i32
        %swap3A_1066 = arith.index_cast %swap3A : i32 to index
        %swap3A_1067 = arith.index_cast %mul3A_1057 : i32 to index
        %swap3A_1068 = tpu.vector_load %arg11[%swap3A_1066, %swap3A_1067] {strides = array<i32>} : memref<8x1024xf32, #tpu.memory_space<vmem>>, vector<1x16xf32>,
        %swap3A_1069 = vector.shape_cast %swap3A_1068 : vector<1x16xf32> to vector<16xf32>
        %swap3A_1070 = vector.shape_cast %add3A_1065 : vector<16xf32> to vector<1x16xf32>
        tpu.vector_store %arg11[%swap3A_1066, %swap3A_1067], %swap3A_1070 {strides = array<i32>} : memref<8x1024xf32, #tpu.memory_space<vmem>>, vector<1x16xf32>,
      }
      %scan3A_634 = arith.constant 64 : i32
      %mul3A_635 = arith.constant 32 : i32
      %mul3A_636 = arith.muli %scan3A_19, %mul3A_635 : i32
      %add3A_637 = arith.constant 16 : i32
      %add3A_638 = arith.addi %mul3A_636, %add3A_637 : i32
      %add3A_639 = arith.constant 0 : i32
      %add3A_640 = arith.addi %add3A_638, %add3A_639 : i32
      %add3A_641 = arith.constant 2 : i32
      %add3A_642 = arith.addi %add3A_640, %add3A_641 : i32
      %mul3A_643 = arith.constant 16 : i32
      %mul3A_644 = arith.muli %add3A_642, %mul3A_643 : i32
      %get3A_645 = arith.index_cast %mul3A_644 : i32 to index
      %get3A_646 = tpu.vector_load %arg12[%get3A_645] {strides = array<i32>} : memref<6656xf32, #tpu.memory_space<vmem>>, vector<16xf32>,
      %get3A_647 = vector.shape_cast %get3A_646 : vector<16xf32> to vector<16xf32>
      %scan3A_648 = arith.constant 0 : i32
      %scan3A_649 = arith.constant 64 : i32
      %scan3A_650 = arith.addi %scan3A_648, %scan3A_649 : i32
      %scan3A_651 = arith.constant 1 : i32
      scf.for %scan3A_1055 = %scan3A_648 to %scan3A_650 step %scan3A_651  : i32 {
        %mul3A_1056 = arith.constant 16 : i32
        %mul3A_1057 = arith.muli %scan3A_1055, %mul3A_1056 : i32
        %mul3A_1058 = arith.constant 16 : i32
        %mul3A_1059 = arith.muli %scan3A_1055, %mul3A_1058 : i32
        %add3A_1060 = arith.constant 2048 : i32
        %add3A_1061 = arith.addi %add3A_1060, %mul3A_1059 : i32
        %get3A_1062 = arith.index_cast %add3A_1061 : i32 to index
        %get3A_1063 = tpu.vector_load %arg10[%get3A_1062] {strides = array<i32>} : memref<4096xf32, #tpu.memory_space<vmem>>, vector<16xf32>,
        %get3A_1064 = vector.shape_cast %get3A_1063 : vector<16xf32> to vector<16xf32>
        %add3A_1065 = arith.addf %get3A_1064, %get3A_647 : vector<16xf32>
        %swap3A = arith.constant 2 : i32
        %swap3A_1066 = arith.index_cast %swap3A : i32 to index
        %swap3A_1067 = arith.index_cast %mul3A_1057 : i32 to index
        %swap3A_1068 = tpu.vector_load %arg11[%swap3A_1066, %swap3A_1067] {strides = array<i32>} : memref<8x1024xf32, #tpu.memory_space<vmem>>, vector<1x16xf32>,
        %swap3A_1069 = vector.shape_cast %swap3A_1068 : vector<1x16xf32> to vector<16xf32>
        %swap3A_1070 = vector.shape_cast %add3A_1065 : vector<16xf32> to vector<1x16xf32>
        tpu.vector_store %arg11[%swap3A_1066, %swap3A_1067], %swap3A_1070 {strides = array<i32>} : memref<8x1024xf32, #tpu.memory_space<vmem>>, vector<1x16xf32>,
      }
      %scan3A_652 = arith.constant 64 : i32
      %mul3A_653 = arith.constant 32 : i32
      %mul3A_654 = arith.muli %scan3A_19, %mul3A_653 : i32
      %add3A_655 = arith.constant 16 : i32
      %add3A_656 = arith.addi %mul3A_654, %add3A_655 : i32
      %add3A_657 = arith.constant 0 : i32
      %add3A_658 = arith.addi %add3A_656, %add3A_657 : i32
      %add3A_659 = arith.constant 3 : i32
      %add3A_660 = arith.addi %add3A_658, %add3A_659 : i32
      %mul3A_661 = arith.constant 16 : i32
      %mul3A_662 = arith.muli %add3A_660, %mul3A_661 : i32
      %get3A_663 = arith.index_cast %mul3A_662 : i32 to index
      %get3A_664 = tpu.vector_load %arg12[%get3A_663] {strides = array<i32>} : memref<6656xf32, #tpu.memory_space<vmem>>, vector<16xf32>,
      %get3A_665 = vector.shape_cast %get3A_664 : vector<16xf32> to vector<16xf32>
      %scan3A_666 = arith.constant 0 : i32
      %scan3A_667 = arith.constant 64 : i32
      %scan3A_668 = arith.addi %scan3A_666, %scan3A_667 : i32
      %scan3A_669 = arith.constant 1 : i32
      scf.for %scan3A_1055 = %scan3A_666 to %scan3A_668 step %scan3A_669  : i32 {
        %mul3A_1056 = arith.constant 16 : i32
        %mul3A_1057 = arith.muli %scan3A_1055, %mul3A_1056 : i32
        %mul3A_1058 = arith.constant 16 : i32
        %mul3A_1059 = arith.muli %scan3A_1055, %mul3A_1058 : i32
        %add3A_1060 = arith.constant 3072 : i32
        %add3A_1061 = arith.addi %add3A_1060, %mul3A_1059 : i32
        %get3A_1062 = arith.index_cast %add3A_1061 : i32 to index
        %get3A_1063 = tpu.vector_load %arg10[%get3A_1062] {strides = array<i32>} : memref<4096xf32, #tpu.memory_space<vmem>>, vector<16xf32>,
        %get3A_1064 = vector.shape_cast %get3A_1063 : vector<16xf32> to vector<16xf32>
        %add3A_1065 = arith.addf %get3A_1064, %get3A_665 : vector<16xf32>
        %swap3A = arith.constant 3 : i32
        %swap3A_1066 = arith.index_cast %swap3A : i32 to index
        %swap3A_1067 = arith.index_cast %mul3A_1057 : i32 to index
        %swap3A_1068 = tpu.vector_load %arg11[%swap3A_1066, %swap3A_1067] {strides = array<i32>} : memref<8x1024xf32, #tpu.memory_space<vmem>>, vector<1x16xf32>,
        %swap3A_1069 = vector.shape_cast %swap3A_1068 : vector<1x16xf32> to vector<16xf32>
        %swap3A_1070 = vector.shape_cast %add3A_1065 : vector<16xf32> to vector<1x16xf32>
        tpu.vector_store %arg11[%swap3A_1066, %swap3A_1067], %swap3A_1070 {strides = array<i32>} : memref<8x1024xf32, #tpu.memory_space<vmem>>, vector<1x16xf32>,
      }
      %scan3A_670 = arith.constant 64 : i32
      %barrier3A_671 = arith.constant 0 : index
      tpu.barrier barrier_id(%barrier3A_671)
      %lt3A_672 = arith.constant 15 : i32
      %lt3A_673 = arith.cmpi slt, %arg1, %lt3A_672 : i32
      %convert_element_type3A_674 = arith.extui %lt3A_673 : i1 to i32
      %cond3A_675 = arith.constant 0 : i32
      %cond3A_676 = arith.cmpi ne, %convert_element_type3A_674, %cond3A_675 : i32
      scf.if %cond3A_676 {
        %add3A_1055 = arith.constant 0 : i32
        %add3A_1056 = arith.addi %add3A_1055, %mul3A_0 : i32
        %run_scoped3A = arith.constant 4 : i32
        "tpu.region"() ({
          %run_scoped3A_1057 = tpu.sem_alloc : memref<!tpu.dma_semaphore, #tpu.memory_space<semaphore_mem>>
          %dma_start3A_1058 = arith.constant 0 : i32
          %dma_start3A_1059 = tpu.memref_slice %arg7[%run_scoped3A, %dma_start3A_1058] : memref<8x6272xf32, #tpu.memory_space<vmem>> -> memref<1x6272xf32, #tpu.memory_space<vmem>>
          %dma_start3A_1060 = tpu.memref_squeeze %dma_start3A_1059 : memref<1x6272xf32, #tpu.memory_space<vmem>> -> memref<6272xf32, #tpu.memory_space<vmem>>
          %dma_start3A_1061 = tpu.memref_slice %arg13[%add3A_1056] : memref<400384xf32, #tpu.memory_space<vmem_shared>> -> memref<6272xf32, #tpu.memory_space<vmem_shared>>
          %dma_start3A_1062 = tpu.memref_slice %arg13[%add3A_1056] : memref<400384xf32, #tpu.memory_space<vmem_shared>> -> memref<6272xf32, #tpu.memory_space<vmem_shared>>
          %dma_start3A_1063 = arith.constant 0 : i32
          %dma_start3A_1064 = tpu.memref_slice %arg7[%run_scoped3A, %dma_start3A_1063] : memref<8x6272xf32, #tpu.memory_space<vmem>> -> memref<1x6272xf32, #tpu.memory_space<vmem>>
          %dma_start3A_1065 = tpu.memref_squeeze %dma_start3A_1064 : memref<1x6272xf32, #tpu.memory_space<vmem>> -> memref<6272xf32, #tpu.memory_space<vmem>>
          tpu.enqueue_dma source(%dma_start3A_1065 : memref<6272xf32, #tpu.memory_space<vmem>>) target(%dma_start3A_1062 : memref<6272xf32, #tpu.memory_space<vmem_shared>>) target_semaphore(%run_scoped3A_1057 : memref<!tpu.dma_semaphore, #tpu.memory_space<semaphore_mem>>)
          %dma_wait3A_1066 = arith.constant 0 : i32
          %dma_wait3A_1067 = tpu.memref_slice %arg7[%run_scoped3A, %dma_wait3A_1066] : memref<8x6272xf32, #tpu.memory_space<vmem>> -> memref<1x6272xf32, #tpu.memory_space<vmem>>
          %dma_wait3A_1068 = tpu.memref_squeeze %dma_wait3A_1067 : memref<1x6272xf32, #tpu.memory_space<vmem>> -> memref<6272xf32, #tpu.memory_space<vmem>>
          %dma_wait3A_1069 = tpu.memref_slice %arg13[%add3A_1056] : memref<400384xf32, #tpu.memory_space<vmem_shared>> -> memref<6272xf32, #tpu.memory_space<vmem_shared>>
          %dma_wait3A_1070 = tpu.memref_slice %arg13[%add3A_1056] : memref<400384xf32, #tpu.memory_space<vmem_shared>> -> memref<6272xf32, #tpu.memory_space<vmem_shared>>
          %dma_wait3A_1071 = arith.constant 0 : i32
          %dma_wait3A_1072 = tpu.memref_slice %arg7[%run_scoped3A, %dma_wait3A_1071] : memref<8x6272xf32, #tpu.memory_space<vmem>> -> memref<1x6272xf32, #tpu.memory_space<vmem>>
          %dma_wait3A_1073 = tpu.memref_squeeze %dma_wait3A_1072 : memref<1x6272xf32, #tpu.memory_space<vmem>> -> memref<6272xf32, #tpu.memory_space<vmem>>
          tpu.wait_dma2 semaphore(%run_scoped3A_1057 : memref<!tpu.dma_semaphore, #tpu.memory_space<semaphore_mem>>) src(%dma_wait3A_1073 : memref<6272xf32, #tpu.memory_space<vmem>>) dst(%dma_wait3A_1070 : memref<6272xf32, #tpu.memory_space<vmem_shared>>)
          tpu.yield
        }) : () -> ()
      } else {
      }
      %eq3A_677 = arith.constant 15 : i32
      %eq3A_678 = arith.cmpi eq, %arg1, %eq3A_677 : i32
      %convert_element_type3A_679 = arith.extui %eq3A_678 : i1 to i32
      %cond3A_680 = arith.constant 0 : i32
      %cond3A_681 = arith.cmpi ne, %convert_element_type3A_679, %cond3A_680 : i32
      scf.if %cond3A_681 {
        %add3A_1055 = arith.constant 0 : i32
        %add3A_1056 = arith.addi %add3A_1055, %mul3A_0 : i32
        %run_scoped3A = arith.constant 4 : i32
        "tpu.region"() ({
          %run_scoped3A_1057 = tpu.sem_alloc : memref<!tpu.dma_semaphore, #tpu.memory_space<semaphore_mem>>
          %dma_start3A_1058 = arith.constant 0 : i32
          %dma_start3A_1059 = tpu.memref_slice %arg7[%run_scoped3A, %dma_start3A_1058] : memref<8x6272xf32, #tpu.memory_space<vmem>> -> memref<1x6016xf32, #tpu.memory_space<vmem>>
          %dma_start3A_1060 = tpu.memref_squeeze %dma_start3A_1059 : memref<1x6016xf32, #tpu.memory_space<vmem>> -> memref<6016xf32, #tpu.memory_space<vmem>>
          %dma_start3A_1061 = tpu.memref_slice %arg13[%add3A_1056] : memref<400384xf32, #tpu.memory_space<vmem_shared>> -> memref<6016xf32, #tpu.memory_space<vmem_shared>>
          %dma_start3A_1062 = tpu.memref_slice %arg13[%add3A_1056] : memref<400384xf32, #tpu.memory_space<vmem_shared>> -> memref<6016xf32, #tpu.memory_space<vmem_shared>>
          %dma_start3A_1063 = arith.constant 0 : i32
          %dma_start3A_1064 = tpu.memref_slice %arg7[%run_scoped3A, %dma_start3A_1063] : memref<8x6272xf32, #tpu.memory_space<vmem>> -> memref<1x6016xf32, #tpu.memory_space<vmem>>
          %dma_start3A_1065 = tpu.memref_squeeze %dma_start3A_1064 : memref<1x6016xf32, #tpu.memory_space<vmem>> -> memref<6016xf32, #tpu.memory_space<vmem>>
          tpu.enqueue_dma source(%dma_start3A_1065 : memref<6016xf32, #tpu.memory_space<vmem>>) target(%dma_start3A_1062 : memref<6016xf32, #tpu.memory_space<vmem_shared>>) target_semaphore(%run_scoped3A_1057 : memref<!tpu.dma_semaphore, #tpu.memory_space<semaphore_mem>>)
          %dma_wait3A_1066 = arith.constant 0 : i32
          %dma_wait3A_1067 = tpu.memref_slice %arg7[%run_scoped3A, %dma_wait3A_1066] : memref<8x6272xf32, #tpu.memory_space<vmem>> -> memref<1x6016xf32, #tpu.memory_space<vmem>>
          %dma_wait3A_1068 = tpu.memref_squeeze %dma_wait3A_1067 : memref<1x6016xf32, #tpu.memory_space<vmem>> -> memref<6016xf32, #tpu.memory_space<vmem>>
          %dma_wait3A_1069 = tpu.memref_slice %arg13[%add3A_1056] : memref<400384xf32, #tpu.memory_space<vmem_shared>> -> memref<6016xf32, #tpu.memory_space<vmem_shared>>
          %dma_wait3A_1070 = tpu.memref_slice %arg13[%add3A_1056] : memref<400384xf32, #tpu.memory_space<vmem_shared>> -> memref<6016xf32, #tpu.memory_space<vmem_shared>>
          %dma_wait3A_1071 = arith.constant 0 : i32
          %dma_wait3A_1072 = tpu.memref_slice %arg7[%run_scoped3A, %dma_wait3A_1071] : memref<8x6272xf32, #tpu.memory_space<vmem>> -> memref<1x6016xf32, #tpu.memory_space<vmem>>
          %dma_wait3A_1073 = tpu.memref_squeeze %dma_wait3A_1072 : memref<1x6016xf32, #tpu.memory_space<vmem>> -> memref<6016xf32, #tpu.memory_space<vmem>>
          tpu.wait_dma2 semaphore(%run_scoped3A_1057 : memref<!tpu.dma_semaphore, #tpu.memory_space<semaphore_mem>>) src(%dma_wait3A_1073 : memref<6016xf32, #tpu.memory_space<vmem>>) dst(%dma_wait3A_1070 : memref<6016xf32, #tpu.memory_space<vmem_shared>>)
          tpu.yield
        }) : () -> ()
      } else {
      }
      %lt3A_682 = arith.constant 15 : i32
      %lt3A_683 = arith.cmpi slt, %arg1, %lt3A_682 : i32
      %convert_element_type3A_684 = arith.extui %lt3A_683 : i1 to i32
      %cond3A_685 = arith.constant 0 : i32
      %cond3A_686 = arith.cmpi ne, %convert_element_type3A_684, %cond3A_685 : i32
      scf.if %cond3A_686 {
        %add3A_1055 = arith.constant 100096 : i32
        %add3A_1056 = arith.addi %add3A_1055, %mul3A_0 : i32
        %run_scoped3A = arith.constant 5 : i32
        "tpu.region"() ({
          %run_scoped3A_1057 = tpu.sem_alloc : memref<!tpu.dma_semaphore, #tpu.memory_space<semaphore_mem>>
          %dma_start3A_1058 = arith.constant 0 : i32
          %dma_start3A_1059 = tpu.memref_slice %arg7[%run_scoped3A, %dma_start3A_1058] : memref<8x6272xf32, #tpu.memory_space<vmem>> -> memref<1x6272xf32, #tpu.memory_space<vmem>>
          %dma_start3A_1060 = tpu.memref_squeeze %dma_start3A_1059 : memref<1x6272xf32, #tpu.memory_space<vmem>> -> memref<6272xf32, #tpu.memory_space<vmem>>
          %dma_start3A_1061 = tpu.memref_slice %arg13[%add3A_1056] : memref<400384xf32, #tpu.memory_space<vmem_shared>> -> memref<6272xf32, #tpu.memory_space<vmem_shared>>
          %dma_start3A_1062 = tpu.memref_slice %arg13[%add3A_1056] : memref<400384xf32, #tpu.memory_space<vmem_shared>> -> memref<6272xf32, #tpu.memory_space<vmem_shared>>
          %dma_start3A_1063 = arith.constant 0 : i32
          %dma_start3A_1064 = tpu.memref_slice %arg7[%run_scoped3A, %dma_start3A_1063] : memref<8x6272xf32, #tpu.memory_space<vmem>> -> memref<1x6272xf32, #tpu.memory_space<vmem>>
          %dma_start3A_1065 = tpu.memref_squeeze %dma_start3A_1064 : memref<1x6272xf32, #tpu.memory_space<vmem>> -> memref<6272xf32, #tpu.memory_space<vmem>>
          tpu.enqueue_dma source(%dma_start3A_1065 : memref<6272xf32, #tpu.memory_space<vmem>>) target(%dma_start3A_1062 : memref<6272xf32, #tpu.memory_space<vmem_shared>>) target_semaphore(%run_scoped3A_1057 : memref<!tpu.dma_semaphore, #tpu.memory_space<semaphore_mem>>)
          %dma_wait3A_1066 = arith.constant 0 : i32
          %dma_wait3A_1067 = tpu.memref_slice %arg7[%run_scoped3A, %dma_wait3A_1066] : memref<8x6272xf32, #tpu.memory_space<vmem>> -> memref<1x6272xf32, #tpu.memory_space<vmem>>
          %dma_wait3A_1068 = tpu.memref_squeeze %dma_wait3A_1067 : memref<1x6272xf32, #tpu.memory_space<vmem>> -> memref<6272xf32, #tpu.memory_space<vmem>>
          %dma_wait3A_1069 = tpu.memref_slice %arg13[%add3A_1056] : memref<400384xf32, #tpu.memory_space<vmem_shared>> -> memref<6272xf32, #tpu.memory_space<vmem_shared>>
          %dma_wait3A_1070 = tpu.memref_slice %arg13[%add3A_1056] : memref<400384xf32, #tpu.memory_space<vmem_shared>> -> memref<6272xf32, #tpu.memory_space<vmem_shared>>
          %dma_wait3A_1071 = arith.constant 0 : i32
          %dma_wait3A_1072 = tpu.memref_slice %arg7[%run_scoped3A, %dma_wait3A_1071] : memref<8x6272xf32, #tpu.memory_space<vmem>> -> memref<1x6272xf32, #tpu.memory_space<vmem>>
          %dma_wait3A_1073 = tpu.memref_squeeze %dma_wait3A_1072 : memref<1x6272xf32, #tpu.memory_space<vmem>> -> memref<6272xf32, #tpu.memory_space<vmem>>
          tpu.wait_dma2 semaphore(%run_scoped3A_1057 : memref<!tpu.dma_semaphore, #tpu.memory_space<semaphore_mem>>) src(%dma_wait3A_1073 : memref<6272xf32, #tpu.memory_space<vmem>>) dst(%dma_wait3A_1070 : memref<6272xf32, #tpu.memory_space<vmem_shared>>)
          tpu.yield
        }) : () -> ()
      } else {
      }
      %eq3A_687 = arith.constant 15 : i32
      %eq3A_688 = arith.cmpi eq, %arg1, %eq3A_687 : i32
      %convert_element_type3A_689 = arith.extui %eq3A_688 : i1 to i32
      %cond3A_690 = arith.constant 0 : i32
      %cond3A_691 = arith.cmpi ne, %convert_element_type3A_689, %cond3A_690 : i32
      scf.if %cond3A_691 {
        %add3A_1055 = arith.constant 100096 : i32
        %add3A_1056 = arith.addi %add3A_1055, %mul3A_0 : i32
        %run_scoped3A = arith.constant 5 : i32
        "tpu.region"() ({
          %run_scoped3A_1057 = tpu.sem_alloc : memref<!tpu.dma_semaphore, #tpu.memory_space<semaphore_mem>>
          %dma_start3A_1058 = arith.constant 0 : i32
          %dma_start3A_1059 = tpu.memref_slice %arg7[%run_scoped3A, %dma_start3A_1058] : memref<8x6272xf32, #tpu.memory_space<vmem>> -> memref<1x6016xf32, #tpu.memory_space<vmem>>
          %dma_start3A_1060 = tpu.memref_squeeze %dma_start3A_1059 : memref<1x6016xf32, #tpu.memory_space<vmem>> -> memref<6016xf32, #tpu.memory_space<vmem>>
          %dma_start3A_1061 = tpu.memref_slice %arg13[%add3A_1056] : memref<400384xf32, #tpu.memory_space<vmem_shared>> -> memref<6016xf32, #tpu.memory_space<vmem_shared>>
          %dma_start3A_1062 = tpu.memref_slice %arg13[%add3A_1056] : memref<400384xf32, #tpu.memory_space<vmem_shared>> -> memref<6016xf32, #tpu.memory_space<vmem_shared>>
          %dma_start3A_1063 = arith.constant 0 : i32
          %dma_start3A_1064 = tpu.memref_slice %arg7[%run_scoped3A, %dma_start3A_1063] : memref<8x6272xf32, #tpu.memory_space<vmem>> -> memref<1x6016xf32, #tpu.memory_space<vmem>>
          %dma_start3A_1065 = tpu.memref_squeeze %dma_start3A_1064 : memref<1x6016xf32, #tpu.memory_space<vmem>> -> memref<6016xf32, #tpu.memory_space<vmem>>
          tpu.enqueue_dma source(%dma_start3A_1065 : memref<6016xf32, #tpu.memory_space<vmem>>) target(%dma_start3A_1062 : memref<6016xf32, #tpu.memory_space<vmem_shared>>) target_semaphore(%run_scoped3A_1057 : memref<!tpu.dma_semaphore, #tpu.memory_space<semaphore_mem>>)
          %dma_wait3A_1066 = arith.constant 0 : i32
          %dma_wait3A_1067 = tpu.memref_slice %arg7[%run_scoped3A, %dma_wait3A_1066] : memref<8x6272xf32, #tpu.memory_space<vmem>> -> memref<1x6016xf32, #tpu.memory_space<vmem>>
          %dma_wait3A_1068 = tpu.memref_squeeze %dma_wait3A_1067 : memref<1x6016xf32, #tpu.memory_space<vmem>> -> memref<6016xf32, #tpu.memory_space<vmem>>
          %dma_wait3A_1069 = tpu.memref_slice %arg13[%add3A_1056] : memref<400384xf32, #tpu.memory_space<vmem_shared>> -> memref<6016xf32, #tpu.memory_space<vmem_shared>>
          %dma_wait3A_1070 = tpu.memref_slice %arg13[%add3A_1056] : memref<400384xf32, #tpu.memory_space<vmem_shared>> -> memref<6016xf32, #tpu.memory_space<vmem_shared>>
          %dma_wait3A_1071 = arith.constant 0 : i32
          %dma_wait3A_1072 = tpu.memref_slice %arg7[%run_scoped3A, %dma_wait3A_1071] : memref<8x6272xf32, #tpu.memory_space<vmem>> -> memref<1x6016xf32, #tpu.memory_space<vmem>>
          %dma_wait3A_1073 = tpu.memref_squeeze %dma_wait3A_1072 : memref<1x6016xf32, #tpu.memory_space<vmem>> -> memref<6016xf32, #tpu.memory_space<vmem>>
          tpu.wait_dma2 semaphore(%run_scoped3A_1057 : memref<!tpu.dma_semaphore, #tpu.memory_space<semaphore_mem>>) src(%dma_wait3A_1073 : memref<6016xf32, #tpu.memory_space<vmem>>) dst(%dma_wait3A_1070 : memref<6016xf32, #tpu.memory_space<vmem_shared>>)
          tpu.yield
        }) : () -> ()
      } else {
      }
      %lt3A_692 = arith.constant 15 : i32
      %lt3A_693 = arith.cmpi slt, %arg1, %lt3A_692 : i32
      %convert_element_type3A_694 = arith.extui %lt3A_693 : i1 to i32
      %cond3A_695 = arith.constant 0 : i32
      %cond3A_696 = arith.cmpi ne, %convert_element_type3A_694, %cond3A_695 : i32
      scf.if %cond3A_696 {
        %add3A_1055 = arith.constant 200192 : i32
        %add3A_1056 = arith.addi %add3A_1055, %mul3A_0 : i32
        %run_scoped3A = arith.constant 6 : i32
        "tpu.region"() ({
          %run_scoped3A_1057 = tpu.sem_alloc : memref<!tpu.dma_semaphore, #tpu.memory_space<semaphore_mem>>
          %dma_start3A_1058 = arith.constant 0 : i32
          %dma_start3A_1059 = tpu.memref_slice %arg7[%run_scoped3A, %dma_start3A_1058] : memref<8x6272xf32, #tpu.memory_space<vmem>> -> memref<1x6272xf32, #tpu.memory_space<vmem>>
          %dma_start3A_1060 = tpu.memref_squeeze %dma_start3A_1059 : memref<1x6272xf32, #tpu.memory_space<vmem>> -> memref<6272xf32, #tpu.memory_space<vmem>>
          %dma_start3A_1061 = tpu.memref_slice %arg13[%add3A_1056] : memref<400384xf32, #tpu.memory_space<vmem_shared>> -> memref<6272xf32, #tpu.memory_space<vmem_shared>>
          %dma_start3A_1062 = tpu.memref_slice %arg13[%add3A_1056] : memref<400384xf32, #tpu.memory_space<vmem_shared>> -> memref<6272xf32, #tpu.memory_space<vmem_shared>>
          %dma_start3A_1063 = arith.constant 0 : i32
          %dma_start3A_1064 = tpu.memref_slice %arg7[%run_scoped3A, %dma_start3A_1063] : memref<8x6272xf32, #tpu.memory_space<vmem>> -> memref<1x6272xf32, #tpu.memory_space<vmem>>
          %dma_start3A_1065 = tpu.memref_squeeze %dma_start3A_1064 : memref<1x6272xf32, #tpu.memory_space<vmem>> -> memref<6272xf32, #tpu.memory_space<vmem>>
          tpu.enqueue_dma source(%dma_start3A_1065 : memref<6272xf32, #tpu.memory_space<vmem>>) target(%dma_start3A_1062 : memref<6272xf32, #tpu.memory_space<vmem_shared>>) target_semaphore(%run_scoped3A_1057 : memref<!tpu.dma_semaphore, #tpu.memory_space<semaphore_mem>>)
          %dma_wait3A_1066 = arith.constant 0 : i32
          %dma_wait3A_1067 = tpu.memref_slice %arg7[%run_scoped3A, %dma_wait3A_1066] : memref<8x6272xf32, #tpu.memory_space<vmem>> -> memref<1x6272xf32, #tpu.memory_space<vmem>>
          %dma_wait3A_1068 = tpu.memref_squeeze %dma_wait3A_1067 : memref<1x6272xf32, #tpu.memory_space<vmem>> -> memref<6272xf32, #tpu.memory_space<vmem>>
          %dma_wait3A_1069 = tpu.memref_slice %arg13[%add3A_1056] : memref<400384xf32, #tpu.memory_space<vmem_shared>> -> memref<6272xf32, #tpu.memory_space<vmem_shared>>
          %dma_wait3A_1070 = tpu.memref_slice %arg13[%add3A_1056] : memref<400384xf32, #tpu.memory_space<vmem_shared>> -> memref<6272xf32, #tpu.memory_space<vmem_shared>>
          %dma_wait3A_1071 = arith.constant 0 : i32
          %dma_wait3A_1072 = tpu.memref_slice %arg7[%run_scoped3A, %dma_wait3A_1071] : memref<8x6272xf32, #tpu.memory_space<vmem>> -> memref<1x6272xf32, #tpu.memory_space<vmem>>
          %dma_wait3A_1073 = tpu.memref_squeeze %dma_wait3A_1072 : memref<1x6272xf32, #tpu.memory_space<vmem>> -> memref<6272xf32, #tpu.memory_space<vmem>>
          tpu.wait_dma2 semaphore(%run_scoped3A_1057 : memref<!tpu.dma_semaphore, #tpu.memory_space<semaphore_mem>>) src(%dma_wait3A_1073 : memref<6272xf32, #tpu.memory_space<vmem>>) dst(%dma_wait3A_1070 : memref<6272xf32, #tpu.memory_space<vmem_shared>>)
          tpu.yield
        }) : () -> ()
      } else {
      }
      %eq3A_697 = arith.constant 15 : i32
      %eq3A_698 = arith.cmpi eq, %arg1, %eq3A_697 : i32
      %convert_element_type3A_699 = arith.extui %eq3A_698 : i1 to i32
      %cond3A_700 = arith.constant 0 : i32
      %cond3A_701 = arith.cmpi ne, %convert_element_type3A_699, %cond3A_700 : i32
      scf.if %cond3A_701 {
        %add3A_1055 = arith.constant 200192 : i32
        %add3A_1056 = arith.addi %add3A_1055, %mul3A_0 : i32
        %run_scoped3A = arith.constant 6 : i32
        "tpu.region"() ({
          %run_scoped3A_1057 = tpu.sem_alloc : memref<!tpu.dma_semaphore, #tpu.memory_space<semaphore_mem>>
          %dma_start3A_1058 = arith.constant 0 : i32
          %dma_start3A_1059 = tpu.memref_slice %arg7[%run_scoped3A, %dma_start3A_1058] : memref<8x6272xf32, #tpu.memory_space<vmem>> -> memref<1x6016xf32, #tpu.memory_space<vmem>>
          %dma_start3A_1060 = tpu.memref_squeeze %dma_start3A_1059 : memref<1x6016xf32, #tpu.memory_space<vmem>> -> memref<6016xf32, #tpu.memory_space<vmem>>
          %dma_start3A_1061 = tpu.memref_slice %arg13[%add3A_1056] : memref<400384xf32, #tpu.memory_space<vmem_shared>> -> memref<6016xf32, #tpu.memory_space<vmem_shared>>
          %dma_start3A_1062 = tpu.memref_slice %arg13[%add3A_1056] : memref<400384xf32, #tpu.memory_space<vmem_shared>> -> memref<6016xf32, #tpu.memory_space<vmem_shared>>
          %dma_start3A_1063 = arith.constant 0 : i32
          %dma_start3A_1064 = tpu.memref_slice %arg7[%run_scoped3A, %dma_start3A_1063] : memref<8x6272xf32, #tpu.memory_space<vmem>> -> memref<1x6016xf32, #tpu.memory_space<vmem>>
          %dma_start3A_1065 = tpu.memref_squeeze %dma_start3A_1064 : memref<1x6016xf32, #tpu.memory_space<vmem>> -> memref<6016xf32, #tpu.memory_space<vmem>>
          tpu.enqueue_dma source(%dma_start3A_1065 : memref<6016xf32, #tpu.memory_space<vmem>>) target(%dma_start3A_1062 : memref<6016xf32, #tpu.memory_space<vmem_shared>>) target_semaphore(%run_scoped3A_1057 : memref<!tpu.dma_semaphore, #tpu.memory_space<semaphore_mem>>)
          %dma_wait3A_1066 = arith.constant 0 : i32
          %dma_wait3A_1067 = tpu.memref_slice %arg7[%run_scoped3A, %dma_wait3A_1066] : memref<8x6272xf32, #tpu.memory_space<vmem>> -> memref<1x6016xf32, #tpu.memory_space<vmem>>
          %dma_wait3A_1068 = tpu.memref_squeeze %dma_wait3A_1067 : memref<1x6016xf32, #tpu.memory_space<vmem>> -> memref<6016xf32, #tpu.memory_space<vmem>>
          %dma_wait3A_1069 = tpu.memref_slice %arg13[%add3A_1056] : memref<400384xf32, #tpu.memory_space<vmem_shared>> -> memref<6016xf32, #tpu.memory_space<vmem_shared>>
          %dma_wait3A_1070 = tpu.memref_slice %arg13[%add3A_1056] : memref<400384xf32, #tpu.memory_space<vmem_shared>> -> memref<6016xf32, #tpu.memory_space<vmem_shared>>
          %dma_wait3A_1071 = arith.constant 0 : i32
          %dma_wait3A_1072 = tpu.memref_slice %arg7[%run_scoped3A, %dma_wait3A_1071] : memref<8x6272xf32, #tpu.memory_space<vmem>> -> memref<1x6016xf32, #tpu.memory_space<vmem>>
          %dma_wait3A_1073 = tpu.memref_squeeze %dma_wait3A_1072 : memref<1x6016xf32, #tpu.memory_space<vmem>> -> memref<6016xf32, #tpu.memory_space<vmem>>
          tpu.wait_dma2 semaphore(%run_scoped3A_1057 : memref<!tpu.dma_semaphore, #tpu.memory_space<semaphore_mem>>) src(%dma_wait3A_1073 : memref<6016xf32, #tpu.memory_space<vmem>>) dst(%dma_wait3A_1070 : memref<6016xf32, #tpu.memory_space<vmem_shared>>)
          tpu.yield
        }) : () -> ()
      } else {
      }
      %lt3A_702 = arith.constant 15 : i32
      %lt3A_703 = arith.cmpi slt, %arg1, %lt3A_702 : i32
      %convert_element_type3A_704 = arith.extui %lt3A_703 : i1 to i32
      %cond3A_705 = arith.constant 0 : i32
      %cond3A_706 = arith.cmpi ne, %convert_element_type3A_704, %cond3A_705 : i32
      scf.if %cond3A_706 {
        %add3A_1055 = arith.constant 300288 : i32
        %add3A_1056 = arith.addi %add3A_1055, %mul3A_0 : i32
        %run_scoped3A = arith.constant 7 : i32
        "tpu.region"() ({
          %run_scoped3A_1057 = tpu.sem_alloc : memref<!tpu.dma_semaphore, #tpu.memory_space<semaphore_mem>>
          %dma_start3A_1058 = arith.constant 0 : i32
          %dma_start3A_1059 = tpu.memref_slice %arg7[%run_scoped3A, %dma_start3A_1058] : memref<8x6272xf32, #tpu.memory_space<vmem>> -> memref<1x6272xf32, #tpu.memory_space<vmem>>
          %dma_start3A_1060 = tpu.memref_squeeze %dma_start3A_1059 : memref<1x6272xf32, #tpu.memory_space<vmem>> -> memref<6272xf32, #tpu.memory_space<vmem>>
          %dma_start3A_1061 = tpu.memref_slice %arg13[%add3A_1056] : memref<400384xf32, #tpu.memory_space<vmem_shared>> -> memref<6272xf32, #tpu.memory_space<vmem_shared>>
          %dma_start3A_1062 = tpu.memref_slice %arg13[%add3A_1056] : memref<400384xf32, #tpu.memory_space<vmem_shared>> -> memref<6272xf32, #tpu.memory_space<vmem_shared>>
          %dma_start3A_1063 = arith.constant 0 : i32
          %dma_start3A_1064 = tpu.memref_slice %arg7[%run_scoped3A, %dma_start3A_1063] : memref<8x6272xf32, #tpu.memory_space<vmem>> -> memref<1x6272xf32, #tpu.memory_space<vmem>>
          %dma_start3A_1065 = tpu.memref_squeeze %dma_start3A_1064 : memref<1x6272xf32, #tpu.memory_space<vmem>> -> memref<6272xf32, #tpu.memory_space<vmem>>
          tpu.enqueue_dma source(%dma_start3A_1065 : memref<6272xf32, #tpu.memory_space<vmem>>) target(%dma_start3A_1062 : memref<6272xf32, #tpu.memory_space<vmem_shared>>) target_semaphore(%run_scoped3A_1057 : memref<!tpu.dma_semaphore, #tpu.memory_space<semaphore_mem>>)
          %dma_wait3A_1066 = arith.constant 0 : i32
          %dma_wait3A_1067 = tpu.memref_slice %arg7[%run_scoped3A, %dma_wait3A_1066] : memref<8x6272xf32, #tpu.memory_space<vmem>> -> memref<1x6272xf32, #tpu.memory_space<vmem>>
          %dma_wait3A_1068 = tpu.memref_squeeze %dma_wait3A_1067 : memref<1x6272xf32, #tpu.memory_space<vmem>> -> memref<6272xf32, #tpu.memory_space<vmem>>
          %dma_wait3A_1069 = tpu.memref_slice %arg13[%add3A_1056] : memref<400384xf32, #tpu.memory_space<vmem_shared>> -> memref<6272xf32, #tpu.memory_space<vmem_shared>>
          %dma_wait3A_1070 = tpu.memref_slice %arg13[%add3A_1056] : memref<400384xf32, #tpu.memory_space<vmem_shared>> -> memref<6272xf32, #tpu.memory_space<vmem_shared>>
          %dma_wait3A_1071 = arith.constant 0 : i32
          %dma_wait3A_1072 = tpu.memref_slice %arg7[%run_scoped3A, %dma_wait3A_1071] : memref<8x6272xf32, #tpu.memory_space<vmem>> -> memref<1x6272xf32, #tpu.memory_space<vmem>>
          %dma_wait3A_1073 = tpu.memref_squeeze %dma_wait3A_1072 : memref<1x6272xf32, #tpu.memory_space<vmem>> -> memref<6272xf32, #tpu.memory_space<vmem>>
          tpu.wait_dma2 semaphore(%run_scoped3A_1057 : memref<!tpu.dma_semaphore, #tpu.memory_space<semaphore_mem>>) src(%dma_wait3A_1073 : memref<6272xf32, #tpu.memory_space<vmem>>) dst(%dma_wait3A_1070 : memref<6272xf32, #tpu.memory_space<vmem_shared>>)
          tpu.yield
        }) : () -> ()
      } else {
      }
      %eq3A_707 = arith.constant 15 : i32
      %eq3A_708 = arith.cmpi eq, %arg1, %eq3A_707 : i32
      %convert_element_type3A_709 = arith.extui %eq3A_708 : i1 to i32
      %cond3A_710 = arith.constant 0 : i32
      %cond3A_711 = arith.cmpi ne, %convert_element_type3A_709, %cond3A_710 : i32
      scf.if %cond3A_711 {
        %add3A_1055 = arith.constant 300288 : i32
        %add3A_1056 = arith.addi %add3A_1055, %mul3A_0 : i32
        %run_scoped3A = arith.constant 7 : i32
        "tpu.region"() ({
          %run_scoped3A_1057 = tpu.sem_alloc : memref<!tpu.dma_semaphore, #tpu.memory_space<semaphore_mem>>
          %dma_start3A_1058 = arith.constant 0 : i32
          %dma_start3A_1059 = tpu.memref_slice %arg7[%run_scoped3A, %dma_start3A_1058] : memref<8x6272xf32, #tpu.memory_space<vmem>> -> memref<1x6016xf32, #tpu.memory_space<vmem>>
          %dma_start3A_1060 = tpu.memref_squeeze %dma_start3A_1059 : memref<1x6016xf32, #tpu.memory_space<vmem>> -> memref<6016xf32, #tpu.memory_space<vmem>>
          %dma_start3A_1061 = tpu.memref_slice %arg13[%add3A_1056] : memref<400384xf32, #tpu.memory_space<vmem_shared>> -> memref<6016xf32, #tpu.memory_space<vmem_shared>>
          %dma_start3A_1062 = tpu.memref_slice %arg13[%add3A_1056] : memref<400384xf32, #tpu.memory_space<vmem_shared>> -> memref<6016xf32, #tpu.memory_space<vmem_shared>>
          %dma_start3A_1063 = arith.constant 0 : i32
          %dma_start3A_1064 = tpu.memref_slice %arg7[%run_scoped3A, %dma_start3A_1063] : memref<8x6272xf32, #tpu.memory_space<vmem>> -> memref<1x6016xf32, #tpu.memory_space<vmem>>
          %dma_start3A_1065 = tpu.memref_squeeze %dma_start3A_1064 : memref<1x6016xf32, #tpu.memory_space<vmem>> -> memref<6016xf32, #tpu.memory_space<vmem>>
          tpu.enqueue_dma source(%dma_start3A_1065 : memref<6016xf32, #tpu.memory_space<vmem>>) target(%dma_start3A_1062 : memref<6016xf32, #tpu.memory_space<vmem_shared>>) target_semaphore(%run_scoped3A_1057 : memref<!tpu.dma_semaphore, #tpu.memory_space<semaphore_mem>>)
          %dma_wait3A_1066 = arith.constant 0 : i32
          %dma_wait3A_1067 = tpu.memref_slice %arg7[%run_scoped3A, %dma_wait3A_1066] : memref<8x6272xf32, #tpu.memory_space<vmem>> -> memref<1x6016xf32, #tpu.memory_space<vmem>>
          %dma_wait3A_1068 = tpu.memref_squeeze %dma_wait3A_1067 : memref<1x6016xf32, #tpu.memory_space<vmem>> -> memref<6016xf32, #tpu.memory_space<vmem>>
          %dma_wait3A_1069 = tpu.memref_slice %arg13[%add3A_1056] : memref<400384xf32, #tpu.memory_space<vmem_shared>> -> memref<6016xf32, #tpu.memory_space<vmem_shared>>
          %dma_wait3A_1070 = tpu.memref_slice %arg13[%add3A_1056] : memref<400384xf32, #tpu.memory_space<vmem_shared>> -> memref<6016xf32, #tpu.memory_space<vmem_shared>>
          %dma_wait3A_1071 = arith.constant 0 : i32
          %dma_wait3A_1072 = tpu.memref_slice %arg7[%run_scoped3A, %dma_wait3A_1071] : memref<8x6272xf32, #tpu.memory_space<vmem>> -> memref<1x6016xf32, #tpu.memory_space<vmem>>
          %dma_wait3A_1073 = tpu.memref_squeeze %dma_wait3A_1072 : memref<1x6016xf32, #tpu.memory_space<vmem>> -> memref<6016xf32, #tpu.memory_space<vmem>>
          tpu.wait_dma2 semaphore(%run_scoped3A_1057 : memref<!tpu.dma_semaphore, #tpu.memory_space<semaphore_mem>>) src(%dma_wait3A_1073 : memref<6016xf32, #tpu.memory_space<vmem>>) dst(%dma_wait3A_1070 : memref<6016xf32, #tpu.memory_space<vmem_shared>>)
          tpu.yield
        }) : () -> ()
      } else {
      }
      %lt3A_712 = arith.constant 15 : i32
      %lt3A_713 = arith.cmpi slt, %arg1, %lt3A_712 : i32
      %convert_element_type3A_714 = arith.extui %lt3A_713 : i1 to i32
      %cond3A_715 = arith.constant 0 : i32
      %cond3A_716 = arith.cmpi ne, %convert_element_type3A_714, %cond3A_715 : i32
      scf.if %cond3A_716 {
        %dma_start3A_1055 = arith.constant 0 : i32
        %dma_start3A_1056 = arith.constant 0 : i32
        %dma_start3A_1057 = tpu.memref_slice %arg7[%dma_start3A_1055, %dma_start3A_1056] : memref<8x6272xf32, #tpu.memory_space<vmem>> -> memref<8x6272xf32, #tpu.memory_space<vmem>>
        %dma_start3A_1058 = arith.constant 24 : i32
        %dma_start3A_1059 = tpu.memref_slice %arg3[%add3A, %dma_start3A_1058, %mul3A_0] : memref<26x32x100000xf32, #tpu.memory_space<hbm>> -> memref<1x8x6272xf32, #tpu.memory_space<hbm>>
        %dma_start3A_1060 = tpu.memref_squeeze %dma_start3A_1059 : memref<1x8x6272xf32, #tpu.memory_space<hbm>> -> memref<8x6272xf32, #tpu.memory_space<hbm>>
        %dma_start3A_1061 = arith.constant 0 : i32
        %dma_start3A_1062 = arith.constant 0 : i32
        %dma_start3A_1063 = tpu.memref_slice %arg7[%dma_start3A_1061, %dma_start3A_1062] : memref<8x6272xf32, #tpu.memory_space<vmem>> -> memref<8x6272xf32, #tpu.memory_space<vmem>>
        %dma_start3A_1064 = arith.constant 24 : i32
        %dma_start3A_1065 = tpu.memref_slice %arg3[%add3A, %dma_start3A_1064, %mul3A_0] : memref<26x32x100000xf32, #tpu.memory_space<hbm>> -> memref<1x8x6272xf32, #tpu.memory_space<hbm>>
        %dma_start3A_1066 = tpu.memref_squeeze %dma_start3A_1065 : memref<1x8x6272xf32, #tpu.memory_space<hbm>> -> memref<8x6272xf32, #tpu.memory_space<hbm>>
        tpu.enqueue_dma source(%dma_start3A_1066 : memref<8x6272xf32, #tpu.memory_space<hbm>>) target(%dma_start3A_1063 : memref<8x6272xf32, #tpu.memory_space<vmem>>) target_semaphore(%arg14 : memref<!tpu.dma_semaphore, #tpu.memory_space<semaphore_mem>>)
      } else {
      }
      %eq3A_717 = arith.constant 15 : i32
      %eq3A_718 = arith.cmpi eq, %arg1, %eq3A_717 : i32
      %convert_element_type3A_719 = arith.extui %eq3A_718 : i1 to i32
      %cond3A_720 = arith.constant 0 : i32
      %cond3A_721 = arith.cmpi ne, %convert_element_type3A_719, %cond3A_720 : i32
      scf.if %cond3A_721 {
        %dma_start3A_1055 = arith.constant 0 : i32
        %dma_start3A_1056 = arith.constant 0 : i32
        %dma_start3A_1057 = tpu.memref_slice %arg7[%dma_start3A_1055, %dma_start3A_1056] : memref<8x6272xf32, #tpu.memory_space<vmem>> -> memref<8x5888xf32, #tpu.memory_space<vmem>>
        %dma_start3A_1058 = arith.constant 24 : i32
        %dma_start3A_1059 = tpu.memref_slice %arg3[%add3A, %dma_start3A_1058, %mul3A_0] : memref<26x32x100000xf32, #tpu.memory_space<hbm>> -> memref<1x8x5888xf32, #tpu.memory_space<hbm>>
        %dma_start3A_1060 = tpu.memref_squeeze %dma_start3A_1059 : memref<1x8x5888xf32, #tpu.memory_space<hbm>> -> memref<8x5888xf32, #tpu.memory_space<hbm>>
        %dma_start3A_1061 = arith.constant 0 : i32
        %dma_start3A_1062 = arith.constant 0 : i32
        %dma_start3A_1063 = tpu.memref_slice %arg7[%dma_start3A_1061, %dma_start3A_1062] : memref<8x6272xf32, #tpu.memory_space<vmem>> -> memref<8x5888xf32, #tpu.memory_space<vmem>>
        %dma_start3A_1064 = arith.constant 24 : i32
        %dma_start3A_1065 = tpu.memref_slice %arg3[%add3A, %dma_start3A_1064, %mul3A_0] : memref<26x32x100000xf32, #tpu.memory_space<hbm>> -> memref<1x8x5888xf32, #tpu.memory_space<hbm>>
        %dma_start3A_1066 = tpu.memref_squeeze %dma_start3A_1065 : memref<1x8x5888xf32, #tpu.memory_space<hbm>> -> memref<8x5888xf32, #tpu.memory_space<hbm>>
        tpu.enqueue_dma source(%dma_start3A_1066 : memref<8x5888xf32, #tpu.memory_space<hbm>>) target(%dma_start3A_1063 : memref<8x5888xf32, #tpu.memory_space<vmem>>) target_semaphore(%arg14 : memref<!tpu.dma_semaphore, #tpu.memory_space<semaphore_mem>>)
        %dma_start3A_1067 = arith.constant 0 : i32
        %dma_start3A_1068 = arith.constant 5888 : i32
        %dma_start3A_1069 = tpu.memref_slice %arg7[%dma_start3A_1067, %dma_start3A_1068] : memref<8x6272xf32, #tpu.memory_space<vmem>> -> memref<8x128xf32, #tpu.memory_space<vmem>>
        %dma_start3A_1070 = arith.constant 24 : i32
        %dma_start3A_1071 = arith.constant 0 : i32
        %dma_start3A_1072 = tpu.memref_slice %arg4[%add3A, %dma_start3A_1070, %dma_start3A_1071] : memref<26x32x128xf32, #tpu.memory_space<hbm>> -> memref<1x8x128xf32, #tpu.memory_space<hbm>>
        %dma_start3A_1073 = tpu.memref_squeeze %dma_start3A_1072 : memref<1x8x128xf32, #tpu.memory_space<hbm>> -> memref<8x128xf32, #tpu.memory_space<hbm>>
        %dma_start3A_1074 = arith.constant 0 : i32
        %dma_start3A_1075 = arith.constant 5888 : i32
        %dma_start3A_1076 = tpu.memref_slice %arg7[%dma_start3A_1074, %dma_start3A_1075] : memref<8x6272xf32, #tpu.memory_space<vmem>> -> memref<8x128xf32, #tpu.memory_space<vmem>>
        %dma_start3A_1077 = arith.constant 24 : i32
        %dma_start3A_1078 = arith.constant 0 : i32
        %dma_start3A_1079 = tpu.memref_slice %arg4[%add3A, %dma_start3A_1077, %dma_start3A_1078] : memref<26x32x128xf32, #tpu.memory_space<hbm>> -> memref<1x8x128xf32, #tpu.memory_space<hbm>>
        %dma_start3A_1080 = tpu.memref_squeeze %dma_start3A_1079 : memref<1x8x128xf32, #tpu.memory_space<hbm>> -> memref<8x128xf32, #tpu.memory_space<hbm>>
        tpu.enqueue_dma source(%dma_start3A_1080 : memref<8x128xf32, #tpu.memory_space<hbm>>) target(%dma_start3A_1076 : memref<8x128xf32, #tpu.memory_space<vmem>>) target_semaphore(%arg14 : memref<!tpu.dma_semaphore, #tpu.memory_space<semaphore_mem>>)
      } else {
      }
      %barrier3A_722 = arith.constant 0 : index
      tpu.barrier barrier_id(%barrier3A_722)
      %dma_start3A_723 = arith.constant 0 : i32
      %dma_start3A_724 = tpu.memref_slice %arg13[%dma_start3A_723] : memref<400384xf32, #tpu.memory_space<vmem_shared>> -> memref<400384xf32, #tpu.memory_space<vmem_shared>>
      tpu.enqueue_indirect_dma source(%dma_start3A_724 : memref<400384xf32, #tpu.memory_space<vmem_shared>>) target(%arg10 : memref<4096xf32, #tpu.memory_space<vmem>>) offsets(%arg9 : memref<4096xi32, #tpu.memory_space<vmem>>) semaphore(%arg15 : memref<!tpu.dma_semaphore, #tpu.memory_space<semaphore_mem>>)
      %dma_wait3A_725 = arith.constant 0 : i32
      %dma_wait3A_726 = tpu.memref_slice %arg13[%dma_wait3A_725] : memref<400384xf32, #tpu.memory_space<vmem_shared>> -> memref<400384xf32, #tpu.memory_space<vmem_shared>>
      tpu.wait_indirect_dma semaphore(%arg15 : memref<!tpu.dma_semaphore, #tpu.memory_space<semaphore_mem>>) src(%dma_wait3A_726 : memref<400384xf32, #tpu.memory_space<vmem_shared>>) dst(%arg10 : memref<4096xf32, #tpu.memory_space<vmem>>)
      %mul3A_727 = arith.constant 32 : i32
      %mul3A_728 = arith.muli %scan3A_19, %mul3A_727 : i32
      %add3A_729 = arith.constant 16 : i32
      %add3A_730 = arith.addi %mul3A_728, %add3A_729 : i32
      %add3A_731 = arith.constant 4 : i32
      %add3A_732 = arith.addi %add3A_730, %add3A_731 : i32
      %add3A_733 = arith.constant 0 : i32
      %add3A_734 = arith.addi %add3A_732, %add3A_733 : i32
      %mul3A_735 = arith.constant 16 : i32
      %mul3A_736 = arith.muli %add3A_734, %mul3A_735 : i32
      %get3A_737 = arith.index_cast %mul3A_736 : i32 to index
      %get3A_738 = tpu.vector_load %arg12[%get3A_737] {strides = array<i32>} : memref<6656xf32, #tpu.memory_space<vmem>>, vector<16xf32>,
      %get3A_739 = vector.shape_cast %get3A_738 : vector<16xf32> to vector<16xf32>
      %scan3A_740 = arith.constant 0 : i32
      %scan3A_741 = arith.constant 64 : i32
      %scan3A_742 = arith.addi %scan3A_740, %scan3A_741 : i32
      %scan3A_743 = arith.constant 1 : i32
      scf.for %scan3A_1055 = %scan3A_740 to %scan3A_742 step %scan3A_743  : i32 {
        %mul3A_1056 = arith.constant 16 : i32
        %mul3A_1057 = arith.muli %scan3A_1055, %mul3A_1056 : i32
        %mul3A_1058 = arith.constant 16 : i32
        %mul3A_1059 = arith.muli %scan3A_1055, %mul3A_1058 : i32
        %add3A_1060 = arith.constant 0 : i32
        %add3A_1061 = arith.addi %add3A_1060, %mul3A_1059 : i32
        %get3A_1062 = arith.index_cast %add3A_1061 : i32 to index
        %get3A_1063 = tpu.vector_load %arg10[%get3A_1062] {strides = array<i32>} : memref<4096xf32, #tpu.memory_space<vmem>>, vector<16xf32>,
        %get3A_1064 = vector.shape_cast %get3A_1063 : vector<16xf32> to vector<16xf32>
        %add3A_1065 = arith.addf %get3A_1064, %get3A_739 : vector<16xf32>
        %swap3A = arith.constant 4 : i32
        %swap3A_1066 = arith.index_cast %swap3A : i32 to index
        %swap3A_1067 = arith.index_cast %mul3A_1057 : i32 to index
        %swap3A_1068 = tpu.vector_load %arg11[%swap3A_1066, %swap3A_1067] {strides = array<i32>} : memref<8x1024xf32, #tpu.memory_space<vmem>>, vector<1x16xf32>,
        %swap3A_1069 = vector.shape_cast %swap3A_1068 : vector<1x16xf32> to vector<16xf32>
        %swap3A_1070 = vector.shape_cast %add3A_1065 : vector<16xf32> to vector<1x16xf32>
        tpu.vector_store %arg11[%swap3A_1066, %swap3A_1067], %swap3A_1070 {strides = array<i32>} : memref<8x1024xf32, #tpu.memory_space<vmem>>, vector<1x16xf32>,
      }
      %scan3A_744 = arith.constant 64 : i32
      %mul3A_745 = arith.constant 32 : i32
      %mul3A_746 = arith.muli %scan3A_19, %mul3A_745 : i32
      %add3A_747 = arith.constant 16 : i32
      %add3A_748 = arith.addi %mul3A_746, %add3A_747 : i32
      %add3A_749 = arith.constant 4 : i32
      %add3A_750 = arith.addi %add3A_748, %add3A_749 : i32
      %add3A_751 = arith.constant 1 : i32
      %add3A_752 = arith.addi %add3A_750, %add3A_751 : i32
      %mul3A_753 = arith.constant 16 : i32
      %mul3A_754 = arith.muli %add3A_752, %mul3A_753 : i32
      %get3A_755 = arith.index_cast %mul3A_754 : i32 to index
      %get3A_756 = tpu.vector_load %arg12[%get3A_755] {strides = array<i32>} : memref<6656xf32, #tpu.memory_space<vmem>>, vector<16xf32>,
      %get3A_757 = vector.shape_cast %get3A_756 : vector<16xf32> to vector<16xf32>
      %scan3A_758 = arith.constant 0 : i32
      %scan3A_759 = arith.constant 64 : i32
      %scan3A_760 = arith.addi %scan3A_758, %scan3A_759 : i32
      %scan3A_761 = arith.constant 1 : i32
      scf.for %scan3A_1055 = %scan3A_758 to %scan3A_760 step %scan3A_761  : i32 {
        %mul3A_1056 = arith.constant 16 : i32
        %mul3A_1057 = arith.muli %scan3A_1055, %mul3A_1056 : i32
        %mul3A_1058 = arith.constant 16 : i32
        %mul3A_1059 = arith.muli %scan3A_1055, %mul3A_1058 : i32
        %add3A_1060 = arith.constant 1024 : i32
        %add3A_1061 = arith.addi %add3A_1060, %mul3A_1059 : i32
        %get3A_1062 = arith.index_cast %add3A_1061 : i32 to index
        %get3A_1063 = tpu.vector_load %arg10[%get3A_1062] {strides = array<i32>} : memref<4096xf32, #tpu.memory_space<vmem>>, vector<16xf32>,
        %get3A_1064 = vector.shape_cast %get3A_1063 : vector<16xf32> to vector<16xf32>
        %add3A_1065 = arith.addf %get3A_1064, %get3A_757 : vector<16xf32>
        %swap3A = arith.constant 5 : i32
        %swap3A_1066 = arith.index_cast %swap3A : i32 to index
        %swap3A_1067 = arith.index_cast %mul3A_1057 : i32 to index
        %swap3A_1068 = tpu.vector_load %arg11[%swap3A_1066, %swap3A_1067] {strides = array<i32>} : memref<8x1024xf32, #tpu.memory_space<vmem>>, vector<1x16xf32>,
        %swap3A_1069 = vector.shape_cast %swap3A_1068 : vector<1x16xf32> to vector<16xf32>
        %swap3A_1070 = vector.shape_cast %add3A_1065 : vector<16xf32> to vector<1x16xf32>
        tpu.vector_store %arg11[%swap3A_1066, %swap3A_1067], %swap3A_1070 {strides = array<i32>} : memref<8x1024xf32, #tpu.memory_space<vmem>>, vector<1x16xf32>,
      }
      %scan3A_762 = arith.constant 64 : i32
      %mul3A_763 = arith.constant 32 : i32
      %mul3A_764 = arith.muli %scan3A_19, %mul3A_763 : i32
      %add3A_765 = arith.constant 16 : i32
      %add3A_766 = arith.addi %mul3A_764, %add3A_765 : i32
      %add3A_767 = arith.constant 4 : i32
      %add3A_768 = arith.addi %add3A_766, %add3A_767 : i32
      %add3A_769 = arith.constant 2 : i32
      %add3A_770 = arith.addi %add3A_768, %add3A_769 : i32
      %mul3A_771 = arith.constant 16 : i32
      %mul3A_772 = arith.muli %add3A_770, %mul3A_771 : i32
      %get3A_773 = arith.index_cast %mul3A_772 : i32 to index
      %get3A_774 = tpu.vector_load %arg12[%get3A_773] {strides = array<i32>} : memref<6656xf32, #tpu.memory_space<vmem>>, vector<16xf32>,
      %get3A_775 = vector.shape_cast %get3A_774 : vector<16xf32> to vector<16xf32>
      %scan3A_776 = arith.constant 0 : i32
      %scan3A_777 = arith.constant 64 : i32
      %scan3A_778 = arith.addi %scan3A_776, %scan3A_777 : i32
      %scan3A_779 = arith.constant 1 : i32
      scf.for %scan3A_1055 = %scan3A_776 to %scan3A_778 step %scan3A_779  : i32 {
        %mul3A_1056 = arith.constant 16 : i32
        %mul3A_1057 = arith.muli %scan3A_1055, %mul3A_1056 : i32
        %mul3A_1058 = arith.constant 16 : i32
        %mul3A_1059 = arith.muli %scan3A_1055, %mul3A_1058 : i32
        %add3A_1060 = arith.constant 2048 : i32
        %add3A_1061 = arith.addi %add3A_1060, %mul3A_1059 : i32
        %get3A_1062 = arith.index_cast %add3A_1061 : i32 to index
        %get3A_1063 = tpu.vector_load %arg10[%get3A_1062] {strides = array<i32>} : memref<4096xf32, #tpu.memory_space<vmem>>, vector<16xf32>,
        %get3A_1064 = vector.shape_cast %get3A_1063 : vector<16xf32> to vector<16xf32>
        %add3A_1065 = arith.addf %get3A_1064, %get3A_775 : vector<16xf32>
        %swap3A = arith.constant 6 : i32
        %swap3A_1066 = arith.index_cast %swap3A : i32 to index
        %swap3A_1067 = arith.index_cast %mul3A_1057 : i32 to index
        %swap3A_1068 = tpu.vector_load %arg11[%swap3A_1066, %swap3A_1067] {strides = array<i32>} : memref<8x1024xf32, #tpu.memory_space<vmem>>, vector<1x16xf32>,
        %swap3A_1069 = vector.shape_cast %swap3A_1068 : vector<1x16xf32> to vector<16xf32>
        %swap3A_1070 = vector.shape_cast %add3A_1065 : vector<16xf32> to vector<1x16xf32>
        tpu.vector_store %arg11[%swap3A_1066, %swap3A_1067], %swap3A_1070 {strides = array<i32>} : memref<8x1024xf32, #tpu.memory_space<vmem>>, vector<1x16xf32>,
      }
      %scan3A_780 = arith.constant 64 : i32
      %mul3A_781 = arith.constant 32 : i32
      %mul3A_782 = arith.muli %scan3A_19, %mul3A_781 : i32
      %add3A_783 = arith.constant 16 : i32
      %add3A_784 = arith.addi %mul3A_782, %add3A_783 : i32
      %add3A_785 = arith.constant 4 : i32
      %add3A_786 = arith.addi %add3A_784, %add3A_785 : i32
      %add3A_787 = arith.constant 3 : i32
      %add3A_788 = arith.addi %add3A_786, %add3A_787 : i32
      %mul3A_789 = arith.constant 16 : i32
      %mul3A_790 = arith.muli %add3A_788, %mul3A_789 : i32
      %get3A_791 = arith.index_cast %mul3A_790 : i32 to index
      %get3A_792 = tpu.vector_load %arg12[%get3A_791] {strides = array<i32>} : memref<6656xf32, #tpu.memory_space<vmem>>, vector<16xf32>,
      %get3A_793 = vector.shape_cast %get3A_792 : vector<16xf32> to vector<16xf32>
      %scan3A_794 = arith.constant 0 : i32
      %scan3A_795 = arith.constant 64 : i32
      %scan3A_796 = arith.addi %scan3A_794, %scan3A_795 : i32
      %scan3A_797 = arith.constant 1 : i32
      scf.for %scan3A_1055 = %scan3A_794 to %scan3A_796 step %scan3A_797  : i32 {
        %mul3A_1056 = arith.constant 16 : i32
        %mul3A_1057 = arith.muli %scan3A_1055, %mul3A_1056 : i32
        %mul3A_1058 = arith.constant 16 : i32
        %mul3A_1059 = arith.muli %scan3A_1055, %mul3A_1058 : i32
        %add3A_1060 = arith.constant 3072 : i32
        %add3A_1061 = arith.addi %add3A_1060, %mul3A_1059 : i32
        %get3A_1062 = arith.index_cast %add3A_1061 : i32 to index
        %get3A_1063 = tpu.vector_load %arg10[%get3A_1062] {strides = array<i32>} : memref<4096xf32, #tpu.memory_space<vmem>>, vector<16xf32>,
        %get3A_1064 = vector.shape_cast %get3A_1063 : vector<16xf32> to vector<16xf32>
        %add3A_1065 = arith.addf %get3A_1064, %get3A_793 : vector<16xf32>
        %swap3A = arith.constant 7 : i32
        %swap3A_1066 = arith.index_cast %swap3A : i32 to index
        %swap3A_1067 = arith.index_cast %mul3A_1057 : i32 to index
        %swap3A_1068 = tpu.vector_load %arg11[%swap3A_1066, %swap3A_1067] {strides = array<i32>} : memref<8x1024xf32, #tpu.memory_space<vmem>>, vector<1x16xf32>,
        %swap3A_1069 = vector.shape_cast %swap3A_1068 : vector<1x16xf32> to vector<16xf32>
        %swap3A_1070 = vector.shape_cast %add3A_1065 : vector<16xf32> to vector<1x16xf32>
        tpu.vector_store %arg11[%swap3A_1066, %swap3A_1067], %swap3A_1070 {strides = array<i32>} : memref<8x1024xf32, #tpu.memory_space<vmem>>, vector<1x16xf32>,
      }
      %scan3A_798 = arith.constant 64 : i32
      %barrier3A_799 = arith.constant 0 : index
      tpu.barrier barrier_id(%barrier3A_799)
      %mul3A_800 = arith.constant 1024 : i32
      %mul3A_801 = arith.muli %arg1, %mul3A_800 : i32
      "tpu.region"() ({
        %run_scoped3A = tpu.sem_alloc : memref<!tpu.dma_semaphore, #tpu.memory_space<semaphore_mem>>
        %dma_start3A_1055 = arith.constant 16 : i32
        %dma_start3A_1056 = tpu.memref_slice %arg6[%add3A, %dma_start3A_1055, %mul3A_801] : memref<26x32x16384xf32, #tpu.memory_space<hbm>> -> memref<1x8x1024xf32, #tpu.memory_space<hbm>>
        %dma_start3A_1057 = tpu.memref_squeeze %dma_start3A_1056 : memref<1x8x1024xf32, #tpu.memory_space<hbm>> -> memref<8x1024xf32, #tpu.memory_space<hbm>>
        %dma_start3A_1058 = arith.constant 16 : i32
        %dma_start3A_1059 = tpu.memref_slice %arg6[%add3A, %dma_start3A_1058, %mul3A_801] : memref<26x32x16384xf32, #tpu.memory_space<hbm>> -> memref<1x8x1024xf32, #tpu.memory_space<hbm>>
        %dma_start3A_1060 = tpu.memref_squeeze %dma_start3A_1059 : memref<1x8x1024xf32, #tpu.memory_space<hbm>> -> memref<8x1024xf32, #tpu.memory_space<hbm>>
        tpu.enqueue_dma source(%arg11 : memref<8x1024xf32, #tpu.memory_space<vmem>>) target(%dma_start3A_1060 : memref<8x1024xf32, #tpu.memory_space<hbm>>) target_semaphore(%run_scoped3A : memref<!tpu.dma_semaphore, #tpu.memory_space<semaphore_mem>>)
        %dma_wait3A_1061 = arith.constant 16 : i32
        %dma_wait3A_1062 = tpu.memref_slice %arg6[%add3A, %dma_wait3A_1061, %mul3A_801] : memref<26x32x16384xf32, #tpu.memory_space<hbm>> -> memref<1x8x1024xf32, #tpu.memory_space<hbm>>
        %dma_wait3A_1063 = tpu.memref_squeeze %dma_wait3A_1062 : memref<1x8x1024xf32, #tpu.memory_space<hbm>> -> memref<8x1024xf32, #tpu.memory_space<hbm>>
        %dma_wait3A_1064 = arith.constant 16 : i32
        %dma_wait3A_1065 = tpu.memref_slice %arg6[%add3A, %dma_wait3A_1064, %mul3A_801] : memref<26x32x16384xf32, #tpu.memory_space<hbm>> -> memref<1x8x1024xf32, #tpu.memory_space<hbm>>
        %dma_wait3A_1066 = tpu.memref_squeeze %dma_wait3A_1065 : memref<1x8x1024xf32, #tpu.memory_space<hbm>> -> memref<8x1024xf32, #tpu.memory_space<hbm>>
        tpu.wait_dma2 semaphore(%run_scoped3A : memref<!tpu.dma_semaphore, #tpu.memory_space<semaphore_mem>>) src(%arg11 : memref<8x1024xf32, #tpu.memory_space<vmem>>) dst(%dma_wait3A_1066 : memref<8x1024xf32, #tpu.memory_space<hbm>>)
        tpu.yield
      }) : () -> ()
      %lt3A_802 = arith.constant 15 : i32
      %lt3A_803 = arith.cmpi slt, %arg1, %lt3A_802 : i32
      %convert_element_type3A_804 = arith.extui %lt3A_803 : i1 to i32
      %cond3A_805 = arith.constant 0 : i32
      %cond3A_806 = arith.cmpi ne, %convert_element_type3A_804, %cond3A_805 : i32
      scf.if %cond3A_806 {
        %dma_wait3A_1055 = arith.constant 0 : i32
        %dma_wait3A_1056 = arith.constant 0 : i32
        %dma_wait3A_1057 = tpu.memref_slice %arg7[%dma_wait3A_1055, %dma_wait3A_1056] : memref<8x6272xf32, #tpu.memory_space<vmem>> -> memref<8x6272xf32, #tpu.memory_space<vmem>>
        %dma_wait3A_1058 = arith.constant 24 : i32
        %dma_wait3A_1059 = tpu.memref_slice %arg3[%add3A, %dma_wait3A_1058, %mul3A_0] : memref<26x32x100000xf32, #tpu.memory_space<hbm>> -> memref<1x8x6272xf32, #tpu.memory_space<hbm>>
        %dma_wait3A_1060 = tpu.memref_squeeze %dma_wait3A_1059 : memref<1x8x6272xf32, #tpu.memory_space<hbm>> -> memref<8x6272xf32, #tpu.memory_space<hbm>>
        %dma_wait3A_1061 = arith.constant 0 : i32
        %dma_wait3A_1062 = arith.constant 0 : i32
        %dma_wait3A_1063 = tpu.memref_slice %arg7[%dma_wait3A_1061, %dma_wait3A_1062] : memref<8x6272xf32, #tpu.memory_space<vmem>> -> memref<8x6272xf32, #tpu.memory_space<vmem>>
        %dma_wait3A_1064 = arith.constant 24 : i32
        %dma_wait3A_1065 = tpu.memref_slice %arg3[%add3A, %dma_wait3A_1064, %mul3A_0] : memref<26x32x100000xf32, #tpu.memory_space<hbm>> -> memref<1x8x6272xf32, #tpu.memory_space<hbm>>
        %dma_wait3A_1066 = tpu.memref_squeeze %dma_wait3A_1065 : memref<1x8x6272xf32, #tpu.memory_space<hbm>> -> memref<8x6272xf32, #tpu.memory_space<hbm>>
        tpu.wait_dma2 semaphore(%arg14 : memref<!tpu.dma_semaphore, #tpu.memory_space<semaphore_mem>>) src(%dma_wait3A_1066 : memref<8x6272xf32, #tpu.memory_space<hbm>>) dst(%dma_wait3A_1063 : memref<8x6272xf32, #tpu.memory_space<vmem>>)
      } else {
      }
      %eq3A_807 = arith.constant 15 : i32
      %eq3A_808 = arith.cmpi eq, %arg1, %eq3A_807 : i32
      %convert_element_type3A_809 = arith.extui %eq3A_808 : i1 to i32
      %cond3A_810 = arith.constant 0 : i32
      %cond3A_811 = arith.cmpi ne, %convert_element_type3A_809, %cond3A_810 : i32
      scf.if %cond3A_811 {
        %dma_wait3A_1055 = arith.constant 0 : i32
        %dma_wait3A_1056 = arith.constant 0 : i32
        %dma_wait3A_1057 = tpu.memref_slice %arg7[%dma_wait3A_1055, %dma_wait3A_1056] : memref<8x6272xf32, #tpu.memory_space<vmem>> -> memref<8x5888xf32, #tpu.memory_space<vmem>>
        %dma_wait3A_1058 = arith.constant 24 : i32
        %dma_wait3A_1059 = tpu.memref_slice %arg3[%add3A, %dma_wait3A_1058, %mul3A_0] : memref<26x32x100000xf32, #tpu.memory_space<hbm>> -> memref<1x8x5888xf32, #tpu.memory_space<hbm>>
        %dma_wait3A_1060 = tpu.memref_squeeze %dma_wait3A_1059 : memref<1x8x5888xf32, #tpu.memory_space<hbm>> -> memref<8x5888xf32, #tpu.memory_space<hbm>>
        %dma_wait3A_1061 = arith.constant 0 : i32
        %dma_wait3A_1062 = arith.constant 0 : i32
        %dma_wait3A_1063 = tpu.memref_slice %arg7[%dma_wait3A_1061, %dma_wait3A_1062] : memref<8x6272xf32, #tpu.memory_space<vmem>> -> memref<8x5888xf32, #tpu.memory_space<vmem>>
        %dma_wait3A_1064 = arith.constant 24 : i32
        %dma_wait3A_1065 = tpu.memref_slice %arg3[%add3A, %dma_wait3A_1064, %mul3A_0] : memref<26x32x100000xf32, #tpu.memory_space<hbm>> -> memref<1x8x5888xf32, #tpu.memory_space<hbm>>
        %dma_wait3A_1066 = tpu.memref_squeeze %dma_wait3A_1065 : memref<1x8x5888xf32, #tpu.memory_space<hbm>> -> memref<8x5888xf32, #tpu.memory_space<hbm>>
        tpu.wait_dma2 semaphore(%arg14 : memref<!tpu.dma_semaphore, #tpu.memory_space<semaphore_mem>>) src(%dma_wait3A_1066 : memref<8x5888xf32, #tpu.memory_space<hbm>>) dst(%dma_wait3A_1063 : memref<8x5888xf32, #tpu.memory_space<vmem>>)
        %dma_wait3A_1067 = arith.constant 0 : i32
        %dma_wait3A_1068 = arith.constant 5888 : i32
        %dma_wait3A_1069 = tpu.memref_slice %arg7[%dma_wait3A_1067, %dma_wait3A_1068] : memref<8x6272xf32, #tpu.memory_space<vmem>> -> memref<8x128xf32, #tpu.memory_space<vmem>>
        %dma_wait3A_1070 = arith.constant 24 : i32
        %dma_wait3A_1071 = arith.constant 0 : i32
        %dma_wait3A_1072 = tpu.memref_slice %arg4[%add3A, %dma_wait3A_1070, %dma_wait3A_1071] : memref<26x32x128xf32, #tpu.memory_space<hbm>> -> memref<1x8x128xf32, #tpu.memory_space<hbm>>
        %dma_wait3A_1073 = tpu.memref_squeeze %dma_wait3A_1072 : memref<1x8x128xf32, #tpu.memory_space<hbm>> -> memref<8x128xf32, #tpu.memory_space<hbm>>
        %dma_wait3A_1074 = arith.constant 0 : i32
        %dma_wait3A_1075 = arith.constant 5888 : i32
        %dma_wait3A_1076 = tpu.memref_slice %arg7[%dma_wait3A_1074, %dma_wait3A_1075] : memref<8x6272xf32, #tpu.memory_space<vmem>> -> memref<8x128xf32, #tpu.memory_space<vmem>>
        %dma_wait3A_1077 = arith.constant 24 : i32
        %dma_wait3A_1078 = arith.constant 0 : i32
        %dma_wait3A_1079 = tpu.memref_slice %arg4[%add3A, %dma_wait3A_1077, %dma_wait3A_1078] : memref<26x32x128xf32, #tpu.memory_space<hbm>> -> memref<1x8x128xf32, #tpu.memory_space<hbm>>
        %dma_wait3A_1080 = tpu.memref_squeeze %dma_wait3A_1079 : memref<1x8x128xf32, #tpu.memory_space<hbm>> -> memref<8x128xf32, #tpu.memory_space<hbm>>
        tpu.wait_dma2 semaphore(%arg14 : memref<!tpu.dma_semaphore, #tpu.memory_space<semaphore_mem>>) src(%dma_wait3A_1080 : memref<8x128xf32, #tpu.memory_space<hbm>>) dst(%dma_wait3A_1076 : memref<8x128xf32, #tpu.memory_space<vmem>>)
      } else {
      }
      %lt3A_812 = arith.constant 15 : i32
      %lt3A_813 = arith.cmpi slt, %arg1, %lt3A_812 : i32
      %convert_element_type3A_814 = arith.extui %lt3A_813 : i1 to i32
      %cond3A_815 = arith.constant 0 : i32
      %cond3A_816 = arith.cmpi ne, %convert_element_type3A_814, %cond3A_815 : i32
      scf.if %cond3A_816 {
        %add3A_1055 = arith.constant 0 : i32
        %add3A_1056 = arith.addi %add3A_1055, %mul3A_0 : i32
        %run_scoped3A = arith.constant 0 : i32
        "tpu.region"() ({
          %run_scoped3A_1057 = tpu.sem_alloc : memref<!tpu.dma_semaphore, #tpu.memory_space<semaphore_mem>>
          %dma_start3A_1058 = arith.constant 0 : i32
          %dma_start3A_1059 = tpu.memref_slice %arg7[%run_scoped3A, %dma_start3A_1058] : memref<8x6272xf32, #tpu.memory_space<vmem>> -> memref<1x6272xf32, #tpu.memory_space<vmem>>
          %dma_start3A_1060 = tpu.memref_squeeze %dma_start3A_1059 : memref<1x6272xf32, #tpu.memory_space<vmem>> -> memref<6272xf32, #tpu.memory_space<vmem>>
          %dma_start3A_1061 = tpu.memref_slice %arg13[%add3A_1056] : memref<400384xf32, #tpu.memory_space<vmem_shared>> -> memref<6272xf32, #tpu.memory_space<vmem_shared>>
          %dma_start3A_1062 = tpu.memref_slice %arg13[%add3A_1056] : memref<400384xf32, #tpu.memory_space<vmem_shared>> -> memref<6272xf32, #tpu.memory_space<vmem_shared>>
          %dma_start3A_1063 = arith.constant 0 : i32
          %dma_start3A_1064 = tpu.memref_slice %arg7[%run_scoped3A, %dma_start3A_1063] : memref<8x6272xf32, #tpu.memory_space<vmem>> -> memref<1x6272xf32, #tpu.memory_space<vmem>>
          %dma_start3A_1065 = tpu.memref_squeeze %dma_start3A_1064 : memref<1x6272xf32, #tpu.memory_space<vmem>> -> memref<6272xf32, #tpu.memory_space<vmem>>
          tpu.enqueue_dma source(%dma_start3A_1065 : memref<6272xf32, #tpu.memory_space<vmem>>) target(%dma_start3A_1062 : memref<6272xf32, #tpu.memory_space<vmem_shared>>) target_semaphore(%run_scoped3A_1057 : memref<!tpu.dma_semaphore, #tpu.memory_space<semaphore_mem>>)
          %dma_wait3A_1066 = arith.constant 0 : i32
          %dma_wait3A_1067 = tpu.memref_slice %arg7[%run_scoped3A, %dma_wait3A_1066] : memref<8x6272xf32, #tpu.memory_space<vmem>> -> memref<1x6272xf32, #tpu.memory_space<vmem>>
          %dma_wait3A_1068 = tpu.memref_squeeze %dma_wait3A_1067 : memref<1x6272xf32, #tpu.memory_space<vmem>> -> memref<6272xf32, #tpu.memory_space<vmem>>
          %dma_wait3A_1069 = tpu.memref_slice %arg13[%add3A_1056] : memref<400384xf32, #tpu.memory_space<vmem_shared>> -> memref<6272xf32, #tpu.memory_space<vmem_shared>>
          %dma_wait3A_1070 = tpu.memref_slice %arg13[%add3A_1056] : memref<400384xf32, #tpu.memory_space<vmem_shared>> -> memref<6272xf32, #tpu.memory_space<vmem_shared>>
          %dma_wait3A_1071 = arith.constant 0 : i32
          %dma_wait3A_1072 = tpu.memref_slice %arg7[%run_scoped3A, %dma_wait3A_1071] : memref<8x6272xf32, #tpu.memory_space<vmem>> -> memref<1x6272xf32, #tpu.memory_space<vmem>>
          %dma_wait3A_1073 = tpu.memref_squeeze %dma_wait3A_1072 : memref<1x6272xf32, #tpu.memory_space<vmem>> -> memref<6272xf32, #tpu.memory_space<vmem>>
          tpu.wait_dma2 semaphore(%run_scoped3A_1057 : memref<!tpu.dma_semaphore, #tpu.memory_space<semaphore_mem>>) src(%dma_wait3A_1073 : memref<6272xf32, #tpu.memory_space<vmem>>) dst(%dma_wait3A_1070 : memref<6272xf32, #tpu.memory_space<vmem_shared>>)
          tpu.yield
        }) : () -> ()
      } else {
      }
      %eq3A_817 = arith.constant 15 : i32
      %eq3A_818 = arith.cmpi eq, %arg1, %eq3A_817 : i32
      %convert_element_type3A_819 = arith.extui %eq3A_818 : i1 to i32
      %cond3A_820 = arith.constant 0 : i32
      %cond3A_821 = arith.cmpi ne, %convert_element_type3A_819, %cond3A_820 : i32
      scf.if %cond3A_821 {
        %add3A_1055 = arith.constant 0 : i32
        %add3A_1056 = arith.addi %add3A_1055, %mul3A_0 : i32
        %run_scoped3A = arith.constant 0 : i32
        "tpu.region"() ({
          %run_scoped3A_1057 = tpu.sem_alloc : memref<!tpu.dma_semaphore, #tpu.memory_space<semaphore_mem>>
          %dma_start3A_1058 = arith.constant 0 : i32
          %dma_start3A_1059 = tpu.memref_slice %arg7[%run_scoped3A, %dma_start3A_1058] : memref<8x6272xf32, #tpu.memory_space<vmem>> -> memref<1x6016xf32, #tpu.memory_space<vmem>>
          %dma_start3A_1060 = tpu.memref_squeeze %dma_start3A_1059 : memref<1x6016xf32, #tpu.memory_space<vmem>> -> memref<6016xf32, #tpu.memory_space<vmem>>
          %dma_start3A_1061 = tpu.memref_slice %arg13[%add3A_1056] : memref<400384xf32, #tpu.memory_space<vmem_shared>> -> memref<6016xf32, #tpu.memory_space<vmem_shared>>
          %dma_start3A_1062 = tpu.memref_slice %arg13[%add3A_1056] : memref<400384xf32, #tpu.memory_space<vmem_shared>> -> memref<6016xf32, #tpu.memory_space<vmem_shared>>
          %dma_start3A_1063 = arith.constant 0 : i32
          %dma_start3A_1064 = tpu.memref_slice %arg7[%run_scoped3A, %dma_start3A_1063] : memref<8x6272xf32, #tpu.memory_space<vmem>> -> memref<1x6016xf32, #tpu.memory_space<vmem>>
          %dma_start3A_1065 = tpu.memref_squeeze %dma_start3A_1064 : memref<1x6016xf32, #tpu.memory_space<vmem>> -> memref<6016xf32, #tpu.memory_space<vmem>>
          tpu.enqueue_dma source(%dma_start3A_1065 : memref<6016xf32, #tpu.memory_space<vmem>>) target(%dma_start3A_1062 : memref<6016xf32, #tpu.memory_space<vmem_shared>>) target_semaphore(%run_scoped3A_1057 : memref<!tpu.dma_semaphore, #tpu.memory_space<semaphore_mem>>)
          %dma_wait3A_1066 = arith.constant 0 : i32
          %dma_wait3A_1067 = tpu.memref_slice %arg7[%run_scoped3A, %dma_wait3A_1066] : memref<8x6272xf32, #tpu.memory_space<vmem>> -> memref<1x6016xf32, #tpu.memory_space<vmem>>
          %dma_wait3A_1068 = tpu.memref_squeeze %dma_wait3A_1067 : memref<1x6016xf32, #tpu.memory_space<vmem>> -> memref<6016xf32, #tpu.memory_space<vmem>>
          %dma_wait3A_1069 = tpu.memref_slice %arg13[%add3A_1056] : memref<400384xf32, #tpu.memory_space<vmem_shared>> -> memref<6016xf32, #tpu.memory_space<vmem_shared>>
          %dma_wait3A_1070 = tpu.memref_slice %arg13[%add3A_1056] : memref<400384xf32, #tpu.memory_space<vmem_shared>> -> memref<6016xf32, #tpu.memory_space<vmem_shared>>
          %dma_wait3A_1071 = arith.constant 0 : i32
          %dma_wait3A_1072 = tpu.memref_slice %arg7[%run_scoped3A, %dma_wait3A_1071] : memref<8x6272xf32, #tpu.memory_space<vmem>> -> memref<1x6016xf32, #tpu.memory_space<vmem>>
          %dma_wait3A_1073 = tpu.memref_squeeze %dma_wait3A_1072 : memref<1x6016xf32, #tpu.memory_space<vmem>> -> memref<6016xf32, #tpu.memory_space<vmem>>
          tpu.wait_dma2 semaphore(%run_scoped3A_1057 : memref<!tpu.dma_semaphore, #tpu.memory_space<semaphore_mem>>) src(%dma_wait3A_1073 : memref<6016xf32, #tpu.memory_space<vmem>>) dst(%dma_wait3A_1070 : memref<6016xf32, #tpu.memory_space<vmem_shared>>)
          tpu.yield
        }) : () -> ()
      } else {
      }
      %lt3A_822 = arith.constant 15 : i32
      %lt3A_823 = arith.cmpi slt, %arg1, %lt3A_822 : i32
      %convert_element_type3A_824 = arith.extui %lt3A_823 : i1 to i32
      %cond3A_825 = arith.constant 0 : i32
      %cond3A_826 = arith.cmpi ne, %convert_element_type3A_824, %cond3A_825 : i32
      scf.if %cond3A_826 {
        %add3A_1055 = arith.constant 100096 : i32
        %add3A_1056 = arith.addi %add3A_1055, %mul3A_0 : i32
        %run_scoped3A = arith.constant 1 : i32
        "tpu.region"() ({
          %run_scoped3A_1057 = tpu.sem_alloc : memref<!tpu.dma_semaphore, #tpu.memory_space<semaphore_mem>>
          %dma_start3A_1058 = arith.constant 0 : i32
          %dma_start3A_1059 = tpu.memref_slice %arg7[%run_scoped3A, %dma_start3A_1058] : memref<8x6272xf32, #tpu.memory_space<vmem>> -> memref<1x6272xf32, #tpu.memory_space<vmem>>
          %dma_start3A_1060 = tpu.memref_squeeze %dma_start3A_1059 : memref<1x6272xf32, #tpu.memory_space<vmem>> -> memref<6272xf32, #tpu.memory_space<vmem>>
          %dma_start3A_1061 = tpu.memref_slice %arg13[%add3A_1056] : memref<400384xf32, #tpu.memory_space<vmem_shared>> -> memref<6272xf32, #tpu.memory_space<vmem_shared>>
          %dma_start3A_1062 = tpu.memref_slice %arg13[%add3A_1056] : memref<400384xf32, #tpu.memory_space<vmem_shared>> -> memref<6272xf32, #tpu.memory_space<vmem_shared>>
          %dma_start3A_1063 = arith.constant 0 : i32
          %dma_start3A_1064 = tpu.memref_slice %arg7[%run_scoped3A, %dma_start3A_1063] : memref<8x6272xf32, #tpu.memory_space<vmem>> -> memref<1x6272xf32, #tpu.memory_space<vmem>>
          %dma_start3A_1065 = tpu.memref_squeeze %dma_start3A_1064 : memref<1x6272xf32, #tpu.memory_space<vmem>> -> memref<6272xf32, #tpu.memory_space<vmem>>
          tpu.enqueue_dma source(%dma_start3A_1065 : memref<6272xf32, #tpu.memory_space<vmem>>) target(%dma_start3A_1062 : memref<6272xf32, #tpu.memory_space<vmem_shared>>) target_semaphore(%run_scoped3A_1057 : memref<!tpu.dma_semaphore, #tpu.memory_space<semaphore_mem>>)
          %dma_wait3A_1066 = arith.constant 0 : i32
          %dma_wait3A_1067 = tpu.memref_slice %arg7[%run_scoped3A, %dma_wait3A_1066] : memref<8x6272xf32, #tpu.memory_space<vmem>> -> memref<1x6272xf32, #tpu.memory_space<vmem>>
          %dma_wait3A_1068 = tpu.memref_squeeze %dma_wait3A_1067 : memref<1x6272xf32, #tpu.memory_space<vmem>> -> memref<6272xf32, #tpu.memory_space<vmem>>
          %dma_wait3A_1069 = tpu.memref_slice %arg13[%add3A_1056] : memref<400384xf32, #tpu.memory_space<vmem_shared>> -> memref<6272xf32, #tpu.memory_space<vmem_shared>>
          %dma_wait3A_1070 = tpu.memref_slice %arg13[%add3A_1056] : memref<400384xf32, #tpu.memory_space<vmem_shared>> -> memref<6272xf32, #tpu.memory_space<vmem_shared>>
          %dma_wait3A_1071 = arith.constant 0 : i32
          %dma_wait3A_1072 = tpu.memref_slice %arg7[%run_scoped3A, %dma_wait3A_1071] : memref<8x6272xf32, #tpu.memory_space<vmem>> -> memref<1x6272xf32, #tpu.memory_space<vmem>>
          %dma_wait3A_1073 = tpu.memref_squeeze %dma_wait3A_1072 : memref<1x6272xf32, #tpu.memory_space<vmem>> -> memref<6272xf32, #tpu.memory_space<vmem>>
          tpu.wait_dma2 semaphore(%run_scoped3A_1057 : memref<!tpu.dma_semaphore, #tpu.memory_space<semaphore_mem>>) src(%dma_wait3A_1073 : memref<6272xf32, #tpu.memory_space<vmem>>) dst(%dma_wait3A_1070 : memref<6272xf32, #tpu.memory_space<vmem_shared>>)
          tpu.yield
        }) : () -> ()
      } else {
      }
      %eq3A_827 = arith.constant 15 : i32
      %eq3A_828 = arith.cmpi eq, %arg1, %eq3A_827 : i32
      %convert_element_type3A_829 = arith.extui %eq3A_828 : i1 to i32
      %cond3A_830 = arith.constant 0 : i32
      %cond3A_831 = arith.cmpi ne, %convert_element_type3A_829, %cond3A_830 : i32
      scf.if %cond3A_831 {
        %add3A_1055 = arith.constant 100096 : i32
        %add3A_1056 = arith.addi %add3A_1055, %mul3A_0 : i32
        %run_scoped3A = arith.constant 1 : i32
        "tpu.region"() ({
          %run_scoped3A_1057 = tpu.sem_alloc : memref<!tpu.dma_semaphore, #tpu.memory_space<semaphore_mem>>
          %dma_start3A_1058 = arith.constant 0 : i32
          %dma_start3A_1059 = tpu.memref_slice %arg7[%run_scoped3A, %dma_start3A_1058] : memref<8x6272xf32, #tpu.memory_space<vmem>> -> memref<1x6016xf32, #tpu.memory_space<vmem>>
          %dma_start3A_1060 = tpu.memref_squeeze %dma_start3A_1059 : memref<1x6016xf32, #tpu.memory_space<vmem>> -> memref<6016xf32, #tpu.memory_space<vmem>>
          %dma_start3A_1061 = tpu.memref_slice %arg13[%add3A_1056] : memref<400384xf32, #tpu.memory_space<vmem_shared>> -> memref<6016xf32, #tpu.memory_space<vmem_shared>>
          %dma_start3A_1062 = tpu.memref_slice %arg13[%add3A_1056] : memref<400384xf32, #tpu.memory_space<vmem_shared>> -> memref<6016xf32, #tpu.memory_space<vmem_shared>>
          %dma_start3A_1063 = arith.constant 0 : i32
          %dma_start3A_1064 = tpu.memref_slice %arg7[%run_scoped3A, %dma_start3A_1063] : memref<8x6272xf32, #tpu.memory_space<vmem>> -> memref<1x6016xf32, #tpu.memory_space<vmem>>
          %dma_start3A_1065 = tpu.memref_squeeze %dma_start3A_1064 : memref<1x6016xf32, #tpu.memory_space<vmem>> -> memref<6016xf32, #tpu.memory_space<vmem>>
          tpu.enqueue_dma source(%dma_start3A_1065 : memref<6016xf32, #tpu.memory_space<vmem>>) target(%dma_start3A_1062 : memref<6016xf32, #tpu.memory_space<vmem_shared>>) target_semaphore(%run_scoped3A_1057 : memref<!tpu.dma_semaphore, #tpu.memory_space<semaphore_mem>>)
          %dma_wait3A_1066 = arith.constant 0 : i32
          %dma_wait3A_1067 = tpu.memref_slice %arg7[%run_scoped3A, %dma_wait3A_1066] : memref<8x6272xf32, #tpu.memory_space<vmem>> -> memref<1x6016xf32, #tpu.memory_space<vmem>>
          %dma_wait3A_1068 = tpu.memref_squeeze %dma_wait3A_1067 : memref<1x6016xf32, #tpu.memory_space<vmem>> -> memref<6016xf32, #tpu.memory_space<vmem>>
          %dma_wait3A_1069 = tpu.memref_slice %arg13[%add3A_1056] : memref<400384xf32, #tpu.memory_space<vmem_shared>> -> memref<6016xf32, #tpu.memory_space<vmem_shared>>
          %dma_wait3A_1070 = tpu.memref_slice %arg13[%add3A_1056] : memref<400384xf32, #tpu.memory_space<vmem_shared>> -> memref<6016xf32, #tpu.memory_space<vmem_shared>>
          %dma_wait3A_1071 = arith.constant 0 : i32
          %dma_wait3A_1072 = tpu.memref_slice %arg7[%run_scoped3A, %dma_wait3A_1071] : memref<8x6272xf32, #tpu.memory_space<vmem>> -> memref<1x6016xf32, #tpu.memory_space<vmem>>
          %dma_wait3A_1073 = tpu.memref_squeeze %dma_wait3A_1072 : memref<1x6016xf32, #tpu.memory_space<vmem>> -> memref<6016xf32, #tpu.memory_space<vmem>>
          tpu.wait_dma2 semaphore(%run_scoped3A_1057 : memref<!tpu.dma_semaphore, #tpu.memory_space<semaphore_mem>>) src(%dma_wait3A_1073 : memref<6016xf32, #tpu.memory_space<vmem>>) dst(%dma_wait3A_1070 : memref<6016xf32, #tpu.memory_space<vmem_shared>>)
          tpu.yield
        }) : () -> ()
      } else {
      }
      %lt3A_832 = arith.constant 15 : i32
      %lt3A_833 = arith.cmpi slt, %arg1, %lt3A_832 : i32
      %convert_element_type3A_834 = arith.extui %lt3A_833 : i1 to i32
      %cond3A_835 = arith.constant 0 : i32
      %cond3A_836 = arith.cmpi ne, %convert_element_type3A_834, %cond3A_835 : i32
      scf.if %cond3A_836 {
        %add3A_1055 = arith.constant 200192 : i32
        %add3A_1056 = arith.addi %add3A_1055, %mul3A_0 : i32
        %run_scoped3A = arith.constant 2 : i32
        "tpu.region"() ({
          %run_scoped3A_1057 = tpu.sem_alloc : memref<!tpu.dma_semaphore, #tpu.memory_space<semaphore_mem>>
          %dma_start3A_1058 = arith.constant 0 : i32
          %dma_start3A_1059 = tpu.memref_slice %arg7[%run_scoped3A, %dma_start3A_1058] : memref<8x6272xf32, #tpu.memory_space<vmem>> -> memref<1x6272xf32, #tpu.memory_space<vmem>>
          %dma_start3A_1060 = tpu.memref_squeeze %dma_start3A_1059 : memref<1x6272xf32, #tpu.memory_space<vmem>> -> memref<6272xf32, #tpu.memory_space<vmem>>
          %dma_start3A_1061 = tpu.memref_slice %arg13[%add3A_1056] : memref<400384xf32, #tpu.memory_space<vmem_shared>> -> memref<6272xf32, #tpu.memory_space<vmem_shared>>
          %dma_start3A_1062 = tpu.memref_slice %arg13[%add3A_1056] : memref<400384xf32, #tpu.memory_space<vmem_shared>> -> memref<6272xf32, #tpu.memory_space<vmem_shared>>
          %dma_start3A_1063 = arith.constant 0 : i32
          %dma_start3A_1064 = tpu.memref_slice %arg7[%run_scoped3A, %dma_start3A_1063] : memref<8x6272xf32, #tpu.memory_space<vmem>> -> memref<1x6272xf32, #tpu.memory_space<vmem>>
          %dma_start3A_1065 = tpu.memref_squeeze %dma_start3A_1064 : memref<1x6272xf32, #tpu.memory_space<vmem>> -> memref<6272xf32, #tpu.memory_space<vmem>>
          tpu.enqueue_dma source(%dma_start3A_1065 : memref<6272xf32, #tpu.memory_space<vmem>>) target(%dma_start3A_1062 : memref<6272xf32, #tpu.memory_space<vmem_shared>>) target_semaphore(%run_scoped3A_1057 : memref<!tpu.dma_semaphore, #tpu.memory_space<semaphore_mem>>)
          %dma_wait3A_1066 = arith.constant 0 : i32
          %dma_wait3A_1067 = tpu.memref_slice %arg7[%run_scoped3A, %dma_wait3A_1066] : memref<8x6272xf32, #tpu.memory_space<vmem>> -> memref<1x6272xf32, #tpu.memory_space<vmem>>
          %dma_wait3A_1068 = tpu.memref_squeeze %dma_wait3A_1067 : memref<1x6272xf32, #tpu.memory_space<vmem>> -> memref<6272xf32, #tpu.memory_space<vmem>>
          %dma_wait3A_1069 = tpu.memref_slice %arg13[%add3A_1056] : memref<400384xf32, #tpu.memory_space<vmem_shared>> -> memref<6272xf32, #tpu.memory_space<vmem_shared>>
          %dma_wait3A_1070 = tpu.memref_slice %arg13[%add3A_1056] : memref<400384xf32, #tpu.memory_space<vmem_shared>> -> memref<6272xf32, #tpu.memory_space<vmem_shared>>
          %dma_wait3A_1071 = arith.constant 0 : i32
          %dma_wait3A_1072 = tpu.memref_slice %arg7[%run_scoped3A, %dma_wait3A_1071] : memref<8x6272xf32, #tpu.memory_space<vmem>> -> memref<1x6272xf32, #tpu.memory_space<vmem>>
          %dma_wait3A_1073 = tpu.memref_squeeze %dma_wait3A_1072 : memref<1x6272xf32, #tpu.memory_space<vmem>> -> memref<6272xf32, #tpu.memory_space<vmem>>
          tpu.wait_dma2 semaphore(%run_scoped3A_1057 : memref<!tpu.dma_semaphore, #tpu.memory_space<semaphore_mem>>) src(%dma_wait3A_1073 : memref<6272xf32, #tpu.memory_space<vmem>>) dst(%dma_wait3A_1070 : memref<6272xf32, #tpu.memory_space<vmem_shared>>)
          tpu.yield
        }) : () -> ()
      } else {
      }
      %eq3A_837 = arith.constant 15 : i32
      %eq3A_838 = arith.cmpi eq, %arg1, %eq3A_837 : i32
      %convert_element_type3A_839 = arith.extui %eq3A_838 : i1 to i32
      %cond3A_840 = arith.constant 0 : i32
      %cond3A_841 = arith.cmpi ne, %convert_element_type3A_839, %cond3A_840 : i32
      scf.if %cond3A_841 {
        %add3A_1055 = arith.constant 200192 : i32
        %add3A_1056 = arith.addi %add3A_1055, %mul3A_0 : i32
        %run_scoped3A = arith.constant 2 : i32
        "tpu.region"() ({
          %run_scoped3A_1057 = tpu.sem_alloc : memref<!tpu.dma_semaphore, #tpu.memory_space<semaphore_mem>>
          %dma_start3A_1058 = arith.constant 0 : i32
          %dma_start3A_1059 = tpu.memref_slice %arg7[%run_scoped3A, %dma_start3A_1058] : memref<8x6272xf32, #tpu.memory_space<vmem>> -> memref<1x6016xf32, #tpu.memory_space<vmem>>
          %dma_start3A_1060 = tpu.memref_squeeze %dma_start3A_1059 : memref<1x6016xf32, #tpu.memory_space<vmem>> -> memref<6016xf32, #tpu.memory_space<vmem>>
          %dma_start3A_1061 = tpu.memref_slice %arg13[%add3A_1056] : memref<400384xf32, #tpu.memory_space<vmem_shared>> -> memref<6016xf32, #tpu.memory_space<vmem_shared>>
          %dma_start3A_1062 = tpu.memref_slice %arg13[%add3A_1056] : memref<400384xf32, #tpu.memory_space<vmem_shared>> -> memref<6016xf32, #tpu.memory_space<vmem_shared>>
          %dma_start3A_1063 = arith.constant 0 : i32
          %dma_start3A_1064 = tpu.memref_slice %arg7[%run_scoped3A, %dma_start3A_1063] : memref<8x6272xf32, #tpu.memory_space<vmem>> -> memref<1x6016xf32, #tpu.memory_space<vmem>>
          %dma_start3A_1065 = tpu.memref_squeeze %dma_start3A_1064 : memref<1x6016xf32, #tpu.memory_space<vmem>> -> memref<6016xf32, #tpu.memory_space<vmem>>
          tpu.enqueue_dma source(%dma_start3A_1065 : memref<6016xf32, #tpu.memory_space<vmem>>) target(%dma_start3A_1062 : memref<6016xf32, #tpu.memory_space<vmem_shared>>) target_semaphore(%run_scoped3A_1057 : memref<!tpu.dma_semaphore, #tpu.memory_space<semaphore_mem>>)
          %dma_wait3A_1066 = arith.constant 0 : i32
          %dma_wait3A_1067 = tpu.memref_slice %arg7[%run_scoped3A, %dma_wait3A_1066] : memref<8x6272xf32, #tpu.memory_space<vmem>> -> memref<1x6016xf32, #tpu.memory_space<vmem>>
          %dma_wait3A_1068 = tpu.memref_squeeze %dma_wait3A_1067 : memref<1x6016xf32, #tpu.memory_space<vmem>> -> memref<6016xf32, #tpu.memory_space<vmem>>
          %dma_wait3A_1069 = tpu.memref_slice %arg13[%add3A_1056] : memref<400384xf32, #tpu.memory_space<vmem_shared>> -> memref<6016xf32, #tpu.memory_space<vmem_shared>>
          %dma_wait3A_1070 = tpu.memref_slice %arg13[%add3A_1056] : memref<400384xf32, #tpu.memory_space<vmem_shared>> -> memref<6016xf32, #tpu.memory_space<vmem_shared>>
          %dma_wait3A_1071 = arith.constant 0 : i32
          %dma_wait3A_1072 = tpu.memref_slice %arg7[%run_scoped3A, %dma_wait3A_1071] : memref<8x6272xf32, #tpu.memory_space<vmem>> -> memref<1x6016xf32, #tpu.memory_space<vmem>>
          %dma_wait3A_1073 = tpu.memref_squeeze %dma_wait3A_1072 : memref<1x6016xf32, #tpu.memory_space<vmem>> -> memref<6016xf32, #tpu.memory_space<vmem>>
          tpu.wait_dma2 semaphore(%run_scoped3A_1057 : memref<!tpu.dma_semaphore, #tpu.memory_space<semaphore_mem>>) src(%dma_wait3A_1073 : memref<6016xf32, #tpu.memory_space<vmem>>) dst(%dma_wait3A_1070 : memref<6016xf32, #tpu.memory_space<vmem_shared>>)
          tpu.yield
        }) : () -> ()
      } else {
      }
      %lt3A_842 = arith.constant 15 : i32
      %lt3A_843 = arith.cmpi slt, %arg1, %lt3A_842 : i32
      %convert_element_type3A_844 = arith.extui %lt3A_843 : i1 to i32
      %cond3A_845 = arith.constant 0 : i32
      %cond3A_846 = arith.cmpi ne, %convert_element_type3A_844, %cond3A_845 : i32
      scf.if %cond3A_846 {
        %add3A_1055 = arith.constant 300288 : i32
        %add3A_1056 = arith.addi %add3A_1055, %mul3A_0 : i32
        %run_scoped3A = arith.constant 3 : i32
        "tpu.region"() ({
          %run_scoped3A_1057 = tpu.sem_alloc : memref<!tpu.dma_semaphore, #tpu.memory_space<semaphore_mem>>
          %dma_start3A_1058 = arith.constant 0 : i32
          %dma_start3A_1059 = tpu.memref_slice %arg7[%run_scoped3A, %dma_start3A_1058] : memref<8x6272xf32, #tpu.memory_space<vmem>> -> memref<1x6272xf32, #tpu.memory_space<vmem>>
          %dma_start3A_1060 = tpu.memref_squeeze %dma_start3A_1059 : memref<1x6272xf32, #tpu.memory_space<vmem>> -> memref<6272xf32, #tpu.memory_space<vmem>>
          %dma_start3A_1061 = tpu.memref_slice %arg13[%add3A_1056] : memref<400384xf32, #tpu.memory_space<vmem_shared>> -> memref<6272xf32, #tpu.memory_space<vmem_shared>>
          %dma_start3A_1062 = tpu.memref_slice %arg13[%add3A_1056] : memref<400384xf32, #tpu.memory_space<vmem_shared>> -> memref<6272xf32, #tpu.memory_space<vmem_shared>>
          %dma_start3A_1063 = arith.constant 0 : i32
          %dma_start3A_1064 = tpu.memref_slice %arg7[%run_scoped3A, %dma_start3A_1063] : memref<8x6272xf32, #tpu.memory_space<vmem>> -> memref<1x6272xf32, #tpu.memory_space<vmem>>
          %dma_start3A_1065 = tpu.memref_squeeze %dma_start3A_1064 : memref<1x6272xf32, #tpu.memory_space<vmem>> -> memref<6272xf32, #tpu.memory_space<vmem>>
          tpu.enqueue_dma source(%dma_start3A_1065 : memref<6272xf32, #tpu.memory_space<vmem>>) target(%dma_start3A_1062 : memref<6272xf32, #tpu.memory_space<vmem_shared>>) target_semaphore(%run_scoped3A_1057 : memref<!tpu.dma_semaphore, #tpu.memory_space<semaphore_mem>>)
          %dma_wait3A_1066 = arith.constant 0 : i32
          %dma_wait3A_1067 = tpu.memref_slice %arg7[%run_scoped3A, %dma_wait3A_1066] : memref<8x6272xf32, #tpu.memory_space<vmem>> -> memref<1x6272xf32, #tpu.memory_space<vmem>>
          %dma_wait3A_1068 = tpu.memref_squeeze %dma_wait3A_1067 : memref<1x6272xf32, #tpu.memory_space<vmem>> -> memref<6272xf32, #tpu.memory_space<vmem>>
          %dma_wait3A_1069 = tpu.memref_slice %arg13[%add3A_1056] : memref<400384xf32, #tpu.memory_space<vmem_shared>> -> memref<6272xf32, #tpu.memory_space<vmem_shared>>
          %dma_wait3A_1070 = tpu.memref_slice %arg13[%add3A_1056] : memref<400384xf32, #tpu.memory_space<vmem_shared>> -> memref<6272xf32, #tpu.memory_space<vmem_shared>>
          %dma_wait3A_1071 = arith.constant 0 : i32
          %dma_wait3A_1072 = tpu.memref_slice %arg7[%run_scoped3A, %dma_wait3A_1071] : memref<8x6272xf32, #tpu.memory_space<vmem>> -> memref<1x6272xf32, #tpu.memory_space<vmem>>
          %dma_wait3A_1073 = tpu.memref_squeeze %dma_wait3A_1072 : memref<1x6272xf32, #tpu.memory_space<vmem>> -> memref<6272xf32, #tpu.memory_space<vmem>>
          tpu.wait_dma2 semaphore(%run_scoped3A_1057 : memref<!tpu.dma_semaphore, #tpu.memory_space<semaphore_mem>>) src(%dma_wait3A_1073 : memref<6272xf32, #tpu.memory_space<vmem>>) dst(%dma_wait3A_1070 : memref<6272xf32, #tpu.memory_space<vmem_shared>>)
          tpu.yield
        }) : () -> ()
      } else {
      }
      %eq3A_847 = arith.constant 15 : i32
      %eq3A_848 = arith.cmpi eq, %arg1, %eq3A_847 : i32
      %convert_element_type3A_849 = arith.extui %eq3A_848 : i1 to i32
      %cond3A_850 = arith.constant 0 : i32
      %cond3A_851 = arith.cmpi ne, %convert_element_type3A_849, %cond3A_850 : i32
      scf.if %cond3A_851 {
        %add3A_1055 = arith.constant 300288 : i32
        %add3A_1056 = arith.addi %add3A_1055, %mul3A_0 : i32
        %run_scoped3A = arith.constant 3 : i32
        "tpu.region"() ({
          %run_scoped3A_1057 = tpu.sem_alloc : memref<!tpu.dma_semaphore, #tpu.memory_space<semaphore_mem>>
          %dma_start3A_1058 = arith.constant 0 : i32
          %dma_start3A_1059 = tpu.memref_slice %arg7[%run_scoped3A, %dma_start3A_1058] : memref<8x6272xf32, #tpu.memory_space<vmem>> -> memref<1x6016xf32, #tpu.memory_space<vmem>>
          %dma_start3A_1060 = tpu.memref_squeeze %dma_start3A_1059 : memref<1x6016xf32, #tpu.memory_space<vmem>> -> memref<6016xf32, #tpu.memory_space<vmem>>
          %dma_start3A_1061 = tpu.memref_slice %arg13[%add3A_1056] : memref<400384xf32, #tpu.memory_space<vmem_shared>> -> memref<6016xf32, #tpu.memory_space<vmem_shared>>
          %dma_start3A_1062 = tpu.memref_slice %arg13[%add3A_1056] : memref<400384xf32, #tpu.memory_space<vmem_shared>> -> memref<6016xf32, #tpu.memory_space<vmem_shared>>
          %dma_start3A_1063 = arith.constant 0 : i32
          %dma_start3A_1064 = tpu.memref_slice %arg7[%run_scoped3A, %dma_start3A_1063] : memref<8x6272xf32, #tpu.memory_space<vmem>> -> memref<1x6016xf32, #tpu.memory_space<vmem>>
          %dma_start3A_1065 = tpu.memref_squeeze %dma_start3A_1064 : memref<1x6016xf32, #tpu.memory_space<vmem>> -> memref<6016xf32, #tpu.memory_space<vmem>>
          tpu.enqueue_dma source(%dma_start3A_1065 : memref<6016xf32, #tpu.memory_space<vmem>>) target(%dma_start3A_1062 : memref<6016xf32, #tpu.memory_space<vmem_shared>>) target_semaphore(%run_scoped3A_1057 : memref<!tpu.dma_semaphore, #tpu.memory_space<semaphore_mem>>)
          %dma_wait3A_1066 = arith.constant 0 : i32
          %dma_wait3A_1067 = tpu.memref_slice %arg7[%run_scoped3A, %dma_wait3A_1066] : memref<8x6272xf32, #tpu.memory_space<vmem>> -> memref<1x6016xf32, #tpu.memory_space<vmem>>
          %dma_wait3A_1068 = tpu.memref_squeeze %dma_wait3A_1067 : memref<1x6016xf32, #tpu.memory_space<vmem>> -> memref<6016xf32, #tpu.memory_space<vmem>>
          %dma_wait3A_1069 = tpu.memref_slice %arg13[%add3A_1056] : memref<400384xf32, #tpu.memory_space<vmem_shared>> -> memref<6016xf32, #tpu.memory_space<vmem_shared>>
          %dma_wait3A_1070 = tpu.memref_slice %arg13[%add3A_1056] : memref<400384xf32, #tpu.memory_space<vmem_shared>> -> memref<6016xf32, #tpu.memory_space<vmem_shared>>
          %dma_wait3A_1071 = arith.constant 0 : i32
          %dma_wait3A_1072 = tpu.memref_slice %arg7[%run_scoped3A, %dma_wait3A_1071] : memref<8x6272xf32, #tpu.memory_space<vmem>> -> memref<1x6016xf32, #tpu.memory_space<vmem>>
          %dma_wait3A_1073 = tpu.memref_squeeze %dma_wait3A_1072 : memref<1x6016xf32, #tpu.memory_space<vmem>> -> memref<6016xf32, #tpu.memory_space<vmem>>
          tpu.wait_dma2 semaphore(%run_scoped3A_1057 : memref<!tpu.dma_semaphore, #tpu.memory_space<semaphore_mem>>) src(%dma_wait3A_1073 : memref<6016xf32, #tpu.memory_space<vmem>>) dst(%dma_wait3A_1070 : memref<6016xf32, #tpu.memory_space<vmem_shared>>)
          tpu.yield
        }) : () -> ()
      } else {
      }
      %barrier3A_852 = arith.constant 0 : index
      tpu.barrier barrier_id(%barrier3A_852)
      %dma_start3A_853 = arith.constant 0 : i32
      %dma_start3A_854 = tpu.memref_slice %arg13[%dma_start3A_853] : memref<400384xf32, #tpu.memory_space<vmem_shared>> -> memref<400384xf32, #tpu.memory_space<vmem_shared>>
      tpu.enqueue_indirect_dma source(%dma_start3A_854 : memref<400384xf32, #tpu.memory_space<vmem_shared>>) target(%arg10 : memref<4096xf32, #tpu.memory_space<vmem>>) offsets(%arg9 : memref<4096xi32, #tpu.memory_space<vmem>>) semaphore(%arg15 : memref<!tpu.dma_semaphore, #tpu.memory_space<semaphore_mem>>)
      %dma_wait3A_855 = arith.constant 0 : i32
      %dma_wait3A_856 = tpu.memref_slice %arg13[%dma_wait3A_855] : memref<400384xf32, #tpu.memory_space<vmem_shared>> -> memref<400384xf32, #tpu.memory_space<vmem_shared>>
      tpu.wait_indirect_dma semaphore(%arg15 : memref<!tpu.dma_semaphore, #tpu.memory_space<semaphore_mem>>) src(%dma_wait3A_856 : memref<400384xf32, #tpu.memory_space<vmem_shared>>) dst(%arg10 : memref<4096xf32, #tpu.memory_space<vmem>>)
      %mul3A_857 = arith.constant 32 : i32
      %mul3A_858 = arith.muli %scan3A_19, %mul3A_857 : i32
      %add3A_859 = arith.constant 24 : i32
      %add3A_860 = arith.addi %mul3A_858, %add3A_859 : i32
      %add3A_861 = arith.constant 0 : i32
      %add3A_862 = arith.addi %add3A_860, %add3A_861 : i32
      %add3A_863 = arith.constant 0 : i32
      %add3A_864 = arith.addi %add3A_862, %add3A_863 : i32
      %mul3A_865 = arith.constant 16 : i32
      %mul3A_866 = arith.muli %add3A_864, %mul3A_865 : i32
      %get3A_867 = arith.index_cast %mul3A_866 : i32 to index
      %get3A_868 = tpu.vector_load %arg12[%get3A_867] {strides = array<i32>} : memref<6656xf32, #tpu.memory_space<vmem>>, vector<16xf32>,
      %get3A_869 = vector.shape_cast %get3A_868 : vector<16xf32> to vector<16xf32>
      %scan3A_870 = arith.constant 0 : i32
      %scan3A_871 = arith.constant 64 : i32
      %scan3A_872 = arith.addi %scan3A_870, %scan3A_871 : i32
      %scan3A_873 = arith.constant 1 : i32
      scf.for %scan3A_1055 = %scan3A_870 to %scan3A_872 step %scan3A_873  : i32 {
        %mul3A_1056 = arith.constant 16 : i32
        %mul3A_1057 = arith.muli %scan3A_1055, %mul3A_1056 : i32
        %mul3A_1058 = arith.constant 16 : i32
        %mul3A_1059 = arith.muli %scan3A_1055, %mul3A_1058 : i32
        %add3A_1060 = arith.constant 0 : i32
        %add3A_1061 = arith.addi %add3A_1060, %mul3A_1059 : i32
        %get3A_1062 = arith.index_cast %add3A_1061 : i32 to index
        %get3A_1063 = tpu.vector_load %arg10[%get3A_1062] {strides = array<i32>} : memref<4096xf32, #tpu.memory_space<vmem>>, vector<16xf32>,
        %get3A_1064 = vector.shape_cast %get3A_1063 : vector<16xf32> to vector<16xf32>
        %add3A_1065 = arith.addf %get3A_1064, %get3A_869 : vector<16xf32>
        %swap3A = arith.constant 0 : i32
        %swap3A_1066 = arith.index_cast %swap3A : i32 to index
        %swap3A_1067 = arith.index_cast %mul3A_1057 : i32 to index
        %swap3A_1068 = tpu.vector_load %arg11[%swap3A_1066, %swap3A_1067] {strides = array<i32>} : memref<8x1024xf32, #tpu.memory_space<vmem>>, vector<1x16xf32>,
        %swap3A_1069 = vector.shape_cast %swap3A_1068 : vector<1x16xf32> to vector<16xf32>
        %swap3A_1070 = vector.shape_cast %add3A_1065 : vector<16xf32> to vector<1x16xf32>
        tpu.vector_store %arg11[%swap3A_1066, %swap3A_1067], %swap3A_1070 {strides = array<i32>} : memref<8x1024xf32, #tpu.memory_space<vmem>>, vector<1x16xf32>,
      }
      %scan3A_874 = arith.constant 64 : i32
      %mul3A_875 = arith.constant 32 : i32
      %mul3A_876 = arith.muli %scan3A_19, %mul3A_875 : i32
      %add3A_877 = arith.constant 24 : i32
      %add3A_878 = arith.addi %mul3A_876, %add3A_877 : i32
      %add3A_879 = arith.constant 0 : i32
      %add3A_880 = arith.addi %add3A_878, %add3A_879 : i32
      %add3A_881 = arith.constant 1 : i32
      %add3A_882 = arith.addi %add3A_880, %add3A_881 : i32
      %mul3A_883 = arith.constant 16 : i32
      %mul3A_884 = arith.muli %add3A_882, %mul3A_883 : i32
      %get3A_885 = arith.index_cast %mul3A_884 : i32 to index
      %get3A_886 = tpu.vector_load %arg12[%get3A_885] {strides = array<i32>} : memref<6656xf32, #tpu.memory_space<vmem>>, vector<16xf32>,
      %get3A_887 = vector.shape_cast %get3A_886 : vector<16xf32> to vector<16xf32>
      %scan3A_888 = arith.constant 0 : i32
      %scan3A_889 = arith.constant 64 : i32
      %scan3A_890 = arith.addi %scan3A_888, %scan3A_889 : i32
      %scan3A_891 = arith.constant 1 : i32
      scf.for %scan3A_1055 = %scan3A_888 to %scan3A_890 step %scan3A_891  : i32 {
        %mul3A_1056 = arith.constant 16 : i32
        %mul3A_1057 = arith.muli %scan3A_1055, %mul3A_1056 : i32
        %mul3A_1058 = arith.constant 16 : i32
        %mul3A_1059 = arith.muli %scan3A_1055, %mul3A_1058 : i32
        %add3A_1060 = arith.constant 1024 : i32
        %add3A_1061 = arith.addi %add3A_1060, %mul3A_1059 : i32
        %get3A_1062 = arith.index_cast %add3A_1061 : i32 to index
        %get3A_1063 = tpu.vector_load %arg10[%get3A_1062] {strides = array<i32>} : memref<4096xf32, #tpu.memory_space<vmem>>, vector<16xf32>,
        %get3A_1064 = vector.shape_cast %get3A_1063 : vector<16xf32> to vector<16xf32>
        %add3A_1065 = arith.addf %get3A_1064, %get3A_887 : vector<16xf32>
        %swap3A = arith.constant 1 : i32
        %swap3A_1066 = arith.index_cast %swap3A : i32 to index
        %swap3A_1067 = arith.index_cast %mul3A_1057 : i32 to index
        %swap3A_1068 = tpu.vector_load %arg11[%swap3A_1066, %swap3A_1067] {strides = array<i32>} : memref<8x1024xf32, #tpu.memory_space<vmem>>, vector<1x16xf32>,
        %swap3A_1069 = vector.shape_cast %swap3A_1068 : vector<1x16xf32> to vector<16xf32>
        %swap3A_1070 = vector.shape_cast %add3A_1065 : vector<16xf32> to vector<1x16xf32>
        tpu.vector_store %arg11[%swap3A_1066, %swap3A_1067], %swap3A_1070 {strides = array<i32>} : memref<8x1024xf32, #tpu.memory_space<vmem>>, vector<1x16xf32>,
      }
      %scan3A_892 = arith.constant 64 : i32
      %mul3A_893 = arith.constant 32 : i32
      %mul3A_894 = arith.muli %scan3A_19, %mul3A_893 : i32
      %add3A_895 = arith.constant 24 : i32
      %add3A_896 = arith.addi %mul3A_894, %add3A_895 : i32
      %add3A_897 = arith.constant 0 : i32
      %add3A_898 = arith.addi %add3A_896, %add3A_897 : i32
      %add3A_899 = arith.constant 2 : i32
      %add3A_900 = arith.addi %add3A_898, %add3A_899 : i32
      %mul3A_901 = arith.constant 16 : i32
      %mul3A_902 = arith.muli %add3A_900, %mul3A_901 : i32
      %get3A_903 = arith.index_cast %mul3A_902 : i32 to index
      %get3A_904 = tpu.vector_load %arg12[%get3A_903] {strides = array<i32>} : memref<6656xf32, #tpu.memory_space<vmem>>, vector<16xf32>,
      %get3A_905 = vector.shape_cast %get3A_904 : vector<16xf32> to vector<16xf32>
      %scan3A_906 = arith.constant 0 : i32
      %scan3A_907 = arith.constant 64 : i32
      %scan3A_908 = arith.addi %scan3A_906, %scan3A_907 : i32
      %scan3A_909 = arith.constant 1 : i32
      scf.for %scan3A_1055 = %scan3A_906 to %scan3A_908 step %scan3A_909  : i32 {
        %mul3A_1056 = arith.constant 16 : i32
        %mul3A_1057 = arith.muli %scan3A_1055, %mul3A_1056 : i32
        %mul3A_1058 = arith.constant 16 : i32
        %mul3A_1059 = arith.muli %scan3A_1055, %mul3A_1058 : i32
        %add3A_1060 = arith.constant 2048 : i32
        %add3A_1061 = arith.addi %add3A_1060, %mul3A_1059 : i32
        %get3A_1062 = arith.index_cast %add3A_1061 : i32 to index
        %get3A_1063 = tpu.vector_load %arg10[%get3A_1062] {strides = array<i32>} : memref<4096xf32, #tpu.memory_space<vmem>>, vector<16xf32>,
        %get3A_1064 = vector.shape_cast %get3A_1063 : vector<16xf32> to vector<16xf32>
        %add3A_1065 = arith.addf %get3A_1064, %get3A_905 : vector<16xf32>
        %swap3A = arith.constant 2 : i32
        %swap3A_1066 = arith.index_cast %swap3A : i32 to index
        %swap3A_1067 = arith.index_cast %mul3A_1057 : i32 to index
        %swap3A_1068 = tpu.vector_load %arg11[%swap3A_1066, %swap3A_1067] {strides = array<i32>} : memref<8x1024xf32, #tpu.memory_space<vmem>>, vector<1x16xf32>,
        %swap3A_1069 = vector.shape_cast %swap3A_1068 : vector<1x16xf32> to vector<16xf32>
        %swap3A_1070 = vector.shape_cast %add3A_1065 : vector<16xf32> to vector<1x16xf32>
        tpu.vector_store %arg11[%swap3A_1066, %swap3A_1067], %swap3A_1070 {strides = array<i32>} : memref<8x1024xf32, #tpu.memory_space<vmem>>, vector<1x16xf32>,
      }
      %scan3A_910 = arith.constant 64 : i32
      %mul3A_911 = arith.constant 32 : i32
      %mul3A_912 = arith.muli %scan3A_19, %mul3A_911 : i32
      %add3A_913 = arith.constant 24 : i32
      %add3A_914 = arith.addi %mul3A_912, %add3A_913 : i32
      %add3A_915 = arith.constant 0 : i32
      %add3A_916 = arith.addi %add3A_914, %add3A_915 : i32
      %add3A_917 = arith.constant 3 : i32
      %add3A_918 = arith.addi %add3A_916, %add3A_917 : i32
      %mul3A_919 = arith.constant 16 : i32
      %mul3A_920 = arith.muli %add3A_918, %mul3A_919 : i32
      %get3A_921 = arith.index_cast %mul3A_920 : i32 to index
      %get3A_922 = tpu.vector_load %arg12[%get3A_921] {strides = array<i32>} : memref<6656xf32, #tpu.memory_space<vmem>>, vector<16xf32>,
      %get3A_923 = vector.shape_cast %get3A_922 : vector<16xf32> to vector<16xf32>
      %scan3A_924 = arith.constant 0 : i32
      %scan3A_925 = arith.constant 64 : i32
      %scan3A_926 = arith.addi %scan3A_924, %scan3A_925 : i32
      %scan3A_927 = arith.constant 1 : i32
      scf.for %scan3A_1055 = %scan3A_924 to %scan3A_926 step %scan3A_927  : i32 {
        %mul3A_1056 = arith.constant 16 : i32
        %mul3A_1057 = arith.muli %scan3A_1055, %mul3A_1056 : i32
        %mul3A_1058 = arith.constant 16 : i32
        %mul3A_1059 = arith.muli %scan3A_1055, %mul3A_1058 : i32
        %add3A_1060 = arith.constant 3072 : i32
        %add3A_1061 = arith.addi %add3A_1060, %mul3A_1059 : i32
        %get3A_1062 = arith.index_cast %add3A_1061 : i32 to index
        %get3A_1063 = tpu.vector_load %arg10[%get3A_1062] {strides = array<i32>} : memref<4096xf32, #tpu.memory_space<vmem>>, vector<16xf32>,
        %get3A_1064 = vector.shape_cast %get3A_1063 : vector<16xf32> to vector<16xf32>
        %add3A_1065 = arith.addf %get3A_1064, %get3A_923 : vector<16xf32>
        %swap3A = arith.constant 3 : i32
        %swap3A_1066 = arith.index_cast %swap3A : i32 to index
        %swap3A_1067 = arith.index_cast %mul3A_1057 : i32 to index
        %swap3A_1068 = tpu.vector_load %arg11[%swap3A_1066, %swap3A_1067] {strides = array<i32>} : memref<8x1024xf32, #tpu.memory_space<vmem>>, vector<1x16xf32>,
        %swap3A_1069 = vector.shape_cast %swap3A_1068 : vector<1x16xf32> to vector<16xf32>
        %swap3A_1070 = vector.shape_cast %add3A_1065 : vector<16xf32> to vector<1x16xf32>
        tpu.vector_store %arg11[%swap3A_1066, %swap3A_1067], %swap3A_1070 {strides = array<i32>} : memref<8x1024xf32, #tpu.memory_space<vmem>>, vector<1x16xf32>,
      }
      %scan3A_928 = arith.constant 64 : i32
      %barrier3A_929 = arith.constant 0 : index
      tpu.barrier barrier_id(%barrier3A_929)
      %lt3A_930 = arith.constant 15 : i32
      %lt3A_931 = arith.cmpi slt, %arg1, %lt3A_930 : i32
      %convert_element_type3A_932 = arith.extui %lt3A_931 : i1 to i32
      %cond3A_933 = arith.constant 0 : i32
      %cond3A_934 = arith.cmpi ne, %convert_element_type3A_932, %cond3A_933 : i32
      scf.if %cond3A_934 {
        %add3A_1055 = arith.constant 0 : i32
        %add3A_1056 = arith.addi %add3A_1055, %mul3A_0 : i32
        %run_scoped3A = arith.constant 4 : i32
        "tpu.region"() ({
          %run_scoped3A_1057 = tpu.sem_alloc : memref<!tpu.dma_semaphore, #tpu.memory_space<semaphore_mem>>
          %dma_start3A_1058 = arith.constant 0 : i32
          %dma_start3A_1059 = tpu.memref_slice %arg7[%run_scoped3A, %dma_start3A_1058] : memref<8x6272xf32, #tpu.memory_space<vmem>> -> memref<1x6272xf32, #tpu.memory_space<vmem>>
          %dma_start3A_1060 = tpu.memref_squeeze %dma_start3A_1059 : memref<1x6272xf32, #tpu.memory_space<vmem>> -> memref<6272xf32, #tpu.memory_space<vmem>>
          %dma_start3A_1061 = tpu.memref_slice %arg13[%add3A_1056] : memref<400384xf32, #tpu.memory_space<vmem_shared>> -> memref<6272xf32, #tpu.memory_space<vmem_shared>>
          %dma_start3A_1062 = tpu.memref_slice %arg13[%add3A_1056] : memref<400384xf32, #tpu.memory_space<vmem_shared>> -> memref<6272xf32, #tpu.memory_space<vmem_shared>>
          %dma_start3A_1063 = arith.constant 0 : i32
          %dma_start3A_1064 = tpu.memref_slice %arg7[%run_scoped3A, %dma_start3A_1063] : memref<8x6272xf32, #tpu.memory_space<vmem>> -> memref<1x6272xf32, #tpu.memory_space<vmem>>
          %dma_start3A_1065 = tpu.memref_squeeze %dma_start3A_1064 : memref<1x6272xf32, #tpu.memory_space<vmem>> -> memref<6272xf32, #tpu.memory_space<vmem>>
          tpu.enqueue_dma source(%dma_start3A_1065 : memref<6272xf32, #tpu.memory_space<vmem>>) target(%dma_start3A_1062 : memref<6272xf32, #tpu.memory_space<vmem_shared>>) target_semaphore(%run_scoped3A_1057 : memref<!tpu.dma_semaphore, #tpu.memory_space<semaphore_mem>>)
          %dma_wait3A_1066 = arith.constant 0 : i32
          %dma_wait3A_1067 = tpu.memref_slice %arg7[%run_scoped3A, %dma_wait3A_1066] : memref<8x6272xf32, #tpu.memory_space<vmem>> -> memref<1x6272xf32, #tpu.memory_space<vmem>>
          %dma_wait3A_1068 = tpu.memref_squeeze %dma_wait3A_1067 : memref<1x6272xf32, #tpu.memory_space<vmem>> -> memref<6272xf32, #tpu.memory_space<vmem>>
          %dma_wait3A_1069 = tpu.memref_slice %arg13[%add3A_1056] : memref<400384xf32, #tpu.memory_space<vmem_shared>> -> memref<6272xf32, #tpu.memory_space<vmem_shared>>
          %dma_wait3A_1070 = tpu.memref_slice %arg13[%add3A_1056] : memref<400384xf32, #tpu.memory_space<vmem_shared>> -> memref<6272xf32, #tpu.memory_space<vmem_shared>>
          %dma_wait3A_1071 = arith.constant 0 : i32
          %dma_wait3A_1072 = tpu.memref_slice %arg7[%run_scoped3A, %dma_wait3A_1071] : memref<8x6272xf32, #tpu.memory_space<vmem>> -> memref<1x6272xf32, #tpu.memory_space<vmem>>
          %dma_wait3A_1073 = tpu.memref_squeeze %dma_wait3A_1072 : memref<1x6272xf32, #tpu.memory_space<vmem>> -> memref<6272xf32, #tpu.memory_space<vmem>>
          tpu.wait_dma2 semaphore(%run_scoped3A_1057 : memref<!tpu.dma_semaphore, #tpu.memory_space<semaphore_mem>>) src(%dma_wait3A_1073 : memref<6272xf32, #tpu.memory_space<vmem>>) dst(%dma_wait3A_1070 : memref<6272xf32, #tpu.memory_space<vmem_shared>>)
          tpu.yield
        }) : () -> ()
      } else {
      }
      %eq3A_935 = arith.constant 15 : i32
      %eq3A_936 = arith.cmpi eq, %arg1, %eq3A_935 : i32
      %convert_element_type3A_937 = arith.extui %eq3A_936 : i1 to i32
      %cond3A_938 = arith.constant 0 : i32
      %cond3A_939 = arith.cmpi ne, %convert_element_type3A_937, %cond3A_938 : i32
      scf.if %cond3A_939 {
        %add3A_1055 = arith.constant 0 : i32
        %add3A_1056 = arith.addi %add3A_1055, %mul3A_0 : i32
        %run_scoped3A = arith.constant 4 : i32
        "tpu.region"() ({
          %run_scoped3A_1057 = tpu.sem_alloc : memref<!tpu.dma_semaphore, #tpu.memory_space<semaphore_mem>>
          %dma_start3A_1058 = arith.constant 0 : i32
          %dma_start3A_1059 = tpu.memref_slice %arg7[%run_scoped3A, %dma_start3A_1058] : memref<8x6272xf32, #tpu.memory_space<vmem>> -> memref<1x6016xf32, #tpu.memory_space<vmem>>
          %dma_start3A_1060 = tpu.memref_squeeze %dma_start3A_1059 : memref<1x6016xf32, #tpu.memory_space<vmem>> -> memref<6016xf32, #tpu.memory_space<vmem>>
          %dma_start3A_1061 = tpu.memref_slice %arg13[%add3A_1056] : memref<400384xf32, #tpu.memory_space<vmem_shared>> -> memref<6016xf32, #tpu.memory_space<vmem_shared>>
          %dma_start3A_1062 = tpu.memref_slice %arg13[%add3A_1056] : memref<400384xf32, #tpu.memory_space<vmem_shared>> -> memref<6016xf32, #tpu.memory_space<vmem_shared>>
          %dma_start3A_1063 = arith.constant 0 : i32
          %dma_start3A_1064 = tpu.memref_slice %arg7[%run_scoped3A, %dma_start3A_1063] : memref<8x6272xf32, #tpu.memory_space<vmem>> -> memref<1x6016xf32, #tpu.memory_space<vmem>>
          %dma_start3A_1065 = tpu.memref_squeeze %dma_start3A_1064 : memref<1x6016xf32, #tpu.memory_space<vmem>> -> memref<6016xf32, #tpu.memory_space<vmem>>
          tpu.enqueue_dma source(%dma_start3A_1065 : memref<6016xf32, #tpu.memory_space<vmem>>) target(%dma_start3A_1062 : memref<6016xf32, #tpu.memory_space<vmem_shared>>) target_semaphore(%run_scoped3A_1057 : memref<!tpu.dma_semaphore, #tpu.memory_space<semaphore_mem>>)
          %dma_wait3A_1066 = arith.constant 0 : i32
          %dma_wait3A_1067 = tpu.memref_slice %arg7[%run_scoped3A, %dma_wait3A_1066] : memref<8x6272xf32, #tpu.memory_space<vmem>> -> memref<1x6016xf32, #tpu.memory_space<vmem>>
          %dma_wait3A_1068 = tpu.memref_squeeze %dma_wait3A_1067 : memref<1x6016xf32, #tpu.memory_space<vmem>> -> memref<6016xf32, #tpu.memory_space<vmem>>
          %dma_wait3A_1069 = tpu.memref_slice %arg13[%add3A_1056] : memref<400384xf32, #tpu.memory_space<vmem_shared>> -> memref<6016xf32, #tpu.memory_space<vmem_shared>>
          %dma_wait3A_1070 = tpu.memref_slice %arg13[%add3A_1056] : memref<400384xf32, #tpu.memory_space<vmem_shared>> -> memref<6016xf32, #tpu.memory_space<vmem_shared>>
          %dma_wait3A_1071 = arith.constant 0 : i32
          %dma_wait3A_1072 = tpu.memref_slice %arg7[%run_scoped3A, %dma_wait3A_1071] : memref<8x6272xf32, #tpu.memory_space<vmem>> -> memref<1x6016xf32, #tpu.memory_space<vmem>>
          %dma_wait3A_1073 = tpu.memref_squeeze %dma_wait3A_1072 : memref<1x6016xf32, #tpu.memory_space<vmem>> -> memref<6016xf32, #tpu.memory_space<vmem>>
          tpu.wait_dma2 semaphore(%run_scoped3A_1057 : memref<!tpu.dma_semaphore, #tpu.memory_space<semaphore_mem>>) src(%dma_wait3A_1073 : memref<6016xf32, #tpu.memory_space<vmem>>) dst(%dma_wait3A_1070 : memref<6016xf32, #tpu.memory_space<vmem_shared>>)
          tpu.yield
        }) : () -> ()
      } else {
      }
      %lt3A_940 = arith.constant 15 : i32
      %lt3A_941 = arith.cmpi slt, %arg1, %lt3A_940 : i32
      %convert_element_type3A_942 = arith.extui %lt3A_941 : i1 to i32
      %cond3A_943 = arith.constant 0 : i32
      %cond3A_944 = arith.cmpi ne, %convert_element_type3A_942, %cond3A_943 : i32
      scf.if %cond3A_944 {
        %add3A_1055 = arith.constant 100096 : i32
        %add3A_1056 = arith.addi %add3A_1055, %mul3A_0 : i32
        %run_scoped3A = arith.constant 5 : i32
        "tpu.region"() ({
          %run_scoped3A_1057 = tpu.sem_alloc : memref<!tpu.dma_semaphore, #tpu.memory_space<semaphore_mem>>
          %dma_start3A_1058 = arith.constant 0 : i32
          %dma_start3A_1059 = tpu.memref_slice %arg7[%run_scoped3A, %dma_start3A_1058] : memref<8x6272xf32, #tpu.memory_space<vmem>> -> memref<1x6272xf32, #tpu.memory_space<vmem>>
          %dma_start3A_1060 = tpu.memref_squeeze %dma_start3A_1059 : memref<1x6272xf32, #tpu.memory_space<vmem>> -> memref<6272xf32, #tpu.memory_space<vmem>>
          %dma_start3A_1061 = tpu.memref_slice %arg13[%add3A_1056] : memref<400384xf32, #tpu.memory_space<vmem_shared>> -> memref<6272xf32, #tpu.memory_space<vmem_shared>>
          %dma_start3A_1062 = tpu.memref_slice %arg13[%add3A_1056] : memref<400384xf32, #tpu.memory_space<vmem_shared>> -> memref<6272xf32, #tpu.memory_space<vmem_shared>>
          %dma_start3A_1063 = arith.constant 0 : i32
          %dma_start3A_1064 = tpu.memref_slice %arg7[%run_scoped3A, %dma_start3A_1063] : memref<8x6272xf32, #tpu.memory_space<vmem>> -> memref<1x6272xf32, #tpu.memory_space<vmem>>
          %dma_start3A_1065 = tpu.memref_squeeze %dma_start3A_1064 : memref<1x6272xf32, #tpu.memory_space<vmem>> -> memref<6272xf32, #tpu.memory_space<vmem>>
          tpu.enqueue_dma source(%dma_start3A_1065 : memref<6272xf32, #tpu.memory_space<vmem>>) target(%dma_start3A_1062 : memref<6272xf32, #tpu.memory_space<vmem_shared>>) target_semaphore(%run_scoped3A_1057 : memref<!tpu.dma_semaphore, #tpu.memory_space<semaphore_mem>>)
          %dma_wait3A_1066 = arith.constant 0 : i32
          %dma_wait3A_1067 = tpu.memref_slice %arg7[%run_scoped3A, %dma_wait3A_1066] : memref<8x6272xf32, #tpu.memory_space<vmem>> -> memref<1x6272xf32, #tpu.memory_space<vmem>>
          %dma_wait3A_1068 = tpu.memref_squeeze %dma_wait3A_1067 : memref<1x6272xf32, #tpu.memory_space<vmem>> -> memref<6272xf32, #tpu.memory_space<vmem>>
          %dma_wait3A_1069 = tpu.memref_slice %arg13[%add3A_1056] : memref<400384xf32, #tpu.memory_space<vmem_shared>> -> memref<6272xf32, #tpu.memory_space<vmem_shared>>
          %dma_wait3A_1070 = tpu.memref_slice %arg13[%add3A_1056] : memref<400384xf32, #tpu.memory_space<vmem_shared>> -> memref<6272xf32, #tpu.memory_space<vmem_shared>>
          %dma_wait3A_1071 = arith.constant 0 : i32
          %dma_wait3A_1072 = tpu.memref_slice %arg7[%run_scoped3A, %dma_wait3A_1071] : memref<8x6272xf32, #tpu.memory_space<vmem>> -> memref<1x6272xf32, #tpu.memory_space<vmem>>
          %dma_wait3A_1073 = tpu.memref_squeeze %dma_wait3A_1072 : memref<1x6272xf32, #tpu.memory_space<vmem>> -> memref<6272xf32, #tpu.memory_space<vmem>>
          tpu.wait_dma2 semaphore(%run_scoped3A_1057 : memref<!tpu.dma_semaphore, #tpu.memory_space<semaphore_mem>>) src(%dma_wait3A_1073 : memref<6272xf32, #tpu.memory_space<vmem>>) dst(%dma_wait3A_1070 : memref<6272xf32, #tpu.memory_space<vmem_shared>>)
          tpu.yield
        }) : () -> ()
      } else {
      }
      %eq3A_945 = arith.constant 15 : i32
      %eq3A_946 = arith.cmpi eq, %arg1, %eq3A_945 : i32
      %convert_element_type3A_947 = arith.extui %eq3A_946 : i1 to i32
      %cond3A_948 = arith.constant 0 : i32
      %cond3A_949 = arith.cmpi ne, %convert_element_type3A_947, %cond3A_948 : i32
      scf.if %cond3A_949 {
        %add3A_1055 = arith.constant 100096 : i32
        %add3A_1056 = arith.addi %add3A_1055, %mul3A_0 : i32
        %run_scoped3A = arith.constant 5 : i32
        "tpu.region"() ({
          %run_scoped3A_1057 = tpu.sem_alloc : memref<!tpu.dma_semaphore, #tpu.memory_space<semaphore_mem>>
          %dma_start3A_1058 = arith.constant 0 : i32
          %dma_start3A_1059 = tpu.memref_slice %arg7[%run_scoped3A, %dma_start3A_1058] : memref<8x6272xf32, #tpu.memory_space<vmem>> -> memref<1x6016xf32, #tpu.memory_space<vmem>>
          %dma_start3A_1060 = tpu.memref_squeeze %dma_start3A_1059 : memref<1x6016xf32, #tpu.memory_space<vmem>> -> memref<6016xf32, #tpu.memory_space<vmem>>
          %dma_start3A_1061 = tpu.memref_slice %arg13[%add3A_1056] : memref<400384xf32, #tpu.memory_space<vmem_shared>> -> memref<6016xf32, #tpu.memory_space<vmem_shared>>
          %dma_start3A_1062 = tpu.memref_slice %arg13[%add3A_1056] : memref<400384xf32, #tpu.memory_space<vmem_shared>> -> memref<6016xf32, #tpu.memory_space<vmem_shared>>
          %dma_start3A_1063 = arith.constant 0 : i32
          %dma_start3A_1064 = tpu.memref_slice %arg7[%run_scoped3A, %dma_start3A_1063] : memref<8x6272xf32, #tpu.memory_space<vmem>> -> memref<1x6016xf32, #tpu.memory_space<vmem>>
          %dma_start3A_1065 = tpu.memref_squeeze %dma_start3A_1064 : memref<1x6016xf32, #tpu.memory_space<vmem>> -> memref<6016xf32, #tpu.memory_space<vmem>>
          tpu.enqueue_dma source(%dma_start3A_1065 : memref<6016xf32, #tpu.memory_space<vmem>>) target(%dma_start3A_1062 : memref<6016xf32, #tpu.memory_space<vmem_shared>>) target_semaphore(%run_scoped3A_1057 : memref<!tpu.dma_semaphore, #tpu.memory_space<semaphore_mem>>)
          %dma_wait3A_1066 = arith.constant 0 : i32
          %dma_wait3A_1067 = tpu.memref_slice %arg7[%run_scoped3A, %dma_wait3A_1066] : memref<8x6272xf32, #tpu.memory_space<vmem>> -> memref<1x6016xf32, #tpu.memory_space<vmem>>
          %dma_wait3A_1068 = tpu.memref_squeeze %dma_wait3A_1067 : memref<1x6016xf32, #tpu.memory_space<vmem>> -> memref<6016xf32, #tpu.memory_space<vmem>>
          %dma_wait3A_1069 = tpu.memref_slice %arg13[%add3A_1056] : memref<400384xf32, #tpu.memory_space<vmem_shared>> -> memref<6016xf32, #tpu.memory_space<vmem_shared>>
          %dma_wait3A_1070 = tpu.memref_slice %arg13[%add3A_1056] : memref<400384xf32, #tpu.memory_space<vmem_shared>> -> memref<6016xf32, #tpu.memory_space<vmem_shared>>
          %dma_wait3A_1071 = arith.constant 0 : i32
          %dma_wait3A_1072 = tpu.memref_slice %arg7[%run_scoped3A, %dma_wait3A_1071] : memref<8x6272xf32, #tpu.memory_space<vmem>> -> memref<1x6016xf32, #tpu.memory_space<vmem>>
          %dma_wait3A_1073 = tpu.memref_squeeze %dma_wait3A_1072 : memref<1x6016xf32, #tpu.memory_space<vmem>> -> memref<6016xf32, #tpu.memory_space<vmem>>
          tpu.wait_dma2 semaphore(%run_scoped3A_1057 : memref<!tpu.dma_semaphore, #tpu.memory_space<semaphore_mem>>) src(%dma_wait3A_1073 : memref<6016xf32, #tpu.memory_space<vmem>>) dst(%dma_wait3A_1070 : memref<6016xf32, #tpu.memory_space<vmem_shared>>)
          tpu.yield
        }) : () -> ()
      } else {
      }
      %lt3A_950 = arith.constant 15 : i32
      %lt3A_951 = arith.cmpi slt, %arg1, %lt3A_950 : i32
      %convert_element_type3A_952 = arith.extui %lt3A_951 : i1 to i32
      %cond3A_953 = arith.constant 0 : i32
      %cond3A_954 = arith.cmpi ne, %convert_element_type3A_952, %cond3A_953 : i32
      scf.if %cond3A_954 {
        %add3A_1055 = arith.constant 200192 : i32
        %add3A_1056 = arith.addi %add3A_1055, %mul3A_0 : i32
        %run_scoped3A = arith.constant 6 : i32
        "tpu.region"() ({
          %run_scoped3A_1057 = tpu.sem_alloc : memref<!tpu.dma_semaphore, #tpu.memory_space<semaphore_mem>>
          %dma_start3A_1058 = arith.constant 0 : i32
          %dma_start3A_1059 = tpu.memref_slice %arg7[%run_scoped3A, %dma_start3A_1058] : memref<8x6272xf32, #tpu.memory_space<vmem>> -> memref<1x6272xf32, #tpu.memory_space<vmem>>
          %dma_start3A_1060 = tpu.memref_squeeze %dma_start3A_1059 : memref<1x6272xf32, #tpu.memory_space<vmem>> -> memref<6272xf32, #tpu.memory_space<vmem>>
          %dma_start3A_1061 = tpu.memref_slice %arg13[%add3A_1056] : memref<400384xf32, #tpu.memory_space<vmem_shared>> -> memref<6272xf32, #tpu.memory_space<vmem_shared>>
          %dma_start3A_1062 = tpu.memref_slice %arg13[%add3A_1056] : memref<400384xf32, #tpu.memory_space<vmem_shared>> -> memref<6272xf32, #tpu.memory_space<vmem_shared>>
          %dma_start3A_1063 = arith.constant 0 : i32
          %dma_start3A_1064 = tpu.memref_slice %arg7[%run_scoped3A, %dma_start3A_1063] : memref<8x6272xf32, #tpu.memory_space<vmem>> -> memref<1x6272xf32, #tpu.memory_space<vmem>>
          %dma_start3A_1065 = tpu.memref_squeeze %dma_start3A_1064 : memref<1x6272xf32, #tpu.memory_space<vmem>> -> memref<6272xf32, #tpu.memory_space<vmem>>
          tpu.enqueue_dma source(%dma_start3A_1065 : memref<6272xf32, #tpu.memory_space<vmem>>) target(%dma_start3A_1062 : memref<6272xf32, #tpu.memory_space<vmem_shared>>) target_semaphore(%run_scoped3A_1057 : memref<!tpu.dma_semaphore, #tpu.memory_space<semaphore_mem>>)
          %dma_wait3A_1066 = arith.constant 0 : i32
          %dma_wait3A_1067 = tpu.memref_slice %arg7[%run_scoped3A, %dma_wait3A_1066] : memref<8x6272xf32, #tpu.memory_space<vmem>> -> memref<1x6272xf32, #tpu.memory_space<vmem>>
          %dma_wait3A_1068 = tpu.memref_squeeze %dma_wait3A_1067 : memref<1x6272xf32, #tpu.memory_space<vmem>> -> memref<6272xf32, #tpu.memory_space<vmem>>
          %dma_wait3A_1069 = tpu.memref_slice %arg13[%add3A_1056] : memref<400384xf32, #tpu.memory_space<vmem_shared>> -> memref<6272xf32, #tpu.memory_space<vmem_shared>>
          %dma_wait3A_1070 = tpu.memref_slice %arg13[%add3A_1056] : memref<400384xf32, #tpu.memory_space<vmem_shared>> -> memref<6272xf32, #tpu.memory_space<vmem_shared>>
          %dma_wait3A_1071 = arith.constant 0 : i32
          %dma_wait3A_1072 = tpu.memref_slice %arg7[%run_scoped3A, %dma_wait3A_1071] : memref<8x6272xf32, #tpu.memory_space<vmem>> -> memref<1x6272xf32, #tpu.memory_space<vmem>>
          %dma_wait3A_1073 = tpu.memref_squeeze %dma_wait3A_1072 : memref<1x6272xf32, #tpu.memory_space<vmem>> -> memref<6272xf32, #tpu.memory_space<vmem>>
          tpu.wait_dma2 semaphore(%run_scoped3A_1057 : memref<!tpu.dma_semaphore, #tpu.memory_space<semaphore_mem>>) src(%dma_wait3A_1073 : memref<6272xf32, #tpu.memory_space<vmem>>) dst(%dma_wait3A_1070 : memref<6272xf32, #tpu.memory_space<vmem_shared>>)
          tpu.yield
        }) : () -> ()
      } else {
      }
      %eq3A_955 = arith.constant 15 : i32
      %eq3A_956 = arith.cmpi eq, %arg1, %eq3A_955 : i32
      %convert_element_type3A_957 = arith.extui %eq3A_956 : i1 to i32
      %cond3A_958 = arith.constant 0 : i32
      %cond3A_959 = arith.cmpi ne, %convert_element_type3A_957, %cond3A_958 : i32
      scf.if %cond3A_959 {
        %add3A_1055 = arith.constant 200192 : i32
        %add3A_1056 = arith.addi %add3A_1055, %mul3A_0 : i32
        %run_scoped3A = arith.constant 6 : i32
        "tpu.region"() ({
          %run_scoped3A_1057 = tpu.sem_alloc : memref<!tpu.dma_semaphore, #tpu.memory_space<semaphore_mem>>
          %dma_start3A_1058 = arith.constant 0 : i32
          %dma_start3A_1059 = tpu.memref_slice %arg7[%run_scoped3A, %dma_start3A_1058] : memref<8x6272xf32, #tpu.memory_space<vmem>> -> memref<1x6016xf32, #tpu.memory_space<vmem>>
          %dma_start3A_1060 = tpu.memref_squeeze %dma_start3A_1059 : memref<1x6016xf32, #tpu.memory_space<vmem>> -> memref<6016xf32, #tpu.memory_space<vmem>>
          %dma_start3A_1061 = tpu.memref_slice %arg13[%add3A_1056] : memref<400384xf32, #tpu.memory_space<vmem_shared>> -> memref<6016xf32, #tpu.memory_space<vmem_shared>>
          %dma_start3A_1062 = tpu.memref_slice %arg13[%add3A_1056] : memref<400384xf32, #tpu.memory_space<vmem_shared>> -> memref<6016xf32, #tpu.memory_space<vmem_shared>>
          %dma_start3A_1063 = arith.constant 0 : i32
          %dma_start3A_1064 = tpu.memref_slice %arg7[%run_scoped3A, %dma_start3A_1063] : memref<8x6272xf32, #tpu.memory_space<vmem>> -> memref<1x6016xf32, #tpu.memory_space<vmem>>
          %dma_start3A_1065 = tpu.memref_squeeze %dma_start3A_1064 : memref<1x6016xf32, #tpu.memory_space<vmem>> -> memref<6016xf32, #tpu.memory_space<vmem>>
          tpu.enqueue_dma source(%dma_start3A_1065 : memref<6016xf32, #tpu.memory_space<vmem>>) target(%dma_start3A_1062 : memref<6016xf32, #tpu.memory_space<vmem_shared>>) target_semaphore(%run_scoped3A_1057 : memref<!tpu.dma_semaphore, #tpu.memory_space<semaphore_mem>>)
          %dma_wait3A_1066 = arith.constant 0 : i32
          %dma_wait3A_1067 = tpu.memref_slice %arg7[%run_scoped3A, %dma_wait3A_1066] : memref<8x6272xf32, #tpu.memory_space<vmem>> -> memref<1x6016xf32, #tpu.memory_space<vmem>>
          %dma_wait3A_1068 = tpu.memref_squeeze %dma_wait3A_1067 : memref<1x6016xf32, #tpu.memory_space<vmem>> -> memref<6016xf32, #tpu.memory_space<vmem>>
          %dma_wait3A_1069 = tpu.memref_slice %arg13[%add3A_1056] : memref<400384xf32, #tpu.memory_space<vmem_shared>> -> memref<6016xf32, #tpu.memory_space<vmem_shared>>
          %dma_wait3A_1070 = tpu.memref_slice %arg13[%add3A_1056] : memref<400384xf32, #tpu.memory_space<vmem_shared>> -> memref<6016xf32, #tpu.memory_space<vmem_shared>>
          %dma_wait3A_1071 = arith.constant 0 : i32
          %dma_wait3A_1072 = tpu.memref_slice %arg7[%run_scoped3A, %dma_wait3A_1071] : memref<8x6272xf32, #tpu.memory_space<vmem>> -> memref<1x6016xf32, #tpu.memory_space<vmem>>
          %dma_wait3A_1073 = tpu.memref_squeeze %dma_wait3A_1072 : memref<1x6016xf32, #tpu.memory_space<vmem>> -> memref<6016xf32, #tpu.memory_space<vmem>>
          tpu.wait_dma2 semaphore(%run_scoped3A_1057 : memref<!tpu.dma_semaphore, #tpu.memory_space<semaphore_mem>>) src(%dma_wait3A_1073 : memref<6016xf32, #tpu.memory_space<vmem>>) dst(%dma_wait3A_1070 : memref<6016xf32, #tpu.memory_space<vmem_shared>>)
          tpu.yield
        }) : () -> ()
      } else {
      }
      %lt3A_960 = arith.constant 15 : i32
      %lt3A_961 = arith.cmpi slt, %arg1, %lt3A_960 : i32
      %convert_element_type3A_962 = arith.extui %lt3A_961 : i1 to i32
      %cond3A_963 = arith.constant 0 : i32
      %cond3A_964 = arith.cmpi ne, %convert_element_type3A_962, %cond3A_963 : i32
      scf.if %cond3A_964 {
        %add3A_1055 = arith.constant 300288 : i32
        %add3A_1056 = arith.addi %add3A_1055, %mul3A_0 : i32
        %run_scoped3A = arith.constant 7 : i32
        "tpu.region"() ({
          %run_scoped3A_1057 = tpu.sem_alloc : memref<!tpu.dma_semaphore, #tpu.memory_space<semaphore_mem>>
          %dma_start3A_1058 = arith.constant 0 : i32
          %dma_start3A_1059 = tpu.memref_slice %arg7[%run_scoped3A, %dma_start3A_1058] : memref<8x6272xf32, #tpu.memory_space<vmem>> -> memref<1x6272xf32, #tpu.memory_space<vmem>>
          %dma_start3A_1060 = tpu.memref_squeeze %dma_start3A_1059 : memref<1x6272xf32, #tpu.memory_space<vmem>> -> memref<6272xf32, #tpu.memory_space<vmem>>
          %dma_start3A_1061 = tpu.memref_slice %arg13[%add3A_1056] : memref<400384xf32, #tpu.memory_space<vmem_shared>> -> memref<6272xf32, #tpu.memory_space<vmem_shared>>
          %dma_start3A_1062 = tpu.memref_slice %arg13[%add3A_1056] : memref<400384xf32, #tpu.memory_space<vmem_shared>> -> memref<6272xf32, #tpu.memory_space<vmem_shared>>
          %dma_start3A_1063 = arith.constant 0 : i32
          %dma_start3A_1064 = tpu.memref_slice %arg7[%run_scoped3A, %dma_start3A_1063] : memref<8x6272xf32, #tpu.memory_space<vmem>> -> memref<1x6272xf32, #tpu.memory_space<vmem>>
          %dma_start3A_1065 = tpu.memref_squeeze %dma_start3A_1064 : memref<1x6272xf32, #tpu.memory_space<vmem>> -> memref<6272xf32, #tpu.memory_space<vmem>>
          tpu.enqueue_dma source(%dma_start3A_1065 : memref<6272xf32, #tpu.memory_space<vmem>>) target(%dma_start3A_1062 : memref<6272xf32, #tpu.memory_space<vmem_shared>>) target_semaphore(%run_scoped3A_1057 : memref<!tpu.dma_semaphore, #tpu.memory_space<semaphore_mem>>)
          %dma_wait3A_1066 = arith.constant 0 : i32
          %dma_wait3A_1067 = tpu.memref_slice %arg7[%run_scoped3A, %dma_wait3A_1066] : memref<8x6272xf32, #tpu.memory_space<vmem>> -> memref<1x6272xf32, #tpu.memory_space<vmem>>
          %dma_wait3A_1068 = tpu.memref_squeeze %dma_wait3A_1067 : memref<1x6272xf32, #tpu.memory_space<vmem>> -> memref<6272xf32, #tpu.memory_space<vmem>>
          %dma_wait3A_1069 = tpu.memref_slice %arg13[%add3A_1056] : memref<400384xf32, #tpu.memory_space<vmem_shared>> -> memref<6272xf32, #tpu.memory_space<vmem_shared>>
          %dma_wait3A_1070 = tpu.memref_slice %arg13[%add3A_1056] : memref<400384xf32, #tpu.memory_space<vmem_shared>> -> memref<6272xf32, #tpu.memory_space<vmem_shared>>
          %dma_wait3A_1071 = arith.constant 0 : i32
          %dma_wait3A_1072 = tpu.memref_slice %arg7[%run_scoped3A, %dma_wait3A_1071] : memref<8x6272xf32, #tpu.memory_space<vmem>> -> memref<1x6272xf32, #tpu.memory_space<vmem>>
          %dma_wait3A_1073 = tpu.memref_squeeze %dma_wait3A_1072 : memref<1x6272xf32, #tpu.memory_space<vmem>> -> memref<6272xf32, #tpu.memory_space<vmem>>
          tpu.wait_dma2 semaphore(%run_scoped3A_1057 : memref<!tpu.dma_semaphore, #tpu.memory_space<semaphore_mem>>) src(%dma_wait3A_1073 : memref<6272xf32, #tpu.memory_space<vmem>>) dst(%dma_wait3A_1070 : memref<6272xf32, #tpu.memory_space<vmem_shared>>)
          tpu.yield
        }) : () -> ()
      } else {
      }
      %eq3A_965 = arith.constant 15 : i32
      %eq3A_966 = arith.cmpi eq, %arg1, %eq3A_965 : i32
      %convert_element_type3A_967 = arith.extui %eq3A_966 : i1 to i32
      %cond3A_968 = arith.constant 0 : i32
      %cond3A_969 = arith.cmpi ne, %convert_element_type3A_967, %cond3A_968 : i32
      scf.if %cond3A_969 {
        %add3A_1055 = arith.constant 300288 : i32
        %add3A_1056 = arith.addi %add3A_1055, %mul3A_0 : i32
        %run_scoped3A = arith.constant 7 : i32
        "tpu.region"() ({
          %run_scoped3A_1057 = tpu.sem_alloc : memref<!tpu.dma_semaphore, #tpu.memory_space<semaphore_mem>>
          %dma_start3A_1058 = arith.constant 0 : i32
          %dma_start3A_1059 = tpu.memref_slice %arg7[%run_scoped3A, %dma_start3A_1058] : memref<8x6272xf32, #tpu.memory_space<vmem>> -> memref<1x6016xf32, #tpu.memory_space<vmem>>
          %dma_start3A_1060 = tpu.memref_squeeze %dma_start3A_1059 : memref<1x6016xf32, #tpu.memory_space<vmem>> -> memref<6016xf32, #tpu.memory_space<vmem>>
          %dma_start3A_1061 = tpu.memref_slice %arg13[%add3A_1056] : memref<400384xf32, #tpu.memory_space<vmem_shared>> -> memref<6016xf32, #tpu.memory_space<vmem_shared>>
          %dma_start3A_1062 = tpu.memref_slice %arg13[%add3A_1056] : memref<400384xf32, #tpu.memory_space<vmem_shared>> -> memref<6016xf32, #tpu.memory_space<vmem_shared>>
          %dma_start3A_1063 = arith.constant 0 : i32
          %dma_start3A_1064 = tpu.memref_slice %arg7[%run_scoped3A, %dma_start3A_1063] : memref<8x6272xf32, #tpu.memory_space<vmem>> -> memref<1x6016xf32, #tpu.memory_space<vmem>>
          %dma_start3A_1065 = tpu.memref_squeeze %dma_start3A_1064 : memref<1x6016xf32, #tpu.memory_space<vmem>> -> memref<6016xf32, #tpu.memory_space<vmem>>
          tpu.enqueue_dma source(%dma_start3A_1065 : memref<6016xf32, #tpu.memory_space<vmem>>) target(%dma_start3A_1062 : memref<6016xf32, #tpu.memory_space<vmem_shared>>) target_semaphore(%run_scoped3A_1057 : memref<!tpu.dma_semaphore, #tpu.memory_space<semaphore_mem>>)
          %dma_wait3A_1066 = arith.constant 0 : i32
          %dma_wait3A_1067 = tpu.memref_slice %arg7[%run_scoped3A, %dma_wait3A_1066] : memref<8x6272xf32, #tpu.memory_space<vmem>> -> memref<1x6016xf32, #tpu.memory_space<vmem>>
          %dma_wait3A_1068 = tpu.memref_squeeze %dma_wait3A_1067 : memref<1x6016xf32, #tpu.memory_space<vmem>> -> memref<6016xf32, #tpu.memory_space<vmem>>
          %dma_wait3A_1069 = tpu.memref_slice %arg13[%add3A_1056] : memref<400384xf32, #tpu.memory_space<vmem_shared>> -> memref<6016xf32, #tpu.memory_space<vmem_shared>>
          %dma_wait3A_1070 = tpu.memref_slice %arg13[%add3A_1056] : memref<400384xf32, #tpu.memory_space<vmem_shared>> -> memref<6016xf32, #tpu.memory_space<vmem_shared>>
          %dma_wait3A_1071 = arith.constant 0 : i32
          %dma_wait3A_1072 = tpu.memref_slice %arg7[%run_scoped3A, %dma_wait3A_1071] : memref<8x6272xf32, #tpu.memory_space<vmem>> -> memref<1x6016xf32, #tpu.memory_space<vmem>>
          %dma_wait3A_1073 = tpu.memref_squeeze %dma_wait3A_1072 : memref<1x6016xf32, #tpu.memory_space<vmem>> -> memref<6016xf32, #tpu.memory_space<vmem>>
          tpu.wait_dma2 semaphore(%run_scoped3A_1057 : memref<!tpu.dma_semaphore, #tpu.memory_space<semaphore_mem>>) src(%dma_wait3A_1073 : memref<6016xf32, #tpu.memory_space<vmem>>) dst(%dma_wait3A_1070 : memref<6016xf32, #tpu.memory_space<vmem_shared>>)
          tpu.yield
        }) : () -> ()
      } else {
      }
      %lt3A_970 = arith.constant 12 : i32
      %lt3A_971 = arith.cmpi slt, %scan3A_19, %lt3A_970 : i32
      %convert_element_type3A_972 = arith.extui %lt3A_971 : i1 to i32
      %cond3A_973 = arith.constant 0 : i32
      %cond3A_974 = arith.cmpi ne, %convert_element_type3A_972, %cond3A_973 : i32
      scf.if %cond3A_974 {
        %add3A_1055 = arith.constant 1 : i32
        %add3A_1056 = arith.addi %add3A, %add3A_1055 : i32
        %lt3A_1057 = arith.constant 15 : i32
        %lt3A_1058 = arith.cmpi slt, %arg1, %lt3A_1057 : i32
        %convert_element_type3A_1059 = arith.extui %lt3A_1058 : i1 to i32
        %cond3A_1060 = arith.constant 0 : i32
        %cond3A_1061 = arith.cmpi ne, %convert_element_type3A_1059, %cond3A_1060 : i32
        scf.if %cond3A_1061 {
          %dma_start3A_1067 = arith.constant 0 : i32
          %dma_start3A_1068 = arith.constant 0 : i32
          %dma_start3A_1069 = tpu.memref_slice %arg7[%dma_start3A_1067, %dma_start3A_1068] : memref<8x6272xf32, #tpu.memory_space<vmem>> -> memref<8x6272xf32, #tpu.memory_space<vmem>>
          %dma_start3A_1070 = arith.constant 0 : i32
          %dma_start3A_1071 = tpu.memref_slice %arg3[%add3A_1056, %dma_start3A_1070, %mul3A_0] : memref<26x32x100000xf32, #tpu.memory_space<hbm>> -> memref<1x8x6272xf32, #tpu.memory_space<hbm>>
          %dma_start3A_1072 = tpu.memref_squeeze %dma_start3A_1071 : memref<1x8x6272xf32, #tpu.memory_space<hbm>> -> memref<8x6272xf32, #tpu.memory_space<hbm>>
          %dma_start3A_1073 = arith.constant 0 : i32
          %dma_start3A_1074 = arith.constant 0 : i32
          %dma_start3A_1075 = tpu.memref_slice %arg7[%dma_start3A_1073, %dma_start3A_1074] : memref<8x6272xf32, #tpu.memory_space<vmem>> -> memref<8x6272xf32, #tpu.memory_space<vmem>>
          %dma_start3A_1076 = arith.constant 0 : i32
          %dma_start3A_1077 = tpu.memref_slice %arg3[%add3A_1056, %dma_start3A_1076, %mul3A_0] : memref<26x32x100000xf32, #tpu.memory_space<hbm>> -> memref<1x8x6272xf32, #tpu.memory_space<hbm>>
          %dma_start3A_1078 = tpu.memref_squeeze %dma_start3A_1077 : memref<1x8x6272xf32, #tpu.memory_space<hbm>> -> memref<8x6272xf32, #tpu.memory_space<hbm>>
          tpu.enqueue_dma source(%dma_start3A_1078 : memref<8x6272xf32, #tpu.memory_space<hbm>>) target(%dma_start3A_1075 : memref<8x6272xf32, #tpu.memory_space<vmem>>) target_semaphore(%arg14 : memref<!tpu.dma_semaphore, #tpu.memory_space<semaphore_mem>>)
        } else {
        }
        %eq3A_1062 = arith.constant 15 : i32
        %eq3A_1063 = arith.cmpi eq, %arg1, %eq3A_1062 : i32
        %convert_element_type3A_1064 = arith.extui %eq3A_1063 : i1 to i32
        %cond3A_1065 = arith.constant 0 : i32
        %cond3A_1066 = arith.cmpi ne, %convert_element_type3A_1064, %cond3A_1065 : i32
        scf.if %cond3A_1066 {
          %dma_start3A_1067 = arith.constant 0 : i32
          %dma_start3A_1068 = arith.constant 0 : i32
          %dma_start3A_1069 = tpu.memref_slice %arg7[%dma_start3A_1067, %dma_start3A_1068] : memref<8x6272xf32, #tpu.memory_space<vmem>> -> memref<8x5888xf32, #tpu.memory_space<vmem>>
          %dma_start3A_1070 = arith.constant 0 : i32
          %dma_start3A_1071 = tpu.memref_slice %arg3[%add3A_1056, %dma_start3A_1070, %mul3A_0] : memref<26x32x100000xf32, #tpu.memory_space<hbm>> -> memref<1x8x5888xf32, #tpu.memory_space<hbm>>
          %dma_start3A_1072 = tpu.memref_squeeze %dma_start3A_1071 : memref<1x8x5888xf32, #tpu.memory_space<hbm>> -> memref<8x5888xf32, #tpu.memory_space<hbm>>
          %dma_start3A_1073 = arith.constant 0 : i32
          %dma_start3A_1074 = arith.constant 0 : i32
          %dma_start3A_1075 = tpu.memref_slice %arg7[%dma_start3A_1073, %dma_start3A_1074] : memref<8x6272xf32, #tpu.memory_space<vmem>> -> memref<8x5888xf32, #tpu.memory_space<vmem>>
          %dma_start3A_1076 = arith.constant 0 : i32
          %dma_start3A_1077 = tpu.memref_slice %arg3[%add3A_1056, %dma_start3A_1076, %mul3A_0] : memref<26x32x100000xf32, #tpu.memory_space<hbm>> -> memref<1x8x5888xf32, #tpu.memory_space<hbm>>
          %dma_start3A_1078 = tpu.memref_squeeze %dma_start3A_1077 : memref<1x8x5888xf32, #tpu.memory_space<hbm>> -> memref<8x5888xf32, #tpu.memory_space<hbm>>
          tpu.enqueue_dma source(%dma_start3A_1078 : memref<8x5888xf32, #tpu.memory_space<hbm>>) target(%dma_start3A_1075 : memref<8x5888xf32, #tpu.memory_space<vmem>>) target_semaphore(%arg14 : memref<!tpu.dma_semaphore, #tpu.memory_space<semaphore_mem>>)
          %dma_start3A_1079 = arith.constant 0 : i32
          %dma_start3A_1080 = arith.constant 5888 : i32
          %dma_start3A_1081 = tpu.memref_slice %arg7[%dma_start3A_1079, %dma_start3A_1080] : memref<8x6272xf32, #tpu.memory_space<vmem>> -> memref<8x128xf32, #tpu.memory_space<vmem>>
          %dma_start3A_1082 = arith.constant 0 : i32
          %dma_start3A_1083 = arith.constant 0 : i32
          %dma_start3A_1084 = tpu.memref_slice %arg4[%add3A_1056, %dma_start3A_1082, %dma_start3A_1083] : memref<26x32x128xf32, #tpu.memory_space<hbm>> -> memref<1x8x128xf32, #tpu.memory_space<hbm>>
          %dma_start3A_1085 = tpu.memref_squeeze %dma_start3A_1084 : memref<1x8x128xf32, #tpu.memory_space<hbm>> -> memref<8x128xf32, #tpu.memory_space<hbm>>
          %dma_start3A_1086 = arith.constant 0 : i32
          %dma_start3A_1087 = arith.constant 5888 : i32
          %dma_start3A_1088 = tpu.memref_slice %arg7[%dma_start3A_1086, %dma_start3A_1087] : memref<8x6272xf32, #tpu.memory_space<vmem>> -> memref<8x128xf32, #tpu.memory_space<vmem>>
          %dma_start3A_1089 = arith.constant 0 : i32
          %dma_start3A_1090 = arith.constant 0 : i32
          %dma_start3A_1091 = tpu.memref_slice %arg4[%add3A_1056, %dma_start3A_1089, %dma_start3A_1090] : memref<26x32x128xf32, #tpu.memory_space<hbm>> -> memref<1x8x128xf32, #tpu.memory_space<hbm>>
          %dma_start3A_1092 = tpu.memref_squeeze %dma_start3A_1091 : memref<1x8x128xf32, #tpu.memory_space<hbm>> -> memref<8x128xf32, #tpu.memory_space<hbm>>
          tpu.enqueue_dma source(%dma_start3A_1092 : memref<8x128xf32, #tpu.memory_space<hbm>>) target(%dma_start3A_1088 : memref<8x128xf32, #tpu.memory_space<vmem>>) target_semaphore(%arg14 : memref<!tpu.dma_semaphore, #tpu.memory_space<semaphore_mem>>)
        } else {
        }
      } else {
      }
      %barrier3A_975 = arith.constant 0 : index
      tpu.barrier barrier_id(%barrier3A_975)
      %dma_start3A_976 = arith.constant 0 : i32
      %dma_start3A_977 = tpu.memref_slice %arg13[%dma_start3A_976] : memref<400384xf32, #tpu.memory_space<vmem_shared>> -> memref<400384xf32, #tpu.memory_space<vmem_shared>>
      tpu.enqueue_indirect_dma source(%dma_start3A_977 : memref<400384xf32, #tpu.memory_space<vmem_shared>>) target(%arg10 : memref<4096xf32, #tpu.memory_space<vmem>>) offsets(%arg9 : memref<4096xi32, #tpu.memory_space<vmem>>) semaphore(%arg15 : memref<!tpu.dma_semaphore, #tpu.memory_space<semaphore_mem>>)
      %dma_wait3A_978 = arith.constant 0 : i32
      %dma_wait3A_979 = tpu.memref_slice %arg13[%dma_wait3A_978] : memref<400384xf32, #tpu.memory_space<vmem_shared>> -> memref<400384xf32, #tpu.memory_space<vmem_shared>>
      tpu.wait_indirect_dma semaphore(%arg15 : memref<!tpu.dma_semaphore, #tpu.memory_space<semaphore_mem>>) src(%dma_wait3A_979 : memref<400384xf32, #tpu.memory_space<vmem_shared>>) dst(%arg10 : memref<4096xf32, #tpu.memory_space<vmem>>)
      %mul3A_980 = arith.constant 32 : i32
      %mul3A_981 = arith.muli %scan3A_19, %mul3A_980 : i32
      %add3A_982 = arith.constant 24 : i32
      %add3A_983 = arith.addi %mul3A_981, %add3A_982 : i32
      %add3A_984 = arith.constant 4 : i32
      %add3A_985 = arith.addi %add3A_983, %add3A_984 : i32
      %add3A_986 = arith.constant 0 : i32
      %add3A_987 = arith.addi %add3A_985, %add3A_986 : i32
      %mul3A_988 = arith.constant 16 : i32
      %mul3A_989 = arith.muli %add3A_987, %mul3A_988 : i32
      %get3A_990 = arith.index_cast %mul3A_989 : i32 to index
      %get3A_991 = tpu.vector_load %arg12[%get3A_990] {strides = array<i32>} : memref<6656xf32, #tpu.memory_space<vmem>>, vector<16xf32>,
      %get3A_992 = vector.shape_cast %get3A_991 : vector<16xf32> to vector<16xf32>
      %scan3A_993 = arith.constant 0 : i32
      %scan3A_994 = arith.constant 64 : i32
      %scan3A_995 = arith.addi %scan3A_993, %scan3A_994 : i32
      %scan3A_996 = arith.constant 1 : i32
      scf.for %scan3A_1055 = %scan3A_993 to %scan3A_995 step %scan3A_996  : i32 {
        %mul3A_1056 = arith.constant 16 : i32
        %mul3A_1057 = arith.muli %scan3A_1055, %mul3A_1056 : i32
        %mul3A_1058 = arith.constant 16 : i32
        %mul3A_1059 = arith.muli %scan3A_1055, %mul3A_1058 : i32
        %add3A_1060 = arith.constant 0 : i32
        %add3A_1061 = arith.addi %add3A_1060, %mul3A_1059 : i32
        %get3A_1062 = arith.index_cast %add3A_1061 : i32 to index
        %get3A_1063 = tpu.vector_load %arg10[%get3A_1062] {strides = array<i32>} : memref<4096xf32, #tpu.memory_space<vmem>>, vector<16xf32>,
        %get3A_1064 = vector.shape_cast %get3A_1063 : vector<16xf32> to vector<16xf32>
        %add3A_1065 = arith.addf %get3A_1064, %get3A_992 : vector<16xf32>
        %swap3A = arith.constant 4 : i32
        %swap3A_1066 = arith.index_cast %swap3A : i32 to index
        %swap3A_1067 = arith.index_cast %mul3A_1057 : i32 to index
        %swap3A_1068 = tpu.vector_load %arg11[%swap3A_1066, %swap3A_1067] {strides = array<i32>} : memref<8x1024xf32, #tpu.memory_space<vmem>>, vector<1x16xf32>,
        %swap3A_1069 = vector.shape_cast %swap3A_1068 : vector<1x16xf32> to vector<16xf32>
        %swap3A_1070 = vector.shape_cast %add3A_1065 : vector<16xf32> to vector<1x16xf32>
        tpu.vector_store %arg11[%swap3A_1066, %swap3A_1067], %swap3A_1070 {strides = array<i32>} : memref<8x1024xf32, #tpu.memory_space<vmem>>, vector<1x16xf32>,
      }
      %scan3A_997 = arith.constant 64 : i32
      %mul3A_998 = arith.constant 32 : i32
      %mul3A_999 = arith.muli %scan3A_19, %mul3A_998 : i32
      %add3A_1000 = arith.constant 24 : i32
      %add3A_1001 = arith.addi %mul3A_999, %add3A_1000 : i32
      %add3A_1002 = arith.constant 4 : i32
      %add3A_1003 = arith.addi %add3A_1001, %add3A_1002 : i32
      %add3A_1004 = arith.constant 1 : i32
      %add3A_1005 = arith.addi %add3A_1003, %add3A_1004 : i32
      %mul3A_1006 = arith.constant 16 : i32
      %mul3A_1007 = arith.muli %add3A_1005, %mul3A_1006 : i32
      %get3A_1008 = arith.index_cast %mul3A_1007 : i32 to index
      %get3A_1009 = tpu.vector_load %arg12[%get3A_1008] {strides = array<i32>} : memref<6656xf32, #tpu.memory_space<vmem>>, vector<16xf32>,
      %get3A_1010 = vector.shape_cast %get3A_1009 : vector<16xf32> to vector<16xf32>
      %scan3A_1011 = arith.constant 0 : i32
      %scan3A_1012 = arith.constant 64 : i32
      %scan3A_1013 = arith.addi %scan3A_1011, %scan3A_1012 : i32
      %scan3A_1014 = arith.constant 1 : i32
      scf.for %scan3A_1055 = %scan3A_1011 to %scan3A_1013 step %scan3A_1014  : i32 {
        %mul3A_1056 = arith.constant 16 : i32
        %mul3A_1057 = arith.muli %scan3A_1055, %mul3A_1056 : i32
        %mul3A_1058 = arith.constant 16 : i32
        %mul3A_1059 = arith.muli %scan3A_1055, %mul3A_1058 : i32
        %add3A_1060 = arith.constant 1024 : i32
        %add3A_1061 = arith.addi %add3A_1060, %mul3A_1059 : i32
        %get3A_1062 = arith.index_cast %add3A_1061 : i32 to index
        %get3A_1063 = tpu.vector_load %arg10[%get3A_1062] {strides = array<i32>} : memref<4096xf32, #tpu.memory_space<vmem>>, vector<16xf32>,
        %get3A_1064 = vector.shape_cast %get3A_1063 : vector<16xf32> to vector<16xf32>
        %add3A_1065 = arith.addf %get3A_1064, %get3A_1010 : vector<16xf32>
        %swap3A = arith.constant 5 : i32
        %swap3A_1066 = arith.index_cast %swap3A : i32 to index
        %swap3A_1067 = arith.index_cast %mul3A_1057 : i32 to index
        %swap3A_1068 = tpu.vector_load %arg11[%swap3A_1066, %swap3A_1067] {strides = array<i32>} : memref<8x1024xf32, #tpu.memory_space<vmem>>, vector<1x16xf32>,
        %swap3A_1069 = vector.shape_cast %swap3A_1068 : vector<1x16xf32> to vector<16xf32>
        %swap3A_1070 = vector.shape_cast %add3A_1065 : vector<16xf32> to vector<1x16xf32>
        tpu.vector_store %arg11[%swap3A_1066, %swap3A_1067], %swap3A_1070 {strides = array<i32>} : memref<8x1024xf32, #tpu.memory_space<vmem>>, vector<1x16xf32>,
      }
      %scan3A_1015 = arith.constant 64 : i32
      %mul3A_1016 = arith.constant 32 : i32
      %mul3A_1017 = arith.muli %scan3A_19, %mul3A_1016 : i32
      %add3A_1018 = arith.constant 24 : i32
      %add3A_1019 = arith.addi %mul3A_1017, %add3A_1018 : i32
      %add3A_1020 = arith.constant 4 : i32
      %add3A_1021 = arith.addi %add3A_1019, %add3A_1020 : i32
      %add3A_1022 = arith.constant 2 : i32
      %add3A_1023 = arith.addi %add3A_1021, %add3A_1022 : i32
      %mul3A_1024 = arith.constant 16 : i32
      %mul3A_1025 = arith.muli %add3A_1023, %mul3A_1024 : i32
      %get3A_1026 = arith.index_cast %mul3A_1025 : i32 to index
      %get3A_1027 = tpu.vector_load %arg12[%get3A_1026] {strides = array<i32>} : memref<6656xf32, #tpu.memory_space<vmem>>, vector<16xf32>,
      %get3A_1028 = vector.shape_cast %get3A_1027 : vector<16xf32> to vector<16xf32>
      %scan3A_1029 = arith.constant 0 : i32
      %scan3A_1030 = arith.constant 64 : i32
      %scan3A_1031 = arith.addi %scan3A_1029, %scan3A_1030 : i32
      %scan3A_1032 = arith.constant 1 : i32
      scf.for %scan3A_1055 = %scan3A_1029 to %scan3A_1031 step %scan3A_1032  : i32 {
        %mul3A_1056 = arith.constant 16 : i32
        %mul3A_1057 = arith.muli %scan3A_1055, %mul3A_1056 : i32
        %mul3A_1058 = arith.constant 16 : i32
        %mul3A_1059 = arith.muli %scan3A_1055, %mul3A_1058 : i32
        %add3A_1060 = arith.constant 2048 : i32
        %add3A_1061 = arith.addi %add3A_1060, %mul3A_1059 : i32
        %get3A_1062 = arith.index_cast %add3A_1061 : i32 to index
        %get3A_1063 = tpu.vector_load %arg10[%get3A_1062] {strides = array<i32>} : memref<4096xf32, #tpu.memory_space<vmem>>, vector<16xf32>,
        %get3A_1064 = vector.shape_cast %get3A_1063 : vector<16xf32> to vector<16xf32>
        %add3A_1065 = arith.addf %get3A_1064, %get3A_1028 : vector<16xf32>
        %swap3A = arith.constant 6 : i32
        %swap3A_1066 = arith.index_cast %swap3A : i32 to index
        %swap3A_1067 = arith.index_cast %mul3A_1057 : i32 to index
        %swap3A_1068 = tpu.vector_load %arg11[%swap3A_1066, %swap3A_1067] {strides = array<i32>} : memref<8x1024xf32, #tpu.memory_space<vmem>>, vector<1x16xf32>,
        %swap3A_1069 = vector.shape_cast %swap3A_1068 : vector<1x16xf32> to vector<16xf32>
        %swap3A_1070 = vector.shape_cast %add3A_1065 : vector<16xf32> to vector<1x16xf32>
        tpu.vector_store %arg11[%swap3A_1066, %swap3A_1067], %swap3A_1070 {strides = array<i32>} : memref<8x1024xf32, #tpu.memory_space<vmem>>, vector<1x16xf32>,
      }
      %scan3A_1033 = arith.constant 64 : i32
      %mul3A_1034 = arith.constant 32 : i32
      %mul3A_1035 = arith.muli %scan3A_19, %mul3A_1034 : i32
      %add3A_1036 = arith.constant 24 : i32
      %add3A_1037 = arith.addi %mul3A_1035, %add3A_1036 : i32
      %add3A_1038 = arith.constant 4 : i32
      %add3A_1039 = arith.addi %add3A_1037, %add3A_1038 : i32
      %add3A_1040 = arith.constant 3 : i32
      %add3A_1041 = arith.addi %add3A_1039, %add3A_1040 : i32
      %mul3A_1042 = arith.constant 16 : i32
      %mul3A_1043 = arith.muli %add3A_1041, %mul3A_1042 : i32
      %get3A_1044 = arith.index_cast %mul3A_1043 : i32 to index
      %get3A_1045 = tpu.vector_load %arg12[%get3A_1044] {strides = array<i32>} : memref<6656xf32, #tpu.memory_space<vmem>>, vector<16xf32>,
      %get3A_1046 = vector.shape_cast %get3A_1045 : vector<16xf32> to vector<16xf32>
      %scan3A_1047 = arith.constant 0 : i32
      %scan3A_1048 = arith.constant 64 : i32
      %scan3A_1049 = arith.addi %scan3A_1047, %scan3A_1048 : i32
      %scan3A_1050 = arith.constant 1 : i32
      scf.for %scan3A_1055 = %scan3A_1047 to %scan3A_1049 step %scan3A_1050  : i32 {
        %mul3A_1056 = arith.constant 16 : i32
        %mul3A_1057 = arith.muli %scan3A_1055, %mul3A_1056 : i32
        %mul3A_1058 = arith.constant 16 : i32
        %mul3A_1059 = arith.muli %scan3A_1055, %mul3A_1058 : i32
        %add3A_1060 = arith.constant 3072 : i32
        %add3A_1061 = arith.addi %add3A_1060, %mul3A_1059 : i32
        %get3A_1062 = arith.index_cast %add3A_1061 : i32 to index
        %get3A_1063 = tpu.vector_load %arg10[%get3A_1062] {strides = array<i32>} : memref<4096xf32, #tpu.memory_space<vmem>>, vector<16xf32>,
        %get3A_1064 = vector.shape_cast %get3A_1063 : vector<16xf32> to vector<16xf32>
        %add3A_1065 = arith.addf %get3A_1064, %get3A_1046 : vector<16xf32>
        %swap3A = arith.constant 7 : i32
        %swap3A_1066 = arith.index_cast %swap3A : i32 to index
        %swap3A_1067 = arith.index_cast %mul3A_1057 : i32 to index
        %swap3A_1068 = tpu.vector_load %arg11[%swap3A_1066, %swap3A_1067] {strides = array<i32>} : memref<8x1024xf32, #tpu.memory_space<vmem>>, vector<1x16xf32>,
        %swap3A_1069 = vector.shape_cast %swap3A_1068 : vector<1x16xf32> to vector<16xf32>
        %swap3A_1070 = vector.shape_cast %add3A_1065 : vector<16xf32> to vector<1x16xf32>
        tpu.vector_store %arg11[%swap3A_1066, %swap3A_1067], %swap3A_1070 {strides = array<i32>} : memref<8x1024xf32, #tpu.memory_space<vmem>>, vector<1x16xf32>,
      }
      %scan3A_1051 = arith.constant 64 : i32
      %barrier3A_1052 = arith.constant 0 : index
      tpu.barrier barrier_id(%barrier3A_1052)
      %mul3A_1053 = arith.constant 1024 : i32
      %mul3A_1054 = arith.muli %arg1, %mul3A_1053 : i32
      "tpu.region"() ({
        %run_scoped3A = tpu.sem_alloc : memref<!tpu.dma_semaphore, #tpu.memory_space<semaphore_mem>>
        %dma_start3A_1055 = arith.constant 24 : i32
        %dma_start3A_1056 = tpu.memref_slice %arg6[%add3A, %dma_start3A_1055, %mul3A_1054] : memref<26x32x16384xf32, #tpu.memory_space<hbm>> -> memref<1x8x1024xf32, #tpu.memory_space<hbm>>
        %dma_start3A_1057 = tpu.memref_squeeze %dma_start3A_1056 : memref<1x8x1024xf32, #tpu.memory_space<hbm>> -> memref<8x1024xf32, #tpu.memory_space<hbm>>
        %dma_start3A_1058 = arith.constant 24 : i32
        %dma_start3A_1059 = tpu.memref_slice %arg6[%add3A, %dma_start3A_1058, %mul3A_1054] : memref<26x32x16384xf32, #tpu.memory_space<hbm>> -> memref<1x8x1024xf32, #tpu.memory_space<hbm>>
        %dma_start3A_1060 = tpu.memref_squeeze %dma_start3A_1059 : memref<1x8x1024xf32, #tpu.memory_space<hbm>> -> memref<8x1024xf32, #tpu.memory_space<hbm>>
        tpu.enqueue_dma source(%arg11 : memref<8x1024xf32, #tpu.memory_space<vmem>>) target(%dma_start3A_1060 : memref<8x1024xf32, #tpu.memory_space<hbm>>) target_semaphore(%run_scoped3A : memref<!tpu.dma_semaphore, #tpu.memory_space<semaphore_mem>>)
        %dma_wait3A_1061 = arith.constant 24 : i32
        %dma_wait3A_1062 = tpu.memref_slice %arg6[%add3A, %dma_wait3A_1061, %mul3A_1054] : memref<26x32x16384xf32, #tpu.memory_space<hbm>> -> memref<1x8x1024xf32, #tpu.memory_space<hbm>>
        %dma_wait3A_1063 = tpu.memref_squeeze %dma_wait3A_1062 : memref<1x8x1024xf32, #tpu.memory_space<hbm>> -> memref<8x1024xf32, #tpu.memory_space<hbm>>
        %dma_wait3A_1064 = arith.constant 24 : i32
        %dma_wait3A_1065 = tpu.memref_slice %arg6[%add3A, %dma_wait3A_1064, %mul3A_1054] : memref<26x32x16384xf32, #tpu.memory_space<hbm>> -> memref<1x8x1024xf32, #tpu.memory_space<hbm>>
        %dma_wait3A_1066 = tpu.memref_squeeze %dma_wait3A_1065 : memref<1x8x1024xf32, #tpu.memory_space<hbm>> -> memref<8x1024xf32, #tpu.memory_space<hbm>>
        tpu.wait_dma2 semaphore(%run_scoped3A : memref<!tpu.dma_semaphore, #tpu.memory_space<semaphore_mem>>) src(%arg11 : memref<8x1024xf32, #tpu.memory_space<vmem>>) dst(%dma_wait3A_1066 : memref<8x1024xf32, #tpu.memory_space<hbm>>)
        tpu.yield
      }) : () -> ()
    }
    %scan3A_18 = arith.constant 13 : i32
    return
  }
}

</mosaic_0001>

<sc_bundles>
// kernel: kernel.3.cloned.1.call-start
scs
__scs_entry_jumppad:
0x0: {  	(pc) =	sbr.rel $0x88, $3  }
0x1: {  	(tag) =	ssettag $0x0;
	lr =	simm.s32 $0x1  }
0x2: {  	[smem:$0x3F9E] =	sst lr;
	_ =	strace $0xD0000000  }
0x3: {  	_ = 	snop  }
0x4: {  	_ = 	snop  }
0x5: {  	_ = 	snop  }
0x6: {  	_ = 	snop  }
0x7: {  	_ = 	snop  }
__scs_overlays_trampoline_lowered:
0x8: {  	[smem:$0x3FAD] =	sst s0  }
0x9: {  	[smem:$0x3FAE] =	sst s1  }
0xa: {  	[smem:$0x3FAF] =	sst s2  }
0xb: {  	[smem:$0x3FB0] =	sst s3  }
0xc: {  	[smem:$0x3FB1] =	sst s4  }
0xd: {  	[smem:$0x3FB2] =	sst s5  }
0xe: {  	[smem:$0x3FB3] =	sst s6  }
0xf: {  	[smem:$0x3FB4] =	sst s7  }
0x10: {  	[smem:$0x3FB5] =	sst s8  }
0x11: {  	[smem:$0x3FB6] =	sst s9;
	s0 =	simm.s32 @!p0 $0x0  }
0x12: {  	s1 =	sld [smem:$0x3F9C];
	s0 =	simm.s32 @p0 $0x1  }
0x13: {  	[smem:$0x3FB7] =	sst s0;
	s0 =	simm.s32 @!p1 $0x0  }
0x14: {  	s2 =	sld [smem:$0x3F9B];
	s0 =	simm.s32 @p1 $0x1  }
0x15: {  	[smem:$0x3FB8] =	sst s0;
	s0 =	simm.s32 @!p2 $0x0  }
0x16: {  	s3 =	sld [smem:$0x3FDB];
	s0 =	simm.s32 @p2 $0x1  }
0x17: {  	s4 =	simm.s32 $0x1BF5;
	[smem:$0x3FBA] =	sst s0  }
0x18: {  	s0 =	sld [smem:$0x3F9D];
	_ =	swait.ge [sflag:s4], $0x0  }
0x19: {  	s7 =	sld [smem:$0x3F9E]  }
0x1a: {  	s8 =	sadd.s32 $0xFFFFE003, lr  }
0x1b: {  	s9 =	sadd.s32 $0xFFFFFEF7, lr;
	s5 =	simm.s32 $0xFFFFFFFF;
	p2 =	slt.u32 s8, $0xFFFFF086  }
0x1c: {  	p1 =	slt.u32 s9, $0xF7A;
	s5 =	simm.s32 @!p2 $0x0  }
0x1d: {  	s5 =	simm.s32 @p1 $0x1;
	p0 =	seq.s32 s7, s2  }
0x1e: {  	s7 =	smul.u32 @!p0 $0xF7A, s2;
	p2 =	seq.s32 @!p0 s5, $0x0  }
0x1f: {  	s9 =	smul.u32 $0xF7A, s1;
	s8 =	simm.s32 @!p0 $0x1BF5;
	p2 =	por !p2, p0  }
0x20: {  	[sflag:s8] =	ssyncset.s32 @!p0 $0xFFFFF086;
	s6 =	sadd.s32 @!p0 s3, s7;
	s7 =	simm.s32 @!p0 $0x108  }
0x21: {  	s3 =	sadd.s32 s3, s9;
	s6 =	sadd.s32 @!p0 $0x88, s6;
	s7 =	simm.s32 @p2 $0x1082  }
0x22: {  	[simem:s7], [sflag:s8] =	dma.local @!p0 [hbm:s6], $0xF7A  }
0x23: {  	s9 =	sor.u32 $0xD0000000, s2;
	s6 =	simm.s32 $0x108;
	_ =	swait.ge @!p0 [sflag:s8], $0x0  }
0x24: {  	s3 =	sadd.s32 $0x88, s3;
	s6 =	simm.s32 @!p1 $0x1082;
	[sflag:s4] =	ssyncset.s32 $0xFFFFF086  }
0x25: {  	[simem:s6], [sflag:s4] =	dma.local [hbm:s3], $0xF7A  }
0x26: {  	[smem:$0x3F9E] =	sst s1;
	(tag) =	ssettag s2;
	_ =	strace s9  }
0x27: {  	s1 =	sld [smem:$0x3FAE]  }
0x28: {  	s2 =	sld [smem:$0x3FAF]  }
0x29: {  	s4 =	sld [smem:$0x3FB1]  }
0x2a: {  	p0 =	seq.s32 s5, $0x0;
	s5 =	sld [smem:$0x3FB2]  }
0x2b: {  	s6 =	sld [smem:$0x3FB3]  }
0x2c: {  	s7 =	sld [smem:$0x3FB4]  }
0x2d: {  	s3 =	simm.s32 $0x108;
	s8 =	sld [smem:$0x3FB5]  }
0x2e: {  	s3 =	simm.s32 @!p0 $0x1082;
	s9 =	sld [smem:$0x3FB6]  }
0x2f: {  	lr =	sadd.s32 s0, s3;
	s0 =	sld [smem:$0x3FAD]  }
0x30: {  	s3 =	sld [smem:$0x3FB0]  }
0x31: {  	[smem:$0x3FB9] =	sst s10  }
0x32: {  	s10 =	sld [smem:$0x3FB7];
	_ =	sdelay $0x3  }
0x33: {  	p0 =	seq.s32 s10, $0x1;
	s10 =	sld [smem:$0x3FB9];
	_ =	sdelay $0x3  }
0x34: {  	[smem:$0x3FB9] =	sst s10  }
0x35: {  	s10 =	sld [smem:$0x3FB8];
	_ =	sdelay $0x3  }
0x36: {  	p1 =	seq.s32 s10, $0x1;
	s10 =	sld [smem:$0x3FB9];
	_ =	sdelay $0x3  }
0x37: {  	[smem:$0x3FB9] =	sst s10  }
0x38: {  	s10 =	sld [smem:$0x3FBA]  }
0x39: {  	_ = 	snop;
	(pc) =	sbr.ind lr, $3  }
0x3a: {  	_ = 	snop  }
0x3b: {  	_ = 	snop  }
0x3c: {  	p2 =	seq.s32 s10, $0x1;
	s10 =	sld [smem:$0x3FB9]  }
0x3d: {  	_ =	shalt  }
0x3e: {  	_ =	shalt  }
0x3f: {  	_ =	shalt  }
0x40: {  	_ =	shalt  }
0x41: {  	_ =	shalt  }
0x42: {  	_ =	shalt  }
0x43: {  	_ =	shalt  }
0x44: {  	_ =	shalt  }
0x45: {  	_ =	shalt  }
0x46: {  	_ =	shalt  }
0x47: {  	_ =	shalt  }
0x48: {  	_ =	shalt  }
0x49: {  	_ =	shalt  }
0x4a: {  	_ =	shalt  }
0x4b: {  	_ =	shalt  }
0x4c: {  	_ =	shalt  }
0x4d: {  	_ =	shalt  }
0x4e: {  	_ =	shalt  }
0x4f: {  	_ =	shalt  }
0x50: {  	_ =	shalt  }
0x51: {  	_ =	shalt  }
0x52: {  	_ =	shalt  }
0x53: {  	_ =	shalt  }
0x54: {  	_ =	shalt  }
0x55: {  	_ =	shalt  }
0x56: {  	_ =	shalt  }
0x57: {  	_ =	shalt  }
0x58: {  	_ =	shalt  }
0x59: {  	_ =	shalt  }
0x5a: {  	_ =	shalt  }
0x5b: {  	_ =	shalt  }
0x5c: {  	_ =	shalt  }
0x5d: {  	_ =	shalt  }
0x5e: {  	_ =	shalt  }
0x5f: {  	_ =	shalt  }
0x60: {  	_ =	shalt  }
0x61: {  	_ =	shalt  }
0x62: {  	_ =	shalt  }
0x63: {  	_ =	shalt  }
0x64: {  	_ =	shalt  }
0x65: {  	_ =	shalt  }
0x66: {  	_ =	shalt  }
0x67: {  	_ =	shalt  }
0x68: {  	_ =	shalt  }
0x69: {  	_ =	shalt  }
0x6a: {  	_ =	shalt  }
0x6b: {  	_ =	shalt  }
0x6c: {  	_ =	shalt  }
0x6d: {  	_ =	shalt  }
0x6e: {  	_ =	shalt  }
0x6f: {  	_ =	shalt  }
0x70: {  	_ =	shalt  }
0x71: {  	_ =	shalt  }
0x72: {  	_ =	shalt  }
0x73: {  	_ =	shalt  }
0x74: {  	_ =	shalt  }
0x75: {  	_ =	shalt  }
0x76: {  	_ =	shalt  }
0x77: {  	_ =	shalt  }
0x78: {  	_ =	shalt  }
0x79: {  	_ =	shalt  }
0x7a: {  	_ =	shalt  }
0x7b: {  	_ =	shalt  }
0x7c: {  	_ =	shalt  }
0x7d: {  	_ =	shalt  }
0x7e: {  	_ =	shalt  }
0x7f: {  	_ =	shalt  }
0x80: {  	_ =	shalt  }
0x81: {  	_ =	shalt  }
0x82: {  	_ =	shalt  }
0x83: {  	_ =	shalt  }
0x84: {  	_ =	shalt  }
0x85: {  	_ =	shalt  }
0x86: {  	_ =	shalt  }
0x87: {  	_ =	shalt  }
.Lfunc_end0:
.L_simem_size_0:
called_computation_lowered:
.L_overlay_start_0:
0x88: {  	s2 =	sld [smem:$0x3FD9]  }
0x89: {  	s3 =	sld [smem:$0x3FFE];
	_ =	sdelay $0x1  }
0x8a: {  	s1 =	srdreg.scid  }
0x8b: {  	s0 =	sand.u32 $0x1, s1  }
0x8c: {  	s17 =	sshll.u32 s0, $0xA;
	s2 =	sadd.s32 s3, s2  }
0x8d: {  	s2 =	sadd.s32 s2, s17  }
0x8e: {  	[smem:$0x3FC5] =	sst s2  }
0x8f: {  	_ = 	snop  }
0x90: {  	s2 =	sld [smem:$0x3FC8]  }
0x91: {  	s18 =	sld [smem:$0x3FD0];
	(tm) =	ssettm $0x1  }
0x92: {  	s4 =	sld [smem:$0x3FFB];
	_ =	sdelay $0x3  }
0x93: {  	_ =	strace s4  }
0x94: {  	s4 =	sld [smem:$0x3FFC];
	_ =	sdelay $0x3  }
0x95: {  	_ =	strace s4  }
0x96: {  	s4 =	sld [smem:$0x3FFD];
	_ =	sdelay $0x3  }
0x97: {  	_ =	strace s4  }
0x98: {  	_ =	strace $0x8FFFFFFF  }
0x99: {  	s19 =	sld [smem:$0x3FDB];
	_ =	sdelay $0x1  }
0x9a: {  	s5 =	simm.s32 $_scs_section_size  }
0x9b: {  	s6 =	simm.s32 $_size__tile_overlayer_lowered;
	s7 =	simm.s32 $_tile_overlayer_lowered  }
0x9c: {  	s22 =	simm.s32 $0x1BFF;
	s21 =	sshll.u32 s7, $0x1;
	s4 =	sadd.s32 s5, s19  }
0x9d: {  	s8 =	simm.s32 $0x0;
	s20 =	sshll.u32 s6, $0x1;
	s6 =	sadd.s32 s21, s4  }
0x9e: {  	[timem:s8], [sflag:s22] =	dma.local [hbm:s6], s20  }
0x9f: {  	_ =	swait.ge [sflag:s22], s20  }
0xa0: {  	s5 =	ssub.s32 $0x0, s20;
	[sflag:s22] =	ssyncset.done $0x0  }
0xa1: {  	[sflag:s22] =	ssyncadd.s32 s5;
	_ =	sdelay $0x1  }
0xa2: {  	s23 =	simm.s32 $0x1B8B  }
0xa3: {  	_ =	swait.ge [sflag:s23], $0x1  }
0xa4: {  	[sflag:s23] =	ssyncset.done $0x0  }
0xa5: {  	s25 =	simm.s32 $0x1B8E;
	s24 =	sld [smem:$0x3FFE];
	[sflag:s23] =	ssyncadd.s32 $0xFFFFFFFF  }
0xa6: {  	s26 =	simm.s32 $execute0_lowered;
	[smem:$0x3FD2] =	sst s25  }
0xa7: {  	s6 =	sshll.u32 s26, $0x1;
	_ =	strace $0x80000046;
	[dreg:$0x1] =	wrdreg $0xFFFFFFFF  }
0xa8: {  	s28 =	simm.s32 $_size_execute0_lowered;
	s4 =	sadd.s32 s4, s6;
	[dreg:$0x0] =	wrdreg $0x0  }
0xa9: {  	s6 =	sshll.u32 s28, $0x1;
	[dreg:$0x2] =	wrdreg s4  }
0xaa: {  	[dreg:$0x3] =	wrdreg s6  }
0xab: {  	[dreg:$0x4] =	wrdreg $0xC0  }
0xac: {  	_ =	task [dreg:s8], $0x5FFFF  }
0xad: {  	[dreg:$0x1] =	wrdreg $0xFFFFFFFF  }
0xae: {  	[dreg:$0x0] =	wrdreg $0x60  }
0xaf: {  	[dreg:$0x2] =	wrdreg s24  }
0xb0: {  	[dreg:$0x3] =	wrdreg s2  }
0xb1: {  	[dreg:$0x4] =	wrdreg s18  }
0xb2: {  	[dreg:$0x5] =	wrdreg $0x122000  }
0xb3: {  	[dreg:$0x6] =	wrdreg $0x9  }
0xb4: {  	_ =	task.clear_ibuf [dreg:s8], $0x7FFFF;
	_ =	strace $0x90000046  }
0xb5: {  	s29 =	simm.s32 $0x9;
	_ =	strace $0x80000048  }
0xb6: {  	_ =	swait.ge [sflag:s29], $0x1  }
0xb7: {  	[sflag:s29] =	ssyncadd.s32 $0xFFFFFFFF  }
0xb8: {  	_ =	strace $0x90000048  }
0xb9: {  	_ =	sfence  }
0xba: {  	s30 =	sld [smem:$0x0];
	_ =	sdelay $0x2  }
0xbb: {  	s31 =	sshll.u32 s1, $0xD;
	s1 =	sshrl.u32 s1, $0x2  }
0xbc: {  	s3 =	sand.u32 $0x4000, s31;
	s1 =	sadd.s32 s1, s30  }
0xbd: {  	s0 =	sor.u32 s3, s0;
	s1 =	sshll.u32 s1, $0x11  }
0xbe: {  	s0 =	sor.u32 s1, s0  }
0xbf: {  	s0 =	sadd.s32 $0x8F2B, s0  }
0xc0: {  	[sflag:s0] =	ssyncadd.remote.s32 $0x1  }
0xc1: {  	_ =	sfence.sel $0xFFFF  }
0xc2: {  	[dreg:$0x0] =	wrdreg $0xFFFFFFFF;
	(pc) =	sbr.abs _section_cstart, $3  }
0xc3: {  	[dreg:$0x1] =	wrdreg $0xFFFFFFFF  }
0xc4: {  	_ =	task.clear_ibuf [dreg:s8], $0x2FFFF;
	_ =	strace $0x9FFFFFFF  }
0xc5: {  	(tm) =	ssettm $0x7FFFFFFF  }
tec
execute0_lowered:
.L_overlay_start_1:
0x0: {  	(tag) =	ssettag $0x1  }
0x1: {  	s0 =	rddreg [dreg:$0x0]  }
0x2: {  	s1 =	rddreg [dreg:$0x1]  }
0x3: {  	s18 =	rddreg [dreg:$0x2]  }
0x4: {  	s4 =	rddreg [dreg:$0x3];
	s5 =	simm.s32 $0x0;
	s12 =	stileid.u32  }
0x5: {  	s2 =	srdreg.scid;
	[smem:$0x7FF] =	sst s5  }
0x6: {  	s3 =	sshll.u32 s12, $0x7;
	s2 =	sand.u32 $0x1, s2;
	s10 =	smul.u32 $0xC400, s12  }
0x7: {  	s13 =	sadd.s32 $0xDC00, s0;
	s11 =	smul.u32 $0x6200, s12;
	s21 =	sadd.s32 $0xDC80, s0  }
0x8: {  	s23 =	sadd.s32 $0xDD00, s0;
	p0 =	seq.s32 s12, $0xF;
	p1 =	sne.s32 s12, $0xF  }
0x9: {  	s29 =	sadd.s32 $0x60480, s4;
	s30 =	sshll.u32 s12, $0xA;
	s6 =	smul.u32 $0x340, s2  }
0xa: {  	s31 =	sadd.s32 $0x4000, s18;
	_ =	strace $0x80000047;
	s9 =	smul.u32 $0x27B6000, s2  }
0xb: {  	s3 =	sadd.s32 s3, s0;
	s14 =	smul.u32 $0xD, s2;
	[dreg:$0x5] =	wrdreg s13  }
0xc: {  	s7 =	ssub.s32 $0x2, s2;
	s2 =	smul.u32 $0x1A00, s2;
	[dreg:$0xd] =	wrdreg s21  }
0xd: {  	[dreg:$0xf] =	wrdreg s23;
	s8 =	sshrl.u32 s7, $0x1;
	s17 =	sshrl.u32 s11, $0x2  }
0xe: {  	s19 =	sadd.s32 $0xC00, s3;
	s20 =	sadd.s32 $0xC3800, s10;
	s22 =	sadd.s32 $0x187000, s10  }
0xf: {  	s24 =	sadd.s32 $0x24A800, s10;
	s26 =	sadd.s32 $0x30E000, s10;
	[dreg:$0x7] =	wrdreg s14  }
0x10: {  	s11 =	simm.s32 $0xC800;
	s6 =	sadd.s32 s6, s0;
	[dreg:$0xb] =	wrdreg s19  }
0x11: {  	s7 =	ssub.s32 s7, s8;
	s15 =	sadd.s32 s10, s9;
	[dreg:$0xc] =	wrdreg s20  }
0x12: {  	s9 =	sshrl.u32 s9, $0x3;
	s2 =	sadd.s32 s13, s2;
	[dreg:$0xe] =	wrdreg s22  }
0x13: {  	s13 =	sadd.s32 s17, s4;
	[dreg:$0x10] =	wrdreg s24;
	s0 =	sadd.s32 $0xDD80, s0  }
0x14: {  	[dreg:$0x13] =	wrdreg s26;
	s26 =	sadd.s32 $0x47D80, s4;
	s10 =	simm.s32 $0x1000  }
0x15: {  	s24 =	simm.s32 $0x2;
	s8 =	simm.s32 $0x0;
	s6 =	sadd.s32 $0x400, s6  }
0x16: {  	s9 =	sadd.s32 s1, s9;
	[dreg:$0xa] =	wrdreg s2;
	s14 =	sadd.s32 $0x18700, s13  }
0x17: {  	s17 =	sadd.s32 $0x30E00, s13;
	[dreg:$0x11] =	wrdreg s0;
	s25 =	smax.u32 s7, $0x1  }
0x18: {  	s28 =	sadd.s32 $0x49500, s13;
	s0 =	sadd.s32 $0x8000, s18;
	s2 =	sadd.s32 $0xC000, s18  }
0x19: {  	s7 =	simm.s32 $0x3;
	[dreg:$0x6] =	wrdreg s6;
	s6 =	sshrl.u32 s15, $0x3  }
0x1a: {  	s16 =	sadd.s32 $0x16F80, s9;
	s15 =	sadd.s32 $0x16F80, s4;
	[dreg:$0x12] =	wrdreg s25  }
0x1b: {  	s9 =	simm.s32 $0x1;
	s6 =	sadd.s32 s1, s6;
	[dreg:$0x9] =	wrdreg s16  }
0x1c: {  	s16 =	sadd.s32 $0x2F680, s4;
	[dreg:$0x8] =	wrdreg s6;
	s6 =	simm.s32 $0xE800  }
.LBB2_1:
0x1d: {  	[dreg:$0x14] =	wrdreg s8  }
0x1e: {  	s3 =	rddreg [dreg:$0x6];
	s25 =	simm.s32 $0x10800  }
0x1f: {  	[tilespmem:s25], [sflag:$0x3] =	stream.linear.gather [hbm4b:s3+s5], $0x1A00, $0x38;
	[tilespmem:$0x183C0] =	vst v63  }
0x20: {  	_ =	swait.ge [sflag:s7], $0x1A00  }
0x21: {  	[sflag:s7] =	ssyncset.done $0x0  }
0x22: {  	s3 =	simm.s32 @p0 $0x0;
	s8 =	rddreg [dreg:$0x9];
	[sflag:s7] =	ssyncadd.s32 $0xFFFFE600  }
0x23: {  	[tilespmem:s3], [sflag:$0x1] =	stream.linear.gather @p0 [hbm4b:s8+s3], $0xB800, $0x38;
	[tilespmem:$0x183C0] =	vst v63  }
0x24: {  	s18 =	simm.s32 @p0 $0xB800;
	s8 =	rddreg [dreg:$0xa]  }
0x25: {  	[tilespmem:s18], [sflag:$0x1] =	stream.linear.gather @p0 [hbm4b:s8+s3], $0x400, $0x38;
	[tilespmem:$0x183C0] =	vst v63  }
0x26: {  	s3 =	simm.s32 @!p0 $0x0;
	s8 =	rddreg [dreg:$0x8];
	s18 =	simm.s32 $0x0  }
0x27: {  	[tilespmem:s3], [sflag:$0x1] =	stream.linear.gather @!p0 [hbm4b:s8+s3], $0xC400, $0x38;
	[tilespmem:$0x183C0] =	vst v63  }
.LBB2_2:
0x28: {  	s3 =	rddreg [dreg:$0x7]  }
0x29: {  	s19 =	sadd.s32 s3, s18  }
0x2a: {  	s8 =	rddreg [dreg:$0xb];
	s3 =	sshll.u32 s19, $0xB  }
0x2b: {  	s21 =	simm.s32 $0x0;
	s20 =	simm.s32 $0xC400;
	s3 =	sadd.s32 s3, s8  }
0x2c: {  	[tilespmem:s20], [sflag:$0x3] =	stream.linear.gather [hbm4b:s3+s21], $0x400, $0x38;
	[tilespmem:$0x183C0] =	vst v63  }
0x2d: {  	_ =	swait.ge [sflag:s7], $0x400  }
0x2e: {  	[sflag:s7] =	ssyncset.done $0x0  }
0x2f: {  	[sflag:s7] =	ssyncadd.s32 $0xFFFFFC00  }
0x30: {  	v0 =	vld [tilespmem:s20+$0x0];
	_ =	sdelay $0x3  }
0x31: {  	s20 =	simm.s32 $0xC800  }
0x32: {  	s25 =	sand.u32 $0x3F0, s21;
	[tilespmem:s20+$0x0] =	vst v0;
	v1 =	vadd.s32 $0x18700, v0  }
0x33: {  	v2 =	vadd.s32 $0x30E00, v0;
	[tilespmem:s25+$0xCC00] =	vst v1  }
0x34: {  	v0 =	vadd.s32 $0x49500, v0;
	[tilespmem:s25+$0xD000] =	vst v2  }
0x35: {  	s22 =	simm.s32 $0xC410;
	[tilespmem:s25+$0xD400] =	vst v0  }
0x36: {  	s23 =	simm.s32 $0x20;
	s21 =	simm.s32 $0x10;
	v0 =	vld [tilespmem:s22+$0x0]  }
.LBB2_3:
0x37: {  	p2 =	sne.s32 s23, $0x3F0;
	_ =	sdelay $0x2  }
0x38: {  	s20 =	sadd.s32 $0x10, s20  }
.Ltmp0:
0x39: {  	s3 =	sand.u32 $0x3F0, s21;
	s21 =	smov.u32 s23;
	[tilespmem:s20+$0x0] =	vst v0;
	v1 =	vadd.s32 $0x18700, v0;
	v2 =	vadd.s32 $0x30E00, v0;
	v0 =	vadd.s32 $0x49500, v0;
	(pc) =	sbr.rel @p2 .LBB2_3-.Ltmp0, $4  }
0x3a: {  	[tilespmem:s3+$0xCC00] =	vst v1  }
0x3b: {  	[tilespmem:s3+$0xD000] =	vst v2  }
0x3c: {  	s22 =	sadd.s32 $0x10, s22;
	[tilespmem:s3+$0xD400] =	vst v0  }
0x3d: {  	s23 =	sadd.s32 $0x10, s23;
	v0 =	vld [tilespmem:s22+$0x0]  }
0x3e: {  	_ =	sdelay $0x2  }
.Ltmp1:
0x3f: {  	s3 =	sadd.s32 $0x10, s20;
	(pc) =	sbr.rel @p1 .LBB2_14-.Ltmp1, $4  }
0x40: {  	s25 =	sand.u32 $0x3F0, s21;
	[tilespmem:s3+$0x0] =	vst v0;
	v1 =	vadd.s32 $0x18700, v0  }
0x41: {  	v2 =	vadd.s32 $0x30E00, v0;
	[tilespmem:s25+$0xCC00] =	vst v1  }
0x42: {  	v63 =	vadd.s32 $0x49500, v0;
	[tilespmem:s25+$0xD000] =	vst v2  }
0x43: {  	[tilespmem:s25+$0xD400] =	vst v63  }
0x44: {  	_ =	swait.ge [sflag:s9], $0xB800  }
0x45: {  	[sflag:s9] =	ssyncset.done $0x0  }
0x46: {  	[sflag:s9] =	ssyncadd.s32 $0xFFFF4800  }
0x47: {  	_ =	swait.ge [sflag:s9], $0x400  }
0x48: {  	[sflag:s9] =	ssyncset.done $0x0  }
0x49: {  	s3 =	simm.s32 $0x0;
	s20 =	sadd.s32 $0x0, s15;
	[sflag:s9] =	ssyncadd.s32 $0xFFFFFC00  }
0x4a: {  	[spmem:s20] =	stream.linear.scatter [tilespmem:s3], [sflag:$0x3], $0x80, $0x38;
	[tilespmem:$0x183C0] =	vst v63  }
0x4b: {  	s20 =	simm.s32 $0x200  }
.LBB2_6:
0x4c: {  	p2 =	seq.s32 s20, $0x5C00  }
.Ltmp2:
0x4d: {  	_ = 	snop;
	(pc) =	sbr.rel @!p2 .LBB2_6-.Ltmp2, $4  }
0x4e: {  	_ = 	snop  }
0x4f: {  	s21 =	sshra.s32 s20, $0x2;
	s20 =	sadd.s32 $0x200, s20  }
0x50: {  	s3 =	sadd.s32 $0x400, s3;
	s21 =	sadd.s32 s21, s15  }
0x51: {  	[spmem:s21] =	stream.linear.scatter [tilespmem:s3], [sflag:$0x3], $0x80, $0x38;
	[tilespmem:$0x183C0] =	vst v63  }
0x52: {  	_ =	swait.ge [sflag:s7], $0x1780  }
0x53: {  	[sflag:s7] =	ssyncset.done $0x0  }
0x54: {  	s3 =	simm.s32 $0x80;
	s20 =	sadd.s32 $0x0, s16;
	[sflag:s7] =	ssyncadd.s32 $0xFFFFE880  }
0x55: {  	[spmem:s20] =	stream.linear.scatter [tilespmem:s3], [sflag:$0x3], $0x80, $0x38;
	[tilespmem:$0x183C0] =	vst v63  }
0x56: {  	s20 =	simm.s32 $0x200  }
.LBB2_8:
0x57: {  	p2 =	seq.s32 s20, $0x5C00  }
.Ltmp3:
0x58: {  	_ = 	snop;
	(pc) =	sbr.rel @!p2 .LBB2_8-.Ltmp3, $4  }
0x59: {  	_ = 	snop  }
0x5a: {  	s21 =	sshra.s32 s20, $0x2;
	s20 =	sadd.s32 $0x200, s20  }
0x5b: {  	s3 =	sadd.s32 $0x400, s3;
	s21 =	sadd.s32 s21, s16  }
0x5c: {  	[spmem:s21] =	stream.linear.scatter [tilespmem:s3], [sflag:$0x3], $0x80, $0x38;
	[tilespmem:$0x183C0] =	vst v63  }
0x5d: {  	_ =	swait.ge [sflag:s7], $0x1780  }
0x5e: {  	[sflag:s7] =	ssyncset.done $0x0  }
0x5f: {  	s3 =	simm.s32 $0x100;
	s20 =	sadd.s32 $0x0, s26;
	[sflag:s7] =	ssyncadd.s32 $0xFFFFE880  }
0x60: {  	[spmem:s20] =	stream.linear.scatter [tilespmem:s3], [sflag:$0x3], $0x80, $0x38;
	[tilespmem:$0x183C0] =	vst v63  }
0x61: {  	s20 =	simm.s32 $0x200  }
.LBB2_10:
0x62: {  	p2 =	seq.s32 s20, $0x5C00  }
.Ltmp4:
0x63: {  	_ = 	snop;
	(pc) =	sbr.rel @!p2 .LBB2_10-.Ltmp4, $4  }
0x64: {  	_ = 	snop  }
0x65: {  	s21 =	sshra.s32 s20, $0x2;
	s20 =	sadd.s32 $0x200, s20  }
0x66: {  	s3 =	sadd.s32 $0x400, s3;
	s21 =	sadd.s32 s21, s26  }
0x67: {  	[spmem:s21] =	stream.linear.scatter [tilespmem:s3], [sflag:$0x3], $0x80, $0x38;
	[tilespmem:$0x183C0] =	vst v63  }
0x68: {  	_ =	swait.ge [sflag:s7], $0x1780  }
0x69: {  	[sflag:s7] =	ssyncset.done $0x0  }
0x6a: {  	s3 =	simm.s32 $0x180;
	s20 =	sadd.s32 $0x0, s29;
	[sflag:s7] =	ssyncadd.s32 $0xFFFFE880  }
0x6b: {  	[spmem:s20] =	stream.linear.scatter [tilespmem:s3], [sflag:$0x3], $0x80, $0x38;
	[tilespmem:$0x183C0] =	vst v63  }
0x6c: {  	s20 =	simm.s32 $0x200  }
.LBB2_12:
0x6d: {  	p2 =	sne.s32 s20, $0x5C00  }
.Ltmp5:
0x6e: {  	_ = 	snop;
	(pc) =	sbr.rel @p2 .LBB2_12-.Ltmp5, $4  }
0x6f: {  	_ = 	snop  }
0x70: {  	s21 =	sshra.s32 s20, $0x2;
	s20 =	sadd.s32 $0x200, s20  }
0x71: {  	s3 =	sadd.s32 $0x400, s3;
	s21 =	sadd.s32 s21, s29  }
0x72: {  	[spmem:s21] =	stream.linear.scatter [tilespmem:s3], [sflag:$0x3], $0x80, $0x38;
	[tilespmem:$0x183C0] =	vst v63  }
.Ltmp6:
0x73: {  	(pc) =	sbr.rel .LBB2_23-.Ltmp6, $4  }
0x74: {  	_ = 	snop  }
0x75: {  	_ =	swait.ge [sflag:s7], $0x1780  }
0x76: {  	[sflag:s7] =	ssyncset.done $0x0  }
0x77: {  	[sflag:s7] =	ssyncadd.s32 $0xFFFFE880  }
.LBB2_14:
0x78: {  	_ =	swait.ge [sflag:s9], $0xC400  }
0x79: {  	[sflag:s9] =	ssyncset.done $0x0  }
0x7a: {  	s3 =	simm.s32 $0x0;
	s20 =	sadd.s32 $0x0, s13;
	[sflag:s9] =	ssyncadd.s32 $0xFFFF3C00  }
0x7b: {  	[spmem:s20] =	stream.linear.scatter [tilespmem:s3], [sflag:$0x3], $0x80, $0x38;
	[tilespmem:$0x183C0] =	vst v63  }
0x7c: {  	s20 =	simm.s32 $0x200  }
.LBB2_15:
0x7d: {  	p2 =	sne.s32 s20, $0x6000  }
.Ltmp7:
0x7e: {  	_ = 	snop;
	(pc) =	sbr.rel @p2 .LBB2_15-.Ltmp7, $4  }
0x7f: {  	_ = 	snop  }
0x80: {  	s21 =	sshra.s32 s20, $0x2;
	s20 =	sadd.s32 $0x200, s20  }
0x81: {  	s3 =	sadd.s32 $0x400, s3;
	s21 =	sadd.s32 s21, s13  }
0x82: {  	[spmem:s21] =	stream.linear.scatter [tilespmem:s3], [sflag:$0x3], $0x80, $0x38;
	[tilespmem:$0x183C0] =	vst v63  }
0x83: {  	_ =	swait.ge [sflag:s7], $0x1880  }
0x84: {  	[sflag:s7] =	ssyncset.done $0x0  }
0x85: {  	s3 =	simm.s32 $0x80;
	s20 =	sadd.s32 $0x0, s14;
	[sflag:s7] =	ssyncadd.s32 $0xFFFFE780  }
0x86: {  	[spmem:s20] =	stream.linear.scatter [tilespmem:s3], [sflag:$0x3], $0x80, $0x38;
	[tilespmem:$0x183C0] =	vst v63  }
0x87: {  	s20 =	simm.s32 $0x200  }
.LBB2_17:
0x88: {  	p2 =	seq.s32 s20, $0x6000  }
.Ltmp8:
0x89: {  	_ = 	snop;
	(pc) =	sbr.rel @!p2 .LBB2_17-.Ltmp8, $4  }
0x8a: {  	_ = 	snop  }
0x8b: {  	s21 =	sshra.s32 s20, $0x2;
	s20 =	sadd.s32 $0x200, s20  }
0x8c: {  	s3 =	sadd.s32 $0x400, s3;
	s21 =	sadd.s32 s21, s14  }
0x8d: {  	[spmem:s21] =	stream.linear.scatter [tilespmem:s3], [sflag:$0x3], $0x80, $0x38;
	[tilespmem:$0x183C0] =	vst v63  }
0x8e: {  	_ =	swait.ge [sflag:s7], $0x1880  }
0x8f: {  	[sflag:s7] =	ssyncset.done $0x0  }
0x90: {  	s3 =	simm.s32 $0x100;
	s20 =	sadd.s32 $0x0, s17;
	[sflag:s7] =	ssyncadd.s32 $0xFFFFE780  }
0x91: {  	[spmem:s20] =	stream.linear.scatter [tilespmem:s3], [sflag:$0x3], $0x80, $0x38;
	[tilespmem:$0x183C0] =	vst v63  }
0x92: {  	s20 =	simm.s32 $0x200  }
.LBB2_19:
0x93: {  	p2 =	seq.s32 s20, $0x6000  }
.Ltmp9:
0x94: {  	_ = 	snop;
	(pc) =	sbr.rel @!p2 .LBB2_19-.Ltmp9, $4  }
0x95: {  	_ = 	snop  }
0x96: {  	s21 =	sshra.s32 s20, $0x2;
	s20 =	sadd.s32 $0x200, s20  }
0x97: {  	s3 =	sadd.s32 $0x400, s3;
	s21 =	sadd.s32 s21, s17  }
0x98: {  	[spmem:s21] =	stream.linear.scatter [tilespmem:s3], [sflag:$0x3], $0x80, $0x38;
	[tilespmem:$0x183C0] =	vst v63  }
0x99: {  	_ =	swait.ge [sflag:s7], $0x1880  }
0x9a: {  	[sflag:s7] =	ssyncset.done $0x0  }
0x9b: {  	s3 =	simm.s32 $0x180;
	s20 =	sadd.s32 $0x0, s28;
	[sflag:s7] =	ssyncadd.s32 $0xFFFFE780  }
0x9c: {  	[spmem:s20] =	stream.linear.scatter [tilespmem:s3], [sflag:$0x3], $0x80, $0x38;
	[tilespmem:$0x183C0] =	vst v63  }
0x9d: {  	s20 =	simm.s32 $0x200  }
.LBB2_21:
0x9e: {  	p2 =	sne.s32 s20, $0x6000  }
.Ltmp10:
0x9f: {  	_ = 	snop;
	(pc) =	sbr.rel @p2 .LBB2_21-.Ltmp10, $4  }
0xa0: {  	_ = 	snop  }
0xa1: {  	s21 =	sshra.s32 s20, $0x2;
	s20 =	sadd.s32 $0x200, s20  }
0xa2: {  	s3 =	sadd.s32 $0x400, s3;
	s21 =	sadd.s32 s21, s28  }
0xa3: {  	[spmem:s21] =	stream.linear.scatter [tilespmem:s3], [sflag:$0x3], $0x80, $0x38;
	[tilespmem:$0x183C0] =	vst v63  }
0xa4: {  	_ =	swait.ge [sflag:s7], $0x1880  }
0xa5: {  	[sflag:s7] =	ssyncset.done $0x0  }
0xa6: {  	[sflag:s7] =	ssyncadd.s32 $0xFFFFE780  }
.LBB2_23:
0xa7: {  	[bflag:$0x0] =	sbarrier.arrive $0xFFFF;
	s3 =	simm.s32 $0xD800  }
0xa8: {  	[tilespmem:s3], [sflag:$0x2] =	stream.indirect.gather [spmem:s4], $0x1, s11, s10, $0xb8;
	[tilespmem:$0x183C0] =	vst v63  }
0xa9: {  	_ =	swait.ge [sflag:s24], $0x1000  }
0xaa: {  	s20 =	sshll.u32 s18, $0x9;
	[sflag:s24] =	ssyncset.done $0x0  }
0xab: {  	s20 =	sand.u32 $0x3FFFFE00, s20;
	[sflag:s24] =	ssyncadd.s32 $0xFFFFF000  }
0xac: {  	v0 =	vld [tilespmem:s20+$0x10800]  }
0xad: {  	v1 =	vld [tilespmem:s3+$0x0];
	_ =	sdelay $0x3  }
0xae: {  	s21 =	simm.s32 $0x0  }
0xaf: {  	s25 =	sand.u32 $0x70, s21;
	s22 =	sand.u32 $0x1C00, s21;
	v1 =	vadd.f32 v1, v0  }
0xb0: {  	s3 =	sor.u32 s25, s22  }
0xb1: {  	s22 =	simm.s32 $0xD810;
	[tilespmem:s3+$0xE800] =	vst v1  }
0xb2: {  	s23 =	simm.s32 $0x10;
	s25 =	simm.s32 $0x20;
	v1 =	vld [tilespmem:s22+$0x0]  }
.LBB2_24:
0xb3: {  	p2 =	sne.s32 s25, $0x3F0;
	_ =	sdelay $0x2  }
.Ltmp11:
0xb4: {  	s21 =	sadd.s32 $0x80, s21;
	(pc) =	sbr.rel @p2 .LBB2_24-.Ltmp11, $4  }
0xb5: {  	s3 =	sand.u32 $0x70, s23;
	s23 =	smov.u32 s25;
	s8 =	sand.u32 $0x1C00, s21;
	v1 =	vadd.f32 v1, v0  }
0xb6: {  	s3 =	sor.u32 s3, s8  }
0xb7: {  	s22 =	sadd.s32 $0x10, s22;
	[tilespmem:s3+$0xE800] =	vst v1  }
0xb8: {  	s25 =	sadd.s32 $0x10, s25;
	v1 =	vld [tilespmem:s22+$0x0]  }
0xb9: {  	_ =	sdelay $0x2  }
0xba: {  	s3 =	sadd.s32 $0x80, s21  }
0xbb: {  	s8 =	sand.u32 $0x70, s23;
	s3 =	sand.u32 $0x1C00, s3;
	v0 =	vadd.f32 v1, v0  }
0xbc: {  	s3 =	sor.u32 s8, s3  }
0xbd: {  	s21 =	simm.s32 $0x0;
	[tilespmem:s3+$0xE800] =	vst v0  }
0xbe: {  	s22 =	sand.u32 $0x3F0, s21;
	v0 =	vld [tilespmem:s20+$0x10810]  }
0xbf: {  	v1 =	vld [tilespmem:s22+$0xDC00];
	_ =	sdelay $0x4  }
0xc0: {  	s23 =	sand.u32 $0x70, s21;
	s25 =	sand.u32 $0x1C00, s21;
	v1 =	vadd.f32 v1, v0  }
0xc1: {  	s8 =	sor.u32 s23, s25;
	s22 =	simm.s32 $0x10  }
0xc2: {  	s23 =	simm.s32 $0x20;
	s3 =	sand.u32 $0x3F0, s22;
	[tilespmem:s8+$0xE880] =	vst v1  }
.LBB2_26:
0xc3: {  	p2 =	sne.s32 s23, $0x3F0;
	v1 =	vld [tilespmem:s3+$0xDC00];
	_ =	sdelay $0x2  }
.Ltmp12:
0xc4: {  	(pc) =	sbr.rel @p2 .LBB2_26-.Ltmp12, $4  }
0xc5: {  	s21 =	sadd.s32 $0x80, s21  }
0xc6: {  	s3 =	sand.u32 $0x70, s22;
	s22 =	smov.u32 s23;
	s8 =	sand.u32 $0x1C00, s21;
	v1 =	vadd.f32 v1, v0  }
0xc7: {  	s8 =	sor.u32 s3, s8  }
0xc8: {  	s23 =	sadd.s32 $0x10, s23;
	s3 =	sand.u32 $0x3F0, s22;
	[tilespmem:s8+$0xE880] =	vst v1  }
0xc9: {  	v1 =	vld [tilespmem:s3+$0xDC00];
	_ =	sdelay $0x3  }
0xca: {  	s21 =	sadd.s32 $0x80, s21  }
0xcb: {  	s8 =	sand.u32 $0x70, s22;
	s3 =	sand.u32 $0x1C00, s21;
	v0 =	vadd.f32 v1, v0  }
0xcc: {  	s3 =	sor.u32 s8, s3  }
0xcd: {  	s21 =	simm.s32 $0x0;
	[tilespmem:s3+$0xE880] =	vst v0  }
0xce: {  	s22 =	sand.u32 $0x3F0, s21;
	v0 =	vld [tilespmem:s20+$0x10820]  }
0xcf: {  	v1 =	vld [tilespmem:s22+$0xE000];
	_ =	sdelay $0x4  }
0xd0: {  	s23 =	sand.u32 $0x70, s21;
	s25 =	sand.u32 $0x1C00, s21;
	v1 =	vadd.f32 v1, v0  }
0xd1: {  	s8 =	sor.u32 s23, s25;
	s22 =	simm.s32 $0x10  }
0xd2: {  	s23 =	simm.s32 $0x20;
	s3 =	sand.u32 $0x3F0, s22;
	[tilespmem:s8+$0xE900] =	vst v1  }
.LBB2_28:
0xd3: {  	p2 =	sne.s32 s23, $0x3F0;
	v1 =	vld [tilespmem:s3+$0xE000];
	_ =	sdelay $0x2  }
.Ltmp13:
0xd4: {  	(pc) =	sbr.rel @p2 .LBB2_28-.Ltmp13, $4  }
0xd5: {  	s21 =	sadd.s32 $0x80, s21  }
0xd6: {  	s3 =	sand.u32 $0x70, s22;
	s22 =	smov.u32 s23;
	s8 =	sand.u32 $0x1C00, s21;
	v1 =	vadd.f32 v1, v0  }
0xd7: {  	s8 =	sor.u32 s3, s8  }
0xd8: {  	s23 =	sadd.s32 $0x10, s23;
	s3 =	sand.u32 $0x3F0, s22;
	[tilespmem:s8+$0xE900] =	vst v1  }
0xd9: {  	v1 =	vld [tilespmem:s3+$0xE000];
	_ =	sdelay $0x3  }
0xda: {  	s21 =	sadd.s32 $0x80, s21  }
0xdb: {  	s8 =	sand.u32 $0x70, s22;
	s3 =	sand.u32 $0x1C00, s21;
	v0 =	vadd.f32 v1, v0  }
0xdc: {  	s3 =	sor.u32 s8, s3  }
0xdd: {  	s21 =	simm.s32 $0x0;
	[tilespmem:s3+$0xE900] =	vst v0  }
0xde: {  	s22 =	sand.u32 $0x3F0, s21;
	v0 =	vld [tilespmem:s20+$0x10830]  }
0xdf: {  	v1 =	vld [tilespmem:s22+$0xE400];
	_ =	sdelay $0x4  }
0xe0: {  	s23 =	sand.u32 $0x70, s21;
	s25 =	sand.u32 $0x1C00, s21;
	v1 =	vadd.f32 v1, v0  }
0xe1: {  	s8 =	sor.u32 s23, s25;
	s22 =	simm.s32 $0x10  }
0xe2: {  	s23 =	simm.s32 $0x20;
	s3 =	sand.u32 $0x3F0, s22;
	[tilespmem:s8+$0xE980] =	vst v1  }
.LBB2_30:
0xe3: {  	p2 =	sne.s32 s23, $0x3F0;
	v1 =	vld [tilespmem:s3+$0xE400];
	_ =	sdelay $0x2  }
.Ltmp14:
0xe4: {  	(pc) =	sbr.rel @p2 .LBB2_30-.Ltmp14, $4  }
0xe5: {  	s21 =	sadd.s32 $0x80, s21  }
0xe6: {  	s3 =	sand.u32 $0x70, s22;
	s22 =	smov.u32 s23;
	s8 =	sand.u32 $0x1C00, s21;
	v1 =	vadd.f32 v1, v0  }
0xe7: {  	s8 =	sor.u32 s3, s8  }
0xe8: {  	s23 =	sadd.s32 $0x10, s23;
	s3 =	sand.u32 $0x3F0, s22;
	[tilespmem:s8+$0xE980] =	vst v1  }
0xe9: {  	v1 =	vld [tilespmem:s3+$0xE400];
	_ =	sdelay $0x3  }
0xea: {  	s25 =	sadd.s32 $0x80, s21  }
.Ltmp15:
0xeb: {  	s8 =	sand.u32 $0x70, s22;
	s3 =	sand.u32 $0x1C00, s25;
	v0 =	vadd.f32 v1, v0;
	(pc) =	sbr.rel @!p0 .LBB2_32-.Ltmp15, $4  }
0xec: {  	s3 =	sor.u32 s8, s3  }
0xed: {  	[tilespmem:s3+$0xE980] =	vst v0  }
0xee: {  	s3 =	simm.s32 $0x0;
	[bflag:$0x0] =	sbarrier.arrive $0xFFFF  }
0xef: {  	s21 =	simm.s32 $0x200;
	s8 =	sshra.s32 s3, $0x2  }
0xf0: {  	s8 =	sadd.s32 s8, s15;
	s3 =	sadd.s32 $0x200, s3  }
0xf1: {  	[spmem:s8] =	stream.linear.scatter [tilespmem:s21], [sflag:$0x3], $0x80, $0x38;
	[tilespmem:$0x183C0] =	vst v63  }
.LBB2_42:
0xf2: {  	p2 =	seq.s32 s3, $0x5C00  }
.Ltmp16:
0xf3: {  	_ = 	snop;
	(pc) =	sbr.rel @!p2 .LBB2_42-.Ltmp16, $4  }
0xf4: {  	_ = 	snop  }
0xf5: {  	s8 =	sshra.s32 s3, $0x2;
	s3 =	sadd.s32 $0x200, s3  }
0xf6: {  	s21 =	sadd.s32 $0x400, s21;
	s8 =	sadd.s32 s8, s15  }
0xf7: {  	[spmem:s8] =	stream.linear.scatter [tilespmem:s21], [sflag:$0x3], $0x80, $0x38;
	[tilespmem:$0x183C0] =	vst v63  }
0xf8: {  	_ =	swait.ge [sflag:s7], $0x1780  }
0xf9: {  	s3 =	simm.s32 $0x280;
	[sflag:s7] =	ssyncset.done $0x0  }
0xfa: {  	s8 =	sadd.s32 $0x0, s16;
	s21 =	simm.s32 $0x200;
	[sflag:s7] =	ssyncadd.s32 $0xFFFFE880  }
0xfb: {  	[spmem:s8] =	stream.linear.scatter [tilespmem:s3], [sflag:$0x3], $0x80, $0x38;
	[tilespmem:$0x183C0] =	vst v63  }
.LBB2_44:
0xfc: {  	p2 =	seq.s32 s21, $0x5C00  }
.Ltmp17:
0xfd: {  	_ = 	snop;
	(pc) =	sbr.rel @!p2 .LBB2_44-.Ltmp17, $4  }
0xfe: {  	_ = 	snop  }
0xff: {  	s8 =	sshra.s32 s21, $0x2;
	s21 =	sadd.s32 $0x200, s21  }
0x100: {  	s3 =	sadd.s32 $0x400, s3;
	s8 =	sadd.s32 s8, s16  }
0x101: {  	[spmem:s8] =	stream.linear.scatter [tilespmem:s3], [sflag:$0x3], $0x80, $0x38;
	[tilespmem:$0x183C0] =	vst v63  }
0x102: {  	_ =	swait.ge [sflag:s7], $0x1780  }
0x103: {  	s3 =	simm.s32 $0x300;
	[sflag:s7] =	ssyncset.done $0x0  }
0x104: {  	s8 =	sadd.s32 $0x0, s26;
	s21 =	simm.s32 $0x200;
	[sflag:s7] =	ssyncadd.s32 $0xFFFFE880  }
0x105: {  	[spmem:s8] =	stream.linear.scatter [tilespmem:s3], [sflag:$0x3], $0x80, $0x38;
	[tilespmem:$0x183C0] =	vst v63  }
.LBB2_46:
0x106: {  	p2 =	seq.s32 s21, $0x5C00  }
.Ltmp18:
0x107: {  	_ = 	snop;
	(pc) =	sbr.rel @!p2 .LBB2_46-.Ltmp18, $4  }
0x108: {  	_ = 	snop  }
0x109: {  	s8 =	sshra.s32 s21, $0x2;
	s21 =	sadd.s32 $0x200, s21  }
0x10a: {  	s3 =	sadd.s32 $0x400, s3;
	s8 =	sadd.s32 s8, s26  }
0x10b: {  	[spmem:s8] =	stream.linear.scatter [tilespmem:s3], [sflag:$0x3], $0x80, $0x38;
	[tilespmem:$0x183C0] =	vst v63  }
0x10c: {  	_ =	swait.ge [sflag:s7], $0x1780  }
0x10d: {  	s3 =	simm.s32 $0x380;
	[sflag:s7] =	ssyncset.done $0x0  }
0x10e: {  	s8 =	sadd.s32 $0x0, s29;
	s21 =	simm.s32 $0x200;
	[sflag:s7] =	ssyncadd.s32 $0xFFFFE880  }
0x10f: {  	[spmem:s8] =	stream.linear.scatter [tilespmem:s3], [sflag:$0x3], $0x80, $0x38;
	[tilespmem:$0x183C0] =	vst v63  }
.LBB2_48:
0x110: {  	p2 =	seq.s32 s21, $0x5C00  }
.Ltmp19:
0x111: {  	_ = 	snop;
	(pc) =	sbr.rel @!p2 .LBB2_48-.Ltmp19, $4  }
0x112: {  	_ = 	snop  }
0x113: {  	s8 =	sshra.s32 s21, $0x2;
	s21 =	sadd.s32 $0x200, s21  }
0x114: {  	s3 =	sadd.s32 $0x400, s3;
	s8 =	sadd.s32 s8, s29  }
0x115: {  	[spmem:s8] =	stream.linear.scatter [tilespmem:s3], [sflag:$0x3], $0x80, $0x38;
	[tilespmem:$0x183C0] =	vst v63  }
0x116: {  	s3 =	smul.u32 $0x30E000, s19;
	_ =	sdelay $0x1  }
0x117: {  	_ =	swait.ge [sflag:s7], $0x1780;
	s23 =	sshll.u32 s19, $0x9;
	s3 =	sshrl.u32 s3, $0x3  }
.Ltmp20:
0x118: {  	[sflag:s7] =	ssyncset.done $0x0;
	s3 =	sadd.s32 s1, s3;
	(pc) =	sbr.rel .LBB2_50-.Ltmp20, $4  }
0x119: {  	s8 =	rddreg [dreg:$0xd];
	[sflag:s7] =	ssyncadd.s32 $0xFFFFE880;
	s3 =	sadd.s32 $0x2F680, s3  }
0x11a: {  	[tilespmem:s5], [sflag:$0x1] =	stream.linear.gather [hbm4b:s3+s5], $0xB800, $0x38;
	[tilespmem:$0x183C0] =	vst v63  }
0x11b: {  	s25 =	simm.s32 $0xB800;
	s3 =	sadd.s32 s23, s8  }
0x11c: {  	[tilespmem:s25], [sflag:$0x1] =	stream.linear.gather [hbm4b:s3+s5], $0x400, $0x38;
	[tilespmem:$0x183C0] =	vst v63  }
.LBB2_32:
0x11d: {  	s8 =	sadd.s32 s8, s13;
	s3 =	sadd.s32 $0x200, s3  }
0x11e: {  	[spmem:s8] =	stream.linear.scatter [tilespmem:s21], [sflag:$0x3], $0x80, $0x38;
	[tilespmem:$0x183C0] =	vst v63  }
.LBB2_33:
0x11f: {  	p2 =	sne.s32 s3, $0x6000  }
.Ltmp21:
0x120: {  	_ = 	snop;
	(pc) =	sbr.rel @p2 .LBB2_33-.Ltmp21, $4  }
0x121: {  	_ = 	snop  }
0x122: {  	s8 =	sshra.s32 s3, $0x2;
	s3 =	sadd.s32 $0x200, s3  }
0x123: {  	s21 =	sadd.s32 $0x400, s21;
	s8 =	sadd.s32 s8, s13  }
0x124: {  	[spmem:s8] =	stream.linear.scatter [tilespmem:s21], [sflag:$0x3], $0x80, $0x38;
	[tilespmem:$0x183C0] =	vst v63  }
0x125: {  	_ =	swait.ge [sflag:s7], $0x1880  }
0x126: {  	s3 =	simm.s32 $0x280;
	[sflag:s7] =	ssyncset.done $0x0  }
0x127: {  	s8 =	sadd.s32 $0x0, s14;
	s21 =	simm.s32 $0x200;
	[sflag:s7] =	ssyncadd.s32 $0xFFFFE780  }
0x128: {  	[spmem:s8] =	stream.linear.scatter [tilespmem:s3], [sflag:$0x3], $0x80, $0x38;
	[tilespmem:$0x183C0] =	vst v63  }
.LBB2_35:
0x129: {  	p2 =	seq.s32 s21, $0x6000  }
.Ltmp22:
0x12a: {  	_ = 	snop;
	(pc) =	sbr.rel @!p2 .LBB2_35-.Ltmp22, $4  }
0x12b: {  	_ = 	snop  }
0x12c: {  	s8 =	sshra.s32 s21, $0x2;
	s21 =	sadd.s32 $0x200, s21  }
0x12d: {  	s3 =	sadd.s32 $0x400, s3;
	s8 =	sadd.s32 s8, s14  }
0x12e: {  	[spmem:s8] =	stream.linear.scatter [tilespmem:s3], [sflag:$0x3], $0x80, $0x38;
	[tilespmem:$0x183C0] =	vst v63  }
0x12f: {  	_ =	swait.ge [sflag:s7], $0x1880  }
0x130: {  	s3 =	simm.s32 $0x300;
	[sflag:s7] =	ssyncset.done $0x0  }
0x131: {  	s8 =	sadd.s32 $0x0, s17;
	s21 =	simm.s32 $0x200;
	[sflag:s7] =	ssyncadd.s32 $0xFFFFE780  }
0x132: {  	[spmem:s8] =	stream.linear.scatter [tilespmem:s3], [sflag:$0x3], $0x80, $0x38;
	[tilespmem:$0x183C0] =	vst v63  }
.LBB2_37:
0x133: {  	p2 =	seq.s32 s21, $0x6000  }
.Ltmp23:
0x134: {  	_ = 	snop;
	(pc) =	sbr.rel @!p2 .LBB2_37-.Ltmp23, $4  }
0x135: {  	_ = 	snop  }
0x136: {  	s8 =	sshra.s32 s21, $0x2;
	s21 =	sadd.s32 $0x200, s21  }
0x137: {  	s3 =	sadd.s32 $0x400, s3;
	s8 =	sadd.s32 s8, s17  }
0x138: {  	[spmem:s8] =	stream.linear.scatter [tilespmem:s3], [sflag:$0x3], $0x80, $0x38;
	[tilespmem:$0x183C0] =	vst v63  }
0x139: {  	_ =	swait.ge [sflag:s7], $0x1880  }
0x13a: {  	s3 =	simm.s32 $0x380;
	[sflag:s7] =	ssyncset.done $0x0  }
0x13b: {  	s8 =	sadd.s32 $0x0, s28;
	s21 =	simm.s32 $0x200;
	[sflag:s7] =	ssyncadd.s32 $0xFFFFE780  }
0x13c: {  	[spmem:s8] =	stream.linear.scatter [tilespmem:s3], [sflag:$0x3], $0x80, $0x38;
	[tilespmem:$0x183C0] =	vst v63  }
.LBB2_39:
0x13d: {  	p2 =	seq.s32 s21, $0x6000  }
.Ltmp24:
0x13e: {  	_ = 	snop;
	(pc) =	sbr.rel @!p2 .LBB2_39-.Ltmp24, $4  }
0x13f: {  	_ = 	snop  }
0x140: {  	s8 =	sshra.s32 s21, $0x2;
	s21 =	sadd.s32 $0x200, s21  }
0x141: {  	s3 =	sadd.s32 $0x400, s3;
	s8 =	sadd.s32 s8, s28  }
0x142: {  	[spmem:s8] =	stream.linear.scatter [tilespmem:s3], [sflag:$0x3], $0x80, $0x38;
	[tilespmem:$0x183C0] =	vst v63  }
0x143: {  	s3 =	smul.u32 $0x30E000, s19;
	_ =	swait.ge [sflag:s7], $0x1880  }
0x144: {  	s8 =	rddreg [dreg:$0xc]  }
0x145: {  	s3 =	sadd.s32 s3, s8  }
0x146: {  	[sflag:s7] =	ssyncset.done $0x0;
	s3 =	sshrl.u32 s3, $0x3  }
0x147: {  	[sflag:s7] =	ssyncadd.s32 $0xFFFFE780;
	s3 =	sadd.s32 s1, s3  }
0x148: {  	[tilespmem:s5], [sflag:$0x1] =	stream.linear.gather [hbm4b:s3+s5], $0xC400, $0x38;
	[tilespmem:$0x183C0] =	vst v63  }
.LBB2_50:
0x149: {  	[bflag:$0x0] =	sbarrier.arrive $0xFFFF;
	s3 =	simm.s32 $0xD800  }
0x14a: {  	[tilespmem:s3], [sflag:$0x2] =	stream.indirect.gather [spmem:s4], $0x1, s11, s10, $0xb8;
	[tilespmem:$0x183C0] =	vst v63  }
0x14b: {  	_ =	swait.ge [sflag:s24], $0x1000  }
0x14c: {  	[sflag:s24] =	ssyncset.done $0x0  }
0x14d: {  	[sflag:s24] =	ssyncadd.s32 $0xFFFFF000  }
0x14e: {  	v0 =	vld [tilespmem:s20+$0x10840]  }
0x14f: {  	v1 =	vld [tilespmem:s3+$0x0];
	_ =	sdelay $0x3  }
0x150: {  	s21 =	simm.s32 $0x0  }
0x151: {  	s25 =	sand.u32 $0x70, s21;
	s8 =	sand.u32 $0x1C00, s21;
	v1 =	vadd.f32 v1, v0  }
0x152: {  	s3 =	sor.u32 s25, s8  }
0x153: {  	s22 =	simm.s32 $0xD810;
	[tilespmem:s3+$0xEA00] =	vst v1  }
0x154: {  	s23 =	simm.s32 $0x10;
	s25 =	simm.s32 $0x20;
	v1 =	vld [tilespmem:s22+$0x0]  }
.LBB2_51:
0x155: {  	p2 =	sne.s32 s25, $0x3F0;
	_ =	sdelay $0x2  }
.Ltmp25:
0x156: {  	s21 =	sadd.s32 $0x80, s21;
	(pc) =	sbr.rel @p2 .LBB2_51-.Ltmp25, $4  }
0x157: {  	s3 =	sand.u32 $0x70, s23;
	s23 =	smov.u32 s25;
	s8 =	sand.u32 $0x1C00, s21;
	v1 =	vadd.f32 v1, v0  }
0x158: {  	s3 =	sor.u32 s3, s8  }
0x159: {  	s22 =	sadd.s32 $0x10, s22;
	[tilespmem:s3+$0xEA00] =	vst v1  }
0x15a: {  	s25 =	sadd.s32 $0x10, s25;
	v1 =	vld [tilespmem:s22+$0x0]  }
0x15b: {  	_ =	sdelay $0x2  }
0x15c: {  	s3 =	sadd.s32 $0x80, s21  }
0x15d: {  	s8 =	sand.u32 $0x70, s23;
	s3 =	sand.u32 $0x1C00, s3;
	v0 =	vadd.f32 v1, v0  }
0x15e: {  	s3 =	sor.u32 s8, s3  }
0x15f: {  	s21 =	simm.s32 $0x0;
	[tilespmem:s3+$0xEA00] =	vst v0  }
0x160: {  	s22 =	sand.u32 $0x3F0, s21;
	v0 =	vld [tilespmem:s20+$0x10850]  }
0x161: {  	v1 =	vld [tilespmem:s22+$0xDC00];
	_ =	sdelay $0x4  }
0x162: {  	s23 =	sand.u32 $0x70, s21;
	s25 =	sand.u32 $0x1C00, s21;
	v1 =	vadd.f32 v1, v0  }
0x163: {  	s8 =	sor.u32 s23, s25;
	s22 =	simm.s32 $0x10  }
0x164: {  	s23 =	simm.s32 $0x20;
	s3 =	sand.u32 $0x3F0, s22;
	[tilespmem:s8+$0xEA80] =	vst v1  }
.LBB2_53:
0x165: {  	p2 =	sne.s32 s23, $0x3F0;
	v1 =	vld [tilespmem:s3+$0xDC00];
	_ =	sdelay $0x2  }
.Ltmp26:
0x166: {  	(pc) =	sbr.rel @p2 .LBB2_53-.Ltmp26, $4  }
0x167: {  	s21 =	sadd.s32 $0x80, s21  }
0x168: {  	s3 =	sand.u32 $0x70, s22;
	s22 =	smov.u32 s23;
	s8 =	sand.u32 $0x1C00, s21;
	v1 =	vadd.f32 v1, v0  }
0x169: {  	s8 =	sor.u32 s3, s8  }
0x16a: {  	s23 =	sadd.s32 $0x10, s23;
	s3 =	sand.u32 $0x3F0, s22;
	[tilespmem:s8+$0xEA80] =	vst v1  }
0x16b: {  	v1 =	vld [tilespmem:s3+$0xDC00];
	_ =	sdelay $0x3  }
0x16c: {  	s21 =	sadd.s32 $0x80, s21  }
0x16d: {  	s8 =	sand.u32 $0x70, s22;
	s3 =	sand.u32 $0x1C00, s21;
	v0 =	vadd.f32 v1, v0  }
0x16e: {  	s3 =	sor.u32 s8, s3  }
0x16f: {  	s21 =	simm.s32 $0x0;
	[tilespmem:s3+$0xEA80] =	vst v0  }
0x170: {  	s22 =	sand.u32 $0x3F0, s21;
	v0 =	vld [tilespmem:s20+$0x10860]  }
0x171: {  	v1 =	vld [tilespmem:s22+$0xE000];
	_ =	sdelay $0x4  }
0x172: {  	s23 =	sand.u32 $0x70, s21;
	s25 =	sand.u32 $0x1C00, s21;
	v1 =	vadd.f32 v1, v0  }
0x173: {  	s8 =	sor.u32 s23, s25;
	s22 =	simm.s32 $0x10  }
0x174: {  	s23 =	simm.s32 $0x20;
	s3 =	sand.u32 $0x3F0, s22;
	[tilespmem:s8+$0xEB00] =	vst v1  }
.LBB2_55:
0x175: {  	p2 =	sne.s32 s23, $0x3F0;
	v1 =	vld [tilespmem:s3+$0xE000];
	_ =	sdelay $0x2  }
.Ltmp27:
0x176: {  	(pc) =	sbr.rel @p2 .LBB2_55-.Ltmp27, $4  }
0x177: {  	s21 =	sadd.s32 $0x80, s21  }
0x178: {  	s3 =	sand.u32 $0x70, s22;
	s22 =	smov.u32 s23;
	s8 =	sand.u32 $0x1C00, s21;
	v1 =	vadd.f32 v1, v0  }
0x179: {  	s8 =	sor.u32 s3, s8  }
0x17a: {  	s23 =	sadd.s32 $0x10, s23;
	s3 =	sand.u32 $0x3F0, s22;
	[tilespmem:s8+$0xEB00] =	vst v1  }
0x17b: {  	v1 =	vld [tilespmem:s3+$0xE000];
	_ =	sdelay $0x3  }
0x17c: {  	s21 =	sadd.s32 $0x80, s21  }
0x17d: {  	s8 =	sand.u32 $0x70, s22;
	s3 =	sand.u32 $0x1C00, s21;
	v0 =	vadd.f32 v1, v0  }
0x17e: {  	s3 =	sor.u32 s8, s3  }
0x17f: {  	s21 =	simm.s32 $0x0;
	[tilespmem:s3+$0xEB00] =	vst v0  }
0x180: {  	s22 =	sand.u32 $0x3F0, s21;
	v0 =	vld [tilespmem:s20+$0x10870]  }
0x181: {  	v1 =	vld [tilespmem:s22+$0xE400];
	_ =	sdelay $0x4  }
0x182: {  	s23 =	sor.u32 s21, s21;
	v1 =	vadd.f32 v1, v0  }
0x183: {  	s25 =	sor.u32 $0x380, s23;
	s22 =	simm.s32 $0x10  }
0x184: {  	s23 =	simm.s32 $0x20;
	s3 =	sand.u32 $0x3F0, s22;
	[tilespmem:s25+$0xE800] =	vst v1  }
.LBB2_57:
0x185: {  	p2 =	sne.s32 s23, $0x3F0;
	v1 =	vld [tilespmem:s3+$0xE400];
	_ =	sdelay $0x2  }
.Ltmp28:
0x186: {  	(pc) =	sbr.rel @p2 .LBB2_57-.Ltmp28, $4  }
0x187: {  	s21 =	sadd.s32 $0x80, s21  }
0x188: {  	s3 =	sor.u32 s21, s22;
	s22 =	smov.u32 s23;
	v1 =	vadd.f32 v1, v0  }
0x189: {  	s8 =	sor.u32 $0x380, s3  }
0x18a: {  	s23 =	sadd.s32 $0x10, s23;
	s3 =	sand.u32 $0x3F0, s22;
	[tilespmem:s8+$0xE800] =	vst v1  }
0x18b: {  	v1 =	vld [tilespmem:s3+$0xE400];
	_ =	sdelay $0x3  }
0x18c: {  	s23 =	sadd.s32 $0x80, s21  }
0x18d: {  	s3 =	sor.u32 s23, s22;
	v0 =	vadd.f32 v1, v0  }
0x18e: {  	s3 =	sor.u32 $0x380, s3  }
0x18f: {  	[tilespmem:s3+$0xE800] =	vst v0  }
0x190: {  	s8 =	sshll.u32 s19, $0x10;
	[bflag:$0x0] =	sbarrier.arrive $0xFFFF  }
0x191: {  	s21 =	sor.u32 s30, s8;
	s25 =	rddreg [dreg:$0x2]  }
.Ltmp29:
0x192: {  	s3 =	sadd.s32 s25, s21;
	(pc) =	sbr.rel @p1 .LBB2_68-.Ltmp29, $4  }
0x193: {  	[hbm4b:s3+s5] =	stream.linear.scatter [tilespmem:s6], [sflag:$0x3], $0x2000, $0x38;
	[tilespmem:$0x183C0] =	vst v63  }
0x194: {  	_ =	swait.ge [sflag:s7], $0x2000  }
0x195: {  	[sflag:s7] =	ssyncset.done $0x0  }
0x196: {  	[sflag:s7] =	ssyncadd.s32 $0xFFFFE000  }
0x197: {  	_ =	swait.ge [sflag:s9], $0xB800  }
0x198: {  	[sflag:s9] =	ssyncset.done $0x0  }
0x199: {  	[sflag:s9] =	ssyncadd.s32 $0xFFFF4800  }
0x19a: {  	_ =	swait.ge [sflag:s9], $0x400  }
0x19b: {  	s3 =	simm.s32 $0x0;
	[sflag:s9] =	ssyncset.done $0x0  }
0x19c: {  	s8 =	sadd.s32 $0x0, s15;
	s22 =	simm.s32 $0x200;
	[sflag:s9] =	ssyncadd.s32 $0xFFFFFC00  }
0x19d: {  	[spmem:s8] =	stream.linear.scatter [tilespmem:s3], [sflag:$0x3], $0x80, $0x38;
	[tilespmem:$0x183C0] =	vst v63  }
.LBB2_60:
0x19e: {  	p2 =	seq.s32 s22, $0x5C00  }
.Ltmp30:
0x19f: {  	_ = 	snop;
	(pc) =	sbr.rel @!p2 .LBB2_60-.Ltmp30, $4  }
0x1a0: {  	_ = 	snop  }
0x1a1: {  	s8 =	sshra.s32 s22, $0x2;
	s22 =	sadd.s32 $0x200, s22  }
0x1a2: {  	s3 =	sadd.s32 $0x400, s3;
	s8 =	sadd.s32 s8, s15  }
0x1a3: {  	[spmem:s8] =	stream.linear.scatter [tilespmem:s3], [sflag:$0x3], $0x80, $0x38;
	[tilespmem:$0x183C0] =	vst v63  }
0x1a4: {  	_ =	swait.ge [sflag:s7], $0x1780  }
0x1a5: {  	s3 =	simm.s32 $0x80;
	[sflag:s7] =	ssyncset.done $0x0  }
0x1a6: {  	s8 =	sadd.s32 $0x0, s16;
	s22 =	simm.s32 $0x200;
	[sflag:s7] =	ssyncadd.s32 $0xFFFFE880  }
0x1a7: {  	[spmem:s8] =	stream.linear.scatter [tilespmem:s3], [sflag:$0x3], $0x80, $0x38;
	[tilespmem:$0x183C0] =	vst v63  }
.LBB2_62:
0x1a8: {  	p2 =	seq.s32 s22, $0x5C00  }
.Ltmp31:
0x1a9: {  	_ = 	snop;
	(pc) =	sbr.rel @!p2 .LBB2_62-.Ltmp31, $4  }
0x1aa: {  	_ = 	snop  }
0x1ab: {  	s8 =	sshra.s32 s22, $0x2;
	s22 =	sadd.s32 $0x200, s22  }
0x1ac: {  	s3 =	sadd.s32 $0x400, s3;
	s8 =	sadd.s32 s8, s16  }
0x1ad: {  	[spmem:s8] =	stream.linear.scatter [tilespmem:s3], [sflag:$0x3], $0x80, $0x38;
	[tilespmem:$0x183C0] =	vst v63  }
0x1ae: {  	_ =	swait.ge [sflag:s7], $0x1780  }
0x1af: {  	s3 =	simm.s32 $0x100;
	[sflag:s7] =	ssyncset.done $0x0  }
0x1b0: {  	s8 =	sadd.s32 $0x0, s26;
	s22 =	simm.s32 $0x200;
	[sflag:s7] =	ssyncadd.s32 $0xFFFFE880  }
0x1b1: {  	[spmem:s8] =	stream.linear.scatter [tilespmem:s3], [sflag:$0x3], $0x80, $0x38;
	[tilespmem:$0x183C0] =	vst v63  }
.LBB2_64:
0x1b2: {  	p2 =	seq.s32 s22, $0x5C00  }
.Ltmp32:
0x1b3: {  	_ = 	snop;
	(pc) =	sbr.rel @!p2 .LBB2_64-.Ltmp32, $4  }
0x1b4: {  	_ = 	snop  }
0x1b5: {  	s8 =	sshra.s32 s22, $0x2;
	s22 =	sadd.s32 $0x200, s22  }
0x1b6: {  	s3 =	sadd.s32 $0x400, s3;
	s8 =	sadd.s32 s8, s26  }
0x1b7: {  	[spmem:s8] =	stream.linear.scatter [tilespmem:s3], [sflag:$0x3], $0x80, $0x38;
	[tilespmem:$0x183C0] =	vst v63  }
0x1b8: {  	_ =	swait.ge [sflag:s7], $0x1780  }
0x1b9: {  	s3 =	simm.s32 $0x180;
	[sflag:s7] =	ssyncset.done $0x0  }
0x1ba: {  	s8 =	sadd.s32 $0x0, s29;
	s22 =	simm.s32 $0x200;
	[sflag:s7] =	ssyncadd.s32 $0xFFFFE880  }
0x1bb: {  	[spmem:s8] =	stream.linear.scatter [tilespmem:s3], [sflag:$0x3], $0x80, $0x38;
	[tilespmem:$0x183C0] =	vst v63  }
.LBB2_66:
0x1bc: {  	p2 =	sne.s32 s22, $0x5C00  }
.Ltmp33:
0x1bd: {  	_ = 	snop;
	(pc) =	sbr.rel @p2 .LBB2_66-.Ltmp33, $4  }
0x1be: {  	_ = 	snop  }
0x1bf: {  	s8 =	sshra.s32 s22, $0x2;
	s22 =	sadd.s32 $0x200, s22  }
0x1c0: {  	s3 =	sadd.s32 $0x400, s3;
	s8 =	sadd.s32 s8, s29  }
0x1c1: {  	[spmem:s8] =	stream.linear.scatter [tilespmem:s3], [sflag:$0x3], $0x80, $0x38;
	[tilespmem:$0x183C0] =	vst v63  }
.Ltmp34:
0x1c2: {  	(pc) =	sbr.rel .LBB2_77-.Ltmp34, $4  }
0x1c3: {  	_ = 	snop  }
0x1c4: {  	_ =	swait.ge [sflag:s7], $0x1780  }
0x1c5: {  	[sflag:s7] =	ssyncset.done $0x0  }
0x1c6: {  	[sflag:s7] =	ssyncadd.s32 $0xFFFFE880  }
.LBB2_68:
0x1c7: {  	_ =	swait.ge [sflag:s9], $0xC400  }
0x1c8: {  	s3 =	simm.s32 $0x0;
	[sflag:s9] =	ssyncset.done $0x0  }
0x1c9: {  	s8 =	sadd.s32 $0x0, s13;
	s22 =	simm.s32 $0x200;
	[sflag:s9] =	ssyncadd.s32 $0xFFFF3C00  }
0x1ca: {  	[spmem:s8] =	stream.linear.scatter [tilespmem:s3], [sflag:$0x3], $0x80, $0x38;
	[tilespmem:$0x183C0] =	vst v63  }
.LBB2_69:
0x1cb: {  	p2 =	sne.s32 s22, $0x6000  }
.Ltmp35:
0x1cc: {  	_ = 	snop;
	(pc) =	sbr.rel @p2 .LBB2_69-.Ltmp35, $4  }
0x1cd: {  	_ = 	snop  }
0x1ce: {  	s8 =	sshra.s32 s22, $0x2;
	s22 =	sadd.s32 $0x200, s22  }
0x1cf: {  	s3 =	sadd.s32 $0x400, s3;
	s8 =	sadd.s32 s8, s13  }
0x1d0: {  	[spmem:s8] =	stream.linear.scatter [tilespmem:s3], [sflag:$0x3], $0x80, $0x38;
	[tilespmem:$0x183C0] =	vst v63  }
0x1d1: {  	_ =	swait.ge [sflag:s7], $0x1880  }
0x1d2: {  	s3 =	simm.s32 $0x80;
	[sflag:s7] =	ssyncset.done $0x0  }
0x1d3: {  	s8 =	sadd.s32 $0x0, s14;
	s22 =	simm.s32 $0x200;
	[sflag:s7] =	ssyncadd.s32 $0xFFFFE780  }
0x1d4: {  	[spmem:s8] =	stream.linear.scatter [tilespmem:s3], [sflag:$0x3], $0x80, $0x38;
	[tilespmem:$0x183C0] =	vst v63  }
.LBB2_71:
0x1d5: {  	p2 =	seq.s32 s22, $0x6000  }
.Ltmp36:
0x1d6: {  	_ = 	snop;
	(pc) =	sbr.rel @!p2 .LBB2_71-.Ltmp36, $4  }
0x1d7: {  	_ = 	snop  }
0x1d8: {  	s8 =	sshra.s32 s22, $0x2;
	s22 =	sadd.s32 $0x200, s22  }
0x1d9: {  	s3 =	sadd.s32 $0x400, s3;
	s8 =	sadd.s32 s8, s14  }
0x1da: {  	[spmem:s8] =	stream.linear.scatter [tilespmem:s3], [sflag:$0x3], $0x80, $0x38;
	[tilespmem:$0x183C0] =	vst v63  }
0x1db: {  	_ =	swait.ge [sflag:s7], $0x1880  }
0x1dc: {  	s3 =	simm.s32 $0x100;
	[sflag:s7] =	ssyncset.done $0x0  }
0x1dd: {  	s8 =	sadd.s32 $0x0, s17;
	s22 =	simm.s32 $0x200;
	[sflag:s7] =	ssyncadd.s32 $0xFFFFE780  }
0x1de: {  	[spmem:s8] =	stream.linear.scatter [tilespmem:s3], [sflag:$0x3], $0x80, $0x38;
	[tilespmem:$0x183C0] =	vst v63  }
.LBB2_73:
0x1df: {  	p2 =	seq.s32 s22, $0x6000  }
.Ltmp37:
0x1e0: {  	_ = 	snop;
	(pc) =	sbr.rel @!p2 .LBB2_73-.Ltmp37, $4  }
0x1e1: {  	_ = 	snop  }
0x1e2: {  	s8 =	sshra.s32 s22, $0x2;
	s22 =	sadd.s32 $0x200, s22  }
0x1e3: {  	s3 =	sadd.s32 $0x400, s3;
	s8 =	sadd.s32 s8, s17  }
0x1e4: {  	[spmem:s8] =	stream.linear.scatter [tilespmem:s3], [sflag:$0x3], $0x80, $0x38;
	[tilespmem:$0x183C0] =	vst v63  }
0x1e5: {  	_ =	swait.ge [sflag:s7], $0x1880  }
0x1e6: {  	s3 =	simm.s32 $0x180;
	[sflag:s7] =	ssyncset.done $0x0  }
0x1e7: {  	s8 =	sadd.s32 $0x0, s28;
	s22 =	simm.s32 $0x200;
	[sflag:s7] =	ssyncadd.s32 $0xFFFFE780  }
0x1e8: {  	[spmem:s8] =	stream.linear.scatter [tilespmem:s3], [sflag:$0x3], $0x80, $0x38;
	[tilespmem:$0x183C0] =	vst v63  }
.LBB2_75:
0x1e9: {  	p2 =	sne.s32 s22, $0x6000  }
.Ltmp38:
0x1ea: {  	_ = 	snop;
	(pc) =	sbr.rel @p2 .LBB2_75-.Ltmp38, $4  }
0x1eb: {  	_ = 	snop  }
0x1ec: {  	s8 =	sshra.s32 s22, $0x2;
	s22 =	sadd.s32 $0x200, s22  }
0x1ed: {  	s3 =	sadd.s32 $0x400, s3;
	s8 =	sadd.s32 s8, s28  }
0x1ee: {  	[spmem:s8] =	stream.linear.scatter [tilespmem:s3], [sflag:$0x3], $0x80, $0x38;
	[tilespmem:$0x183C0] =	vst v63  }
0x1ef: {  	_ =	swait.ge [sflag:s7], $0x1880  }
0x1f0: {  	[sflag:s7] =	ssyncset.done $0x0  }
0x1f1: {  	[sflag:s7] =	ssyncadd.s32 $0xFFFFE780  }
.LBB2_77:
0x1f2: {  	[bflag:$0x0] =	sbarrier.arrive $0xFFFF;
	s3 =	simm.s32 $0xD800  }
0x1f3: {  	[tilespmem:s3], [sflag:$0x2] =	stream.indirect.gather [spmem:s4], $0x1, s11, s10, $0xb8;
	[tilespmem:$0x183C0] =	vst v63  }
0x1f4: {  	_ =	swait.ge [sflag:s24], $0x1000  }
0x1f5: {  	[sflag:s24] =	ssyncset.done $0x0  }
0x1f6: {  	[sflag:s24] =	ssyncadd.s32 $0xFFFFF000  }
0x1f7: {  	v0 =	vld [tilespmem:s20+$0x10880]  }
0x1f8: {  	v1 =	vld [tilespmem:s3+$0x0];
	_ =	sdelay $0x3  }
0x1f9: {  	s22 =	simm.s32 $0x0  }
0x1fa: {  	s25 =	sand.u32 $0x70, s22;
	s8 =	sand.u32 $0x1C00, s22;
	v1 =	vadd.f32 v1, v0  }
0x1fb: {  	s3 =	sor.u32 s25, s8  }
0x1fc: {  	s23 =	simm.s32 $0xD810;
	[tilespmem:s3+$0xE800] =	vst v1  }
0x1fd: {  	s25 =	simm.s32 $0x10;
	s3 =	simm.s32 $0x20;
	v1 =	vld [tilespmem:s23+$0x0]  }
.LBB2_78:
0x1fe: {  	p2 =	sne.s32 s3, $0x3F0;
	_ =	sdelay $0x2  }
.Ltmp39:
0x1ff: {  	s22 =	sadd.s32 $0x80, s22;
	(pc) =	sbr.rel @p2 .LBB2_78-.Ltmp39, $4  }
0x200: {  	s8 =	sand.u32 $0x70, s25;
	s25 =	smov.u32 s3;
	s12 =	sand.u32 $0x1C00, s22;
	v1 =	vadd.f32 v1, v0  }
0x201: {  	s8 =	sor.u32 s8, s12  }
0x202: {  	s23 =	sadd.s32 $0x10, s23;
	[tilespmem:s8+$0xE800] =	vst v1  }
0x203: {  	s3 =	sadd.s32 $0x10, s3;
	v1 =	vld [tilespmem:s23+$0x0]  }
0x204: {  	_ =	sdelay $0x2  }
0x205: {  	s3 =	sadd.s32 $0x80, s22  }
0x206: {  	s8 =	sand.u32 $0x70, s25;
	s3 =	sand.u32 $0x1C00, s3;
	v0 =	vadd.f32 v1, v0  }
0x207: {  	s3 =	sor.u32 s8, s3  }
0x208: {  	s22 =	simm.s32 $0x0;
	[tilespmem:s3+$0xE800] =	vst v0  }
0x209: {  	s8 =	sand.u32 $0x3F0, s22;
	v0 =	vld [tilespmem:s20+$0x10890]  }
0x20a: {  	v1 =	vld [tilespmem:s8+$0xDC00];
	_ =	sdelay $0x4  }
0x20b: {  	s12 =	sand.u32 $0x70, s22;
	s25 =	sand.u32 $0x1C00, s22;
	v1 =	vadd.f32 v1, v0  }
0x20c: {  	s23 =	simm.s32 $0x10;
	s8 =	sor.u32 s12, s25  }
0x20d: {  	s3 =	sand.u32 $0x3F0, s23;
	s25 =	simm.s32 $0x20;
	[tilespmem:s8+$0xE880] =	vst v1  }
.LBB2_80:
0x20e: {  	p2 =	sne.s32 s25, $0x3F0;
	v1 =	vld [tilespmem:s3+$0xDC00];
	_ =	sdelay $0x2  }
.Ltmp40:
0x20f: {  	(pc) =	sbr.rel @p2 .LBB2_80-.Ltmp40, $4  }
0x210: {  	s22 =	sadd.s32 $0x80, s22  }
0x211: {  	s3 =	sand.u32 $0x70, s23;
	s23 =	smov.u32 s25;
	s8 =	sand.u32 $0x1C00, s22;
	v1 =	vadd.f32 v1, v0  }
0x212: {  	s8 =	sor.u32 s3, s8  }
0x213: {  	s25 =	sadd.s32 $0x10, s25;
	s3 =	sand.u32 $0x3F0, s23;
	[tilespmem:s8+$0xE880] =	vst v1  }
0x214: {  	v1 =	vld [tilespmem:s3+$0xDC00];
	_ =	sdelay $0x3  }
0x215: {  	s25 =	sadd.s32 $0x80, s22  }
0x216: {  	s8 =	sand.u32 $0x70, s23;
	s3 =	sand.u32 $0x1C00, s25;
	v0 =	vadd.f32 v1, v0  }
0x217: {  	s3 =	sor.u32 s8, s3  }
0x218: {  	s22 =	simm.s32 $0x0;
	[tilespmem:s3+$0xE880] =	vst v0  }
0x219: {  	s8 =	sand.u32 $0x3F0, s22;
	v0 =	vld [tilespmem:s20+$0x108A0]  }
0x21a: {  	v1 =	vld [tilespmem:s8+$0xE000];
	_ =	sdelay $0x4  }
0x21b: {  	s12 =	sand.u32 $0x70, s22;
	s25 =	sand.u32 $0x1C00, s22;
	v1 =	vadd.f32 v1, v0  }
0x21c: {  	s23 =	simm.s32 $0x10;
	s8 =	sor.u32 s12, s25  }
0x21d: {  	s3 =	sand.u32 $0x3F0, s23;
	s25 =	simm.s32 $0x20;
	[tilespmem:s8+$0xE900] =	vst v1  }
.LBB2_82:
0x21e: {  	p2 =	sne.s32 s25, $0x3F0;
	v1 =	vld [tilespmem:s3+$0xE000];
	_ =	sdelay $0x2  }
.Ltmp41:
0x21f: {  	(pc) =	sbr.rel @p2 .LBB2_82-.Ltmp41, $4  }
0x220: {  	s22 =	sadd.s32 $0x80, s22  }
0x221: {  	s3 =	sand.u32 $0x70, s23;
	s23 =	smov.u32 s25;
	s8 =	sand.u32 $0x1C00, s22;
	v1 =	vadd.f32 v1, v0  }
0x222: {  	s8 =	sor.u32 s3, s8  }
0x223: {  	s25 =	sadd.s32 $0x10, s25;
	s3 =	sand.u32 $0x3F0, s23;
	[tilespmem:s8+$0xE900] =	vst v1  }
0x224: {  	v1 =	vld [tilespmem:s3+$0xE000];
	_ =	sdelay $0x3  }
0x225: {  	s25 =	sadd.s32 $0x80, s22  }
0x226: {  	s8 =	sand.u32 $0x70, s23;
	s3 =	sand.u32 $0x1C00, s25;
	v0 =	vadd.f32 v1, v0  }
0x227: {  	s3 =	sor.u32 s8, s3  }
0x228: {  	s22 =	simm.s32 $0x0;
	[tilespmem:s3+$0xE900] =	vst v0  }
0x229: {  	s8 =	sand.u32 $0x3F0, s22;
	v0 =	vld [tilespmem:s20+$0x108B0]  }
0x22a: {  	v1 =	vld [tilespmem:s8+$0xE400];
	_ =	sdelay $0x4  }
0x22b: {  	s12 =	sand.u32 $0x70, s22;
	s25 =	sand.u32 $0x1C00, s22;
	v1 =	vadd.f32 v1, v0  }
0x22c: {  	s23 =	simm.s32 $0x10;
	s8 =	sor.u32 s12, s25  }
0x22d: {  	s3 =	sand.u32 $0x3F0, s23;
	s25 =	simm.s32 $0x20;
	[tilespmem:s8+$0xE980] =	vst v1  }
.LBB2_84:
0x22e: {  	p2 =	sne.s32 s25, $0x3F0;
	v1 =	vld [tilespmem:s3+$0xE400];
	_ =	sdelay $0x2  }
.Ltmp42:
0x22f: {  	(pc) =	sbr.rel @p2 .LBB2_84-.Ltmp42, $4  }
0x230: {  	s22 =	sadd.s32 $0x80, s22  }
0x231: {  	s3 =	sand.u32 $0x70, s23;
	s23 =	smov.u32 s25;
	s8 =	sand.u32 $0x1C00, s22;
	v1 =	vadd.f32 v1, v0  }
0x232: {  	s8 =	sor.u32 s3, s8  }
0x233: {  	s25 =	sadd.s32 $0x10, s25;
	s3 =	sand.u32 $0x3F0, s23;
	[tilespmem:s8+$0xE980] =	vst v1  }
0x234: {  	v1 =	vld [tilespmem:s3+$0xE400];
	_ =	sdelay $0x3  }
0x235: {  	s25 =	sadd.s32 $0x80, s22  }
.Ltmp43:
0x236: {  	s8 =	sand.u32 $0x70, s23;
	s3 =	sand.u32 $0x1C00, s25;
	v0 =	vadd.f32 v1, v0;
	(pc) =	sbr.rel @!p0 .LBB2_86-.Ltmp43, $4  }
0x237: {  	s3 =	sor.u32 s8, s3  }
0x238: {  	[tilespmem:s3+$0xE980] =	vst v0  }
0x239: {  	s3 =	simm.s32 $0x0;
	[bflag:$0x0] =	sbarrier.arrive $0xFFFF  }
0x23a: {  	s22 =	simm.s32 $0x200;
	s8 =	sshra.s32 s3, $0x2  }
0x23b: {  	s8 =	sadd.s32 s8, s15;
	s3 =	sadd.s32 $0x200, s3  }
0x23c: {  	[spmem:s8] =	stream.linear.scatter [tilespmem:s22], [sflag:$0x3], $0x80, $0x38;
	[tilespmem:$0x183C0] =	vst v63  }
.LBB2_96:
0x23d: {  	p2 =	seq.s32 s3, $0x5C00  }
.Ltmp44:
0x23e: {  	_ = 	snop;
	(pc) =	sbr.rel @!p2 .LBB2_96-.Ltmp44, $4  }
0x23f: {  	_ = 	snop  }
0x240: {  	s8 =	sshra.s32 s3, $0x2;
	s3 =	sadd.s32 $0x200, s3  }
0x241: {  	s22 =	sadd.s32 $0x400, s22;
	s8 =	sadd.s32 s8, s15  }
0x242: {  	[spmem:s8] =	stream.linear.scatter [tilespmem:s22], [sflag:$0x3], $0x80, $0x38;
	[tilespmem:$0x183C0] =	vst v63  }
0x243: {  	_ =	swait.ge [sflag:s7], $0x1780  }
0x244: {  	s3 =	simm.s32 $0x280;
	[sflag:s7] =	ssyncset.done $0x0  }
0x245: {  	s8 =	sadd.s32 $0x0, s16;
	s22 =	simm.s32 $0x200;
	[sflag:s7] =	ssyncadd.s32 $0xFFFFE880  }
0x246: {  	[spmem:s8] =	stream.linear.scatter [tilespmem:s3], [sflag:$0x3], $0x80, $0x38;
	[tilespmem:$0x183C0] =	vst v63  }
.LBB2_98:
0x247: {  	p2 =	seq.s32 s22, $0x5C00  }
.Ltmp45:
0x248: {  	_ = 	snop;
	(pc) =	sbr.rel @!p2 .LBB2_98-.Ltmp45, $4  }
0x249: {  	_ = 	snop  }
0x24a: {  	s8 =	sshra.s32 s22, $0x2;
	s22 =	sadd.s32 $0x200, s22  }
0x24b: {  	s3 =	sadd.s32 $0x400, s3;
	s8 =	sadd.s32 s8, s16  }
0x24c: {  	[spmem:s8] =	stream.linear.scatter [tilespmem:s3], [sflag:$0x3], $0x80, $0x38;
	[tilespmem:$0x183C0] =	vst v63  }
0x24d: {  	_ =	swait.ge [sflag:s7], $0x1780  }
0x24e: {  	s3 =	simm.s32 $0x300;
	[sflag:s7] =	ssyncset.done $0x0  }
0x24f: {  	s8 =	sadd.s32 $0x0, s26;
	s22 =	simm.s32 $0x200;
	[sflag:s7] =	ssyncadd.s32 $0xFFFFE880  }
0x250: {  	[spmem:s8] =	stream.linear.scatter [tilespmem:s3], [sflag:$0x3], $0x80, $0x38;
	[tilespmem:$0x183C0] =	vst v63  }
.LBB2_100:
0x251: {  	p2 =	seq.s32 s22, $0x5C00  }
.Ltmp46:
0x252: {  	_ = 	snop;
	(pc) =	sbr.rel @!p2 .LBB2_100-.Ltmp46, $4  }
0x253: {  	_ = 	snop  }
0x254: {  	s8 =	sshra.s32 s22, $0x2;
	s22 =	sadd.s32 $0x200, s22  }
0x255: {  	s3 =	sadd.s32 $0x400, s3;
	s8 =	sadd.s32 s8, s26  }
0x256: {  	[spmem:s8] =	stream.linear.scatter [tilespmem:s3], [sflag:$0x3], $0x80, $0x38;
	[tilespmem:$0x183C0] =	vst v63  }
0x257: {  	_ =	swait.ge [sflag:s7], $0x1780  }
0x258: {  	s3 =	simm.s32 $0x380;
	[sflag:s7] =	ssyncset.done $0x0  }
0x259: {  	s8 =	sadd.s32 $0x0, s29;
	s22 =	simm.s32 $0x200;
	[sflag:s7] =	ssyncadd.s32 $0xFFFFE880  }
0x25a: {  	[spmem:s8] =	stream.linear.scatter [tilespmem:s3], [sflag:$0x3], $0x80, $0x38;
	[tilespmem:$0x183C0] =	vst v63  }
.LBB2_102:
0x25b: {  	p2 =	seq.s32 s22, $0x5C00  }
.Ltmp47:
0x25c: {  	_ = 	snop;
	(pc) =	sbr.rel @!p2 .LBB2_102-.Ltmp47, $4  }
0x25d: {  	_ = 	snop  }
0x25e: {  	s8 =	sshra.s32 s22, $0x2;
	s22 =	sadd.s32 $0x200, s22  }
0x25f: {  	s3 =	sadd.s32 $0x400, s3;
	s8 =	sadd.s32 s8, s29  }
0x260: {  	[spmem:s8] =	stream.linear.scatter [tilespmem:s3], [sflag:$0x3], $0x80, $0x38;
	[tilespmem:$0x183C0] =	vst v63  }
0x261: {  	s3 =	smul.u32 $0x30E000, s19;
	_ =	sdelay $0x1  }
0x262: {  	_ =	swait.ge [sflag:s7], $0x1780;
	s23 =	sshll.u32 s19, $0x9;
	s3 =	sshrl.u32 s3, $0x3  }
.Ltmp48:
0x263: {  	[sflag:s7] =	ssyncset.done $0x0;
	s3 =	sadd.s32 s1, s3;
	(pc) =	sbr.rel .LBB2_104-.Ltmp48, $4  }
0x264: {  	s8 =	rddreg [dreg:$0xf];
	[sflag:s7] =	ssyncadd.s32 $0xFFFFE880;
	s3 =	sadd.s32 $0x47D80, s3  }
0x265: {  	[tilespmem:s5], [sflag:$0x1] =	stream.linear.gather [hbm4b:s3+s5], $0xB800, $0x38;
	[tilespmem:$0x183C0] =	vst v63  }
0x266: {  	s25 =	simm.s32 $0xB800;
	s3 =	sadd.s32 s23, s8  }
0x267: {  	[tilespmem:s25], [sflag:$0x1] =	stream.linear.gather [hbm4b:s3+s5], $0x400, $0x38;
	[tilespmem:$0x183C0] =	vst v63  }
.LBB2_86:
0x268: {  	s8 =	sadd.s32 s8, s13;
	s3 =	sadd.s32 $0x200, s3  }
0x269: {  	[spmem:s8] =	stream.linear.scatter [tilespmem:s22], [sflag:$0x3], $0x80, $0x38;
	[tilespmem:$0x183C0] =	vst v63  }
.LBB2_87:
0x26a: {  	p2 =	sne.s32 s3, $0x6000  }
.Ltmp49:
0x26b: {  	_ = 	snop;
	(pc) =	sbr.rel @p2 .LBB2_87-.Ltmp49, $4  }
0x26c: {  	_ = 	snop  }
0x26d: {  	s8 =	sshra.s32 s3, $0x2;
	s3 =	sadd.s32 $0x200, s3  }
0x26e: {  	s22 =	sadd.s32 $0x400, s22;
	s8 =	sadd.s32 s8, s13  }
0x26f: {  	[spmem:s8] =	stream.linear.scatter [tilespmem:s22], [sflag:$0x3], $0x80, $0x38;
	[tilespmem:$0x183C0] =	vst v63  }
0x270: {  	_ =	swait.ge [sflag:s7], $0x1880  }
0x271: {  	s3 =	simm.s32 $0x280;
	[sflag:s7] =	ssyncset.done $0x0  }
0x272: {  	s8 =	sadd.s32 $0x0, s14;
	s22 =	simm.s32 $0x200;
	[sflag:s7] =	ssyncadd.s32 $0xFFFFE780  }
0x273: {  	[spmem:s8] =	stream.linear.scatter [tilespmem:s3], [sflag:$0x3], $0x80, $0x38;
	[tilespmem:$0x183C0] =	vst v63  }
.LBB2_89:
0x274: {  	p2 =	seq.s32 s22, $0x6000  }
.Ltmp50:
0x275: {  	_ = 	snop;
	(pc) =	sbr.rel @!p2 .LBB2_89-.Ltmp50, $4  }
0x276: {  	_ = 	snop  }
0x277: {  	s8 =	sshra.s32 s22, $0x2;
	s22 =	sadd.s32 $0x200, s22  }
0x278: {  	s3 =	sadd.s32 $0x400, s3;
	s8 =	sadd.s32 s8, s14  }
0x279: {  	[spmem:s8] =	stream.linear.scatter [tilespmem:s3], [sflag:$0x3], $0x80, $0x38;
	[tilespmem:$0x183C0] =	vst v63  }
0x27a: {  	_ =	swait.ge [sflag:s7], $0x1880  }
0x27b: {  	s3 =	simm.s32 $0x300;
	[sflag:s7] =	ssyncset.done $0x0  }
0x27c: {  	s8 =	sadd.s32 $0x0, s17;
	s22 =	simm.s32 $0x200;
	[sflag:s7] =	ssyncadd.s32 $0xFFFFE780  }
0x27d: {  	[spmem:s8] =	stream.linear.scatter [tilespmem:s3], [sflag:$0x3], $0x80, $0x38;
	[tilespmem:$0x183C0] =	vst v63  }
.LBB2_91:
0x27e: {  	p2 =	seq.s32 s22, $0x6000  }
.Ltmp51:
0x27f: {  	_ = 	snop;
	(pc) =	sbr.rel @!p2 .LBB2_91-.Ltmp51, $4  }
0x280: {  	_ = 	snop  }
0x281: {  	s8 =	sshra.s32 s22, $0x2;
	s22 =	sadd.s32 $0x200, s22  }
0x282: {  	s3 =	sadd.s32 $0x400, s3;
	s8 =	sadd.s32 s8, s17  }
0x283: {  	[spmem:s8] =	stream.linear.scatter [tilespmem:s3], [sflag:$0x3], $0x80, $0x38;
	[tilespmem:$0x183C0] =	vst v63  }
0x284: {  	_ =	swait.ge [sflag:s7], $0x1880  }
0x285: {  	s3 =	simm.s32 $0x380;
	[sflag:s7] =	ssyncset.done $0x0  }
0x286: {  	s8 =	sadd.s32 $0x0, s28;
	s22 =	simm.s32 $0x200;
	[sflag:s7] =	ssyncadd.s32 $0xFFFFE780  }
0x287: {  	[spmem:s8] =	stream.linear.scatter [tilespmem:s3], [sflag:$0x3], $0x80, $0x38;
	[tilespmem:$0x183C0] =	vst v63  }
.LBB2_93:
0x288: {  	p2 =	seq.s32 s22, $0x6000  }
.Ltmp52:
0x289: {  	_ = 	snop;
	(pc) =	sbr.rel @!p2 .LBB2_93-.Ltmp52, $4  }
0x28a: {  	_ = 	snop  }
0x28b: {  	s8 =	sshra.s32 s22, $0x2;
	s22 =	sadd.s32 $0x200, s22  }
0x28c: {  	s3 =	sadd.s32 $0x400, s3;
	s8 =	sadd.s32 s8, s28  }
0x28d: {  	[spmem:s8] =	stream.linear.scatter [tilespmem:s3], [sflag:$0x3], $0x80, $0x38;
	[tilespmem:$0x183C0] =	vst v63  }
0x28e: {  	s3 =	smul.u32 $0x30E000, s19;
	_ =	swait.ge [sflag:s7], $0x1880  }
0x28f: {  	s8 =	rddreg [dreg:$0xe]  }
0x290: {  	s3 =	sadd.s32 s3, s8  }
0x291: {  	[sflag:s7] =	ssyncset.done $0x0;
	s3 =	sshrl.u32 s3, $0x3  }
0x292: {  	[sflag:s7] =	ssyncadd.s32 $0xFFFFE780;
	s3 =	sadd.s32 s1, s3  }
0x293: {  	[tilespmem:s5], [sflag:$0x1] =	stream.linear.gather [hbm4b:s3+s5], $0xC400, $0x38;
	[tilespmem:$0x183C0] =	vst v63  }
.LBB2_104:
0x294: {  	[bflag:$0x0] =	sbarrier.arrive $0xFFFF;
	s3 =	simm.s32 $0xD800  }
0x295: {  	[tilespmem:s3], [sflag:$0x2] =	stream.indirect.gather [spmem:s4], $0x1, s11, s10, $0xb8;
	[tilespmem:$0x183C0] =	vst v63  }
0x296: {  	_ =	swait.ge [sflag:s24], $0x1000  }
0x297: {  	[sflag:s24] =	ssyncset.done $0x0  }
0x298: {  	[sflag:s24] =	ssyncadd.s32 $0xFFFFF000  }
0x299: {  	v0 =	vld [tilespmem:s20+$0x108C0]  }
0x29a: {  	v1 =	vld [tilespmem:s3+$0x0];
	_ =	sdelay $0x3  }
0x29b: {  	s22 =	simm.s32 $0x0  }
0x29c: {  	s25 =	sand.u32 $0x70, s22;
	s8 =	sand.u32 $0x1C00, s22;
	v1 =	vadd.f32 v1, v0  }
0x29d: {  	s3 =	sor.u32 s25, s8  }
0x29e: {  	s23 =	simm.s32 $0xD810;
	[tilespmem:s3+$0xEA00] =	vst v1  }
0x29f: {  	s25 =	simm.s32 $0x10;
	s3 =	simm.s32 $0x20;
	v1 =	vld [tilespmem:s23+$0x0]  }
.LBB2_105:
0x2a0: {  	p2 =	sne.s32 s3, $0x3F0;
	_ =	sdelay $0x2  }
.Ltmp53:
0x2a1: {  	s22 =	sadd.s32 $0x80, s22;
	(pc) =	sbr.rel @p2 .LBB2_105-.Ltmp53, $4  }
0x2a2: {  	s8 =	sand.u32 $0x70, s25;
	s25 =	smov.u32 s3;
	s12 =	sand.u32 $0x1C00, s22;
	v1 =	vadd.f32 v1, v0  }
0x2a3: {  	s8 =	sor.u32 s8, s12  }
0x2a4: {  	s23 =	sadd.s32 $0x10, s23;
	[tilespmem:s8+$0xEA00] =	vst v1  }
0x2a5: {  	s3 =	sadd.s32 $0x10, s3;
	v1 =	vld [tilespmem:s23+$0x0]  }
0x2a6: {  	_ =	sdelay $0x2  }
0x2a7: {  	s3 =	sadd.s32 $0x80, s22  }
0x2a8: {  	s8 =	sand.u32 $0x70, s25;
	s3 =	sand.u32 $0x1C00, s3;
	v0 =	vadd.f32 v1, v0  }
0x2a9: {  	s3 =	sor.u32 s8, s3  }
0x2aa: {  	s22 =	simm.s32 $0x0;
	[tilespmem:s3+$0xEA00] =	vst v0  }
0x2ab: {  	s8 =	sand.u32 $0x3F0, s22;
	v0 =	vld [tilespmem:s20+$0x108D0]  }
0x2ac: {  	v1 =	vld [tilespmem:s8+$0xDC00];
	_ =	sdelay $0x4  }
0x2ad: {  	s12 =	sand.u32 $0x70, s22;
	s25 =	sand.u32 $0x1C00, s22;
	v1 =	vadd.f32 v1, v0  }
0x2ae: {  	s23 =	simm.s32 $0x10;
	s8 =	sor.u32 s12, s25  }
0x2af: {  	s3 =	sand.u32 $0x3F0, s23;
	s25 =	simm.s32 $0x20;
	[tilespmem:s8+$0xEA80] =	vst v1  }
.LBB2_107:
0x2b0: {  	p2 =	sne.s32 s25, $0x3F0;
	v1 =	vld [tilespmem:s3+$0xDC00];
	_ =	sdelay $0x2  }
.Ltmp54:
0x2b1: {  	(pc) =	sbr.rel @p2 .LBB2_107-.Ltmp54, $4  }
0x2b2: {  	s22 =	sadd.s32 $0x80, s22  }
0x2b3: {  	s3 =	sand.u32 $0x70, s23;
	s23 =	smov.u32 s25;
	s8 =	sand.u32 $0x1C00, s22;
	v1 =	vadd.f32 v1, v0  }
0x2b4: {  	s8 =	sor.u32 s3, s8  }
0x2b5: {  	s25 =	sadd.s32 $0x10, s25;
	s3 =	sand.u32 $0x3F0, s23;
	[tilespmem:s8+$0xEA80] =	vst v1  }
0x2b6: {  	v1 =	vld [tilespmem:s3+$0xDC00];
	_ =	sdelay $0x3  }
0x2b7: {  	s25 =	sadd.s32 $0x80, s22  }
0x2b8: {  	s8 =	sand.u32 $0x70, s23;
	s3 =	sand.u32 $0x1C00, s25;
	v0 =	vadd.f32 v1, v0  }
0x2b9: {  	s3 =	sor.u32 s8, s3  }
0x2ba: {  	s22 =	simm.s32 $0x0;
	[tilespmem:s3+$0xEA80] =	vst v0  }
0x2bb: {  	s8 =	sand.u32 $0x3F0, s22;
	v0 =	vld [tilespmem:s20+$0x108E0]  }
0x2bc: {  	v1 =	vld [tilespmem:s8+$0xE000];
	_ =	sdelay $0x4  }
0x2bd: {  	s12 =	sand.u32 $0x70, s22;
	s25 =	sand.u32 $0x1C00, s22;
	v1 =	vadd.f32 v1, v0  }
0x2be: {  	s23 =	simm.s32 $0x10;
	s8 =	sor.u32 s12, s25  }
0x2bf: {  	s3 =	sand.u32 $0x3F0, s23;
	s25 =	simm.s32 $0x20;
	[tilespmem:s8+$0xEB00] =	vst v1  }
.LBB2_109:
0x2c0: {  	p2 =	sne.s32 s25, $0x3F0;
	v1 =	vld [tilespmem:s3+$0xE000];
	_ =	sdelay $0x2  }
.Ltmp55:
0x2c1: {  	(pc) =	sbr.rel @p2 .LBB2_109-.Ltmp55, $4  }
0x2c2: {  	s22 =	sadd.s32 $0x80, s22  }
0x2c3: {  	s3 =	sand.u32 $0x70, s23;
	s23 =	smov.u32 s25;
	s8 =	sand.u32 $0x1C00, s22;
	v1 =	vadd.f32 v1, v0  }
0x2c4: {  	s8 =	sor.u32 s3, s8  }
0x2c5: {  	s25 =	sadd.s32 $0x10, s25;
	s3 =	sand.u32 $0x3F0, s23;
	[tilespmem:s8+$0xEB00] =	vst v1  }
0x2c6: {  	v1 =	vld [tilespmem:s3+$0xE000];
	_ =	sdelay $0x3  }
0x2c7: {  	s22 =	sadd.s32 $0x80, s22  }
0x2c8: {  	s8 =	sand.u32 $0x70, s23;
	s3 =	sand.u32 $0x1C00, s22;
	v0 =	vadd.f32 v1, v0  }
0x2c9: {  	s3 =	sor.u32 s8, s3  }
0x2ca: {  	s22 =	simm.s32 $0x0;
	[tilespmem:s3+$0xEB00] =	vst v0  }
0x2cb: {  	s25 =	sand.u32 $0x3F0, s22;
	v0 =	vld [tilespmem:s20+$0x108F0]  }
0x2cc: {  	v1 =	vld [tilespmem:s25+$0xE400];
	_ =	sdelay $0x4  }
0x2cd: {  	s8 =	sor.u32 s22, s22;
	v1 =	vadd.f32 v1, v0  }
0x2ce: {  	s23 =	simm.s32 $0x10;
	s12 =	sor.u32 $0x380, s8  }
0x2cf: {  	s3 =	simm.s32 $0x20;
	s25 =	sand.u32 $0x3F0, s23;
	[tilespmem:s12+$0xE800] =	vst v1  }
.LBB2_111:
0x2d0: {  	p2 =	sne.s32 s3, $0x3F0;
	v1 =	vld [tilespmem:s25+$0xE400];
	_ =	sdelay $0x2  }
.Ltmp56:
0x2d1: {  	(pc) =	sbr.rel @p2 .LBB2_111-.Ltmp56, $4  }
0x2d2: {  	s22 =	sadd.s32 $0x80, s22  }
0x2d3: {  	s8 =	sor.u32 s22, s23;
	s23 =	smov.u32 s3;
	v1 =	vadd.f32 v1, v0  }
0x2d4: {  	s8 =	sor.u32 $0x380, s8  }
0x2d5: {  	s3 =	sadd.s32 $0x10, s3;
	s25 =	sand.u32 $0x3F0, s23;
	[tilespmem:s8+$0xE800] =	vst v1  }
0x2d6: {  	v1 =	vld [tilespmem:s25+$0xE400];
	_ =	sdelay $0x3  }
0x2d7: {  	s3 =	sadd.s32 $0x80, s22  }
0x2d8: {  	s3 =	sor.u32 s3, s23;
	v0 =	vadd.f32 v1, v0  }
0x2d9: {  	s3 =	sor.u32 $0x380, s3  }
0x2da: {  	[tilespmem:s3+$0xE800] =	vst v0  }
.Ltmp57:
0x2db: {  	s25 =	sadd.s32 s21, s31;
	[bflag:$0x0] =	sbarrier.arrive $0xFFFF;
	(pc) =	sbr.rel @p1 .LBB2_122-.Ltmp57, $4  }
0x2dc: {  	[hbm4b:s25+s5] =	stream.linear.scatter [tilespmem:s6], [sflag:$0x3], $0x2000, $0x38;
	[tilespmem:$0x183C0] =	vst v63  }
0x2dd: {  	_ =	swait.ge [sflag:s7], $0x2000  }
0x2de: {  	[sflag:s7] =	ssyncset.done $0x0  }
0x2df: {  	[sflag:s7] =	ssyncadd.s32 $0xFFFFE000  }
0x2e0: {  	_ =	swait.ge [sflag:s9], $0xB800  }
0x2e1: {  	[sflag:s9] =	ssyncset.done $0x0  }
0x2e2: {  	[sflag:s9] =	ssyncadd.s32 $0xFFFF4800  }
0x2e3: {  	_ =	swait.ge [sflag:s9], $0x400  }
0x2e4: {  	s3 =	simm.s32 $0x0;
	[sflag:s9] =	ssyncset.done $0x0  }
0x2e5: {  	s8 =	sadd.s32 $0x0, s15;
	s22 =	simm.s32 $0x200;
	[sflag:s9] =	ssyncadd.s32 $0xFFFFFC00  }
0x2e6: {  	[spmem:s8] =	stream.linear.scatter [tilespmem:s3], [sflag:$0x3], $0x80, $0x38;
	[tilespmem:$0x183C0] =	vst v63  }
.LBB2_114:
0x2e7: {  	p2 =	seq.s32 s22, $0x5C00  }
.Ltmp58:
0x2e8: {  	_ = 	snop;
	(pc) =	sbr.rel @!p2 .LBB2_114-.Ltmp58, $4  }
0x2e9: {  	_ = 	snop  }
0x2ea: {  	s8 =	sshra.s32 s22, $0x2;
	s22 =	sadd.s32 $0x200, s22  }
0x2eb: {  	s3 =	sadd.s32 $0x400, s3;
	s8 =	sadd.s32 s8, s15  }
0x2ec: {  	[spmem:s8] =	stream.linear.scatter [tilespmem:s3], [sflag:$0x3], $0x80, $0x38;
	[tilespmem:$0x183C0] =	vst v63  }
0x2ed: {  	_ =	swait.ge [sflag:s7], $0x1780  }
0x2ee: {  	s3 =	simm.s32 $0x80;
	[sflag:s7] =	ssyncset.done $0x0  }
0x2ef: {  	s8 =	sadd.s32 $0x0, s16;
	s22 =	simm.s32 $0x200;
	[sflag:s7] =	ssyncadd.s32 $0xFFFFE880  }
0x2f0: {  	[spmem:s8] =	stream.linear.scatter [tilespmem:s3], [sflag:$0x3], $0x80, $0x38;
	[tilespmem:$0x183C0] =	vst v63  }
.LBB2_116:
0x2f1: {  	p2 =	seq.s32 s22, $0x5C00  }
.Ltmp59:
0x2f2: {  	_ = 	snop;
	(pc) =	sbr.rel @!p2 .LBB2_116-.Ltmp59, $4  }
0x2f3: {  	_ = 	snop  }
0x2f4: {  	s8 =	sshra.s32 s22, $0x2;
	s22 =	sadd.s32 $0x200, s22  }
0x2f5: {  	s3 =	sadd.s32 $0x400, s3;
	s8 =	sadd.s32 s8, s16  }
0x2f6: {  	[spmem:s8] =	stream.linear.scatter [tilespmem:s3], [sflag:$0x3], $0x80, $0x38;
	[tilespmem:$0x183C0] =	vst v63  }
0x2f7: {  	_ =	swait.ge [sflag:s7], $0x1780  }
0x2f8: {  	s3 =	simm.s32 $0x100;
	[sflag:s7] =	ssyncset.done $0x0  }
0x2f9: {  	s8 =	sadd.s32 $0x0, s26;
	s22 =	simm.s32 $0x200;
	[sflag:s7] =	ssyncadd.s32 $0xFFFFE880  }
0x2fa: {  	[spmem:s8] =	stream.linear.scatter [tilespmem:s3], [sflag:$0x3], $0x80, $0x38;
	[tilespmem:$0x183C0] =	vst v63  }
.LBB2_118:
0x2fb: {  	p2 =	seq.s32 s22, $0x5C00  }
.Ltmp60:
0x2fc: {  	_ = 	snop;
	(pc) =	sbr.rel @!p2 .LBB2_118-.Ltmp60, $4  }
0x2fd: {  	_ = 	snop  }
0x2fe: {  	s8 =	sshra.s32 s22, $0x2;
	s22 =	sadd.s32 $0x200, s22  }
0x2ff: {  	s3 =	sadd.s32 $0x400, s3;
	s8 =	sadd.s32 s8, s26  }
0x300: {  	[spmem:s8] =	stream.linear.scatter [tilespmem:s3], [sflag:$0x3], $0x80, $0x38;
	[tilespmem:$0x183C0] =	vst v63  }
0x301: {  	_ =	swait.ge [sflag:s7], $0x1780  }
0x302: {  	s3 =	simm.s32 $0x180;
	[sflag:s7] =	ssyncset.done $0x0  }
0x303: {  	s8 =	sadd.s32 $0x0, s29;
	s22 =	simm.s32 $0x200;
	[sflag:s7] =	ssyncadd.s32 $0xFFFFE880  }
0x304: {  	[spmem:s8] =	stream.linear.scatter [tilespmem:s3], [sflag:$0x3], $0x80, $0x38;
	[tilespmem:$0x183C0] =	vst v63  }
.LBB2_120:
0x305: {  	p2 =	sne.s32 s22, $0x5C00  }
.Ltmp61:
0x306: {  	_ = 	snop;
	(pc) =	sbr.rel @p2 .LBB2_120-.Ltmp61, $4  }
0x307: {  	_ = 	snop  }
0x308: {  	s8 =	sshra.s32 s22, $0x2;
	s22 =	sadd.s32 $0x200, s22  }
0x309: {  	s3 =	sadd.s32 $0x400, s3;
	s8 =	sadd.s32 s8, s29  }
0x30a: {  	[spmem:s8] =	stream.linear.scatter [tilespmem:s3], [sflag:$0x3], $0x80, $0x38;
	[tilespmem:$0x183C0] =	vst v63  }
.Ltmp62:
0x30b: {  	(pc) =	sbr.rel .LBB2_131-.Ltmp62, $4  }
0x30c: {  	_ = 	snop  }
0x30d: {  	_ =	swait.ge [sflag:s7], $0x1780  }
0x30e: {  	[sflag:s7] =	ssyncset.done $0x0  }
0x30f: {  	[sflag:s7] =	ssyncadd.s32 $0xFFFFE880  }
.LBB2_122:
0x310: {  	_ =	swait.ge [sflag:s9], $0xC400  }
0x311: {  	s3 =	simm.s32 $0x0;
	[sflag:s9] =	ssyncset.done $0x0  }
0x312: {  	s8 =	sadd.s32 $0x0, s13;
	s22 =	simm.s32 $0x200;
	[sflag:s9] =	ssyncadd.s32 $0xFFFF3C00  }
0x313: {  	[spmem:s8] =	stream.linear.scatter [tilespmem:s3], [sflag:$0x3], $0x80, $0x38;
	[tilespmem:$0x183C0] =	vst v63  }
.LBB2_123:
0x314: {  	p2 =	sne.s32 s22, $0x6000  }
.Ltmp63:
0x315: {  	_ = 	snop;
	(pc) =	sbr.rel @p2 .LBB2_123-.Ltmp63, $4  }
0x316: {  	_ = 	snop  }
0x317: {  	s8 =	sshra.s32 s22, $0x2;
	s22 =	sadd.s32 $0x200, s22  }
0x318: {  	s3 =	sadd.s32 $0x400, s3;
	s8 =	sadd.s32 s8, s13  }
0x319: {  	[spmem:s8] =	stream.linear.scatter [tilespmem:s3], [sflag:$0x3], $0x80, $0x38;
	[tilespmem:$0x183C0] =	vst v63  }
0x31a: {  	_ =	swait.ge [sflag:s7], $0x1880  }
0x31b: {  	s3 =	simm.s32 $0x80;
	[sflag:s7] =	ssyncset.done $0x0  }
0x31c: {  	s8 =	sadd.s32 $0x0, s14;
	s22 =	simm.s32 $0x200;
	[sflag:s7] =	ssyncadd.s32 $0xFFFFE780  }
0x31d: {  	[spmem:s8] =	stream.linear.scatter [tilespmem:s3], [sflag:$0x3], $0x80, $0x38;
	[tilespmem:$0x183C0] =	vst v63  }
.LBB2_125:
0x31e: {  	p2 =	seq.s32 s22, $0x6000  }
.Ltmp64:
0x31f: {  	_ = 	snop;
	(pc) =	sbr.rel @!p2 .LBB2_125-.Ltmp64, $4  }
0x320: {  	_ = 	snop  }
0x321: {  	s8 =	sshra.s32 s22, $0x2;
	s22 =	sadd.s32 $0x200, s22  }
0x322: {  	s3 =	sadd.s32 $0x400, s3;
	s8 =	sadd.s32 s8, s14  }
0x323: {  	[spmem:s8] =	stream.linear.scatter [tilespmem:s3], [sflag:$0x3], $0x80, $0x38;
	[tilespmem:$0x183C0] =	vst v63  }
0x324: {  	_ =	swait.ge [sflag:s7], $0x1880  }
0x325: {  	s3 =	simm.s32 $0x100;
	[sflag:s7] =	ssyncset.done $0x0  }
0x326: {  	s8 =	sadd.s32 $0x0, s17;
	s22 =	simm.s32 $0x200;
	[sflag:s7] =	ssyncadd.s32 $0xFFFFE780  }
0x327: {  	[spmem:s8] =	stream.linear.scatter [tilespmem:s3], [sflag:$0x3], $0x80, $0x38;
	[tilespmem:$0x183C0] =	vst v63  }
.LBB2_127:
0x328: {  	p2 =	seq.s32 s22, $0x6000  }
.Ltmp65:
0x329: {  	_ = 	snop;
	(pc) =	sbr.rel @!p2 .LBB2_127-.Ltmp65, $4  }
0x32a: {  	_ = 	snop  }
0x32b: {  	s8 =	sshra.s32 s22, $0x2;
	s22 =	sadd.s32 $0x200, s22  }
0x32c: {  	s3 =	sadd.s32 $0x400, s3;
	s8 =	sadd.s32 s8, s17  }
0x32d: {  	[spmem:s8] =	stream.linear.scatter [tilespmem:s3], [sflag:$0x3], $0x80, $0x38;
	[tilespmem:$0x183C0] =	vst v63  }
0x32e: {  	_ =	swait.ge [sflag:s7], $0x1880  }
0x32f: {  	s3 =	simm.s32 $0x180;
	[sflag:s7] =	ssyncset.done $0x0  }
0x330: {  	s8 =	sadd.s32 $0x0, s28;
	s22 =	simm.s32 $0x200;
	[sflag:s7] =	ssyncadd.s32 $0xFFFFE780  }
0x331: {  	[spmem:s8] =	stream.linear.scatter [tilespmem:s3], [sflag:$0x3], $0x80, $0x38;
	[tilespmem:$0x183C0] =	vst v63  }
.LBB2_129:
0x332: {  	p2 =	sne.s32 s22, $0x6000  }
.Ltmp66:
0x333: {  	_ = 	snop;
	(pc) =	sbr.rel @p2 .LBB2_129-.Ltmp66, $4  }
0x334: {  	_ = 	snop  }
0x335: {  	s8 =	sshra.s32 s22, $0x2;
	s22 =	sadd.s32 $0x200, s22  }
0x336: {  	s3 =	sadd.s32 $0x400, s3;
	s8 =	sadd.s32 s8, s28  }
0x337: {  	[spmem:s8] =	stream.linear.scatter [tilespmem:s3], [sflag:$0x3], $0x80, $0x38;
	[tilespmem:$0x183C0] =	vst v63  }
0x338: {  	_ =	swait.ge [sflag:s7], $0x1880  }
0x339: {  	[sflag:s7] =	ssyncset.done $0x0  }
0x33a: {  	[sflag:s7] =	ssyncadd.s32 $0xFFFFE780  }
.LBB2_131:
0x33b: {  	[bflag:$0x0] =	sbarrier.arrive $0xFFFF;
	s3 =	simm.s32 $0xD800  }
0x33c: {  	[tilespmem:s3], [sflag:$0x2] =	stream.indirect.gather [spmem:s4], $0x1, s11, s10, $0xb8;
	[tilespmem:$0x183C0] =	vst v63  }
0x33d: {  	_ =	swait.ge [sflag:s24], $0x1000  }
0x33e: {  	[sflag:s24] =	ssyncset.done $0x0  }
0x33f: {  	[sflag:s24] =	ssyncadd.s32 $0xFFFFF000  }
0x340: {  	v0 =	vld [tilespmem:s20+$0x10900]  }
0x341: {  	v1 =	vld [tilespmem:s3+$0x0];
	_ =	sdelay $0x3  }
0x342: {  	s22 =	simm.s32 $0x0  }
0x343: {  	s25 =	sand.u32 $0x70, s22;
	s8 =	sand.u32 $0x1C00, s22;
	v1 =	vadd.f32 v1, v0  }
0x344: {  	s3 =	sor.u32 s25, s8  }
0x345: {  	s23 =	simm.s32 $0xD810;
	[tilespmem:s3+$0xE800] =	vst v1  }
0x346: {  	s25 =	simm.s32 $0x10;
	s3 =	simm.s32 $0x20;
	v1 =	vld [tilespmem:s23+$0x0]  }
.LBB2_132:
0x347: {  	p2 =	sne.s32 s3, $0x3F0;
	_ =	sdelay $0x2  }
.Ltmp67:
0x348: {  	s22 =	sadd.s32 $0x80, s22;
	(pc) =	sbr.rel @p2 .LBB2_132-.Ltmp67, $4  }
0x349: {  	s8 =	sand.u32 $0x70, s25;
	s25 =	smov.u32 s3;
	s12 =	sand.u32 $0x1C00, s22;
	v1 =	vadd.f32 v1, v0  }
0x34a: {  	s8 =	sor.u32 s8, s12  }
0x34b: {  	s23 =	sadd.s32 $0x10, s23;
	[tilespmem:s8+$0xE800] =	vst v1  }
0x34c: {  	s3 =	sadd.s32 $0x10, s3;
	v1 =	vld [tilespmem:s23+$0x0]  }
0x34d: {  	_ =	sdelay $0x2  }
0x34e: {  	s3 =	sadd.s32 $0x80, s22  }
0x34f: {  	s8 =	sand.u32 $0x70, s25;
	s3 =	sand.u32 $0x1C00, s3;
	v0 =	vadd.f32 v1, v0  }
0x350: {  	s3 =	sor.u32 s8, s3  }
0x351: {  	s22 =	simm.s32 $0x0;
	[tilespmem:s3+$0xE800] =	vst v0  }
0x352: {  	s8 =	sand.u32 $0x3F0, s22;
	v0 =	vld [tilespmem:s20+$0x10910]  }
0x353: {  	v1 =	vld [tilespmem:s8+$0xDC00];
	_ =	sdelay $0x4  }
0x354: {  	s12 =	sand.u32 $0x70, s22;
	s25 =	sand.u32 $0x1C00, s22;
	v1 =	vadd.f32 v1, v0  }
0x355: {  	s23 =	simm.s32 $0x10;
	s8 =	sor.u32 s12, s25  }
0x356: {  	s3 =	sand.u32 $0x3F0, s23;
	s25 =	simm.s32 $0x20;
	[tilespmem:s8+$0xE880] =	vst v1  }
.LBB2_134:
0x357: {  	p2 =	sne.s32 s25, $0x3F0;
	v1 =	vld [tilespmem:s3+$0xDC00];
	_ =	sdelay $0x2  }
.Ltmp68:
0x358: {  	(pc) =	sbr.rel @p2 .LBB2_134-.Ltmp68, $4  }
0x359: {  	s22 =	sadd.s32 $0x80, s22  }
0x35a: {  	s3 =	sand.u32 $0x70, s23;
	s23 =	smov.u32 s25;
	s8 =	sand.u32 $0x1C00, s22;
	v1 =	vadd.f32 v1, v0  }
0x35b: {  	s8 =	sor.u32 s3, s8  }
0x35c: {  	s25 =	sadd.s32 $0x10, s25;
	s3 =	sand.u32 $0x3F0, s23;
	[tilespmem:s8+$0xE880] =	vst v1  }
0x35d: {  	v1 =	vld [tilespmem:s3+$0xDC00];
	_ =	sdelay $0x3  }
0x35e: {  	s25 =	sadd.s32 $0x80, s22  }
0x35f: {  	s8 =	sand.u32 $0x70, s23;
	s3 =	sand.u32 $0x1C00, s25;
	v0 =	vadd.f32 v1, v0  }
0x360: {  	s3 =	sor.u32 s8, s3  }
0x361: {  	s22 =	simm.s32 $0x0;
	[tilespmem:s3+$0xE880] =	vst v0  }
0x362: {  	s8 =	sand.u32 $0x3F0, s22;
	v0 =	vld [tilespmem:s20+$0x10920]  }
0x363: {  	v1 =	vld [tilespmem:s8+$0xE000];
	_ =	sdelay $0x4  }
0x364: {  	s12 =	sand.u32 $0x70, s22;
	s25 =	sand.u32 $0x1C00, s22;
	v1 =	vadd.f32 v1, v0  }
0x365: {  	s23 =	simm.s32 $0x10;
	s8 =	sor.u32 s12, s25  }
0x366: {  	s3 =	sand.u32 $0x3F0, s23;
	s25 =	simm.s32 $0x20;
	[tilespmem:s8+$0xE900] =	vst v1  }
.LBB2_136:
0x367: {  	p2 =	sne.s32 s25, $0x3F0;
	v1 =	vld [tilespmem:s3+$0xE000];
	_ =	sdelay $0x2  }
.Ltmp69:
0x368: {  	(pc) =	sbr.rel @p2 .LBB2_136-.Ltmp69, $4  }
0x369: {  	s22 =	sadd.s32 $0x80, s22  }
0x36a: {  	s3 =	sand.u32 $0x70, s23;
	s23 =	smov.u32 s25;
	s8 =	sand.u32 $0x1C00, s22;
	v1 =	vadd.f32 v1, v0  }
0x36b: {  	s8 =	sor.u32 s3, s8  }
0x36c: {  	s25 =	sadd.s32 $0x10, s25;
	s3 =	sand.u32 $0x3F0, s23;
	[tilespmem:s8+$0xE900] =	vst v1  }
0x36d: {  	v1 =	vld [tilespmem:s3+$0xE000];
	_ =	sdelay $0x3  }
0x36e: {  	s25 =	sadd.s32 $0x80, s22  }
0x36f: {  	s8 =	sand.u32 $0x70, s23;
	s3 =	sand.u32 $0x1C00, s25;
	v0 =	vadd.f32 v1, v0  }
0x370: {  	s3 =	sor.u32 s8, s3  }
0x371: {  	s22 =	simm.s32 $0x0;
	[tilespmem:s3+$0xE900] =	vst v0  }
0x372: {  	s8 =	sand.u32 $0x3F0, s22;
	v0 =	vld [tilespmem:s20+$0x10930]  }
0x373: {  	v1 =	vld [tilespmem:s8+$0xE400];
	_ =	sdelay $0x4  }
0x374: {  	s12 =	sand.u32 $0x70, s22;
	s25 =	sand.u32 $0x1C00, s22;
	v1 =	vadd.f32 v1, v0  }
0x375: {  	s23 =	simm.s32 $0x10;
	s8 =	sor.u32 s12, s25  }
0x376: {  	s3 =	sand.u32 $0x3F0, s23;
	s25 =	simm.s32 $0x20;
	[tilespmem:s8+$0xE980] =	vst v1  }
.LBB2_138:
0x377: {  	p2 =	sne.s32 s25, $0x3F0;
	v1 =	vld [tilespmem:s3+$0xE400];
	_ =	sdelay $0x2  }
.Ltmp70:
0x378: {  	(pc) =	sbr.rel @p2 .LBB2_138-.Ltmp70, $4  }
0x379: {  	s22 =	sadd.s32 $0x80, s22  }
0x37a: {  	s3 =	sand.u32 $0x70, s23;
	s23 =	smov.u32 s25;
	s8 =	sand.u32 $0x1C00, s22;
	v1 =	vadd.f32 v1, v0  }
0x37b: {  	s8 =	sor.u32 s3, s8  }
0x37c: {  	s25 =	sadd.s32 $0x10, s25;
	s3 =	sand.u32 $0x3F0, s23;
	[tilespmem:s8+$0xE980] =	vst v1  }
0x37d: {  	v1 =	vld [tilespmem:s3+$0xE400];
	_ =	sdelay $0x3  }
0x37e: {  	s25 =	sadd.s32 $0x80, s22  }
.Ltmp71:
0x37f: {  	s8 =	sand.u32 $0x70, s23;
	s3 =	sand.u32 $0x1C00, s25;
	v0 =	vadd.f32 v1, v0;
	(pc) =	sbr.rel @!p0 .LBB2_140-.Ltmp71, $4  }
0x380: {  	s3 =	sor.u32 s8, s3  }
0x381: {  	[tilespmem:s3+$0xE980] =	vst v0  }
0x382: {  	s3 =	simm.s32 $0x0;
	[bflag:$0x0] =	sbarrier.arrive $0xFFFF  }
0x383: {  	s22 =	simm.s32 $0x200;
	s8 =	sshra.s32 s3, $0x2  }
0x384: {  	s8 =	sadd.s32 s8, s15;
	s3 =	sadd.s32 $0x200, s3  }
0x385: {  	[spmem:s8] =	stream.linear.scatter [tilespmem:s22], [sflag:$0x3], $0x80, $0x38;
	[tilespmem:$0x183C0] =	vst v63  }
.LBB2_150:
0x386: {  	p2 =	seq.s32 s3, $0x5C00  }
.Ltmp72:
0x387: {  	_ = 	snop;
	(pc) =	sbr.rel @!p2 .LBB2_150-.Ltmp72, $4  }
0x388: {  	_ = 	snop  }
0x389: {  	s8 =	sshra.s32 s3, $0x2;
	s3 =	sadd.s32 $0x200, s3  }
0x38a: {  	s22 =	sadd.s32 $0x400, s22;
	s8 =	sadd.s32 s8, s15  }
0x38b: {  	[spmem:s8] =	stream.linear.scatter [tilespmem:s22], [sflag:$0x3], $0x80, $0x38;
	[tilespmem:$0x183C0] =	vst v63  }
0x38c: {  	_ =	swait.ge [sflag:s7], $0x1780  }
0x38d: {  	s3 =	simm.s32 $0x280;
	[sflag:s7] =	ssyncset.done $0x0  }
0x38e: {  	s8 =	sadd.s32 $0x0, s16;
	s22 =	simm.s32 $0x200;
	[sflag:s7] =	ssyncadd.s32 $0xFFFFE880  }
0x38f: {  	[spmem:s8] =	stream.linear.scatter [tilespmem:s3], [sflag:$0x3], $0x80, $0x38;
	[tilespmem:$0x183C0] =	vst v63  }
.LBB2_152:
0x390: {  	p2 =	seq.s32 s22, $0x5C00  }
.Ltmp73:
0x391: {  	_ = 	snop;
	(pc) =	sbr.rel @!p2 .LBB2_152-.Ltmp73, $4  }
0x392: {  	_ = 	snop  }
0x393: {  	s8 =	sshra.s32 s22, $0x2;
	s22 =	sadd.s32 $0x200, s22  }
0x394: {  	s3 =	sadd.s32 $0x400, s3;
	s8 =	sadd.s32 s8, s16  }
0x395: {  	[spmem:s8] =	stream.linear.scatter [tilespmem:s3], [sflag:$0x3], $0x80, $0x38;
	[tilespmem:$0x183C0] =	vst v63  }
0x396: {  	_ =	swait.ge [sflag:s7], $0x1780  }
0x397: {  	s3 =	simm.s32 $0x300;
	[sflag:s7] =	ssyncset.done $0x0  }
0x398: {  	s8 =	sadd.s32 $0x0, s26;
	s22 =	simm.s32 $0x200;
	[sflag:s7] =	ssyncadd.s32 $0xFFFFE880  }
0x399: {  	[spmem:s8] =	stream.linear.scatter [tilespmem:s3], [sflag:$0x3], $0x80, $0x38;
	[tilespmem:$0x183C0] =	vst v63  }
.LBB2_154:
0x39a: {  	p2 =	seq.s32 s22, $0x5C00  }
.Ltmp74:
0x39b: {  	_ = 	snop;
	(pc) =	sbr.rel @!p2 .LBB2_154-.Ltmp74, $4  }
0x39c: {  	_ = 	snop  }
0x39d: {  	s8 =	sshra.s32 s22, $0x2;
	s22 =	sadd.s32 $0x200, s22  }
0x39e: {  	s3 =	sadd.s32 $0x400, s3;
	s8 =	sadd.s32 s8, s26  }
0x39f: {  	[spmem:s8] =	stream.linear.scatter [tilespmem:s3], [sflag:$0x3], $0x80, $0x38;
	[tilespmem:$0x183C0] =	vst v63  }
0x3a0: {  	_ =	swait.ge [sflag:s7], $0x1780  }
0x3a1: {  	s3 =	simm.s32 $0x380;
	[sflag:s7] =	ssyncset.done $0x0  }
0x3a2: {  	s8 =	sadd.s32 $0x0, s29;
	s22 =	simm.s32 $0x200;
	[sflag:s7] =	ssyncadd.s32 $0xFFFFE880  }
0x3a3: {  	[spmem:s8] =	stream.linear.scatter [tilespmem:s3], [sflag:$0x3], $0x80, $0x38;
	[tilespmem:$0x183C0] =	vst v63  }
.LBB2_156:
0x3a4: {  	p2 =	seq.s32 s22, $0x5C00  }
.Ltmp75:
0x3a5: {  	_ = 	snop;
	(pc) =	sbr.rel @!p2 .LBB2_156-.Ltmp75, $4  }
0x3a6: {  	_ = 	snop  }
0x3a7: {  	s8 =	sshra.s32 s22, $0x2;
	s22 =	sadd.s32 $0x200, s22  }
0x3a8: {  	s3 =	sadd.s32 $0x400, s3;
	s8 =	sadd.s32 s8, s29  }
0x3a9: {  	[spmem:s8] =	stream.linear.scatter [tilespmem:s3], [sflag:$0x3], $0x80, $0x38;
	[tilespmem:$0x183C0] =	vst v63  }
0x3aa: {  	s3 =	smul.u32 $0x30E000, s19;
	_ =	sdelay $0x1  }
0x3ab: {  	_ =	swait.ge [sflag:s7], $0x1780;
	s23 =	sshll.u32 s19, $0x9;
	s3 =	sshrl.u32 s3, $0x3  }
.Ltmp76:
0x3ac: {  	[sflag:s7] =	ssyncset.done $0x0;
	s3 =	sadd.s32 s1, s3;
	(pc) =	sbr.rel .LBB2_158-.Ltmp76, $4  }
0x3ad: {  	s8 =	rddreg [dreg:$0x11];
	[sflag:s7] =	ssyncadd.s32 $0xFFFFE880;
	s3 =	sadd.s32 $0x60480, s3  }
0x3ae: {  	[tilespmem:s5], [sflag:$0x1] =	stream.linear.gather [hbm4b:s3+s5], $0xB800, $0x38;
	[tilespmem:$0x183C0] =	vst v63  }
0x3af: {  	s25 =	simm.s32 $0xB800;
	s3 =	sadd.s32 s23, s8  }
0x3b0: {  	[tilespmem:s25], [sflag:$0x1] =	stream.linear.gather [hbm4b:s3+s5], $0x400, $0x38;
	[tilespmem:$0x183C0] =	vst v63  }
.LBB2_140:
0x3b1: {  	s8 =	sadd.s32 s8, s13;
	s3 =	sadd.s32 $0x200, s3  }
0x3b2: {  	[spmem:s8] =	stream.linear.scatter [tilespmem:s22], [sflag:$0x3], $0x80, $0x38;
	[tilespmem:$0x183C0] =	vst v63  }
.LBB2_141:
0x3b3: {  	p2 =	sne.s32 s3, $0x6000  }
.Ltmp77:
0x3b4: {  	_ = 	snop;
	(pc) =	sbr.rel @p2 .LBB2_141-.Ltmp77, $4  }
0x3b5: {  	_ = 	snop  }
0x3b6: {  	s8 =	sshra.s32 s3, $0x2;
	s3 =	sadd.s32 $0x200, s3  }
0x3b7: {  	s22 =	sadd.s32 $0x400, s22;
	s8 =	sadd.s32 s8, s13  }
0x3b8: {  	[spmem:s8] =	stream.linear.scatter [tilespmem:s22], [sflag:$0x3], $0x80, $0x38;
	[tilespmem:$0x183C0] =	vst v63  }
0x3b9: {  	_ =	swait.ge [sflag:s7], $0x1880  }
0x3ba: {  	s3 =	simm.s32 $0x280;
	[sflag:s7] =	ssyncset.done $0x0  }
0x3bb: {  	s8 =	sadd.s32 $0x0, s14;
	s22 =	simm.s32 $0x200;
	[sflag:s7] =	ssyncadd.s32 $0xFFFFE780  }
0x3bc: {  	[spmem:s8] =	stream.linear.scatter [tilespmem:s3], [sflag:$0x3], $0x80, $0x38;
	[tilespmem:$0x183C0] =	vst v63  }
.LBB2_143:
0x3bd: {  	p2 =	seq.s32 s22, $0x6000  }
.Ltmp78:
0x3be: {  	_ = 	snop;
	(pc) =	sbr.rel @!p2 .LBB2_143-.Ltmp78, $4  }
0x3bf: {  	_ = 	snop  }
0x3c0: {  	s8 =	sshra.s32 s22, $0x2;
	s22 =	sadd.s32 $0x200, s22  }
0x3c1: {  	s3 =	sadd.s32 $0x400, s3;
	s8 =	sadd.s32 s8, s14  }
0x3c2: {  	[spmem:s8] =	stream.linear.scatter [tilespmem:s3], [sflag:$0x3], $0x80, $0x38;
	[tilespmem:$0x183C0] =	vst v63  }
0x3c3: {  	_ =	swait.ge [sflag:s7], $0x1880  }
0x3c4: {  	s3 =	simm.s32 $0x300;
	[sflag:s7] =	ssyncset.done $0x0  }
0x3c5: {  	s8 =	sadd.s32 $0x0, s17;
	s22 =	simm.s32 $0x200;
	[sflag:s7] =	ssyncadd.s32 $0xFFFFE780  }
0x3c6: {  	[spmem:s8] =	stream.linear.scatter [tilespmem:s3], [sflag:$0x3], $0x80, $0x38;
	[tilespmem:$0x183C0] =	vst v63  }
.LBB2_145:
0x3c7: {  	p2 =	seq.s32 s22, $0x6000  }
.Ltmp79:
0x3c8: {  	_ = 	snop;
	(pc) =	sbr.rel @!p2 .LBB2_145-.Ltmp79, $4  }
0x3c9: {  	_ = 	snop  }
0x3ca: {  	s8 =	sshra.s32 s22, $0x2;
	s22 =	sadd.s32 $0x200, s22  }
0x3cb: {  	s3 =	sadd.s32 $0x400, s3;
	s8 =	sadd.s32 s8, s17  }
0x3cc: {  	[spmem:s8] =	stream.linear.scatter [tilespmem:s3], [sflag:$0x3], $0x80, $0x38;
	[tilespmem:$0x183C0] =	vst v63  }
0x3cd: {  	_ =	swait.ge [sflag:s7], $0x1880  }
0x3ce: {  	s3 =	simm.s32 $0x380;
	[sflag:s7] =	ssyncset.done $0x0  }
0x3cf: {  	s8 =	sadd.s32 $0x0, s28;
	s22 =	simm.s32 $0x200;
	[sflag:s7] =	ssyncadd.s32 $0xFFFFE780  }
0x3d0: {  	[spmem:s8] =	stream.linear.scatter [tilespmem:s3], [sflag:$0x3], $0x80, $0x38;
	[tilespmem:$0x183C0] =	vst v63  }
.LBB2_147:
0x3d1: {  	p2 =	seq.s32 s22, $0x6000  }
.Ltmp80:
0x3d2: {  	_ = 	snop;
	(pc) =	sbr.rel @!p2 .LBB2_147-.Ltmp80, $4  }
0x3d3: {  	_ = 	snop  }
0x3d4: {  	s8 =	sshra.s32 s22, $0x2;
	s22 =	sadd.s32 $0x200, s22  }
0x3d5: {  	s3 =	sadd.s32 $0x400, s3;
	s8 =	sadd.s32 s8, s28  }
0x3d6: {  	[spmem:s8] =	stream.linear.scatter [tilespmem:s3], [sflag:$0x3], $0x80, $0x38;
	[tilespmem:$0x183C0] =	vst v63  }
0x3d7: {  	s3 =	smul.u32 $0x30E000, s19;
	_ =	swait.ge [sflag:s7], $0x1880  }
0x3d8: {  	s8 =	rddreg [dreg:$0x10]  }
0x3d9: {  	s3 =	sadd.s32 s3, s8  }
0x3da: {  	[sflag:s7] =	ssyncset.done $0x0;
	s3 =	sshrl.u32 s3, $0x3  }
0x3db: {  	[sflag:s7] =	ssyncadd.s32 $0xFFFFE780;
	s3 =	sadd.s32 s1, s3  }
0x3dc: {  	[tilespmem:s5], [sflag:$0x1] =	stream.linear.gather [hbm4b:s3+s5], $0xC400, $0x38;
	[tilespmem:$0x183C0] =	vst v63  }
.LBB2_158:
0x3dd: {  	[bflag:$0x0] =	sbarrier.arrive $0xFFFF;
	s3 =	simm.s32 $0xD800  }
0x3de: {  	[tilespmem:s3], [sflag:$0x2] =	stream.indirect.gather [spmem:s4], $0x1, s11, s10, $0xb8;
	[tilespmem:$0x183C0] =	vst v63  }
0x3df: {  	_ =	swait.ge [sflag:s24], $0x1000  }
0x3e0: {  	[sflag:s24] =	ssyncset.done $0x0  }
0x3e1: {  	[sflag:s24] =	ssyncadd.s32 $0xFFFFF000  }
0x3e2: {  	v0 =	vld [tilespmem:s20+$0x10940]  }
0x3e3: {  	v1 =	vld [tilespmem:s3+$0x0];
	_ =	sdelay $0x3  }
0x3e4: {  	s22 =	simm.s32 $0x0  }
0x3e5: {  	s25 =	sand.u32 $0x70, s22;
	s8 =	sand.u32 $0x1C00, s22;
	v1 =	vadd.f32 v1, v0  }
0x3e6: {  	s3 =	sor.u32 s25, s8  }
0x3e7: {  	s23 =	simm.s32 $0xD810;
	[tilespmem:s3+$0xEA00] =	vst v1  }
0x3e8: {  	s25 =	simm.s32 $0x10;
	s3 =	simm.s32 $0x20;
	v1 =	vld [tilespmem:s23+$0x0]  }
.LBB2_159:
0x3e9: {  	p2 =	sne.s32 s3, $0x3F0;
	_ =	sdelay $0x2  }
.Ltmp81:
0x3ea: {  	s22 =	sadd.s32 $0x80, s22;
	(pc) =	sbr.rel @p2 .LBB2_159-.Ltmp81, $4  }
0x3eb: {  	s8 =	sand.u32 $0x70, s25;
	s25 =	smov.u32 s3;
	s12 =	sand.u32 $0x1C00, s22;
	v1 =	vadd.f32 v1, v0  }
0x3ec: {  	s8 =	sor.u32 s8, s12  }
0x3ed: {  	s23 =	sadd.s32 $0x10, s23;
	[tilespmem:s8+$0xEA00] =	vst v1  }
0x3ee: {  	s3 =	sadd.s32 $0x10, s3;
	v1 =	vld [tilespmem:s23+$0x0]  }
0x3ef: {  	_ =	sdelay $0x2  }
0x3f0: {  	s3 =	sadd.s32 $0x80, s22  }
0x3f1: {  	s8 =	sand.u32 $0x70, s25;
	s3 =	sand.u32 $0x1C00, s3;
	v0 =	vadd.f32 v1, v0  }
0x3f2: {  	s3 =	sor.u32 s8, s3  }
0x3f3: {  	s22 =	simm.s32 $0x0;
	[tilespmem:s3+$0xEA00] =	vst v0  }
0x3f4: {  	s8 =	sand.u32 $0x3F0, s22;
	v0 =	vld [tilespmem:s20+$0x10950]  }
0x3f5: {  	v1 =	vld [tilespmem:s8+$0xDC00];
	_ =	sdelay $0x4  }
0x3f6: {  	s12 =	sand.u32 $0x70, s22;
	s25 =	sand.u32 $0x1C00, s22;
	v1 =	vadd.f32 v1, v0  }
0x3f7: {  	s23 =	simm.s32 $0x10;
	s8 =	sor.u32 s12, s25  }
0x3f8: {  	s3 =	sand.u32 $0x3F0, s23;
	s25 =	simm.s32 $0x20;
	[tilespmem:s8+$0xEA80] =	vst v1  }
.LBB2_161:
0x3f9: {  	p2 =	sne.s32 s25, $0x3F0;
	v1 =	vld [tilespmem:s3+$0xDC00];
	_ =	sdelay $0x2  }
.Ltmp82:
0x3fa: {  	(pc) =	sbr.rel @p2 .LBB2_161-.Ltmp82, $4  }
0x3fb: {  	s22 =	sadd.s32 $0x80, s22  }
0x3fc: {  	s3 =	sand.u32 $0x70, s23;
	s23 =	smov.u32 s25;
	s8 =	sand.u32 $0x1C00, s22;
	v1 =	vadd.f32 v1, v0  }
0x3fd: {  	s8 =	sor.u32 s3, s8  }
0x3fe: {  	s25 =	sadd.s32 $0x10, s25;
	s3 =	sand.u32 $0x3F0, s23;
	[tilespmem:s8+$0xEA80] =	vst v1  }
0x3ff: {  	v1 =	vld [tilespmem:s3+$0xDC00];
	_ =	sdelay $0x3  }
0x400: {  	s25 =	sadd.s32 $0x80, s22  }
0x401: {  	s8 =	sand.u32 $0x70, s23;
	s3 =	sand.u32 $0x1C00, s25;
	v0 =	vadd.f32 v1, v0  }
0x402: {  	s3 =	sor.u32 s8, s3  }
0x403: {  	s22 =	simm.s32 $0x0;
	[tilespmem:s3+$0xEA80] =	vst v0  }
0x404: {  	s8 =	sand.u32 $0x3F0, s22;
	v0 =	vld [tilespmem:s20+$0x10960]  }
0x405: {  	v1 =	vld [tilespmem:s8+$0xE000];
	_ =	sdelay $0x4  }
0x406: {  	s12 =	sand.u32 $0x70, s22;
	s25 =	sand.u32 $0x1C00, s22;
	v1 =	vadd.f32 v1, v0  }
0x407: {  	s23 =	simm.s32 $0x10;
	s8 =	sor.u32 s12, s25  }
0x408: {  	s3 =	sand.u32 $0x3F0, s23;
	s25 =	simm.s32 $0x20;
	[tilespmem:s8+$0xEB00] =	vst v1  }
.LBB2_163:
0x409: {  	p2 =	sne.s32 s25, $0x3F0;
	v1 =	vld [tilespmem:s3+$0xE000];
	_ =	sdelay $0x2  }
.Ltmp83:
0x40a: {  	(pc) =	sbr.rel @p2 .LBB2_163-.Ltmp83, $4  }
0x40b: {  	s22 =	sadd.s32 $0x80, s22  }
0x40c: {  	s3 =	sand.u32 $0x70, s23;
	s23 =	smov.u32 s25;
	s8 =	sand.u32 $0x1C00, s22;
	v1 =	vadd.f32 v1, v0  }
0x40d: {  	s8 =	sor.u32 s3, s8  }
0x40e: {  	s25 =	sadd.s32 $0x10, s25;
	s3 =	sand.u32 $0x3F0, s23;
	[tilespmem:s8+$0xEB00] =	vst v1  }
0x40f: {  	v1 =	vld [tilespmem:s3+$0xE000];
	_ =	sdelay $0x3  }
0x410: {  	s22 =	sadd.s32 $0x80, s22  }
0x411: {  	s8 =	sand.u32 $0x70, s23;
	s3 =	sand.u32 $0x1C00, s22;
	v0 =	vadd.f32 v1, v0  }
0x412: {  	s3 =	sor.u32 s8, s3  }
0x413: {  	s22 =	simm.s32 $0x0;
	[tilespmem:s3+$0xEB00] =	vst v0  }
0x414: {  	s25 =	sand.u32 $0x3F0, s22;
	v0 =	vld [tilespmem:s20+$0x10970]  }
0x415: {  	v1 =	vld [tilespmem:s25+$0xE400];
	_ =	sdelay $0x4  }
0x416: {  	s8 =	sor.u32 s22, s22;
	v1 =	vadd.f32 v1, v0  }
0x417: {  	s23 =	simm.s32 $0x10;
	s12 =	sor.u32 $0x380, s8  }
0x418: {  	s3 =	simm.s32 $0x20;
	s25 =	sand.u32 $0x3F0, s23;
	[tilespmem:s12+$0xE800] =	vst v1  }
.LBB2_165:
0x419: {  	p2 =	sne.s32 s3, $0x3F0;
	v1 =	vld [tilespmem:s25+$0xE400];
	_ =	sdelay $0x2  }
.Ltmp84:
0x41a: {  	(pc) =	sbr.rel @p2 .LBB2_165-.Ltmp84, $4  }
0x41b: {  	s22 =	sadd.s32 $0x80, s22  }
0x41c: {  	s8 =	sor.u32 s22, s23;
	s23 =	smov.u32 s3;
	v1 =	vadd.f32 v1, v0  }
0x41d: {  	s8 =	sor.u32 $0x380, s8  }
0x41e: {  	s3 =	sadd.s32 $0x10, s3;
	s25 =	sand.u32 $0x3F0, s23;
	[tilespmem:s8+$0xE800] =	vst v1  }
0x41f: {  	v1 =	vld [tilespmem:s25+$0xE400];
	_ =	sdelay $0x3  }
0x420: {  	s3 =	sadd.s32 $0x80, s22  }
0x421: {  	s3 =	sor.u32 s3, s23;
	v0 =	vadd.f32 v1, v0  }
0x422: {  	s3 =	sor.u32 $0x380, s3  }
0x423: {  	[tilespmem:s3+$0xE800] =	vst v0  }
.Ltmp85:
0x424: {  	s25 =	sadd.s32 s21, s0;
	[bflag:$0x0] =	sbarrier.arrive $0xFFFF;
	(pc) =	sbr.rel @p1 .LBB2_176-.Ltmp85, $4  }
0x425: {  	[hbm4b:s25+s5] =	stream.linear.scatter [tilespmem:s6], [sflag:$0x3], $0x2000, $0x38;
	[tilespmem:$0x183C0] =	vst v63  }
0x426: {  	_ =	swait.ge [sflag:s7], $0x2000  }
0x427: {  	[sflag:s7] =	ssyncset.done $0x0  }
0x428: {  	[sflag:s7] =	ssyncadd.s32 $0xFFFFE000  }
0x429: {  	_ =	swait.ge [sflag:s9], $0xB800  }
0x42a: {  	[sflag:s9] =	ssyncset.done $0x0  }
0x42b: {  	[sflag:s9] =	ssyncadd.s32 $0xFFFF4800  }
0x42c: {  	_ =	swait.ge [sflag:s9], $0x400  }
0x42d: {  	s3 =	simm.s32 $0x0;
	[sflag:s9] =	ssyncset.done $0x0  }
0x42e: {  	s8 =	sadd.s32 $0x0, s15;
	s22 =	simm.s32 $0x200;
	[sflag:s9] =	ssyncadd.s32 $0xFFFFFC00  }
0x42f: {  	[spmem:s8] =	stream.linear.scatter [tilespmem:s3], [sflag:$0x3], $0x80, $0x38;
	[tilespmem:$0x183C0] =	vst v63  }
.LBB2_168:
0x430: {  	p2 =	seq.s32 s22, $0x5C00  }
.Ltmp86:
0x431: {  	_ = 	snop;
	(pc) =	sbr.rel @!p2 .LBB2_168-.Ltmp86, $4  }
0x432: {  	_ = 	snop  }
0x433: {  	s8 =	sshra.s32 s22, $0x2;
	s22 =	sadd.s32 $0x200, s22  }
0x434: {  	s3 =	sadd.s32 $0x400, s3;
	s8 =	sadd.s32 s8, s15  }
0x435: {  	[spmem:s8] =	stream.linear.scatter [tilespmem:s3], [sflag:$0x3], $0x80, $0x38;
	[tilespmem:$0x183C0] =	vst v63  }
0x436: {  	_ =	swait.ge [sflag:s7], $0x1780  }
0x437: {  	s3 =	simm.s32 $0x80;
	[sflag:s7] =	ssyncset.done $0x0  }
0x438: {  	s8 =	sadd.s32 $0x0, s16;
	s22 =	simm.s32 $0x200;
	[sflag:s7] =	ssyncadd.s32 $0xFFFFE880  }
0x439: {  	[spmem:s8] =	stream.linear.scatter [tilespmem:s3], [sflag:$0x3], $0x80, $0x38;
	[tilespmem:$0x183C0] =	vst v63  }
.LBB2_170:
0x43a: {  	p2 =	seq.s32 s22, $0x5C00  }
.Ltmp87:
0x43b: {  	_ = 	snop;
	(pc) =	sbr.rel @!p2 .LBB2_170-.Ltmp87, $4  }
0x43c: {  	_ = 	snop  }
0x43d: {  	s8 =	sshra.s32 s22, $0x2;
	s22 =	sadd.s32 $0x200, s22  }
0x43e: {  	s3 =	sadd.s32 $0x400, s3;
	s8 =	sadd.s32 s8, s16  }
0x43f: {  	[spmem:s8] =	stream.linear.scatter [tilespmem:s3], [sflag:$0x3], $0x80, $0x38;
	[tilespmem:$0x183C0] =	vst v63  }
0x440: {  	_ =	swait.ge [sflag:s7], $0x1780  }
0x441: {  	s3 =	simm.s32 $0x100;
	[sflag:s7] =	ssyncset.done $0x0  }
0x442: {  	s8 =	sadd.s32 $0x0, s26;
	s22 =	simm.s32 $0x200;
	[sflag:s7] =	ssyncadd.s32 $0xFFFFE880  }
0x443: {  	[spmem:s8] =	stream.linear.scatter [tilespmem:s3], [sflag:$0x3], $0x80, $0x38;
	[tilespmem:$0x183C0] =	vst v63  }
.LBB2_172:
0x444: {  	p2 =	seq.s32 s22, $0x5C00  }
.Ltmp88:
0x445: {  	_ = 	snop;
	(pc) =	sbr.rel @!p2 .LBB2_172-.Ltmp88, $4  }
0x446: {  	_ = 	snop  }
0x447: {  	s8 =	sshra.s32 s22, $0x2;
	s22 =	sadd.s32 $0x200, s22  }
0x448: {  	s3 =	sadd.s32 $0x400, s3;
	s8 =	sadd.s32 s8, s26  }
0x449: {  	[spmem:s8] =	stream.linear.scatter [tilespmem:s3], [sflag:$0x3], $0x80, $0x38;
	[tilespmem:$0x183C0] =	vst v63  }
0x44a: {  	_ =	swait.ge [sflag:s7], $0x1780  }
0x44b: {  	s3 =	simm.s32 $0x180;
	[sflag:s7] =	ssyncset.done $0x0  }
0x44c: {  	s8 =	sadd.s32 $0x0, s29;
	s22 =	simm.s32 $0x200;
	[sflag:s7] =	ssyncadd.s32 $0xFFFFE880  }
0x44d: {  	[spmem:s8] =	stream.linear.scatter [tilespmem:s3], [sflag:$0x3], $0x80, $0x38;
	[tilespmem:$0x183C0] =	vst v63  }
.LBB2_174:
0x44e: {  	p2 =	sne.s32 s22, $0x5C00  }
.Ltmp89:
0x44f: {  	_ = 	snop;
	(pc) =	sbr.rel @p2 .LBB2_174-.Ltmp89, $4  }
0x450: {  	_ = 	snop  }
0x451: {  	s8 =	sshra.s32 s22, $0x2;
	s22 =	sadd.s32 $0x200, s22  }
0x452: {  	s3 =	sadd.s32 $0x400, s3;
	s8 =	sadd.s32 s8, s29  }
0x453: {  	[spmem:s8] =	stream.linear.scatter [tilespmem:s3], [sflag:$0x3], $0x80, $0x38;
	[tilespmem:$0x183C0] =	vst v63  }
.Ltmp90:
0x454: {  	(pc) =	sbr.rel .LBB2_185-.Ltmp90, $4  }
0x455: {  	_ = 	snop  }
0x456: {  	_ =	swait.ge [sflag:s7], $0x1780  }
0x457: {  	[sflag:s7] =	ssyncset.done $0x0  }
0x458: {  	[sflag:s7] =	ssyncadd.s32 $0xFFFFE880  }
.LBB2_176:
0x459: {  	_ =	swait.ge [sflag:s9], $0xC400  }
0x45a: {  	s3 =	simm.s32 $0x0;
	[sflag:s9] =	ssyncset.done $0x0  }
0x45b: {  	s8 =	sadd.s32 $0x0, s13;
	s22 =	simm.s32 $0x200;
	[sflag:s9] =	ssyncadd.s32 $0xFFFF3C00  }
0x45c: {  	[spmem:s8] =	stream.linear.scatter [tilespmem:s3], [sflag:$0x3], $0x80, $0x38;
	[tilespmem:$0x183C0] =	vst v63  }
.LBB2_177:
0x45d: {  	p2 =	sne.s32 s22, $0x6000  }
.Ltmp91:
0x45e: {  	_ = 	snop;
	(pc) =	sbr.rel @p2 .LBB2_177-.Ltmp91, $4  }
0x45f: {  	_ = 	snop  }
0x460: {  	s8 =	sshra.s32 s22, $0x2;
	s22 =	sadd.s32 $0x200, s22  }
0x461: {  	s3 =	sadd.s32 $0x400, s3;
	s8 =	sadd.s32 s8, s13  }
0x462: {  	[spmem:s8] =	stream.linear.scatter [tilespmem:s3], [sflag:$0x3], $0x80, $0x38;
	[tilespmem:$0x183C0] =	vst v63  }
0x463: {  	_ =	swait.ge [sflag:s7], $0x1880  }
0x464: {  	s3 =	simm.s32 $0x80;
	[sflag:s7] =	ssyncset.done $0x0  }
0x465: {  	s8 =	sadd.s32 $0x0, s14;
	s22 =	simm.s32 $0x200;
	[sflag:s7] =	ssyncadd.s32 $0xFFFFE780  }
0x466: {  	[spmem:s8] =	stream.linear.scatter [tilespmem:s3], [sflag:$0x3], $0x80, $0x38;
	[tilespmem:$0x183C0] =	vst v63  }
.LBB2_179:
0x467: {  	p2 =	seq.s32 s22, $0x6000  }
.Ltmp92:
0x468: {  	_ = 	snop;
	(pc) =	sbr.rel @!p2 .LBB2_179-.Ltmp92, $4  }
0x469: {  	_ = 	snop  }
0x46a: {  	s8 =	sshra.s32 s22, $0x2;
	s22 =	sadd.s32 $0x200, s22  }
0x46b: {  	s3 =	sadd.s32 $0x400, s3;
	s8 =	sadd.s32 s8, s14  }
0x46c: {  	[spmem:s8] =	stream.linear.scatter [tilespmem:s3], [sflag:$0x3], $0x80, $0x38;
	[tilespmem:$0x183C0] =	vst v63  }
0x46d: {  	_ =	swait.ge [sflag:s7], $0x1880  }
0x46e: {  	s3 =	simm.s32 $0x100;
	[sflag:s7] =	ssyncset.done $0x0  }
0x46f: {  	s8 =	sadd.s32 $0x0, s17;
	s22 =	simm.s32 $0x200;
	[sflag:s7] =	ssyncadd.s32 $0xFFFFE780  }
0x470: {  	[spmem:s8] =	stream.linear.scatter [tilespmem:s3], [sflag:$0x3], $0x80, $0x38;
	[tilespmem:$0x183C0] =	vst v63  }
.LBB2_181:
0x471: {  	p2 =	seq.s32 s22, $0x6000  }
.Ltmp93:
0x472: {  	_ = 	snop;
	(pc) =	sbr.rel @!p2 .LBB2_181-.Ltmp93, $4  }
0x473: {  	_ = 	snop  }
0x474: {  	s8 =	sshra.s32 s22, $0x2;
	s22 =	sadd.s32 $0x200, s22  }
0x475: {  	s3 =	sadd.s32 $0x400, s3;
	s8 =	sadd.s32 s8, s17  }
0x476: {  	[spmem:s8] =	stream.linear.scatter [tilespmem:s3], [sflag:$0x3], $0x80, $0x38;
	[tilespmem:$0x183C0] =	vst v63  }
0x477: {  	_ =	swait.ge [sflag:s7], $0x1880  }
0x478: {  	s3 =	simm.s32 $0x180;
	[sflag:s7] =	ssyncset.done $0x0  }
0x479: {  	s8 =	sadd.s32 $0x0, s28;
	s22 =	simm.s32 $0x200;
	[sflag:s7] =	ssyncadd.s32 $0xFFFFE780  }
0x47a: {  	[spmem:s8] =	stream.linear.scatter [tilespmem:s3], [sflag:$0x3], $0x80, $0x38;
	[tilespmem:$0x183C0] =	vst v63  }
.LBB2_183:
0x47b: {  	p2 =	sne.s32 s22, $0x6000  }
.Ltmp94:
0x47c: {  	_ = 	snop;
	(pc) =	sbr.rel @p2 .LBB2_183-.Ltmp94, $4  }
0x47d: {  	_ = 	snop  }
0x47e: {  	s8 =	sshra.s32 s22, $0x2;
	s22 =	sadd.s32 $0x200, s22  }
0x47f: {  	s3 =	sadd.s32 $0x400, s3;
	s8 =	sadd.s32 s8, s28  }
0x480: {  	[spmem:s8] =	stream.linear.scatter [tilespmem:s3], [sflag:$0x3], $0x80, $0x38;
	[tilespmem:$0x183C0] =	vst v63  }
0x481: {  	_ =	swait.ge [sflag:s7], $0x1880  }
0x482: {  	[sflag:s7] =	ssyncset.done $0x0  }
0x483: {  	[sflag:s7] =	ssyncadd.s32 $0xFFFFE780  }
.LBB2_185:
0x484: {  	[bflag:$0x0] =	sbarrier.arrive $0xFFFF;
	s3 =	simm.s32 $0xD800  }
0x485: {  	[tilespmem:s3], [sflag:$0x2] =	stream.indirect.gather [spmem:s4], $0x1, s11, s10, $0xb8;
	[tilespmem:$0x183C0] =	vst v63  }
0x486: {  	_ =	swait.ge [sflag:s24], $0x1000  }
0x487: {  	[sflag:s24] =	ssyncset.done $0x0  }
0x488: {  	[sflag:s24] =	ssyncadd.s32 $0xFFFFF000  }
0x489: {  	v0 =	vld [tilespmem:s20+$0x10980]  }
0x48a: {  	v1 =	vld [tilespmem:s3+$0x0];
	_ =	sdelay $0x3  }
0x48b: {  	s22 =	simm.s32 $0x0  }
0x48c: {  	s25 =	sand.u32 $0x70, s22;
	s8 =	sand.u32 $0x1C00, s22;
	v1 =	vadd.f32 v1, v0  }
0x48d: {  	s3 =	sor.u32 s25, s8  }
0x48e: {  	s23 =	simm.s32 $0xD810;
	[tilespmem:s3+$0xE800] =	vst v1  }
0x48f: {  	s25 =	simm.s32 $0x10;
	s3 =	simm.s32 $0x20;
	v1 =	vld [tilespmem:s23+$0x0]  }
.LBB2_186:
0x490: {  	p2 =	sne.s32 s3, $0x3F0;
	_ =	sdelay $0x2  }
.Ltmp95:
0x491: {  	s22 =	sadd.s32 $0x80, s22;
	(pc) =	sbr.rel @p2 .LBB2_186-.Ltmp95, $4  }
0x492: {  	s8 =	sand.u32 $0x70, s25;
	s25 =	smov.u32 s3;
	s12 =	sand.u32 $0x1C00, s22;
	v1 =	vadd.f32 v1, v0  }
0x493: {  	s8 =	sor.u32 s8, s12  }
0x494: {  	s23 =	sadd.s32 $0x10, s23;
	[tilespmem:s8+$0xE800] =	vst v1  }
0x495: {  	s3 =	sadd.s32 $0x10, s3;
	v1 =	vld [tilespmem:s23+$0x0]  }
0x496: {  	_ =	sdelay $0x2  }
0x497: {  	s3 =	sadd.s32 $0x80, s22  }
0x498: {  	s8 =	sand.u32 $0x70, s25;
	s3 =	sand.u32 $0x1C00, s3;
	v0 =	vadd.f32 v1, v0  }
0x499: {  	s3 =	sor.u32 s8, s3  }
0x49a: {  	s22 =	simm.s32 $0x0;
	[tilespmem:s3+$0xE800] =	vst v0  }
0x49b: {  	s8 =	sand.u32 $0x3F0, s22;
	v0 =	vld [tilespmem:s20+$0x10990]  }
0x49c: {  	v1 =	vld [tilespmem:s8+$0xDC00];
	_ =	sdelay $0x4  }
0x49d: {  	s12 =	sand.u32 $0x70, s22;
	s25 =	sand.u32 $0x1C00, s22;
	v1 =	vadd.f32 v1, v0  }
0x49e: {  	s23 =	simm.s32 $0x10;
	s8 =	sor.u32 s12, s25  }
0x49f: {  	s3 =	sand.u32 $0x3F0, s23;
	s25 =	simm.s32 $0x20;
	[tilespmem:s8+$0xE880] =	vst v1  }
.LBB2_188:
0x4a0: {  	p2 =	sne.s32 s25, $0x3F0;
	v1 =	vld [tilespmem:s3+$0xDC00];
	_ =	sdelay $0x2  }
.Ltmp96:
0x4a1: {  	(pc) =	sbr.rel @p2 .LBB2_188-.Ltmp96, $4  }
0x4a2: {  	s22 =	sadd.s32 $0x80, s22  }
0x4a3: {  	s3 =	sand.u32 $0x70, s23;
	s23 =	smov.u32 s25;
	s8 =	sand.u32 $0x1C00, s22;
	v1 =	vadd.f32 v1, v0  }
0x4a4: {  	s8 =	sor.u32 s3, s8  }
0x4a5: {  	s25 =	sadd.s32 $0x10, s25;
	s3 =	sand.u32 $0x3F0, s23;
	[tilespmem:s8+$0xE880] =	vst v1  }
0x4a6: {  	v1 =	vld [tilespmem:s3+$0xDC00];
	_ =	sdelay $0x3  }
0x4a7: {  	s25 =	sadd.s32 $0x80, s22  }
0x4a8: {  	s8 =	sand.u32 $0x70, s23;
	s3 =	sand.u32 $0x1C00, s25;
	v0 =	vadd.f32 v1, v0  }
0x4a9: {  	s3 =	sor.u32 s8, s3  }
0x4aa: {  	s22 =	simm.s32 $0x0;
	[tilespmem:s3+$0xE880] =	vst v0  }
0x4ab: {  	s8 =	sand.u32 $0x3F0, s22;
	v0 =	vld [tilespmem:s20+$0x109A0]  }
0x4ac: {  	v1 =	vld [tilespmem:s8+$0xE000];
	_ =	sdelay $0x4  }
0x4ad: {  	s12 =	sand.u32 $0x70, s22;
	s25 =	sand.u32 $0x1C00, s22;
	v1 =	vadd.f32 v1, v0  }
0x4ae: {  	s23 =	simm.s32 $0x10;
	s8 =	sor.u32 s12, s25  }
0x4af: {  	s3 =	sand.u32 $0x3F0, s23;
	s25 =	simm.s32 $0x20;
	[tilespmem:s8+$0xE900] =	vst v1  }
.LBB2_190:
0x4b0: {  	p2 =	sne.s32 s25, $0x3F0;
	v1 =	vld [tilespmem:s3+$0xE000];
	_ =	sdelay $0x2  }
.Ltmp97:
0x4b1: {  	(pc) =	sbr.rel @p2 .LBB2_190-.Ltmp97, $4  }
0x4b2: {  	s22 =	sadd.s32 $0x80, s22  }
0x4b3: {  	s3 =	sand.u32 $0x70, s23;
	s23 =	smov.u32 s25;
	s8 =	sand.u32 $0x1C00, s22;
	v1 =	vadd.f32 v1, v0  }
0x4b4: {  	s8 =	sor.u32 s3, s8  }
0x4b5: {  	s25 =	sadd.s32 $0x10, s25;
	s3 =	sand.u32 $0x3F0, s23;
	[tilespmem:s8+$0xE900] =	vst v1  }
0x4b6: {  	v1 =	vld [tilespmem:s3+$0xE000];
	_ =	sdelay $0x3  }
0x4b7: {  	s25 =	sadd.s32 $0x80, s22  }
0x4b8: {  	s8 =	sand.u32 $0x70, s23;
	s3 =	sand.u32 $0x1C00, s25;
	v0 =	vadd.f32 v1, v0  }
0x4b9: {  	s3 =	sor.u32 s8, s3  }
0x4ba: {  	s22 =	simm.s32 $0x0;
	[tilespmem:s3+$0xE900] =	vst v0  }
0x4bb: {  	s8 =	sand.u32 $0x3F0, s22;
	v0 =	vld [tilespmem:s20+$0x109B0]  }
0x4bc: {  	v1 =	vld [tilespmem:s8+$0xE400];
	_ =	sdelay $0x4  }
0x4bd: {  	s12 =	sand.u32 $0x70, s22;
	s25 =	sand.u32 $0x1C00, s22;
	v1 =	vadd.f32 v1, v0  }
0x4be: {  	s23 =	simm.s32 $0x10;
	s8 =	sor.u32 s12, s25  }
0x4bf: {  	s3 =	sand.u32 $0x3F0, s23;
	s25 =	simm.s32 $0x20;
	[tilespmem:s8+$0xE980] =	vst v1  }
.LBB2_192:
0x4c0: {  	p2 =	sne.s32 s25, $0x3F0;
	v1 =	vld [tilespmem:s3+$0xE400];
	_ =	sdelay $0x2  }
.Ltmp98:
0x4c1: {  	(pc) =	sbr.rel @p2 .LBB2_192-.Ltmp98, $4  }
0x4c2: {  	s22 =	sadd.s32 $0x80, s22  }
0x4c3: {  	s3 =	sand.u32 $0x70, s23;
	s23 =	smov.u32 s25;
	s8 =	sand.u32 $0x1C00, s22;
	v1 =	vadd.f32 v1, v0  }
0x4c4: {  	s8 =	sor.u32 s3, s8  }
0x4c5: {  	s25 =	sadd.s32 $0x10, s25;
	s3 =	sand.u32 $0x3F0, s23;
	[tilespmem:s8+$0xE980] =	vst v1  }
0x4c6: {  	v1 =	vld [tilespmem:s3+$0xE400];
	_ =	sdelay $0x3  }
0x4c7: {  	s25 =	sadd.s32 $0x80, s22  }
.Ltmp99:
0x4c8: {  	s8 =	sand.u32 $0x70, s23;
	s3 =	sand.u32 $0x1C00, s25;
	v0 =	vadd.f32 v1, v0;
	(pc) =	sbr.rel @!p0 .LBB2_194-.Ltmp99, $4  }
0x4c9: {  	s3 =	sor.u32 s8, s3  }
0x4ca: {  	[tilespmem:s3+$0xE980] =	vst v0  }
0x4cb: {  	s3 =	simm.s32 $0x0;
	[bflag:$0x0] =	sbarrier.arrive $0xFFFF  }
0x4cc: {  	s22 =	simm.s32 $0x200;
	s8 =	sshra.s32 s3, $0x2  }
0x4cd: {  	s8 =	sadd.s32 s8, s15;
	s3 =	sadd.s32 $0x200, s3  }
0x4ce: {  	[spmem:s8] =	stream.linear.scatter [tilespmem:s22], [sflag:$0x3], $0x80, $0x38;
	[tilespmem:$0x183C0] =	vst v63  }
.LBB2_204:
0x4cf: {  	p2 =	seq.s32 s3, $0x5C00  }
.Ltmp100:
0x4d0: {  	_ = 	snop;
	(pc) =	sbr.rel @!p2 .LBB2_204-.Ltmp100, $4  }
0x4d1: {  	_ = 	snop  }
0x4d2: {  	s8 =	sshra.s32 s3, $0x2;
	s3 =	sadd.s32 $0x200, s3  }
0x4d3: {  	s22 =	sadd.s32 $0x400, s22;
	s8 =	sadd.s32 s8, s15  }
0x4d4: {  	[spmem:s8] =	stream.linear.scatter [tilespmem:s22], [sflag:$0x3], $0x80, $0x38;
	[tilespmem:$0x183C0] =	vst v63  }
0x4d5: {  	_ =	swait.ge [sflag:s7], $0x1780  }
0x4d6: {  	s3 =	simm.s32 $0x280;
	[sflag:s7] =	ssyncset.done $0x0  }
0x4d7: {  	s8 =	sadd.s32 $0x0, s16;
	s22 =	simm.s32 $0x200;
	[sflag:s7] =	ssyncadd.s32 $0xFFFFE880  }
0x4d8: {  	[spmem:s8] =	stream.linear.scatter [tilespmem:s3], [sflag:$0x3], $0x80, $0x38;
	[tilespmem:$0x183C0] =	vst v63  }
.LBB2_206:
0x4d9: {  	p2 =	seq.s32 s22, $0x5C00  }
.Ltmp101:
0x4da: {  	_ = 	snop;
	(pc) =	sbr.rel @!p2 .LBB2_206-.Ltmp101, $4  }
0x4db: {  	_ = 	snop  }
0x4dc: {  	s8 =	sshra.s32 s22, $0x2;
	s22 =	sadd.s32 $0x200, s22  }
0x4dd: {  	s3 =	sadd.s32 $0x400, s3;
	s8 =	sadd.s32 s8, s16  }
0x4de: {  	[spmem:s8] =	stream.linear.scatter [tilespmem:s3], [sflag:$0x3], $0x80, $0x38;
	[tilespmem:$0x183C0] =	vst v63  }
0x4df: {  	_ =	swait.ge [sflag:s7], $0x1780  }
0x4e0: {  	s3 =	simm.s32 $0x300;
	[sflag:s7] =	ssyncset.done $0x0  }
0x4e1: {  	s8 =	sadd.s32 $0x0, s26;
	s22 =	simm.s32 $0x200;
	[sflag:s7] =	ssyncadd.s32 $0xFFFFE880  }
0x4e2: {  	[spmem:s8] =	stream.linear.scatter [tilespmem:s3], [sflag:$0x3], $0x80, $0x38;
	[tilespmem:$0x183C0] =	vst v63  }
.LBB2_208:
0x4e3: {  	p2 =	seq.s32 s22, $0x5C00  }
.Ltmp102:
0x4e4: {  	_ = 	snop;
	(pc) =	sbr.rel @!p2 .LBB2_208-.Ltmp102, $4  }
0x4e5: {  	_ = 	snop  }
0x4e6: {  	s8 =	sshra.s32 s22, $0x2;
	s22 =	sadd.s32 $0x200, s22  }
0x4e7: {  	s3 =	sadd.s32 $0x400, s3;
	s8 =	sadd.s32 s8, s26  }
0x4e8: {  	[spmem:s8] =	stream.linear.scatter [tilespmem:s3], [sflag:$0x3], $0x80, $0x38;
	[tilespmem:$0x183C0] =	vst v63  }
0x4e9: {  	_ =	swait.ge [sflag:s7], $0x1780  }
0x4ea: {  	s3 =	simm.s32 $0x380;
	[sflag:s7] =	ssyncset.done $0x0  }
0x4eb: {  	s8 =	sadd.s32 $0x0, s29;
	s22 =	simm.s32 $0x200;
	[sflag:s7] =	ssyncadd.s32 $0xFFFFE880  }
0x4ec: {  	[spmem:s8] =	stream.linear.scatter [tilespmem:s3], [sflag:$0x3], $0x80, $0x38;
	[tilespmem:$0x183C0] =	vst v63  }
.LBB2_210:
0x4ed: {  	p2 =	sne.s32 s22, $0x5C00  }
.Ltmp103:
0x4ee: {  	_ = 	snop;
	(pc) =	sbr.rel @p2 .LBB2_210-.Ltmp103, $4  }
0x4ef: {  	_ = 	snop  }
0x4f0: {  	s8 =	sshra.s32 s22, $0x2;
	s22 =	sadd.s32 $0x200, s22  }
0x4f1: {  	s3 =	sadd.s32 $0x400, s3;
	s8 =	sadd.s32 s8, s29  }
0x4f2: {  	[spmem:s8] =	stream.linear.scatter [tilespmem:s3], [sflag:$0x3], $0x80, $0x38;
	[tilespmem:$0x183C0] =	vst v63  }
0x4f3: {  	p2 =	seq.s32 s18, $0xC  }
0x4f4: {  	s3 =	sadd.s32 @!p2 $0x1, s19  }
0x4f5: {  	s8 =	smul.u32 @!p2 $0x30E000, s3;
	_ =	sdelay $0x1  }
0x4f6: {  	_ =	swait.ge [sflag:s7], $0x1780;
	s8 =	sshrl.u32 @!p2 s8, $0x3  }
0x4f7: {  	[sflag:s7] =	ssyncset.done $0x0;
	s12 =	simm.s32 @!p2 $0x0;
	s8 =	sadd.s32 @!p2 s1, s8  }
.Ltmp104:
0x4f8: {  	[sflag:s7] =	ssyncadd.s32 $0xFFFFE880;
	s8 =	sadd.s32 @!p2 $0x16F80, s8;
	(pc) =	sbr.rel .LBB2_212-.Ltmp104, $4  }
0x4f9: {  	[tilespmem:s12], [sflag:$0x1] =	stream.linear.gather @!p2 [hbm4b:s8+s12], $0xB800, $0x38;
	[tilespmem:$0x183C0] =	vst v63  }
0x4fa: {  	s3 =	sshll.u32 @!p2 s3, $0x9;
	s8 =	rddreg [dreg:$0x5]  }
0x4fb: {  	s3 =	sadd.s32 @!p2 s8, s3;
	s8 =	simm.s32 @!p2 $0xB800  }
0x4fc: {  	[tilespmem:s8], [sflag:$0x1] =	stream.linear.gather @!p2 [hbm4b:s3+s12], $0x400, $0x38;
	[tilespmem:$0x183C0] =	vst v63  }
.LBB2_194:
0x4fd: {  	s8 =	sadd.s32 s8, s13;
	s3 =	sadd.s32 $0x200, s3  }
0x4fe: {  	[spmem:s8] =	stream.linear.scatter [tilespmem:s22], [sflag:$0x3], $0x80, $0x38;
	[tilespmem:$0x183C0] =	vst v63  }
.LBB2_195:
0x4ff: {  	p2 =	sne.s32 s3, $0x6000  }
.Ltmp105:
0x500: {  	_ = 	snop;
	(pc) =	sbr.rel @p2 .LBB2_195-.Ltmp105, $4  }
0x501: {  	_ = 	snop  }
0x502: {  	s8 =	sshra.s32 s3, $0x2;
	s3 =	sadd.s32 $0x200, s3  }
0x503: {  	s22 =	sadd.s32 $0x400, s22;
	s8 =	sadd.s32 s8, s13  }
0x504: {  	[spmem:s8] =	stream.linear.scatter [tilespmem:s22], [sflag:$0x3], $0x80, $0x38;
	[tilespmem:$0x183C0] =	vst v63  }
0x505: {  	_ =	swait.ge [sflag:s7], $0x1880  }
0x506: {  	s3 =	simm.s32 $0x280;
	[sflag:s7] =	ssyncset.done $0x0  }
0x507: {  	s8 =	sadd.s32 $0x0, s14;
	s22 =	simm.s32 $0x200;
	[sflag:s7] =	ssyncadd.s32 $0xFFFFE780  }
0x508: {  	[spmem:s8] =	stream.linear.scatter [tilespmem:s3], [sflag:$0x3], $0x80, $0x38;
	[tilespmem:$0x183C0] =	vst v63  }
.LBB2_197:
0x509: {  	p2 =	seq.s32 s22, $0x6000  }
.Ltmp106:
0x50a: {  	_ = 	snop;
	(pc) =	sbr.rel @!p2 .LBB2_197-.Ltmp106, $4  }
0x50b: {  	_ = 	snop  }
0x50c: {  	s8 =	sshra.s32 s22, $0x2;
	s22 =	sadd.s32 $0x200, s22  }
0x50d: {  	s3 =	sadd.s32 $0x400, s3;
	s8 =	sadd.s32 s8, s14  }
0x50e: {  	[spmem:s8] =	stream.linear.scatter [tilespmem:s3], [sflag:$0x3], $0x80, $0x38;
	[tilespmem:$0x183C0] =	vst v63  }
0x50f: {  	_ =	swait.ge [sflag:s7], $0x1880  }
0x510: {  	s3 =	simm.s32 $0x300;
	[sflag:s7] =	ssyncset.done $0x0  }
0x511: {  	s8 =	sadd.s32 $0x0, s17;
	s22 =	simm.s32 $0x200;
	[sflag:s7] =	ssyncadd.s32 $0xFFFFE780  }
0x512: {  	[spmem:s8] =	stream.linear.scatter [tilespmem:s3], [sflag:$0x3], $0x80, $0x38;
	[tilespmem:$0x183C0] =	vst v63  }
.LBB2_199:
0x513: {  	p2 =	seq.s32 s22, $0x6000  }
.Ltmp107:
0x514: {  	_ = 	snop;
	(pc) =	sbr.rel @!p2 .LBB2_199-.Ltmp107, $4  }
0x515: {  	_ = 	snop  }
0x516: {  	s8 =	sshra.s32 s22, $0x2;
	s22 =	sadd.s32 $0x200, s22  }
0x517: {  	s3 =	sadd.s32 $0x400, s3;
	s8 =	sadd.s32 s8, s17  }
0x518: {  	[spmem:s8] =	stream.linear.scatter [tilespmem:s3], [sflag:$0x3], $0x80, $0x38;
	[tilespmem:$0x183C0] =	vst v63  }
0x519: {  	_ =	swait.ge [sflag:s7], $0x1880  }
0x51a: {  	s3 =	simm.s32 $0x380;
	[sflag:s7] =	ssyncset.done $0x0  }
0x51b: {  	s8 =	sadd.s32 $0x0, s28;
	s22 =	simm.s32 $0x200;
	[sflag:s7] =	ssyncadd.s32 $0xFFFFE780  }
0x51c: {  	[spmem:s8] =	stream.linear.scatter [tilespmem:s3], [sflag:$0x3], $0x80, $0x38;
	[tilespmem:$0x183C0] =	vst v63  }
.LBB2_201:
0x51d: {  	p2 =	seq.s32 s22, $0x6000  }
.Ltmp108:
0x51e: {  	_ = 	snop;
	(pc) =	sbr.rel @!p2 .LBB2_201-.Ltmp108, $4  }
0x51f: {  	_ = 	snop  }
0x520: {  	s8 =	sshra.s32 s22, $0x2;
	s22 =	sadd.s32 $0x200, s22  }
0x521: {  	s3 =	sadd.s32 $0x400, s3;
	s8 =	sadd.s32 s8, s28  }
0x522: {  	[spmem:s8] =	stream.linear.scatter [tilespmem:s3], [sflag:$0x3], $0x80, $0x38;
	[tilespmem:$0x183C0] =	vst v63  }
0x523: {  	p2 =	seq.s32 s18, $0xC  }
0x524: {  	_ =	swait.ge [sflag:s7], $0x1880;
	s3 =	smul.u32 @!p2 $0x30E000, s19  }
0x525: {  	s8 =	rddreg [dreg:$0x13]  }
0x526: {  	s3 =	sadd.s32 @!p2 s8, s3  }
0x527: {  	[sflag:s7] =	ssyncset.done $0x0;
	s3 =	sshrl.u32 @!p2 s3, $0x3  }
0x528: {  	[sflag:s7] =	ssyncadd.s32 $0xFFFFE780;
	s8 =	simm.s32 @!p2 $0x0;
	s3 =	sadd.s32 @!p2 s1, s3  }
0x529: {  	[tilespmem:s8], [sflag:$0x1] =	stream.linear.gather @!p2 [hbm4b:s3+s8], $0xC400, $0x38;
	[tilespmem:$0x183C0] =	vst v63  }
.LBB2_212:
0x52a: {  	[bflag:$0x0] =	sbarrier.arrive $0xFFFF;
	s3 =	simm.s32 $0xD800  }
0x52b: {  	[tilespmem:s3], [sflag:$0x2] =	stream.indirect.gather [spmem:s4], $0x1, s11, s10, $0xb8;
	[tilespmem:$0x183C0] =	vst v63  }
0x52c: {  	_ =	swait.ge [sflag:s24], $0x1000  }
0x52d: {  	[sflag:s24] =	ssyncset.done $0x0  }
0x52e: {  	[sflag:s24] =	ssyncadd.s32 $0xFFFFF000  }
0x52f: {  	v0 =	vld [tilespmem:s20+$0x109C0]  }
0x530: {  	v1 =	vld [tilespmem:s3+$0x0];
	_ =	sdelay $0x3  }
0x531: {  	s19 =	simm.s32 $0x0  }
0x532: {  	s25 =	sand.u32 $0x70, s19;
	s8 =	sand.u32 $0x1C00, s19;
	v1 =	vadd.f32 v1, v0  }
0x533: {  	s3 =	sor.u32 s25, s8  }
0x534: {  	s22 =	simm.s32 $0xD810;
	[tilespmem:s3+$0xEA00] =	vst v1  }
0x535: {  	s23 =	simm.s32 $0x10;
	s3 =	simm.s32 $0x20;
	v1 =	vld [tilespmem:s22+$0x0]  }
.LBB2_213:
0x536: {  	p2 =	sne.s32 s3, $0x3F0;
	_ =	sdelay $0x2  }
.Ltmp109:
0x537: {  	s19 =	sadd.s32 $0x80, s19;
	(pc) =	sbr.rel @p2 .LBB2_213-.Ltmp109, $4  }
0x538: {  	s8 =	sand.u32 $0x70, s23;
	s23 =	smov.u32 s3;
	s12 =	sand.u32 $0x1C00, s19;
	v1 =	vadd.f32 v1, v0  }
0x539: {  	s8 =	sor.u32 s8, s12  }
0x53a: {  	s22 =	sadd.s32 $0x10, s22;
	[tilespmem:s8+$0xEA00] =	vst v1  }
0x53b: {  	s3 =	sadd.s32 $0x10, s3;
	v1 =	vld [tilespmem:s22+$0x0]  }
0x53c: {  	_ =	sdelay $0x2  }
0x53d: {  	s3 =	sadd.s32 $0x80, s19  }
0x53e: {  	s8 =	sand.u32 $0x70, s23;
	s3 =	sand.u32 $0x1C00, s3;
	v0 =	vadd.f32 v1, v0  }
0x53f: {  	s3 =	sor.u32 s8, s3  }
0x540: {  	s19 =	simm.s32 $0x0;
	[tilespmem:s3+$0xEA00] =	vst v0  }
0x541: {  	s22 =	sand.u32 $0x3F0, s19;
	v0 =	vld [tilespmem:s20+$0x109D0]  }
0x542: {  	v1 =	vld [tilespmem:s22+$0xDC00];
	_ =	sdelay $0x4  }
0x543: {  	s23 =	sand.u32 $0x70, s19;
	s25 =	sand.u32 $0x1C00, s19;
	v1 =	vadd.f32 v1, v0  }
0x544: {  	s8 =	sor.u32 s23, s25;
	s22 =	simm.s32 $0x10  }
0x545: {  	s23 =	simm.s32 $0x20;
	s3 =	sand.u32 $0x3F0, s22;
	[tilespmem:s8+$0xEA80] =	vst v1  }
.LBB2_215:
0x546: {  	p2 =	sne.s32 s23, $0x3F0;
	v1 =	vld [tilespmem:s3+$0xDC00];
	_ =	sdelay $0x2  }
.Ltmp110:
0x547: {  	(pc) =	sbr.rel @p2 .LBB2_215-.Ltmp110, $4  }
0x548: {  	s19 =	sadd.s32 $0x80, s19  }
0x549: {  	s3 =	sand.u32 $0x70, s22;
	s22 =	smov.u32 s23;
	s8 =	sand.u32 $0x1C00, s19;
	v1 =	vadd.f32 v1, v0  }
0x54a: {  	s8 =	sor.u32 s3, s8  }
0x54b: {  	s23 =	sadd.s32 $0x10, s23;
	s3 =	sand.u32 $0x3F0, s22;
	[tilespmem:s8+$0xEA80] =	vst v1  }
0x54c: {  	v1 =	vld [tilespmem:s3+$0xDC00];
	_ =	sdelay $0x3  }
0x54d: {  	s19 =	sadd.s32 $0x80, s19  }
0x54e: {  	s8 =	sand.u32 $0x70, s22;
	s3 =	sand.u32 $0x1C00, s19;
	v0 =	vadd.f32 v1, v0  }
0x54f: {  	s3 =	sor.u32 s8, s3  }
0x550: {  	s19 =	simm.s32 $0x0;
	[tilespmem:s3+$0xEA80] =	vst v0  }
0x551: {  	s22 =	sand.u32 $0x3F0, s19;
	v0 =	vld [tilespmem:s20+$0x109E0]  }
0x552: {  	v1 =	vld [tilespmem:s22+$0xE000];
	_ =	sdelay $0x4  }
0x553: {  	s23 =	sand.u32 $0x70, s19;
	s25 =	sand.u32 $0x1C00, s19;
	v1 =	vadd.f32 v1, v0  }
0x554: {  	s8 =	sor.u32 s23, s25;
	s22 =	simm.s32 $0x10  }
0x555: {  	s23 =	simm.s32 $0x20;
	s3 =	sand.u32 $0x3F0, s22;
	[tilespmem:s8+$0xEB00] =	vst v1  }
.LBB2_217:
0x556: {  	p2 =	sne.s32 s23, $0x3F0;
	v1 =	vld [tilespmem:s3+$0xE000];
	_ =	sdelay $0x2  }
.Ltmp111:
0x557: {  	(pc) =	sbr.rel @p2 .LBB2_217-.Ltmp111, $4  }
0x558: {  	s19 =	sadd.s32 $0x80, s19  }
0x559: {  	s3 =	sand.u32 $0x70, s22;
	s22 =	smov.u32 s23;
	s8 =	sand.u32 $0x1C00, s19;
	v1 =	vadd.f32 v1, v0  }
0x55a: {  	s8 =	sor.u32 s3, s8  }
0x55b: {  	s23 =	sadd.s32 $0x10, s23;
	s3 =	sand.u32 $0x3F0, s22;
	[tilespmem:s8+$0xEB00] =	vst v1  }
0x55c: {  	v1 =	vld [tilespmem:s3+$0xE000];
	_ =	sdelay $0x3  }
0x55d: {  	s19 =	sadd.s32 $0x80, s19  }
0x55e: {  	s8 =	sand.u32 $0x70, s22;
	s3 =	sand.u32 $0x1C00, s19;
	v0 =	vadd.f32 v1, v0  }
0x55f: {  	s3 =	sor.u32 s8, s3  }
0x560: {  	s19 =	simm.s32 $0x0;
	[tilespmem:s3+$0xEB00] =	vst v0  }
0x561: {  	s22 =	sand.u32 $0x3F0, s19;
	v0 =	vld [tilespmem:s20+$0x109F0]  }
0x562: {  	v1 =	vld [tilespmem:s22+$0xE400];
	_ =	sdelay $0x4  }
0x563: {  	s23 =	sor.u32 s19, s19;
	v1 =	vadd.f32 v1, v0  }
0x564: {  	s25 =	sor.u32 $0x380, s23;
	s20 =	simm.s32 $0x10  }
0x565: {  	s3 =	simm.s32 $0x20;
	s22 =	sand.u32 $0x3F0, s20;
	[tilespmem:s25+$0xE800] =	vst v1  }
.LBB2_219:
0x566: {  	p2 =	sne.s32 s3, $0x3F0;
	v1 =	vld [tilespmem:s22+$0xE400];
	_ =	sdelay $0x2  }
.Ltmp112:
0x567: {  	(pc) =	sbr.rel @p2 .LBB2_219-.Ltmp112, $4  }
0x568: {  	s19 =	sadd.s32 $0x80, s19  }
0x569: {  	s8 =	sor.u32 s19, s20;
	s20 =	smov.u32 s3;
	v1 =	vadd.f32 v1, v0  }
0x56a: {  	s8 =	sor.u32 $0x380, s8  }
0x56b: {  	s3 =	sadd.s32 $0x10, s3;
	s22 =	sand.u32 $0x3F0, s20;
	[tilespmem:s8+$0xE800] =	vst v1  }
0x56c: {  	v1 =	vld [tilespmem:s22+$0xE400];
	_ =	sdelay $0x3  }
0x56d: {  	s3 =	sadd.s32 $0x80, s19  }
0x56e: {  	s3 =	sor.u32 s3, s20;
	v0 =	vadd.f32 v1, v0  }
0x56f: {  	s18 =	sadd.s32 $0x1, s18;
	s3 =	sor.u32 $0x380, s3  }
0x570: {  	p2 =	sne.s32 s18, $0xD;
	[tilespmem:s3+$0xE800] =	vst v0  }
.Ltmp113:
0x571: {  	s25 =	sadd.s32 s21, s2;
	[bflag:$0x0] =	sbarrier.arrive $0xFFFF;
	(pc) =	sbr.rel @p2 .LBB2_2-.Ltmp113, $4  }
0x572: {  	[hbm4b:s25+s5] =	stream.linear.scatter [tilespmem:s6], [sflag:$0x3], $0x2000, $0x38;
	[tilespmem:$0x183C0] =	vst v63  }
0x573: {  	_ =	swait.ge [sflag:s7], $0x2000  }
0x574: {  	[sflag:s7] =	ssyncset.done $0x0  }
0x575: {  	[sflag:s7] =	ssyncadd.s32 $0xFFFFE000  }
0x576: {  	s8 =	rddreg [dreg:$0x14]  }
0x577: {  	s3 =	rddreg [dreg:$0x12];
	s8 =	sadd.s32 $0x1, s8  }
0x578: {  	p2 =	sne.s32 s8, s3  }
.Ltmp114:
0x579: {  	_ = 	snop;
	(pc) =	sbr.rel @p2 .LBB2_1-.Ltmp114, $1  }
0x57a: {  	_ =	sdelay $0x3  }
0x57b: {  	_ =	sfence.sel $0x180000  }
0x57c: {  	[bflag:$0x0] =	sbarrier.arrive $0xFFFF  }
0x57d: {  	_ =	strace $0x90000047  }
0x57e: {  	s0 =	stileid.u32;
	[bflag:$0x2] =	sbarrier.arrive $0xFFFF  }
0x57f: {  	p0 =	sne.s32 s0, $0x0;
	s0 =	rddreg [dreg:$0x4]  }
0x580: {  	s0 =	sadd.s32 @!p0 $0x100000, s0  }
0x581: {  	[sflag:s0] =	ssyncadd.tile.s32 @!p0 $0x1;
	_ =	shalt  }
.Lfunc_end2:
_tile_overlayer_lowered:
.L_overlay_start_2:
0x582: {  	(tag) =	ssettag $0x2  }
0x583: {  	s0 =	rddreg [dreg:$0x0];
	s2 =	stileid.u32  }
0x584: {  	s1 =	rddreg [dreg:$0x1];
	p0 =	sne.s32 s2, $0x0  }
0x585: {  	s3 =	rddreg [dreg:$0x2];
	[bflag:$0x3] =	sbarrier.arrive $0xFFFF;
	s2 =	simm.s32 @!p0 $0x1C03  }
0x586: {  	[timem:s3], [sflag:s2] =	dma.local @!p0 [hbm:s0], s1  }
0x587: {  	s0 =	simm.s32 @!p0 $0x3  }
0x588: {  	_ =	swait.ge @!p0 [sflag:s0], s1  }
0x589: {  	s1 =	ssub.s32 @!p0 $0x0, s1;
	[sflag:s0] =	ssyncset.done @!p0 $0x0  }
0x58a: {  	[sflag:s0] =	ssyncadd.s32 @!p0 s1  }
0x58b: {  	[bflag:$0x3] =	sbarrier.arrive $0xFFFF  }
0x58c: {  	_ =	shalt  }

</sc_bundles>
